<compile_context>
chip_gen: v7x
topology: tpu7x:2x2x1
jax: 0.10.2.dev20260603
libtpu: 0.0.44.dev20260713+nightly
codegen_flags: <defaults>
</compile_context>

<pallas_src>
import jax
import jax.numpy as jnp
from jax import lax
from jax.experimental import pallas as pl
from jax.experimental.pallas import tpu as pltpu
from jax.experimental.pallas import tpu_sc as plsc

N = 10000
E = 320000
D = 128
H = 32
G = 64

NC = 2
NS = 16
NP = 10240
CH = NP // NS
CH32 = NP // (NC * NS)
KB = 128
EC = E // NC
ETT = 9984
EXD = (E - 32 * ETT) // KB
EXM = (EC - NS * ETT) // KB
RB = 768
NBIG = ETT // RB
NBUF = 3

_MESH = plsc.VectorSubcoreMesh(core_axis_name="c", subcore_axis_name="s")
_CPARAMS = pltpu.CompilerParams(
    needs_layout_passes=False, use_tc_tiling_on_sc=False)
_NEG = -3.4028235e38


def _zero_ref(ref, n, value=0.0):
    v = jnp.full((16,), value, jnp.float32)

    def body(i, _):
        ref[pl.ds(i * 16, 16)] = v
        return _

    lax.fori_loop(0, n // 16, body, 0)


_DEG_KW = dict(
    compiler_params=_CPARAMS,
    out_type=jax.ShapeDtypeStruct((NC * NP,), jnp.float32),
    mesh=_MESH,
    scratch_types=[
        pltpu.VMEM((NP,), jnp.float32),
        pltpu.VMEM((ETT + KB,), jnp.int32),
        pltpu.VMEM((CH,), jnp.float32),
        pltpu.VMEM((NS * CH,), jnp.float32),
        pltpu.SemaphoreType.DMA,
        pltpu.VMEM_SHARED((NS * NP,), jnp.float32),
    ],
)


def _deg_body(dst, degp, deg_loc, stage, dacc, dbig, sem, slots):
    c = lax.axis_index("c")
    s = lax.axis_index("s")
    w = c * NS + s
    d0 = pltpu.async_copy(dst.at[pl.ds(w * ETT, ETT)],
                          stage.at[pl.ds(0, ETT)], sem)
    _zero_ref(deg_loc, NP)
    d0.wait()
    ones = jnp.ones((16,), jnp.float32)

    def scat(lo, n):
        def inner(i, _2):
            idx = stage[pl.ds(lo + i * 16, 16)]
            plsc.addupdate_scatter(deg_loc, [idx], ones)
            return _2

        lax.fori_loop(0, n // 16, inner, 0)

    scat(0, ETT)

    @pl.when(w < EXD)
    def _extra():
        pltpu.sync_copy(dst.at[pl.ds(32 * ETT + w * KB, KB)],
                        stage.at[pl.ds(ETT, KB)])
        scat(ETT, KB)

    pltpu.sync_copy(deg_loc, slots.at[pl.ds(s * NP, NP)])
    plsc.subcore_barrier()

    noff = s * CH
    descs = [
        pltpu.async_copy(slots.at[pl.ds(j * NP + noff, CH)],
                         dbig.at[pl.ds(j * CH, CH)], sem)
        for j in range(NS)
    ]
    for d in descs:
        d.wait()

    def red(i, _):
        b = i * 16
        v = dbig[pl.ds(b, 16)]
        for j in range(1, NS):
            v = v + dbig[pl.ds(j * CH + b, 16)]
        dacc[pl.ds(b, 16)] = v
        return _

    lax.fori_loop(0, CH // 16, red, 0)
    pltpu.sync_copy(dacc, degp.at[pl.ds(c * NP + noff, CH)])


_deg = pl.kernel(_deg_body, **_DEG_KW)


def _scale_body(x_ref, w_ref, d_ref, y_ref):
    xw = jnp.dot(x_ref[...], w_ref[...], preferred_element_type=jnp.float32)
    d = d_ref[...]
    dinv = lax.rsqrt(1.0 + d[0] + d[1])
    y_ref[...] = xw * dinv[:, None]


def _scale(x_pad, W1, degp):
    blk = 1024
    return pl.pallas_call(
        _scale_body,
        grid=(NP // blk,),
        in_specs=[
            pl.BlockSpec((blk, D), lambda i: (i, 0)),
            pl.BlockSpec((D, H), lambda i: (0, 0)),
            pl.BlockSpec((NC, blk), lambda i: (0, i)),
        ],
        out_specs=pl.BlockSpec((blk, H), lambda i: (i, 0)),
        out_shape=jax.ShapeDtypeStruct((NP, H), jnp.float32),
    )(x_pad, W1, degp)


_MSG_KW = dict(
    compiler_params=_CPARAMS,
    out_type=jax.ShapeDtypeStruct((NC * NP, H), jnp.float32),
    mesh=_MESH,
    scratch_types=[
        pltpu.VMEM((ETT + KB,), jnp.int32),
        pltpu.VMEM((ETT + KB,), jnp.int32),
        pltpu.VMEM((RB, H), jnp.float32),
        pltpu.VMEM((RB, H), jnp.float32),
        pltpu.VMEM((RB, H), jnp.float32),
        pltpu.SemaphoreType.DMA,
        pltpu.SemaphoreType.DMA,
        pltpu.SemaphoreType.DMA,
        pltpu.SemaphoreType.DMA,
        pltpu.SemaphoreType.DMA,
        pltpu.SemaphoreType.DMA,
        pltpu.VMEM_SHARED((NP, H), jnp.float32),
    ],
)


def _msg_body(src, dst, y, zeros, accp, sidx, didx, r0, r1, r2,
              g0, g1, g2, s0, s1, s2, acc_sh):
    c = lax.axis_index("c")
    s = lax.axis_index("s")
    noff = s * CH
    rows = [r0, r1, r2]
    gsem = [g0, g1, g2]
    ssem = [s0, s1, s2]
    dz = pltpu.async_copy(zeros.at[pl.ds(noff, CH)],
                          acc_sh.at[pl.ds(noff, CH)], g0)
    ebase = c * EC + s * ETT
    ds1 = pltpu.async_copy(src.at[pl.ds(ebase, ETT)],
                           sidx.at[pl.ds(0, ETT)], g1)
    ds2 = pltpu.async_copy(dst.at[pl.ds(ebase, ETT)],
                           didx.at[pl.ds(0, ETT)], g2)

    @pl.when(s < EXM)
    def _extra_stage():
        xb = c * EC + NS * ETT + s * KB
        pltpu.sync_copy(src.at[pl.ds(xb, KB)], sidx.at[pl.ds(ETT, KB)])
        pltpu.sync_copy(dst.at[pl.ds(xb, KB)], didx.at[pl.ds(ETT, KB)])

    dz.wait()
    ds1.wait()
    ds2.wait()
    plsc.subcore_barrier()

    def g_start(j):
        b = j % NBUF
        ids = sidx.at[pl.ds(j * RB, RB)]
        return pltpu.async_copy(y.at[ids], rows[b], gsem[b])

    def s_start(j):
        b = j % NBUF
        idd = didx.at[pl.ds(j * RB, RB)]
        return pltpu.async_copy(rows[b], acc_sh.at[idd], ssem[b], add=True)

    gd = [None] * NBIG
    sd = [None] * NBIG
    for j in range(min(NBUF - 1, NBIG)):
        gd[j] = g_start(j)
    for j in range(NBIG):
        nx = j + NBUF - 1
        if nx < NBIG:
            if nx >= NBUF:
                sd[nx - NBUF].wait()
            gd[nx] = g_start(nx)
        gd[j].wait()
        sd[j] = s_start(j)
    for j in range(max(0, NBIG - NBUF), NBIG):
        sd[j].wait()

    @pl.when(s < EXM)
    def _extra_blk():
        ids = sidx.at[pl.ds(ETT, KB)]
        idd = didx.at[pl.ds(ETT, KB)]
        rr = r0.at[pl.ds(0, KB)]
        pltpu.async_copy(y.at[ids], rr, g0).wait()
        pltpu.sync_copy(rr, acc_sh.at[idd], add=True)

    plsc.subcore_barrier()
    pltpu.sync_copy(acc_sh.at[pl.ds(noff, CH)],
                    accp.at[pl.ds(c * NP + noff, CH)])


_msg = pl.kernel(_msg_body, **_MSG_KW)


_TBL = (G + 1) * H
_SL = 2176
CHP = 384
_R = G * H // NS

_POOL_KW = dict(
    compiler_params=_CPARAMS,
    out_type=(
        jax.ShapeDtypeStruct((NC * G * H,), jnp.float32),
        jax.ShapeDtypeStruct((NC * G * H,), jnp.float32),
    ),
    mesh=_MESH,
    scratch_types=[
        pltpu.VMEM((CH32 * H,), jnp.float32),
        pltpu.VMEM((CH32 * H,), jnp.float32),
        pltpu.VMEM((CH32 * H,), jnp.float32),
        pltpu.VMEM((CHP,), jnp.float32),
        pltpu.VMEM((CHP,), jnp.float32),
        pltpu.VMEM((CHP,), jnp.int32),
        pltpu.VMEM((H,), jnp.float32),
        pltpu.VMEM((_TBL,), jnp.float32),
        pltpu.VMEM((_TBL,), jnp.float32),
        pltpu.VMEM((_R,), jnp.float32),
        pltpu.VMEM((_R,), jnp.float32),
        pltpu.VMEM((2 * NS * _R,), jnp.float32),
        pltpu.SemaphoreType.DMA,
        pltpu.VMEM_SHARED((NS * 2 * _SL,), jnp.float32),
    ],
)


def _pool_body(accf, yf, degp, batch, b1, sums, maxs,
               a0b, a1b, yb, d0b, dvb, bb, b1b, sumtab, maxtab, sacc, macc,
               rbig, sem, slots):
    c = lax.axis_index("c")
    s = lax.axis_index("s")
    w = c * NS + s
    foff = w * CH32 * H
    stg = [
        pltpu.async_copy(accf.at[pl.ds(foff, CH32 * H)], a0b, sem),
        pltpu.async_copy(accf.at[pl.ds(NP * H + foff, CH32 * H)], a1b, sem),
        pltpu.async_copy(yf.at[pl.ds(foff, CH32 * H)], yb, sem),
        pltpu.async_copy(degp.at[pl.ds(w * CHP, CHP)], d0b, sem),
        pltpu.async_copy(degp.at[pl.ds(32 * CHP + w * CHP, CHP)], dvb, sem),
        pltpu.async_copy(batch.at[pl.ds(w * CHP, CHP)], bb, sem),
        pltpu.async_copy(b1, b1b, sem),
    ]
    _zero_ref(sumtab, _TBL)
    _zero_ref(maxtab, _TBL, _NEG)
    for d in stg:
        d.wait()

    half = jnp.full((16,), 0.5, jnp.float32)
    th = jnp.full((16,), 1.5, jnp.float32)
    magic = jnp.full((16,), 0x5F3759DF, jnp.int32)

    def newton(i, _):
        dg = 1.0 + d0b[pl.ds(i * 16, 16)] + dvb[pl.ds(i * 16, 16)]
        ii = magic - (plsc.bitcast(dg, jnp.int32) >> 1)
        yv = plsc.bitcast(ii, jnp.float32)
        yv = yv * (th - half * dg * yv * yv)
        yv = yv * (th - half * dg * yv * yv)
        yv = yv * (th - half * dg * yv * yv)
        dvb[pl.ds(i * 16, 16)] = yv
        return _

    lax.fori_loop(0, CH32 // 16, newton, 0)

    b1lo = b1b[pl.ds(0, 16)]
    b1hi = b1b[pl.ds(16, 16)]
    iota = lax.broadcasted_iota(jnp.int32, (16,), 0)
    zero16 = jnp.zeros((16,), jnp.float32)
    zi = jnp.zeros((16,), jnp.int32)

    def node(n, _):
        gspl = plsc.load_gather(bb, [zi + n])
        dspl = plsc.load_gather(dvb, [zi + n])
        base = n * H
        lo = pl.ds(base, 16)
        hi = pl.ds(base + 16, 16)
        hlo = jnp.maximum(dspl * (a0b[lo] + a1b[lo] + yb[lo]) + b1lo, zero16)
        hhi = jnp.maximum(dspl * (a0b[hi] + a1b[hi] + yb[hi]) + b1hi, zero16)
        ilo = gspl * H + iota
        ihi = ilo + 16
        plsc.addupdate_scatter(sumtab, [ilo], hlo)
        plsc.addupdate_scatter(sumtab, [ihi], hhi)
        plsc.store_scatter(
            maxtab, [ilo], jnp.maximum(plsc.load_gather(maxtab, [ilo]), hlo))
        plsc.store_scatter(
            maxtab, [ihi], jnp.maximum(plsc.load_gather(maxtab, [ihi]), hhi))
        return _

    lax.fori_loop(0, CH32, node, 0)

    pltpu.sync_copy(sumtab, slots.at[pl.ds(s * 2 * _SL, _TBL)])
    pltpu.sync_copy(maxtab, slots.at[pl.ds(s * 2 * _SL + _SL, _TBL)])
    plsc.subcore_barrier()

    roff = s * _R
    descs = []
    for j in range(NS):
        descs.append(pltpu.async_copy(
            slots.at[pl.ds(j * 2 * _SL + roff, _R)],
            rbig.at[pl.ds(j * _R, _R)], sem))
        descs.append(pltpu.async_copy(
            slots.at[pl.ds(j * 2 * _SL + _SL + roff, _R)],
            rbig.at[pl.ds(NS * _R + j * _R, _R)], sem))
    for d in descs:
        d.wait()

    def red(i, _):
        b = i * 16
        sv = rbig[pl.ds(b, 16)]
        mv = rbig[pl.ds(NS * _R + b, 16)]
        for j in range(1, NS):
            sv = sv + rbig[pl.ds(j * _R + b, 16)]
            mv = jnp.maximum(mv, rbig[pl.ds(NS * _R + j * _R + b, 16)])
        sacc[pl.ds(b, 16)] = sv
        macc[pl.ds(b, 16)] = mv
        return _

    lax.fori_loop(0, _R // 16, red, 0)
    pltpu.sync_copy(sacc, sums.at[pl.ds(c * G * H + roff, _R)])
    pltpu.sync_copy(macc, maxs.at[pl.ds(c * G * H + roff, _R)])


_pool = pl.kernel(_pool_body, **_POOL_KW)


def _final_body(s_ref, m_ref, b_ref, wg_ref, bg_ref, o_ref):
    sp = s_ref[...]
    s2 = sp[0] + sp[1]
    mp = m_ref[...]
    mx = jnp.maximum(mp[0], mp[1])
    b = b_ref[...]
    ids = lax.broadcasted_iota(jnp.int32, (G, N), 0)
    cnt = jnp.sum(jnp.where(b == ids, 1.0, 0.0), axis=1)
    mean = s2 / jnp.maximum(cnt, 1.0)[:, None]
    feats = jnp.concatenate([s2, mean, mx], axis=1)
    o_ref[...] = (
        jnp.dot(feats, wg_ref[...], preferred_element_type=jnp.float32)
        + bg_ref[...]
    )


def _final(sums, maxs, batch2d, Wg, bg):
    return pl.pallas_call(
        _final_body,
        out_shape=jax.ShapeDtypeStruct((G, 1), jnp.float32),
    )(sums, maxs, batch2d, Wg, bg)


def kernel(x, edge_index, batch, W1, b1, Wg, bg):
    x_pad = jnp.pad(x, ((0, NP - N), (0, 0)))
    batch_pad = jnp.pad(batch, (0, NP - N), constant_values=G)
    src = edge_index[0]
    dst = edge_index[1]
    degp = _deg(dst)
    y = _scale(x_pad, W1, degp.reshape(NC, NP))
    zeros = jnp.zeros((NP, H), jnp.float32)
    accp = _msg(src, dst, y, zeros)
    degp_pad = jnp.pad(
        degp.reshape(NC * 32, CH32), ((0, 0), (0, CHP - CH32))).reshape(-1)
    batch_pad2 = jnp.pad(
        batch_pad.reshape(32, CH32), ((0, 0), (0, CHP - CH32)),
        constant_values=G).reshape(-1)
    sums, maxs = _pool(
        accp.reshape(NC * NP * H), y.reshape(NP * H), degp_pad, batch_pad2, b1)
    out = _final(sums.reshape(NC, G, H), maxs.reshape(NC, G, H),
                 batch.reshape(1, N), Wg, bg)
    return out

# --- scband reference (transcript-rebuilt; emitter-appended) ---
"""Pipeline reference for scband-gcn-15418932593120 (READ-ONLY COPY).

The authoritative reference and input builder live on the scoring server;
editing this copy changes nothing except your own understanding.
"""

import jax, jax.numpy as jnp
import numpy as np

N_NODES = 10000
N_EDGES = 320000
D_FEAT = 128
HIDDEN = 32
NUM_GRAPHS = 64


def setup_inputs(seed: int = 0) -> dict:
    key = jax.random.key(seed)
    ks = jax.random.split(key, 8)
    x = jax.random.normal(ks[0], (N_NODES, D_FEAT), dtype=jnp.float32)
    edge_index = jax.random.randint(ks[1], (2, N_EDGES), 0, N_NODES, dtype=jnp.int32)
    batch = jnp.sort(jax.random.randint(ks[2], (N_NODES,), 0, NUM_GRAPHS, dtype=jnp.int32))
    W1 = jax.random.normal(ks[3], (D_FEAT, HIDDEN), dtype=jnp.float32) * (1.0 / np.sqrt(D_FEAT))
    b1 = jnp.zeros((HIDDEN,), dtype=jnp.float32)
    Wg = jax.random.normal(ks[4], (3 * HIDDEN, 1), dtype=jnp.float32) * (1.0 / np.sqrt(3 * HIDDEN))
    bg = jnp.zeros((1,), dtype=jnp.float32)
    return {"x": x, "edge_index": edge_index, "batch": batch, "W1": W1, "b1": b1, "Wg": Wg, "bg": bg}


def _gcn_conv(x, edge_index, W, b):
    # PyG GCNConv: add self-loops, symmetric normalization D^-1/2 (A+I) D^-1/2, then linear
    n = x.shape[0]
    loop = jnp.arange(n, dtype=edge_index.dtype)
    src = jnp.concatenate([edge_index[0], loop])
    dst = jnp.concatenate([edge_index[1], loop])
    deg = jnp.zeros((n,), x.dtype).at[dst].add(1.0)
    dinv = jnp.where(deg > 0, jax.lax.rsqrt(deg), 0.0)
    norm = dinv[src] * dinv[dst]
    xw = x @ W
    msg = xw[src] * norm[:, None]
    out = jnp.zeros((n, W.shape[1]), x.dtype).at[dst].add(msg)
    return out + b


def reference(x, edge_index, batch, W1, b1, Wg, bg):
    h = jax.nn.relu(_gcn_conv(x, edge_index, W1, b1))
    s = jax.ops.segment_sum(h, batch, num_segments=NUM_GRAPHS)
    cnt = jax.ops.segment_sum(jnp.ones((h.shape[0], 1), h.dtype), batch, num_segments=NUM_GRAPHS)
    mean = s / jnp.maximum(cnt, 1.0)
    mx = jax.ops.segment_max(h, batch, num_segments=NUM_GRAPHS)
    g = jnp.concatenate([s, mean, mx], axis=1)
    return g @ Wg + bg

if __name__ == "__main__":
    import jax
    _d = setup_inputs()
    print(jax.jit(kernel)(*tuple(_d.values())))

</pallas_src>

<mosaic_0001>
#map = affine_map<(d0, d1) -> (0)>
#map1 = affine_map<(d0, d1) -> (0, 0)>
module attributes {stable_mosaic.version = 14 : i64} {
  func.func @_msg_body(%arg0: i32, %arg1: i32, %arg2: memref<320000xi32, #tpu.memory_space<hbm>>, %arg3: memref<320000xi32, #tpu.memory_space<hbm>>, %arg4: memref<10240x32xf32, #tpu.memory_space<hbm>>, %arg5: memref<10240x32xf32, #tpu.memory_space<hbm>>, %arg6: memref<20480x32xf32, #tpu.memory_space<hbm>>, %arg7: memref<10112xi32, #tpu.memory_space<vmem>>, %arg8: memref<10112xi32, #tpu.memory_space<vmem>>, %arg9: memref<768x32xf32, #tpu.memory_space<vmem>>, %arg10: memref<768x32xf32, #tpu.memory_space<vmem>>, %arg11: memref<768x32xf32, #tpu.memory_space<vmem>>, %arg12: memref<!tpu.dma_semaphore, #tpu.memory_space<semaphore_mem>>, %arg13: memref<!tpu.dma_semaphore, #tpu.memory_space<semaphore_mem>>, %arg14: memref<!tpu.dma_semaphore, #tpu.memory_space<semaphore_mem>>, %arg15: memref<!tpu.dma_semaphore, #tpu.memory_space<semaphore_mem>>, %arg16: memref<!tpu.dma_semaphore, #tpu.memory_space<semaphore_mem>>, %arg17: memref<!tpu.dma_semaphore, #tpu.memory_space<semaphore_mem>>, %arg18: memref<10240x32xf32, #tpu.memory_space<vmem_shared>>) attributes {dimension_semantics = [#tpu.dimension_semantics<core_parallel>, #tpu.dimension_semantics<subcore_parallel>], iteration_bounds = array<i64: 2, 16>, scalar_prefetch = 0 : i64, scratch_operands = 12 : i64, tpu.core_type = #tpu.core_type<sc_vector_subcore>, window_params = [{transform_indices = #map}, {transform_indices = #map}, {transform_indices = #map1}, {transform_indices = #map1}, {transform_indices = #map1}]} {
    %mul3A = arith.constant 640 : i32
    %mul3A_0 = arith.muli %arg1, %mul3A : i32
    %dma_start3A = arith.constant 0 : i32
    %dma_start3A_1 = tpu.memref_slice %arg18[%mul3A_0, %dma_start3A] : memref<10240x32xf32, #tpu.memory_space<vmem_shared>> -> memref<640x32xf32, #tpu.memory_space<vmem_shared>>
    %dma_start3A_2 = arith.constant 0 : i32
    %dma_start3A_3 = tpu.memref_slice %arg5[%mul3A_0, %dma_start3A_2] : memref<10240x32xf32, #tpu.memory_space<hbm>> -> memref<640x32xf32, #tpu.memory_space<hbm>>
    tpu.enqueue_dma source(%dma_start3A_3 : memref<640x32xf32, #tpu.memory_space<hbm>>) target(%dma_start3A_1 : memref<640x32xf32, #tpu.memory_space<vmem_shared>>) target_semaphore(%arg12 : memref<!tpu.dma_semaphore, #tpu.memory_space<semaphore_mem>>)
    %mul3A_4 = arith.constant 160000 : i32
    %mul3A_5 = arith.muli %arg0, %mul3A_4 : i32
    %mul3A_6 = arith.constant 9984 : i32
    %mul3A_7 = arith.muli %arg1, %mul3A_6 : i32
    %add3A = arith.addi %mul3A_5, %mul3A_7 : i32
    %dma_start3A_8 = arith.constant 0 : i32
    %dma_start3A_9 = tpu.memref_slice %arg7[%dma_start3A_8] : memref<10112xi32, #tpu.memory_space<vmem>> -> memref<9984xi32, #tpu.memory_space<vmem>>
    %dma_start3A_10 = tpu.memref_slice %arg2[%add3A] : memref<320000xi32, #tpu.memory_space<hbm>> -> memref<9984xi32, #tpu.memory_space<hbm>>
    %dma_start3A_11 = arith.constant 0 : i32
    %dma_start3A_12 = tpu.memref_slice %arg7[%dma_start3A_11] : memref<10112xi32, #tpu.memory_space<vmem>> -> memref<9984xi32, #tpu.memory_space<vmem>>
    %dma_start3A_13 = tpu.memref_slice %arg2[%add3A] : memref<320000xi32, #tpu.memory_space<hbm>> -> memref<9984xi32, #tpu.memory_space<hbm>>
    tpu.enqueue_dma source(%dma_start3A_13 : memref<9984xi32, #tpu.memory_space<hbm>>) target(%dma_start3A_12 : memref<9984xi32, #tpu.memory_space<vmem>>) target_semaphore(%arg13 : memref<!tpu.dma_semaphore, #tpu.memory_space<semaphore_mem>>)
    %dma_start3A_14 = arith.constant 0 : i32
    %dma_start3A_15 = tpu.memref_slice %arg8[%dma_start3A_14] : memref<10112xi32, #tpu.memory_space<vmem>> -> memref<9984xi32, #tpu.memory_space<vmem>>
    %dma_start3A_16 = tpu.memref_slice %arg3[%add3A] : memref<320000xi32, #tpu.memory_space<hbm>> -> memref<9984xi32, #tpu.memory_space<hbm>>
    %dma_start3A_17 = arith.constant 0 : i32
    %dma_start3A_18 = tpu.memref_slice %arg8[%dma_start3A_17] : memref<10112xi32, #tpu.memory_space<vmem>> -> memref<9984xi32, #tpu.memory_space<vmem>>
    %dma_start3A_19 = tpu.memref_slice %arg3[%add3A] : memref<320000xi32, #tpu.memory_space<hbm>> -> memref<9984xi32, #tpu.memory_space<hbm>>
    tpu.enqueue_dma source(%dma_start3A_19 : memref<9984xi32, #tpu.memory_space<hbm>>) target(%dma_start3A_18 : memref<9984xi32, #tpu.memory_space<vmem>>) target_semaphore(%arg14 : memref<!tpu.dma_semaphore, #tpu.memory_space<semaphore_mem>>)
    %lt3A = arith.constant 2 : i32
    %lt3A_20 = arith.cmpi slt, %arg1, %lt3A : i32
    %convert_element_type3A = arith.extui %lt3A_20 : i1 to i32
    %cond3A = arith.constant 0 : i32
    %cond3A_21 = arith.cmpi ne, %convert_element_type3A, %cond3A : i32
    scf.if %cond3A_21 {
      %mul3A_306 = arith.constant 160000 : i32
      %mul3A_307 = arith.muli %arg0, %mul3A_306 : i32
      %add3A_308 = arith.constant 159744 : i32
      %add3A_309 = arith.addi %mul3A_307, %add3A_308 : i32
      %mul3A_310 = arith.constant 128 : i32
      %mul3A_311 = arith.muli %arg1, %mul3A_310 : i32
      %add3A_312 = arith.addi %add3A_309, %mul3A_311 : i32
      "tpu.region"() ({
        %run_scoped3A = tpu.sem_alloc : memref<!tpu.dma_semaphore, #tpu.memory_space<semaphore_mem>>
        %dma_start3A_313 = arith.constant 9984 : i32
        %dma_start3A_314 = tpu.memref_slice %arg7[%dma_start3A_313] : memref<10112xi32, #tpu.memory_space<vmem>> -> memref<128xi32, #tpu.memory_space<vmem>>
        %dma_start3A_315 = tpu.memref_slice %arg2[%add3A_312] : memref<320000xi32, #tpu.memory_space<hbm>> -> memref<128xi32, #tpu.memory_space<hbm>>
        %dma_start3A_316 = arith.constant 9984 : i32
        %dma_start3A_317 = tpu.memref_slice %arg7[%dma_start3A_316] : memref<10112xi32, #tpu.memory_space<vmem>> -> memref<128xi32, #tpu.memory_space<vmem>>
        %dma_start3A_318 = tpu.memref_slice %arg2[%add3A_312] : memref<320000xi32, #tpu.memory_space<hbm>> -> memref<128xi32, #tpu.memory_space<hbm>>
        tpu.enqueue_dma source(%dma_start3A_318 : memref<128xi32, #tpu.memory_space<hbm>>) target(%dma_start3A_317 : memref<128xi32, #tpu.memory_space<vmem>>) target_semaphore(%run_scoped3A : memref<!tpu.dma_semaphore, #tpu.memory_space<semaphore_mem>>)
        %dma_wait3A_319 = arith.constant 9984 : i32
        %dma_wait3A_320 = tpu.memref_slice %arg7[%dma_wait3A_319] : memref<10112xi32, #tpu.memory_space<vmem>> -> memref<128xi32, #tpu.memory_space<vmem>>
        %dma_wait3A_321 = tpu.memref_slice %arg2[%add3A_312] : memref<320000xi32, #tpu.memory_space<hbm>> -> memref<128xi32, #tpu.memory_space<hbm>>
        %dma_wait3A_322 = arith.constant 9984 : i32
        %dma_wait3A_323 = tpu.memref_slice %arg7[%dma_wait3A_322] : memref<10112xi32, #tpu.memory_space<vmem>> -> memref<128xi32, #tpu.memory_space<vmem>>
        %dma_wait3A_324 = tpu.memref_slice %arg2[%add3A_312] : memref<320000xi32, #tpu.memory_space<hbm>> -> memref<128xi32, #tpu.memory_space<hbm>>
        tpu.wait_dma2 semaphore(%run_scoped3A : memref<!tpu.dma_semaphore, #tpu.memory_space<semaphore_mem>>) src(%dma_wait3A_324 : memref<128xi32, #tpu.memory_space<hbm>>) dst(%dma_wait3A_323 : memref<128xi32, #tpu.memory_space<vmem>>)
        tpu.yield
      }) : () -> ()
      "tpu.region"() ({
        %run_scoped3A = tpu.sem_alloc : memref<!tpu.dma_semaphore, #tpu.memory_space<semaphore_mem>>
        %dma_start3A_313 = arith.constant 9984 : i32
        %dma_start3A_314 = tpu.memref_slice %arg8[%dma_start3A_313] : memref<10112xi32, #tpu.memory_space<vmem>> -> memref<128xi32, #tpu.memory_space<vmem>>
        %dma_start3A_315 = tpu.memref_slice %arg3[%add3A_312] : memref<320000xi32, #tpu.memory_space<hbm>> -> memref<128xi32, #tpu.memory_space<hbm>>
        %dma_start3A_316 = arith.constant 9984 : i32
        %dma_start3A_317 = tpu.memref_slice %arg8[%dma_start3A_316] : memref<10112xi32, #tpu.memory_space<vmem>> -> memref<128xi32, #tpu.memory_space<vmem>>
        %dma_start3A_318 = tpu.memref_slice %arg3[%add3A_312] : memref<320000xi32, #tpu.memory_space<hbm>> -> memref<128xi32, #tpu.memory_space<hbm>>
        tpu.enqueue_dma source(%dma_start3A_318 : memref<128xi32, #tpu.memory_space<hbm>>) target(%dma_start3A_317 : memref<128xi32, #tpu.memory_space<vmem>>) target_semaphore(%run_scoped3A : memref<!tpu.dma_semaphore, #tpu.memory_space<semaphore_mem>>)
        %dma_wait3A_319 = arith.constant 9984 : i32
        %dma_wait3A_320 = tpu.memref_slice %arg8[%dma_wait3A_319] : memref<10112xi32, #tpu.memory_space<vmem>> -> memref<128xi32, #tpu.memory_space<vmem>>
        %dma_wait3A_321 = tpu.memref_slice %arg3[%add3A_312] : memref<320000xi32, #tpu.memory_space<hbm>> -> memref<128xi32, #tpu.memory_space<hbm>>
        %dma_wait3A_322 = arith.constant 9984 : i32
        %dma_wait3A_323 = tpu.memref_slice %arg8[%dma_wait3A_322] : memref<10112xi32, #tpu.memory_space<vmem>> -> memref<128xi32, #tpu.memory_space<vmem>>
        %dma_wait3A_324 = tpu.memref_slice %arg3[%add3A_312] : memref<320000xi32, #tpu.memory_space<hbm>> -> memref<128xi32, #tpu.memory_space<hbm>>
        tpu.wait_dma2 semaphore(%run_scoped3A : memref<!tpu.dma_semaphore, #tpu.memory_space<semaphore_mem>>) src(%dma_wait3A_324 : memref<128xi32, #tpu.memory_space<hbm>>) dst(%dma_wait3A_323 : memref<128xi32, #tpu.memory_space<vmem>>)
        tpu.yield
      }) : () -> ()
    } else {
    }
    %dma_wait3A = arith.constant 0 : i32
    %dma_wait3A_22 = tpu.memref_slice %arg18[%mul3A_0, %dma_wait3A] : memref<10240x32xf32, #tpu.memory_space<vmem_shared>> -> memref<640x32xf32, #tpu.memory_space<vmem_shared>>
    %dma_wait3A_23 = arith.constant 0 : i32
    %dma_wait3A_24 = tpu.memref_slice %arg5[%mul3A_0, %dma_wait3A_23] : memref<10240x32xf32, #tpu.memory_space<hbm>> -> memref<640x32xf32, #tpu.memory_space<hbm>>
    tpu.wait_dma2 semaphore(%arg12 : memref<!tpu.dma_semaphore, #tpu.memory_space<semaphore_mem>>) src(%dma_wait3A_24 : memref<640x32xf32, #tpu.memory_space<hbm>>) dst(%dma_wait3A_22 : memref<640x32xf32, #tpu.memory_space<vmem_shared>>)
    %dma_wait3A_25 = arith.constant 0 : i32
    %dma_wait3A_26 = tpu.memref_slice %arg7[%dma_wait3A_25] : memref<10112xi32, #tpu.memory_space<vmem>> -> memref<9984xi32, #tpu.memory_space<vmem>>
    %dma_wait3A_27 = tpu.memref_slice %arg2[%add3A] : memref<320000xi32, #tpu.memory_space<hbm>> -> memref<9984xi32, #tpu.memory_space<hbm>>
    %dma_wait3A_28 = arith.constant 0 : i32
    %dma_wait3A_29 = tpu.memref_slice %arg7[%dma_wait3A_28] : memref<10112xi32, #tpu.memory_space<vmem>> -> memref<9984xi32, #tpu.memory_space<vmem>>
    %dma_wait3A_30 = tpu.memref_slice %arg2[%add3A] : memref<320000xi32, #tpu.memory_space<hbm>> -> memref<9984xi32, #tpu.memory_space<hbm>>
    tpu.wait_dma2 semaphore(%arg13 : memref<!tpu.dma_semaphore, #tpu.memory_space<semaphore_mem>>) src(%dma_wait3A_30 : memref<9984xi32, #tpu.memory_space<hbm>>) dst(%dma_wait3A_29 : memref<9984xi32, #tpu.memory_space<vmem>>)
    %dma_wait3A_31 = arith.constant 0 : i32
    %dma_wait3A_32 = tpu.memref_slice %arg8[%dma_wait3A_31] : memref<10112xi32, #tpu.memory_space<vmem>> -> memref<9984xi32, #tpu.memory_space<vmem>>
    %dma_wait3A_33 = tpu.memref_slice %arg3[%add3A] : memref<320000xi32, #tpu.memory_space<hbm>> -> memref<9984xi32, #tpu.memory_space<hbm>>
    %dma_wait3A_34 = arith.constant 0 : i32
    %dma_wait3A_35 = tpu.memref_slice %arg8[%dma_wait3A_34] : memref<10112xi32, #tpu.memory_space<vmem>> -> memref<9984xi32, #tpu.memory_space<vmem>>
    %dma_wait3A_36 = tpu.memref_slice %arg3[%add3A] : memref<320000xi32, #tpu.memory_space<hbm>> -> memref<9984xi32, #tpu.memory_space<hbm>>
    tpu.wait_dma2 semaphore(%arg14 : memref<!tpu.dma_semaphore, #tpu.memory_space<semaphore_mem>>) src(%dma_wait3A_36 : memref<9984xi32, #tpu.memory_space<hbm>>) dst(%dma_wait3A_35 : memref<9984xi32, #tpu.memory_space<vmem>>)
    %barrier3A = arith.constant 0 : index
    tpu.barrier barrier_id(%barrier3A)
    %dma_start3A_37 = arith.constant 0 : i32
    %dma_start3A_38 = tpu.memref_slice %arg7[%dma_start3A_37] : memref<10112xi32, #tpu.memory_space<vmem>> -> memref<768xi32, #tpu.memory_space<vmem>>
    %dma_start3A_39 = arith.constant 0 : i32
    %dma_start3A_40 = arith.constant 0 : i32
    %dma_start3A_41 = tpu.memref_slice %arg4[%dma_start3A_39, %dma_start3A_40] : memref<10240x32xf32, #tpu.memory_space<hbm>> -> memref<10240x32xf32, #tpu.memory_space<hbm>>
    tpu.enqueue_indirect_dma source(%dma_start3A_41 : memref<10240x32xf32, #tpu.memory_space<hbm>>) target(%arg9 : memref<768x32xf32, #tpu.memory_space<vmem>>) offsets(%dma_start3A_38 : memref<768xi32, #tpu.memory_space<vmem>>) semaphore(%arg12 : memref<!tpu.dma_semaphore, #tpu.memory_space<semaphore_mem>>)
    %dma_start3A_42 = arith.constant 768 : i32
    %dma_start3A_43 = tpu.memref_slice %arg7[%dma_start3A_42] : memref<10112xi32, #tpu.memory_space<vmem>> -> memref<768xi32, #tpu.memory_space<vmem>>
    %dma_start3A_44 = arith.constant 0 : i32
    %dma_start3A_45 = arith.constant 0 : i32
    %dma_start3A_46 = tpu.memref_slice %arg4[%dma_start3A_44, %dma_start3A_45] : memref<10240x32xf32, #tpu.memory_space<hbm>> -> memref<10240x32xf32, #tpu.memory_space<hbm>>
    tpu.enqueue_indirect_dma source(%dma_start3A_46 : memref<10240x32xf32, #tpu.memory_space<hbm>>) target(%arg10 : memref<768x32xf32, #tpu.memory_space<vmem>>) offsets(%dma_start3A_43 : memref<768xi32, #tpu.memory_space<vmem>>) semaphore(%arg13 : memref<!tpu.dma_semaphore, #tpu.memory_space<semaphore_mem>>)
    %dma_start3A_47 = arith.constant 1536 : i32
    %dma_start3A_48 = tpu.memref_slice %arg7[%dma_start3A_47] : memref<10112xi32, #tpu.memory_space<vmem>> -> memref<768xi32, #tpu.memory_space<vmem>>
    %dma_start3A_49 = arith.constant 0 : i32
    %dma_start3A_50 = arith.constant 0 : i32
    %dma_start3A_51 = tpu.memref_slice %arg4[%dma_start3A_49, %dma_start3A_50] : memref<10240x32xf32, #tpu.memory_space<hbm>> -> memref<10240x32xf32, #tpu.memory_space<hbm>>
    tpu.enqueue_indirect_dma source(%dma_start3A_51 : memref<10240x32xf32, #tpu.memory_space<hbm>>) target(%arg11 : memref<768x32xf32, #tpu.memory_space<vmem>>) offsets(%dma_start3A_48 : memref<768xi32, #tpu.memory_space<vmem>>) semaphore(%arg14 : memref<!tpu.dma_semaphore, #tpu.memory_space<semaphore_mem>>)
    %dma_wait3A_52 = arith.constant 0 : i32
    %dma_wait3A_53 = tpu.memref_slice %arg7[%dma_wait3A_52] : memref<10112xi32, #tpu.memory_space<vmem>> -> memref<768xi32, #tpu.memory_space<vmem>>
    %dma_wait3A_54 = arith.constant 0 : i32
    %dma_wait3A_55 = arith.constant 0 : i32
    %dma_wait3A_56 = tpu.memref_slice %arg4[%dma_wait3A_54, %dma_wait3A_55] : memref<10240x32xf32, #tpu.memory_space<hbm>> -> memref<10240x32xf32, #tpu.memory_space<hbm>>
    tpu.wait_indirect_dma semaphore(%arg12 : memref<!tpu.dma_semaphore, #tpu.memory_space<semaphore_mem>>) src(%dma_wait3A_56 : memref<10240x32xf32, #tpu.memory_space<hbm>>) dst(%arg9 : memref<768x32xf32, #tpu.memory_space<vmem>>)
    %dma_start3A_57 = arith.constant 0 : i32
    %dma_start3A_58 = tpu.memref_slice %arg8[%dma_start3A_57] : memref<10112xi32, #tpu.memory_space<vmem>> -> memref<768xi32, #tpu.memory_space<vmem>>
    %dma_start3A_59 = arith.constant 0 : i32
    %dma_start3A_60 = arith.constant 0 : i32
    %dma_start3A_61 = tpu.memref_slice %arg18[%dma_start3A_59, %dma_start3A_60] : memref<10240x32xf32, #tpu.memory_space<vmem_shared>> -> memref<10240x32xf32, #tpu.memory_space<vmem_shared>>
    tpu.enqueue_indirect_dma source(%arg9 : memref<768x32xf32, #tpu.memory_space<vmem>>) target(%dma_start3A_61 : memref<10240x32xf32, #tpu.memory_space<vmem_shared>>) offsets(%dma_start3A_58 : memref<768xi32, #tpu.memory_space<vmem>>) semaphore(%arg15 : memref<!tpu.dma_semaphore, #tpu.memory_space<semaphore_mem>>) {add = true}
    %dma_wait3A_62 = arith.constant 0 : i32
    %dma_wait3A_63 = tpu.memref_slice %arg8[%dma_wait3A_62] : memref<10112xi32, #tpu.memory_space<vmem>> -> memref<768xi32, #tpu.memory_space<vmem>>
    %dma_wait3A_64 = arith.constant 0 : i32
    %dma_wait3A_65 = arith.constant 0 : i32
    %dma_wait3A_66 = tpu.memref_slice %arg18[%dma_wait3A_64, %dma_wait3A_65] : memref<10240x32xf32, #tpu.memory_space<vmem_shared>> -> memref<10240x32xf32, #tpu.memory_space<vmem_shared>>
    tpu.wait_indirect_dma semaphore(%arg15 : memref<!tpu.dma_semaphore, #tpu.memory_space<semaphore_mem>>) src(%arg9 : memref<768x32xf32, #tpu.memory_space<vmem>>) dst(%dma_wait3A_66 : memref<10240x32xf32, #tpu.memory_space<vmem_shared>>)
    %dma_start3A_67 = arith.constant 2304 : i32
    %dma_start3A_68 = tpu.memref_slice %arg7[%dma_start3A_67] : memref<10112xi32, #tpu.memory_space<vmem>> -> memref<768xi32, #tpu.memory_space<vmem>>
    %dma_start3A_69 = arith.constant 0 : i32
    %dma_start3A_70 = arith.constant 0 : i32
    %dma_start3A_71 = tpu.memref_slice %arg4[%dma_start3A_69, %dma_start3A_70] : memref<10240x32xf32, #tpu.memory_space<hbm>> -> memref<10240x32xf32, #tpu.memory_space<hbm>>
    tpu.enqueue_indirect_dma source(%dma_start3A_71 : memref<10240x32xf32, #tpu.memory_space<hbm>>) target(%arg9 : memref<768x32xf32, #tpu.memory_space<vmem>>) offsets(%dma_start3A_68 : memref<768xi32, #tpu.memory_space<vmem>>) semaphore(%arg12 : memref<!tpu.dma_semaphore, #tpu.memory_space<semaphore_mem>>)
    %dma_wait3A_72 = arith.constant 768 : i32
    %dma_wait3A_73 = tpu.memref_slice %arg7[%dma_wait3A_72] : memref<10112xi32, #tpu.memory_space<vmem>> -> memref<768xi32, #tpu.memory_space<vmem>>
    %dma_wait3A_74 = arith.constant 0 : i32
    %dma_wait3A_75 = arith.constant 0 : i32
    %dma_wait3A_76 = tpu.memref_slice %arg4[%dma_wait3A_74, %dma_wait3A_75] : memref<10240x32xf32, #tpu.memory_space<hbm>> -> memref<10240x32xf32, #tpu.memory_space<hbm>>
    tpu.wait_indirect_dma semaphore(%arg13 : memref<!tpu.dma_semaphore, #tpu.memory_space<semaphore_mem>>) src(%dma_wait3A_76 : memref<10240x32xf32, #tpu.memory_space<hbm>>) dst(%arg10 : memref<768x32xf32, #tpu.memory_space<vmem>>)
    %dma_start3A_77 = arith.constant 768 : i32
    %dma_start3A_78 = tpu.memref_slice %arg8[%dma_start3A_77] : memref<10112xi32, #tpu.memory_space<vmem>> -> memref<768xi32, #tpu.memory_space<vmem>>
    %dma_start3A_79 = arith.constant 0 : i32
    %dma_start3A_80 = arith.constant 0 : i32
    %dma_start3A_81 = tpu.memref_slice %arg18[%dma_start3A_79, %dma_start3A_80] : memref<10240x32xf32, #tpu.memory_space<vmem_shared>> -> memref<10240x32xf32, #tpu.memory_space<vmem_shared>>
    tpu.enqueue_indirect_dma source(%arg10 : memref<768x32xf32, #tpu.memory_space<vmem>>) target(%dma_start3A_81 : memref<10240x32xf32, #tpu.memory_space<vmem_shared>>) offsets(%dma_start3A_78 : memref<768xi32, #tpu.memory_space<vmem>>) semaphore(%arg16 : memref<!tpu.dma_semaphore, #tpu.memory_space<semaphore_mem>>) {add = true}
    %dma_wait3A_82 = arith.constant 768 : i32
    %dma_wait3A_83 = tpu.memref_slice %arg8[%dma_wait3A_82] : memref<10112xi32, #tpu.memory_space<vmem>> -> memref<768xi32, #tpu.memory_space<vmem>>
    %dma_wait3A_84 = arith.constant 0 : i32
    %dma_wait3A_85 = arith.constant 0 : i32
    %dma_wait3A_86 = tpu.memref_slice %arg18[%dma_wait3A_84, %dma_wait3A_85] : memref<10240x32xf32, #tpu.memory_space<vmem_shared>> -> memref<10240x32xf32, #tpu.memory_space<vmem_shared>>
    tpu.wait_indirect_dma semaphore(%arg16 : memref<!tpu.dma_semaphore, #tpu.memory_space<semaphore_mem>>) src(%arg10 : memref<768x32xf32, #tpu.memory_space<vmem>>) dst(%dma_wait3A_86 : memref<10240x32xf32, #tpu.memory_space<vmem_shared>>)
    %dma_start3A_87 = arith.constant 3072 : i32
    %dma_start3A_88 = tpu.memref_slice %arg7[%dma_start3A_87] : memref<10112xi32, #tpu.memory_space<vmem>> -> memref<768xi32, #tpu.memory_space<vmem>>
    %dma_start3A_89 = arith.constant 0 : i32
    %dma_start3A_90 = arith.constant 0 : i32
    %dma_start3A_91 = tpu.memref_slice %arg4[%dma_start3A_89, %dma_start3A_90] : memref<10240x32xf32, #tpu.memory_space<hbm>> -> memref<10240x32xf32, #tpu.memory_space<hbm>>
    tpu.enqueue_indirect_dma source(%dma_start3A_91 : memref<10240x32xf32, #tpu.memory_space<hbm>>) target(%arg10 : memref<768x32xf32, #tpu.memory_space<vmem>>) offsets(%dma_start3A_88 : memref<768xi32, #tpu.memory_space<vmem>>) semaphore(%arg13 : memref<!tpu.dma_semaphore, #tpu.memory_space<semaphore_mem>>)
    %dma_wait3A_92 = arith.constant 1536 : i32
    %dma_wait3A_93 = tpu.memref_slice %arg7[%dma_wait3A_92] : memref<10112xi32, #tpu.memory_space<vmem>> -> memref<768xi32, #tpu.memory_space<vmem>>
    %dma_wait3A_94 = arith.constant 0 : i32
    %dma_wait3A_95 = arith.constant 0 : i32
    %dma_wait3A_96 = tpu.memref_slice %arg4[%dma_wait3A_94, %dma_wait3A_95] : memref<10240x32xf32, #tpu.memory_space<hbm>> -> memref<10240x32xf32, #tpu.memory_space<hbm>>
    tpu.wait_indirect_dma semaphore(%arg14 : memref<!tpu.dma_semaphore, #tpu.memory_space<semaphore_mem>>) src(%dma_wait3A_96 : memref<10240x32xf32, #tpu.memory_space<hbm>>) dst(%arg11 : memref<768x32xf32, #tpu.memory_space<vmem>>)
    %dma_start3A_97 = arith.constant 1536 : i32
    %dma_start3A_98 = tpu.memref_slice %arg8[%dma_start3A_97] : memref<10112xi32, #tpu.memory_space<vmem>> -> memref<768xi32, #tpu.memory_space<vmem>>
    %dma_start3A_99 = arith.constant 0 : i32
    %dma_start3A_100 = arith.constant 0 : i32
    %dma_start3A_101 = tpu.memref_slice %arg18[%dma_start3A_99, %dma_start3A_100] : memref<10240x32xf32, #tpu.memory_space<vmem_shared>> -> memref<10240x32xf32, #tpu.memory_space<vmem_shared>>
    tpu.enqueue_indirect_dma source(%arg11 : memref<768x32xf32, #tpu.memory_space<vmem>>) target(%dma_start3A_101 : memref<10240x32xf32, #tpu.memory_space<vmem_shared>>) offsets(%dma_start3A_98 : memref<768xi32, #tpu.memory_space<vmem>>) semaphore(%arg17 : memref<!tpu.dma_semaphore, #tpu.memory_space<semaphore_mem>>) {add = true}
    %dma_wait3A_102 = arith.constant 1536 : i32
    %dma_wait3A_103 = tpu.memref_slice %arg8[%dma_wait3A_102] : memref<10112xi32, #tpu.memory_space<vmem>> -> memref<768xi32, #tpu.memory_space<vmem>>
    %dma_wait3A_104 = arith.constant 0 : i32
    %dma_wait3A_105 = arith.constant 0 : i32
    %dma_wait3A_106 = tpu.memref_slice %arg18[%dma_wait3A_104, %dma_wait3A_105] : memref<10240x32xf32, #tpu.memory_space<vmem_shared>> -> memref<10240x32xf32, #tpu.memory_space<vmem_shared>>
    tpu.wait_indirect_dma semaphore(%arg17 : memref<!tpu.dma_semaphore, #tpu.memory_space<semaphore_mem>>) src(%arg11 : memref<768x32xf32, #tpu.memory_space<vmem>>) dst(%dma_wait3A_106 : memref<10240x32xf32, #tpu.memory_space<vmem_shared>>)
    %dma_start3A_107 = arith.constant 3840 : i32
    %dma_start3A_108 = tpu.memref_slice %arg7[%dma_start3A_107] : memref<10112xi32, #tpu.memory_space<vmem>> -> memref<768xi32, #tpu.memory_space<vmem>>
    %dma_start3A_109 = arith.constant 0 : i32
    %dma_start3A_110 = arith.constant 0 : i32
    %dma_start3A_111 = tpu.memref_slice %arg4[%dma_start3A_109, %dma_start3A_110] : memref<10240x32xf32, #tpu.memory_space<hbm>> -> memref<10240x32xf32, #tpu.memory_space<hbm>>
    tpu.enqueue_indirect_dma source(%dma_start3A_111 : memref<10240x32xf32, #tpu.memory_space<hbm>>) target(%arg11 : memref<768x32xf32, #tpu.memory_space<vmem>>) offsets(%dma_start3A_108 : memref<768xi32, #tpu.memory_space<vmem>>) semaphore(%arg14 : memref<!tpu.dma_semaphore, #tpu.memory_space<semaphore_mem>>)
    %dma_wait3A_112 = arith.constant 2304 : i32
    %dma_wait3A_113 = tpu.memref_slice %arg7[%dma_wait3A_112] : memref<10112xi32, #tpu.memory_space<vmem>> -> memref<768xi32, #tpu.memory_space<vmem>>
    %dma_wait3A_114 = arith.constant 0 : i32
    %dma_wait3A_115 = arith.constant 0 : i32
    %dma_wait3A_116 = tpu.memref_slice %arg4[%dma_wait3A_114, %dma_wait3A_115] : memref<10240x32xf32, #tpu.memory_space<hbm>> -> memref<10240x32xf32, #tpu.memory_space<hbm>>
    tpu.wait_indirect_dma semaphore(%arg12 : memref<!tpu.dma_semaphore, #tpu.memory_space<semaphore_mem>>) src(%dma_wait3A_116 : memref<10240x32xf32, #tpu.memory_space<hbm>>) dst(%arg9 : memref<768x32xf32, #tpu.memory_space<vmem>>)
    %dma_start3A_117 = arith.constant 2304 : i32
    %dma_start3A_118 = tpu.memref_slice %arg8[%dma_start3A_117] : memref<10112xi32, #tpu.memory_space<vmem>> -> memref<768xi32, #tpu.memory_space<vmem>>
    %dma_start3A_119 = arith.constant 0 : i32
    %dma_start3A_120 = arith.constant 0 : i32
    %dma_start3A_121 = tpu.memref_slice %arg18[%dma_start3A_119, %dma_start3A_120] : memref<10240x32xf32, #tpu.memory_space<vmem_shared>> -> memref<10240x32xf32, #tpu.memory_space<vmem_shared>>
    tpu.enqueue_indirect_dma source(%arg9 : memref<768x32xf32, #tpu.memory_space<vmem>>) target(%dma_start3A_121 : memref<10240x32xf32, #tpu.memory_space<vmem_shared>>) offsets(%dma_start3A_118 : memref<768xi32, #tpu.memory_space<vmem>>) semaphore(%arg15 : memref<!tpu.dma_semaphore, #tpu.memory_space<semaphore_mem>>) {add = true}
    %dma_wait3A_122 = arith.constant 2304 : i32
    %dma_wait3A_123 = tpu.memref_slice %arg8[%dma_wait3A_122] : memref<10112xi32, #tpu.memory_space<vmem>> -> memref<768xi32, #tpu.memory_space<vmem>>
    %dma_wait3A_124 = arith.constant 0 : i32
    %dma_wait3A_125 = arith.constant 0 : i32
    %dma_wait3A_126 = tpu.memref_slice %arg18[%dma_wait3A_124, %dma_wait3A_125] : memref<10240x32xf32, #tpu.memory_space<vmem_shared>> -> memref<10240x32xf32, #tpu.memory_space<vmem_shared>>
    tpu.wait_indirect_dma semaphore(%arg15 : memref<!tpu.dma_semaphore, #tpu.memory_space<semaphore_mem>>) src(%arg9 : memref<768x32xf32, #tpu.memory_space<vmem>>) dst(%dma_wait3A_126 : memref<10240x32xf32, #tpu.memory_space<vmem_shared>>)
    %dma_start3A_127 = arith.constant 4608 : i32
    %dma_start3A_128 = tpu.memref_slice %arg7[%dma_start3A_127] : memref<10112xi32, #tpu.memory_space<vmem>> -> memref<768xi32, #tpu.memory_space<vmem>>
    %dma_start3A_129 = arith.constant 0 : i32
    %dma_start3A_130 = arith.constant 0 : i32
    %dma_start3A_131 = tpu.memref_slice %arg4[%dma_start3A_129, %dma_start3A_130] : memref<10240x32xf32, #tpu.memory_space<hbm>> -> memref<10240x32xf32, #tpu.memory_space<hbm>>
    tpu.enqueue_indirect_dma source(%dma_start3A_131 : memref<10240x32xf32, #tpu.memory_space<hbm>>) target(%arg9 : memref<768x32xf32, #tpu.memory_space<vmem>>) offsets(%dma_start3A_128 : memref<768xi32, #tpu.memory_space<vmem>>) semaphore(%arg12 : memref<!tpu.dma_semaphore, #tpu.memory_space<semaphore_mem>>)
    %dma_wait3A_132 = arith.constant 3072 : i32
    %dma_wait3A_133 = tpu.memref_slice %arg7[%dma_wait3A_132] : memref<10112xi32, #tpu.memory_space<vmem>> -> memref<768xi32, #tpu.memory_space<vmem>>
    %dma_wait3A_134 = arith.constant 0 : i32
    %dma_wait3A_135 = arith.constant 0 : i32
    %dma_wait3A_136 = tpu.memref_slice %arg4[%dma_wait3A_134, %dma_wait3A_135] : memref<10240x32xf32, #tpu.memory_space<hbm>> -> memref<10240x32xf32, #tpu.memory_space<hbm>>
    tpu.wait_indirect_dma semaphore(%arg13 : memref<!tpu.dma_semaphore, #tpu.memory_space<semaphore_mem>>) src(%dma_wait3A_136 : memref<10240x32xf32, #tpu.memory_space<hbm>>) dst(%arg10 : memref<768x32xf32, #tpu.memory_space<vmem>>)
    %dma_start3A_137 = arith.constant 3072 : i32
    %dma_start3A_138 = tpu.memref_slice %arg8[%dma_start3A_137] : memref<10112xi32, #tpu.memory_space<vmem>> -> memref<768xi32, #tpu.memory_space<vmem>>
    %dma_start3A_139 = arith.constant 0 : i32
    %dma_start3A_140 = arith.constant 0 : i32
    %dma_start3A_141 = tpu.memref_slice %arg18[%dma_start3A_139, %dma_start3A_140] : memref<10240x32xf32, #tpu.memory_space<vmem_shared>> -> memref<10240x32xf32, #tpu.memory_space<vmem_shared>>
    tpu.enqueue_indirect_dma source(%arg10 : memref<768x32xf32, #tpu.memory_space<vmem>>) target(%dma_start3A_141 : memref<10240x32xf32, #tpu.memory_space<vmem_shared>>) offsets(%dma_start3A_138 : memref<768xi32, #tpu.memory_space<vmem>>) semaphore(%arg16 : memref<!tpu.dma_semaphore, #tpu.memory_space<semaphore_mem>>) {add = true}
    %dma_wait3A_142 = arith.constant 3072 : i32
    %dma_wait3A_143 = tpu.memref_slice %arg8[%dma_wait3A_142] : memref<10112xi32, #tpu.memory_space<vmem>> -> memref<768xi32, #tpu.memory_space<vmem>>
    %dma_wait3A_144 = arith.constant 0 : i32
    %dma_wait3A_145 = arith.constant 0 : i32
    %dma_wait3A_146 = tpu.memref_slice %arg18[%dma_wait3A_144, %dma_wait3A_145] : memref<10240x32xf32, #tpu.memory_space<vmem_shared>> -> memref<10240x32xf32, #tpu.memory_space<vmem_shared>>
    tpu.wait_indirect_dma semaphore(%arg16 : memref<!tpu.dma_semaphore, #tpu.memory_space<semaphore_mem>>) src(%arg10 : memref<768x32xf32, #tpu.memory_space<vmem>>) dst(%dma_wait3A_146 : memref<10240x32xf32, #tpu.memory_space<vmem_shared>>)
    %dma_start3A_147 = arith.constant 5376 : i32
    %dma_start3A_148 = tpu.memref_slice %arg7[%dma_start3A_147] : memref<10112xi32, #tpu.memory_space<vmem>> -> memref<768xi32, #tpu.memory_space<vmem>>
    %dma_start3A_149 = arith.constant 0 : i32
    %dma_start3A_150 = arith.constant 0 : i32
    %dma_start3A_151 = tpu.memref_slice %arg4[%dma_start3A_149, %dma_start3A_150] : memref<10240x32xf32, #tpu.memory_space<hbm>> -> memref<10240x32xf32, #tpu.memory_space<hbm>>
    tpu.enqueue_indirect_dma source(%dma_start3A_151 : memref<10240x32xf32, #tpu.memory_space<hbm>>) target(%arg10 : memref<768x32xf32, #tpu.memory_space<vmem>>) offsets(%dma_start3A_148 : memref<768xi32, #tpu.memory_space<vmem>>) semaphore(%arg13 : memref<!tpu.dma_semaphore, #tpu.memory_space<semaphore_mem>>)
    %dma_wait3A_152 = arith.constant 3840 : i32
    %dma_wait3A_153 = tpu.memref_slice %arg7[%dma_wait3A_152] : memref<10112xi32, #tpu.memory_space<vmem>> -> memref<768xi32, #tpu.memory_space<vmem>>
    %dma_wait3A_154 = arith.constant 0 : i32
    %dma_wait3A_155 = arith.constant 0 : i32
    %dma_wait3A_156 = tpu.memref_slice %arg4[%dma_wait3A_154, %dma_wait3A_155] : memref<10240x32xf32, #tpu.memory_space<hbm>> -> memref<10240x32xf32, #tpu.memory_space<hbm>>
    tpu.wait_indirect_dma semaphore(%arg14 : memref<!tpu.dma_semaphore, #tpu.memory_space<semaphore_mem>>) src(%dma_wait3A_156 : memref<10240x32xf32, #tpu.memory_space<hbm>>) dst(%arg11 : memref<768x32xf32, #tpu.memory_space<vmem>>)
    %dma_start3A_157 = arith.constant 3840 : i32
    %dma_start3A_158 = tpu.memref_slice %arg8[%dma_start3A_157] : memref<10112xi32, #tpu.memory_space<vmem>> -> memref<768xi32, #tpu.memory_space<vmem>>
    %dma_start3A_159 = arith.constant 0 : i32
    %dma_start3A_160 = arith.constant 0 : i32
    %dma_start3A_161 = tpu.memref_slice %arg18[%dma_start3A_159, %dma_start3A_160] : memref<10240x32xf32, #tpu.memory_space<vmem_shared>> -> memref<10240x32xf32, #tpu.memory_space<vmem_shared>>
    tpu.enqueue_indirect_dma source(%arg11 : memref<768x32xf32, #tpu.memory_space<vmem>>) target(%dma_start3A_161 : memref<10240x32xf32, #tpu.memory_space<vmem_shared>>) offsets(%dma_start3A_158 : memref<768xi32, #tpu.memory_space<vmem>>) semaphore(%arg17 : memref<!tpu.dma_semaphore, #tpu.memory_space<semaphore_mem>>) {add = true}
    %dma_wait3A_162 = arith.constant 3840 : i32
    %dma_wait3A_163 = tpu.memref_slice %arg8[%dma_wait3A_162] : memref<10112xi32, #tpu.memory_space<vmem>> -> memref<768xi32, #tpu.memory_space<vmem>>
    %dma_wait3A_164 = arith.constant 0 : i32
    %dma_wait3A_165 = arith.constant 0 : i32
    %dma_wait3A_166 = tpu.memref_slice %arg18[%dma_wait3A_164, %dma_wait3A_165] : memref<10240x32xf32, #tpu.memory_space<vmem_shared>> -> memref<10240x32xf32, #tpu.memory_space<vmem_shared>>
    tpu.wait_indirect_dma semaphore(%arg17 : memref<!tpu.dma_semaphore, #tpu.memory_space<semaphore_mem>>) src(%arg11 : memref<768x32xf32, #tpu.memory_space<vmem>>) dst(%dma_wait3A_166 : memref<10240x32xf32, #tpu.memory_space<vmem_shared>>)
    %dma_start3A_167 = arith.constant 6144 : i32
    %dma_start3A_168 = tpu.memref_slice %arg7[%dma_start3A_167] : memref<10112xi32, #tpu.memory_space<vmem>> -> memref<768xi32, #tpu.memory_space<vmem>>
    %dma_start3A_169 = arith.constant 0 : i32
    %dma_start3A_170 = arith.constant 0 : i32
    %dma_start3A_171 = tpu.memref_slice %arg4[%dma_start3A_169, %dma_start3A_170] : memref<10240x32xf32, #tpu.memory_space<hbm>> -> memref<10240x32xf32, #tpu.memory_space<hbm>>
    tpu.enqueue_indirect_dma source(%dma_start3A_171 : memref<10240x32xf32, #tpu.memory_space<hbm>>) target(%arg11 : memref<768x32xf32, #tpu.memory_space<vmem>>) offsets(%dma_start3A_168 : memref<768xi32, #tpu.memory_space<vmem>>) semaphore(%arg14 : memref<!tpu.dma_semaphore, #tpu.memory_space<semaphore_mem>>)
    %dma_wait3A_172 = arith.constant 4608 : i32
    %dma_wait3A_173 = tpu.memref_slice %arg7[%dma_wait3A_172] : memref<10112xi32, #tpu.memory_space<vmem>> -> memref<768xi32, #tpu.memory_space<vmem>>
    %dma_wait3A_174 = arith.constant 0 : i32
    %dma_wait3A_175 = arith.constant 0 : i32
    %dma_wait3A_176 = tpu.memref_slice %arg4[%dma_wait3A_174, %dma_wait3A_175] : memref<10240x32xf32, #tpu.memory_space<hbm>> -> memref<10240x32xf32, #tpu.memory_space<hbm>>
    tpu.wait_indirect_dma semaphore(%arg12 : memref<!tpu.dma_semaphore, #tpu.memory_space<semaphore_mem>>) src(%dma_wait3A_176 : memref<10240x32xf32, #tpu.memory_space<hbm>>) dst(%arg9 : memref<768x32xf32, #tpu.memory_space<vmem>>)
    %dma_start3A_177 = arith.constant 4608 : i32
    %dma_start3A_178 = tpu.memref_slice %arg8[%dma_start3A_177] : memref<10112xi32, #tpu.memory_space<vmem>> -> memref<768xi32, #tpu.memory_space<vmem>>
    %dma_start3A_179 = arith.constant 0 : i32
    %dma_start3A_180 = arith.constant 0 : i32
    %dma_start3A_181 = tpu.memref_slice %arg18[%dma_start3A_179, %dma_start3A_180] : memref<10240x32xf32, #tpu.memory_space<vmem_shared>> -> memref<10240x32xf32, #tpu.memory_space<vmem_shared>>
    tpu.enqueue_indirect_dma source(%arg9 : memref<768x32xf32, #tpu.memory_space<vmem>>) target(%dma_start3A_181 : memref<10240x32xf32, #tpu.memory_space<vmem_shared>>) offsets(%dma_start3A_178 : memref<768xi32, #tpu.memory_space<vmem>>) semaphore(%arg15 : memref<!tpu.dma_semaphore, #tpu.memory_space<semaphore_mem>>) {add = true}
    %dma_wait3A_182 = arith.constant 4608 : i32
    %dma_wait3A_183 = tpu.memref_slice %arg8[%dma_wait3A_182] : memref<10112xi32, #tpu.memory_space<vmem>> -> memref<768xi32, #tpu.memory_space<vmem>>
    %dma_wait3A_184 = arith.constant 0 : i32
    %dma_wait3A_185 = arith.constant 0 : i32
    %dma_wait3A_186 = tpu.memref_slice %arg18[%dma_wait3A_184, %dma_wait3A_185] : memref<10240x32xf32, #tpu.memory_space<vmem_shared>> -> memref<10240x32xf32, #tpu.memory_space<vmem_shared>>
    tpu.wait_indirect_dma semaphore(%arg15 : memref<!tpu.dma_semaphore, #tpu.memory_space<semaphore_mem>>) src(%arg9 : memref<768x32xf32, #tpu.memory_space<vmem>>) dst(%dma_wait3A_186 : memref<10240x32xf32, #tpu.memory_space<vmem_shared>>)
    %dma_start3A_187 = arith.constant 6912 : i32
    %dma_start3A_188 = tpu.memref_slice %arg7[%dma_start3A_187] : memref<10112xi32, #tpu.memory_space<vmem>> -> memref<768xi32, #tpu.memory_space<vmem>>
    %dma_start3A_189 = arith.constant 0 : i32
    %dma_start3A_190 = arith.constant 0 : i32
    %dma_start3A_191 = tpu.memref_slice %arg4[%dma_start3A_189, %dma_start3A_190] : memref<10240x32xf32, #tpu.memory_space<hbm>> -> memref<10240x32xf32, #tpu.memory_space<hbm>>
    tpu.enqueue_indirect_dma source(%dma_start3A_191 : memref<10240x32xf32, #tpu.memory_space<hbm>>) target(%arg9 : memref<768x32xf32, #tpu.memory_space<vmem>>) offsets(%dma_start3A_188 : memref<768xi32, #tpu.memory_space<vmem>>) semaphore(%arg12 : memref<!tpu.dma_semaphore, #tpu.memory_space<semaphore_mem>>)
    %dma_wait3A_192 = arith.constant 5376 : i32
    %dma_wait3A_193 = tpu.memref_slice %arg7[%dma_wait3A_192] : memref<10112xi32, #tpu.memory_space<vmem>> -> memref<768xi32, #tpu.memory_space<vmem>>
    %dma_wait3A_194 = arith.constant 0 : i32
    %dma_wait3A_195 = arith.constant 0 : i32
    %dma_wait3A_196 = tpu.memref_slice %arg4[%dma_wait3A_194, %dma_wait3A_195] : memref<10240x32xf32, #tpu.memory_space<hbm>> -> memref<10240x32xf32, #tpu.memory_space<hbm>>
    tpu.wait_indirect_dma semaphore(%arg13 : memref<!tpu.dma_semaphore, #tpu.memory_space<semaphore_mem>>) src(%dma_wait3A_196 : memref<10240x32xf32, #tpu.memory_space<hbm>>) dst(%arg10 : memref<768x32xf32, #tpu.memory_space<vmem>>)
    %dma_start3A_197 = arith.constant 5376 : i32
    %dma_start3A_198 = tpu.memref_slice %arg8[%dma_start3A_197] : memref<10112xi32, #tpu.memory_space<vmem>> -> memref<768xi32, #tpu.memory_space<vmem>>
    %dma_start3A_199 = arith.constant 0 : i32
    %dma_start3A_200 = arith.constant 0 : i32
    %dma_start3A_201 = tpu.memref_slice %arg18[%dma_start3A_199, %dma_start3A_200] : memref<10240x32xf32, #tpu.memory_space<vmem_shared>> -> memref<10240x32xf32, #tpu.memory_space<vmem_shared>>
    tpu.enqueue_indirect_dma source(%arg10 : memref<768x32xf32, #tpu.memory_space<vmem>>) target(%dma_start3A_201 : memref<10240x32xf32, #tpu.memory_space<vmem_shared>>) offsets(%dma_start3A_198 : memref<768xi32, #tpu.memory_space<vmem>>) semaphore(%arg16 : memref<!tpu.dma_semaphore, #tpu.memory_space<semaphore_mem>>) {add = true}
    %dma_wait3A_202 = arith.constant 5376 : i32
    %dma_wait3A_203 = tpu.memref_slice %arg8[%dma_wait3A_202] : memref<10112xi32, #tpu.memory_space<vmem>> -> memref<768xi32, #tpu.memory_space<vmem>>
    %dma_wait3A_204 = arith.constant 0 : i32
    %dma_wait3A_205 = arith.constant 0 : i32
    %dma_wait3A_206 = tpu.memref_slice %arg18[%dma_wait3A_204, %dma_wait3A_205] : memref<10240x32xf32, #tpu.memory_space<vmem_shared>> -> memref<10240x32xf32, #tpu.memory_space<vmem_shared>>
    tpu.wait_indirect_dma semaphore(%arg16 : memref<!tpu.dma_semaphore, #tpu.memory_space<semaphore_mem>>) src(%arg10 : memref<768x32xf32, #tpu.memory_space<vmem>>) dst(%dma_wait3A_206 : memref<10240x32xf32, #tpu.memory_space<vmem_shared>>)
    %dma_start3A_207 = arith.constant 7680 : i32
    %dma_start3A_208 = tpu.memref_slice %arg7[%dma_start3A_207] : memref<10112xi32, #tpu.memory_space<vmem>> -> memref<768xi32, #tpu.memory_space<vmem>>
    %dma_start3A_209 = arith.constant 0 : i32
    %dma_start3A_210 = arith.constant 0 : i32
    %dma_start3A_211 = tpu.memref_slice %arg4[%dma_start3A_209, %dma_start3A_210] : memref<10240x32xf32, #tpu.memory_space<hbm>> -> memref<10240x32xf32, #tpu.memory_space<hbm>>
    tpu.enqueue_indirect_dma source(%dma_start3A_211 : memref<10240x32xf32, #tpu.memory_space<hbm>>) target(%arg10 : memref<768x32xf32, #tpu.memory_space<vmem>>) offsets(%dma_start3A_208 : memref<768xi32, #tpu.memory_space<vmem>>) semaphore(%arg13 : memref<!tpu.dma_semaphore, #tpu.memory_space<semaphore_mem>>)
    %dma_wait3A_212 = arith.constant 6144 : i32
    %dma_wait3A_213 = tpu.memref_slice %arg7[%dma_wait3A_212] : memref<10112xi32, #tpu.memory_space<vmem>> -> memref<768xi32, #tpu.memory_space<vmem>>
    %dma_wait3A_214 = arith.constant 0 : i32
    %dma_wait3A_215 = arith.constant 0 : i32
    %dma_wait3A_216 = tpu.memref_slice %arg4[%dma_wait3A_214, %dma_wait3A_215] : memref<10240x32xf32, #tpu.memory_space<hbm>> -> memref<10240x32xf32, #tpu.memory_space<hbm>>
    tpu.wait_indirect_dma semaphore(%arg14 : memref<!tpu.dma_semaphore, #tpu.memory_space<semaphore_mem>>) src(%dma_wait3A_216 : memref<10240x32xf32, #tpu.memory_space<hbm>>) dst(%arg11 : memref<768x32xf32, #tpu.memory_space<vmem>>)
    %dma_start3A_217 = arith.constant 6144 : i32
    %dma_start3A_218 = tpu.memref_slice %arg8[%dma_start3A_217] : memref<10112xi32, #tpu.memory_space<vmem>> -> memref<768xi32, #tpu.memory_space<vmem>>
    %dma_start3A_219 = arith.constant 0 : i32
    %dma_start3A_220 = arith.constant 0 : i32
    %dma_start3A_221 = tpu.memref_slice %arg18[%dma_start3A_219, %dma_start3A_220] : memref<10240x32xf32, #tpu.memory_space<vmem_shared>> -> memref<10240x32xf32, #tpu.memory_space<vmem_shared>>
    tpu.enqueue_indirect_dma source(%arg11 : memref<768x32xf32, #tpu.memory_space<vmem>>) target(%dma_start3A_221 : memref<10240x32xf32, #tpu.memory_space<vmem_shared>>) offsets(%dma_start3A_218 : memref<768xi32, #tpu.memory_space<vmem>>) semaphore(%arg17 : memref<!tpu.dma_semaphore, #tpu.memory_space<semaphore_mem>>) {add = true}
    %dma_wait3A_222 = arith.constant 6144 : i32
    %dma_wait3A_223 = tpu.memref_slice %arg8[%dma_wait3A_222] : memref<10112xi32, #tpu.memory_space<vmem>> -> memref<768xi32, #tpu.memory_space<vmem>>
    %dma_wait3A_224 = arith.constant 0 : i32
    %dma_wait3A_225 = arith.constant 0 : i32
    %dma_wait3A_226 = tpu.memref_slice %arg18[%dma_wait3A_224, %dma_wait3A_225] : memref<10240x32xf32, #tpu.memory_space<vmem_shared>> -> memref<10240x32xf32, #tpu.memory_space<vmem_shared>>
    tpu.wait_indirect_dma semaphore(%arg17 : memref<!tpu.dma_semaphore, #tpu.memory_space<semaphore_mem>>) src(%arg11 : memref<768x32xf32, #tpu.memory_space<vmem>>) dst(%dma_wait3A_226 : memref<10240x32xf32, #tpu.memory_space<vmem_shared>>)
    %dma_start3A_227 = arith.constant 8448 : i32
    %dma_start3A_228 = tpu.memref_slice %arg7[%dma_start3A_227] : memref<10112xi32, #tpu.memory_space<vmem>> -> memref<768xi32, #tpu.memory_space<vmem>>
    %dma_start3A_229 = arith.constant 0 : i32
    %dma_start3A_230 = arith.constant 0 : i32
    %dma_start3A_231 = tpu.memref_slice %arg4[%dma_start3A_229, %dma_start3A_230] : memref<10240x32xf32, #tpu.memory_space<hbm>> -> memref<10240x32xf32, #tpu.memory_space<hbm>>
    tpu.enqueue_indirect_dma source(%dma_start3A_231 : memref<10240x32xf32, #tpu.memory_space<hbm>>) target(%arg11 : memref<768x32xf32, #tpu.memory_space<vmem>>) offsets(%dma_start3A_228 : memref<768xi32, #tpu.memory_space<vmem>>) semaphore(%arg14 : memref<!tpu.dma_semaphore, #tpu.memory_space<semaphore_mem>>)
    %dma_wait3A_232 = arith.constant 6912 : i32
    %dma_wait3A_233 = tpu.memref_slice %arg7[%dma_wait3A_232] : memref<10112xi32, #tpu.memory_space<vmem>> -> memref<768xi32, #tpu.memory_space<vmem>>
    %dma_wait3A_234 = arith.constant 0 : i32
    %dma_wait3A_235 = arith.constant 0 : i32
    %dma_wait3A_236 = tpu.memref_slice %arg4[%dma_wait3A_234, %dma_wait3A_235] : memref<10240x32xf32, #tpu.memory_space<hbm>> -> memref<10240x32xf32, #tpu.memory_space<hbm>>
    tpu.wait_indirect_dma semaphore(%arg12 : memref<!tpu.dma_semaphore, #tpu.memory_space<semaphore_mem>>) src(%dma_wait3A_236 : memref<10240x32xf32, #tpu.memory_space<hbm>>) dst(%arg9 : memref<768x32xf32, #tpu.memory_space<vmem>>)
    %dma_start3A_237 = arith.constant 6912 : i32
    %dma_start3A_238 = tpu.memref_slice %arg8[%dma_start3A_237] : memref<10112xi32, #tpu.memory_space<vmem>> -> memref<768xi32, #tpu.memory_space<vmem>>
    %dma_start3A_239 = arith.constant 0 : i32
    %dma_start3A_240 = arith.constant 0 : i32
    %dma_start3A_241 = tpu.memref_slice %arg18[%dma_start3A_239, %dma_start3A_240] : memref<10240x32xf32, #tpu.memory_space<vmem_shared>> -> memref<10240x32xf32, #tpu.memory_space<vmem_shared>>
    tpu.enqueue_indirect_dma source(%arg9 : memref<768x32xf32, #tpu.memory_space<vmem>>) target(%dma_start3A_241 : memref<10240x32xf32, #tpu.memory_space<vmem_shared>>) offsets(%dma_start3A_238 : memref<768xi32, #tpu.memory_space<vmem>>) semaphore(%arg15 : memref<!tpu.dma_semaphore, #tpu.memory_space<semaphore_mem>>) {add = true}
    %dma_wait3A_242 = arith.constant 6912 : i32
    %dma_wait3A_243 = tpu.memref_slice %arg8[%dma_wait3A_242] : memref<10112xi32, #tpu.memory_space<vmem>> -> memref<768xi32, #tpu.memory_space<vmem>>
    %dma_wait3A_244 = arith.constant 0 : i32
    %dma_wait3A_245 = arith.constant 0 : i32
    %dma_wait3A_246 = tpu.memref_slice %arg18[%dma_wait3A_244, %dma_wait3A_245] : memref<10240x32xf32, #tpu.memory_space<vmem_shared>> -> memref<10240x32xf32, #tpu.memory_space<vmem_shared>>
    tpu.wait_indirect_dma semaphore(%arg15 : memref<!tpu.dma_semaphore, #tpu.memory_space<semaphore_mem>>) src(%arg9 : memref<768x32xf32, #tpu.memory_space<vmem>>) dst(%dma_wait3A_246 : memref<10240x32xf32, #tpu.memory_space<vmem_shared>>)
    %dma_start3A_247 = arith.constant 9216 : i32
    %dma_start3A_248 = tpu.memref_slice %arg7[%dma_start3A_247] : memref<10112xi32, #tpu.memory_space<vmem>> -> memref<768xi32, #tpu.memory_space<vmem>>
    %dma_start3A_249 = arith.constant 0 : i32
    %dma_start3A_250 = arith.constant 0 : i32
    %dma_start3A_251 = tpu.memref_slice %arg4[%dma_start3A_249, %dma_start3A_250] : memref<10240x32xf32, #tpu.memory_space<hbm>> -> memref<10240x32xf32, #tpu.memory_space<hbm>>
    tpu.enqueue_indirect_dma source(%dma_start3A_251 : memref<10240x32xf32, #tpu.memory_space<hbm>>) target(%arg9 : memref<768x32xf32, #tpu.memory_space<vmem>>) offsets(%dma_start3A_248 : memref<768xi32, #tpu.memory_space<vmem>>) semaphore(%arg12 : memref<!tpu.dma_semaphore, #tpu.memory_space<semaphore_mem>>)
    %dma_wait3A_252 = arith.constant 7680 : i32
    %dma_wait3A_253 = tpu.memref_slice %arg7[%dma_wait3A_252] : memref<10112xi32, #tpu.memory_space<vmem>> -> memref<768xi32, #tpu.memory_space<vmem>>
    %dma_wait3A_254 = arith.constant 0 : i32
    %dma_wait3A_255 = arith.constant 0 : i32
    %dma_wait3A_256 = tpu.memref_slice %arg4[%dma_wait3A_254, %dma_wait3A_255] : memref<10240x32xf32, #tpu.memory_space<hbm>> -> memref<10240x32xf32, #tpu.memory_space<hbm>>
    tpu.wait_indirect_dma semaphore(%arg13 : memref<!tpu.dma_semaphore, #tpu.memory_space<semaphore_mem>>) src(%dma_wait3A_256 : memref<10240x32xf32, #tpu.memory_space<hbm>>) dst(%arg10 : memref<768x32xf32, #tpu.memory_space<vmem>>)
    %dma_start3A_257 = arith.constant 7680 : i32
    %dma_start3A_258 = tpu.memref_slice %arg8[%dma_start3A_257] : memref<10112xi32, #tpu.memory_space<vmem>> -> memref<768xi32, #tpu.memory_space<vmem>>
    %dma_start3A_259 = arith.constant 0 : i32
    %dma_start3A_260 = arith.constant 0 : i32
    %dma_start3A_261 = tpu.memref_slice %arg18[%dma_start3A_259, %dma_start3A_260] : memref<10240x32xf32, #tpu.memory_space<vmem_shared>> -> memref<10240x32xf32, #tpu.memory_space<vmem_shared>>
    tpu.enqueue_indirect_dma source(%arg10 : memref<768x32xf32, #tpu.memory_space<vmem>>) target(%dma_start3A_261 : memref<10240x32xf32, #tpu.memory_space<vmem_shared>>) offsets(%dma_start3A_258 : memref<768xi32, #tpu.memory_space<vmem>>) semaphore(%arg16 : memref<!tpu.dma_semaphore, #tpu.memory_space<semaphore_mem>>) {add = true}
    %dma_wait3A_262 = arith.constant 8448 : i32
    %dma_wait3A_263 = tpu.memref_slice %arg7[%dma_wait3A_262] : memref<10112xi32, #tpu.memory_space<vmem>> -> memref<768xi32, #tpu.memory_space<vmem>>
    %dma_wait3A_264 = arith.constant 0 : i32
    %dma_wait3A_265 = arith.constant 0 : i32
    %dma_wait3A_266 = tpu.memref_slice %arg4[%dma_wait3A_264, %dma_wait3A_265] : memref<10240x32xf32, #tpu.memory_space<hbm>> -> memref<10240x32xf32, #tpu.memory_space<hbm>>
    tpu.wait_indirect_dma semaphore(%arg14 : memref<!tpu.dma_semaphore, #tpu.memory_space<semaphore_mem>>) src(%dma_wait3A_266 : memref<10240x32xf32, #tpu.memory_space<hbm>>) dst(%arg11 : memref<768x32xf32, #tpu.memory_space<vmem>>)
    %dma_start3A_267 = arith.constant 8448 : i32
    %dma_start3A_268 = tpu.memref_slice %arg8[%dma_start3A_267] : memref<10112xi32, #tpu.memory_space<vmem>> -> memref<768xi32, #tpu.memory_space<vmem>>
    %dma_start3A_269 = arith.constant 0 : i32
    %dma_start3A_270 = arith.constant 0 : i32
    %dma_start3A_271 = tpu.memref_slice %arg18[%dma_start3A_269, %dma_start3A_270] : memref<10240x32xf32, #tpu.memory_space<vmem_shared>> -> memref<10240x32xf32, #tpu.memory_space<vmem_shared>>
    tpu.enqueue_indirect_dma source(%arg11 : memref<768x32xf32, #tpu.memory_space<vmem>>) target(%dma_start3A_271 : memref<10240x32xf32, #tpu.memory_space<vmem_shared>>) offsets(%dma_start3A_268 : memref<768xi32, #tpu.memory_space<vmem>>) semaphore(%arg17 : memref<!tpu.dma_semaphore, #tpu.memory_space<semaphore_mem>>) {add = true}
    %dma_wait3A_272 = arith.constant 9216 : i32
    %dma_wait3A_273 = tpu.memref_slice %arg7[%dma_wait3A_272] : memref<10112xi32, #tpu.memory_space<vmem>> -> memref<768xi32, #tpu.memory_space<vmem>>
    %dma_wait3A_274 = arith.constant 0 : i32
    %dma_wait3A_275 = arith.constant 0 : i32
    %dma_wait3A_276 = tpu.memref_slice %arg4[%dma_wait3A_274, %dma_wait3A_275] : memref<10240x32xf32, #tpu.memory_space<hbm>> -> memref<10240x32xf32, #tpu.memory_space<hbm>>
    tpu.wait_indirect_dma semaphore(%arg12 : memref<!tpu.dma_semaphore, #tpu.memory_space<semaphore_mem>>) src(%dma_wait3A_276 : memref<10240x32xf32, #tpu.memory_space<hbm>>) dst(%arg9 : memref<768x32xf32, #tpu.memory_space<vmem>>)
    %dma_start3A_277 = arith.constant 9216 : i32
    %dma_start3A_278 = tpu.memref_slice %arg8[%dma_start3A_277] : memref<10112xi32, #tpu.memory_space<vmem>> -> memref<768xi32, #tpu.memory_space<vmem>>
    %dma_start3A_279 = arith.constant 0 : i32
    %dma_start3A_280 = arith.constant 0 : i32
    %dma_start3A_281 = tpu.memref_slice %arg18[%dma_start3A_279, %dma_start3A_280] : memref<10240x32xf32, #tpu.memory_space<vmem_shared>> -> memref<10240x32xf32, #tpu.memory_space<vmem_shared>>
    tpu.enqueue_indirect_dma source(%arg9 : memref<768x32xf32, #tpu.memory_space<vmem>>) target(%dma_start3A_281 : memref<10240x32xf32, #tpu.memory_space<vmem_shared>>) offsets(%dma_start3A_278 : memref<768xi32, #tpu.memory_space<vmem>>) semaphore(%arg15 : memref<!tpu.dma_semaphore, #tpu.memory_space<semaphore_mem>>) {add = true}
    %dma_wait3A_282 = arith.constant 7680 : i32
    %dma_wait3A_283 = tpu.memref_slice %arg8[%dma_wait3A_282] : memref<10112xi32, #tpu.memory_space<vmem>> -> memref<768xi32, #tpu.memory_space<vmem>>
    %dma_wait3A_284 = arith.constant 0 : i32
    %dma_wait3A_285 = arith.constant 0 : i32
    %dma_wait3A_286 = tpu.memref_slice %arg18[%dma_wait3A_284, %dma_wait3A_285] : memref<10240x32xf32, #tpu.memory_space<vmem_shared>> -> memref<10240x32xf32, #tpu.memory_space<vmem_shared>>
    tpu.wait_indirect_dma semaphore(%arg16 : memref<!tpu.dma_semaphore, #tpu.memory_space<semaphore_mem>>) src(%arg10 : memref<768x32xf32, #tpu.memory_space<vmem>>) dst(%dma_wait3A_286 : memref<10240x32xf32, #tpu.memory_space<vmem_shared>>)
    %dma_wait3A_287 = arith.constant 8448 : i32
    %dma_wait3A_288 = tpu.memref_slice %arg8[%dma_wait3A_287] : memref<10112xi32, #tpu.memory_space<vmem>> -> memref<768xi32, #tpu.memory_space<vmem>>
    %dma_wait3A_289 = arith.constant 0 : i32
    %dma_wait3A_290 = arith.constant 0 : i32
    %dma_wait3A_291 = tpu.memref_slice %arg18[%dma_wait3A_289, %dma_wait3A_290] : memref<10240x32xf32, #tpu.memory_space<vmem_shared>> -> memref<10240x32xf32, #tpu.memory_space<vmem_shared>>
    tpu.wait_indirect_dma semaphore(%arg17 : memref<!tpu.dma_semaphore, #tpu.memory_space<semaphore_mem>>) src(%arg11 : memref<768x32xf32, #tpu.memory_space<vmem>>) dst(%dma_wait3A_291 : memref<10240x32xf32, #tpu.memory_space<vmem_shared>>)
    %dma_wait3A_292 = arith.constant 9216 : i32
    %dma_wait3A_293 = tpu.memref_slice %arg8[%dma_wait3A_292] : memref<10112xi32, #tpu.memory_space<vmem>> -> memref<768xi32, #tpu.memory_space<vmem>>
    %dma_wait3A_294 = arith.constant 0 : i32
    %dma_wait3A_295 = arith.constant 0 : i32
    %dma_wait3A_296 = tpu.memref_slice %arg18[%dma_wait3A_294, %dma_wait3A_295] : memref<10240x32xf32, #tpu.memory_space<vmem_shared>> -> memref<10240x32xf32, #tpu.memory_space<vmem_shared>>
    tpu.wait_indirect_dma semaphore(%arg15 : memref<!tpu.dma_semaphore, #tpu.memory_space<semaphore_mem>>) src(%arg9 : memref<768x32xf32, #tpu.memory_space<vmem>>) dst(%dma_wait3A_296 : memref<10240x32xf32, #tpu.memory_space<vmem_shared>>)
    %lt3A_297 = arith.constant 2 : i32
    %lt3A_298 = arith.cmpi slt, %arg1, %lt3A_297 : i32
    %convert_element_type3A_299 = arith.extui %lt3A_298 : i1 to i32
    %cond3A_300 = arith.constant 0 : i32
    %cond3A_301 = arith.cmpi ne, %convert_element_type3A_299, %cond3A_300 : i32
    scf.if %cond3A_301 {
      %dma_start3A_306 = arith.constant 0 : i32
      %dma_start3A_307 = arith.constant 0 : i32
      %dma_start3A_308 = tpu.memref_slice %arg9[%dma_start3A_306, %dma_start3A_307] : memref<768x32xf32, #tpu.memory_space<vmem>> -> memref<128x32xf32, #tpu.memory_space<vmem>>
      %dma_start3A_309 = arith.constant 9984 : i32
      %dma_start3A_310 = tpu.memref_slice %arg7[%dma_start3A_309] : memref<10112xi32, #tpu.memory_space<vmem>> -> memref<128xi32, #tpu.memory_space<vmem>>
      %dma_start3A_311 = arith.constant 0 : i32
      %dma_start3A_312 = arith.constant 0 : i32
      %dma_start3A_313 = tpu.memref_slice %arg4[%dma_start3A_311, %dma_start3A_312] : memref<10240x32xf32, #tpu.memory_space<hbm>> -> memref<10240x32xf32, #tpu.memory_space<hbm>>
      tpu.enqueue_indirect_dma source(%dma_start3A_313 : memref<10240x32xf32, #tpu.memory_space<hbm>>) target(%dma_start3A_308 : memref<128x32xf32, #tpu.memory_space<vmem>>) offsets(%dma_start3A_310 : memref<128xi32, #tpu.memory_space<vmem>>) semaphore(%arg12 : memref<!tpu.dma_semaphore, #tpu.memory_space<semaphore_mem>>)
      %dma_wait3A_314 = arith.constant 0 : i32
      %dma_wait3A_315 = arith.constant 0 : i32
      %dma_wait3A_316 = tpu.memref_slice %arg9[%dma_wait3A_314, %dma_wait3A_315] : memref<768x32xf32, #tpu.memory_space<vmem>> -> memref<128x32xf32, #tpu.memory_space<vmem>>
      %dma_wait3A_317 = arith.constant 9984 : i32
      %dma_wait3A_318 = tpu.memref_slice %arg7[%dma_wait3A_317] : memref<10112xi32, #tpu.memory_space<vmem>> -> memref<128xi32, #tpu.memory_space<vmem>>
      %dma_wait3A_319 = arith.constant 0 : i32
      %dma_wait3A_320 = arith.constant 0 : i32
      %dma_wait3A_321 = tpu.memref_slice %arg4[%dma_wait3A_319, %dma_wait3A_320] : memref<10240x32xf32, #tpu.memory_space<hbm>> -> memref<10240x32xf32, #tpu.memory_space<hbm>>
      tpu.wait_indirect_dma semaphore(%arg12 : memref<!tpu.dma_semaphore, #tpu.memory_space<semaphore_mem>>) src(%dma_wait3A_321 : memref<10240x32xf32, #tpu.memory_space<hbm>>) dst(%dma_wait3A_316 : memref<128x32xf32, #tpu.memory_space<vmem>>)
      "tpu.region"() ({
        %run_scoped3A = tpu.sem_alloc : memref<!tpu.dma_semaphore, #tpu.memory_space<semaphore_mem>>
        %dma_start3A_322 = arith.constant 0 : i32
        %dma_start3A_323 = arith.constant 0 : i32
        %dma_start3A_324 = tpu.memref_slice %arg9[%dma_start3A_322, %dma_start3A_323] : memref<768x32xf32, #tpu.memory_space<vmem>> -> memref<128x32xf32, #tpu.memory_space<vmem>>
        %dma_start3A_325 = arith.constant 9984 : i32
        %dma_start3A_326 = tpu.memref_slice %arg8[%dma_start3A_325] : memref<10112xi32, #tpu.memory_space<vmem>> -> memref<128xi32, #tpu.memory_space<vmem>>
        %dma_start3A_327 = arith.constant 0 : i32
        %dma_start3A_328 = arith.constant 0 : i32
        %dma_start3A_329 = tpu.memref_slice %arg18[%dma_start3A_327, %dma_start3A_328] : memref<10240x32xf32, #tpu.memory_space<vmem_shared>> -> memref<10240x32xf32, #tpu.memory_space<vmem_shared>>
        tpu.enqueue_indirect_dma source(%dma_start3A_324 : memref<128x32xf32, #tpu.memory_space<vmem>>) target(%dma_start3A_329 : memref<10240x32xf32, #tpu.memory_space<vmem_shared>>) offsets(%dma_start3A_326 : memref<128xi32, #tpu.memory_space<vmem>>) semaphore(%run_scoped3A : memref<!tpu.dma_semaphore, #tpu.memory_space<semaphore_mem>>) {add = true}
        %dma_wait3A_330 = arith.constant 0 : i32
        %dma_wait3A_331 = arith.constant 0 : i32
        %dma_wait3A_332 = tpu.memref_slice %arg9[%dma_wait3A_330, %dma_wait3A_331] : memref<768x32xf32, #tpu.memory_space<vmem>> -> memref<128x32xf32, #tpu.memory_space<vmem>>
        %dma_wait3A_333 = arith.constant 9984 : i32
        %dma_wait3A_334 = tpu.memref_slice %arg8[%dma_wait3A_333] : memref<10112xi32, #tpu.memory_space<vmem>> -> memref<128xi32, #tpu.memory_space<vmem>>
        %dma_wait3A_335 = arith.constant 0 : i32
        %dma_wait3A_336 = arith.constant 0 : i32
        %dma_wait3A_337 = tpu.memref_slice %arg18[%dma_wait3A_335, %dma_wait3A_336] : memref<10240x32xf32, #tpu.memory_space<vmem_shared>> -> memref<10240x32xf32, #tpu.memory_space<vmem_shared>>
        tpu.wait_indirect_dma semaphore(%run_scoped3A : memref<!tpu.dma_semaphore, #tpu.memory_space<semaphore_mem>>) src(%dma_wait3A_332 : memref<128x32xf32, #tpu.memory_space<vmem>>) dst(%dma_wait3A_337 : memref<10240x32xf32, #tpu.memory_space<vmem_shared>>)
        tpu.yield
      }) : () -> ()
    } else {
    }
    %barrier3A_302 = arith.constant 0 : index
    tpu.barrier barrier_id(%barrier3A_302)
    %mul3A_303 = arith.constant 10240 : i32
    %mul3A_304 = arith.muli %arg0, %mul3A_303 : i32
    %add3A_305 = arith.addi %mul3A_304, %mul3A_0 : i32
    "tpu.region"() ({
      %run_scoped3A = tpu.sem_alloc : memref<!tpu.dma_semaphore, #tpu.memory_space<semaphore_mem>>
      %dma_start3A_306 = arith.constant 0 : i32
      %dma_start3A_307 = tpu.memref_slice %arg6[%add3A_305, %dma_start3A_306] : memref<20480x32xf32, #tpu.memory_space<hbm>> -> memref<640x32xf32, #tpu.memory_space<hbm>>
      %dma_start3A_308 = arith.constant 0 : i32
      %dma_start3A_309 = tpu.memref_slice %arg18[%mul3A_0, %dma_start3A_308] : memref<10240x32xf32, #tpu.memory_space<vmem_shared>> -> memref<640x32xf32, #tpu.memory_space<vmem_shared>>
      tpu.enqueue_dma source(%dma_start3A_309 : memref<640x32xf32, #tpu.memory_space<vmem_shared>>) target(%dma_start3A_307 : memref<640x32xf32, #tpu.memory_space<hbm>>) target_semaphore(%run_scoped3A : memref<!tpu.dma_semaphore, #tpu.memory_space<semaphore_mem>>)
      %dma_wait3A_310 = arith.constant 0 : i32
      %dma_wait3A_311 = tpu.memref_slice %arg6[%add3A_305, %dma_wait3A_310] : memref<20480x32xf32, #tpu.memory_space<hbm>> -> memref<640x32xf32, #tpu.memory_space<hbm>>
      %dma_wait3A_312 = arith.constant 0 : i32
      %dma_wait3A_313 = tpu.memref_slice %arg18[%mul3A_0, %dma_wait3A_312] : memref<10240x32xf32, #tpu.memory_space<vmem_shared>> -> memref<640x32xf32, #tpu.memory_space<vmem_shared>>
      tpu.wait_dma2 semaphore(%run_scoped3A : memref<!tpu.dma_semaphore, #tpu.memory_space<semaphore_mem>>) src(%dma_wait3A_313 : memref<640x32xf32, #tpu.memory_space<vmem_shared>>) dst(%dma_wait3A_311 : memref<640x32xf32, #tpu.memory_space<hbm>>)
      tpu.yield
    }) : () -> ()
    return
  }
}

#map = affine_map<(d0, d1) -> (0)>
module attributes {stable_mosaic.version = 14 : i64} {
  func.func @_deg_body(%arg0: i32, %arg1: i32, %arg2: memref<320000xi32, #tpu.memory_space<hbm>>, %arg3: memref<20480xf32, #tpu.memory_space<hbm>>, %arg4: memref<10240xf32, #tpu.memory_space<vmem>>, %arg5: memref<10112xi32, #tpu.memory_space<vmem>>, %arg6: memref<640xf32, #tpu.memory_space<vmem>>, %arg7: memref<10240xf32, #tpu.memory_space<vmem>>, %arg8: memref<!tpu.dma_semaphore, #tpu.memory_space<semaphore_mem>>, %arg9: memref<163840xf32, #tpu.memory_space<vmem_shared>>) attributes {dimension_semantics = [#tpu.dimension_semantics<core_parallel>, #tpu.dimension_semantics<subcore_parallel>], iteration_bounds = array<i64: 2, 16>, scalar_prefetch = 0 : i64, scratch_operands = 6 : i64, tpu.core_type = #tpu.core_type<sc_vector_subcore>, window_params = [{transform_indices = #map}, {transform_indices = #map}]} {
    %mul3A = arith.constant 16 : i32
    %mul3A_0 = arith.muli %arg0, %mul3A : i32
    %add3A = arith.addi %mul3A_0, %arg1 : i32
    %mul3A_1 = arith.constant 9984 : i32
    %mul3A_2 = arith.muli %add3A, %mul3A_1 : i32
    %dma_start3A = arith.constant 0 : i32
    %dma_start3A_3 = tpu.memref_slice %arg5[%dma_start3A] : memref<10112xi32, #tpu.memory_space<vmem>> -> memref<9984xi32, #tpu.memory_space<vmem>>
    %dma_start3A_4 = tpu.memref_slice %arg2[%mul3A_2] : memref<320000xi32, #tpu.memory_space<hbm>> -> memref<9984xi32, #tpu.memory_space<hbm>>
    %dma_start3A_5 = arith.constant 0 : i32
    %dma_start3A_6 = tpu.memref_slice %arg5[%dma_start3A_5] : memref<10112xi32, #tpu.memory_space<vmem>> -> memref<9984xi32, #tpu.memory_space<vmem>>
    %dma_start3A_7 = tpu.memref_slice %arg2[%mul3A_2] : memref<320000xi32, #tpu.memory_space<hbm>> -> memref<9984xi32, #tpu.memory_space<hbm>>
    tpu.enqueue_dma source(%dma_start3A_7 : memref<9984xi32, #tpu.memory_space<hbm>>) target(%dma_start3A_6 : memref<9984xi32, #tpu.memory_space<vmem>>) target_semaphore(%arg8 : memref<!tpu.dma_semaphore, #tpu.memory_space<semaphore_mem>>)
    %broadcast_in_dim3A = arith.constant 0.000000e+00 : f32
    %broadcast_in_dim3A_8 = vector.broadcast %broadcast_in_dim3A : f32 to vector<16xf32>
    %scan3A = arith.constant 0 : i32
    %scan3A_9 = arith.constant 0 : i32
    %scan3A_10 = arith.constant 640 : i32
    %scan3A_11 = arith.addi %scan3A_9, %scan3A_10 : i32
    %scan3A_12 = arith.constant 1 : i32
    scf.for %scan3A_266 = %scan3A_9 to %scan3A_11 step %scan3A_12  : i32 {
      %mul3A_267 = arith.constant 16 : i32
      %mul3A_268 = arith.muli %scan3A_266, %mul3A_267 : i32
      %swap3A = arith.index_cast %mul3A_268 : i32 to index
      %swap3A_269 = tpu.vector_load %arg4[%swap3A] {strides = array<i32>} : memref<10240xf32, #tpu.memory_space<vmem>>, vector<16xf32>,
      tpu.vector_store %arg4[%swap3A], %broadcast_in_dim3A_8 {strides = array<i32>} : memref<10240xf32, #tpu.memory_space<vmem>>, vector<16xf32>,
    }
    %scan3A_13 = arith.constant 640 : i32
    %dma_wait3A = arith.constant 0 : i32
    %dma_wait3A_14 = tpu.memref_slice %arg5[%dma_wait3A] : memref<10112xi32, #tpu.memory_space<vmem>> -> memref<9984xi32, #tpu.memory_space<vmem>>
    %dma_wait3A_15 = tpu.memref_slice %arg2[%mul3A_2] : memref<320000xi32, #tpu.memory_space<hbm>> -> memref<9984xi32, #tpu.memory_space<hbm>>
    %dma_wait3A_16 = arith.constant 0 : i32
    %dma_wait3A_17 = tpu.memref_slice %arg5[%dma_wait3A_16] : memref<10112xi32, #tpu.memory_space<vmem>> -> memref<9984xi32, #tpu.memory_space<vmem>>
    %dma_wait3A_18 = tpu.memref_slice %arg2[%mul3A_2] : memref<320000xi32, #tpu.memory_space<hbm>> -> memref<9984xi32, #tpu.memory_space<hbm>>
    tpu.wait_dma2 semaphore(%arg8 : memref<!tpu.dma_semaphore, #tpu.memory_space<semaphore_mem>>) src(%dma_wait3A_18 : memref<9984xi32, #tpu.memory_space<hbm>>) dst(%dma_wait3A_17 : memref<9984xi32, #tpu.memory_space<vmem>>)
    %broadcast_in_dim3A_19 = arith.constant 1.000000e+00 : f32
    %broadcast_in_dim3A_20 = vector.broadcast %broadcast_in_dim3A_19 : f32 to vector<16xf32>
    %scan3A_21 = arith.constant 0 : i32
    %scan3A_22 = arith.constant 0 : i32
    %scan3A_23 = arith.constant 624 : i32
    %scan3A_24 = arith.addi %scan3A_22, %scan3A_23 : i32
    %scan3A_25 = arith.constant 1 : i32
    scf.for %scan3A_266 = %scan3A_22 to %scan3A_24 step %scan3A_25  : i32 {
      %mul3A_267 = arith.constant 16 : i32
      %mul3A_268 = arith.muli %scan3A_266, %mul3A_267 : i32
      %add3A_269 = arith.constant 0 : i32
      %add3A_270 = arith.addi %add3A_269, %mul3A_268 : i32
      %get3A = arith.index_cast %add3A_270 : i32 to index
      %get3A_271 = tpu.vector_load %arg5[%get3A] {strides = array<i32>} : memref<10112xi32, #tpu.memory_space<vmem>>, vector<16xi32>,
      tpu.vector_store_idx %arg4[%get3A_271], %broadcast_in_dim3A_20 {add = true} : memref<10240xf32, #tpu.memory_space<vmem>>[vector<16xi32>], vector<16xf32>,
    }
    %scan3A_26 = arith.constant 624 : i32
    %lt3A = arith.constant 4 : i32
    %lt3A_27 = arith.cmpi slt, %add3A, %lt3A : i32
    %convert_element_type3A = arith.extui %lt3A_27 : i1 to i32
    %cond3A = arith.constant 0 : i32
    %cond3A_28 = arith.cmpi ne, %convert_element_type3A, %cond3A : i32
    scf.if %cond3A_28 {
      %mul3A_266 = arith.constant 128 : i32
      %mul3A_267 = arith.muli %add3A, %mul3A_266 : i32
      %add3A_268 = arith.constant 319488 : i32
      %add3A_269 = arith.addi %add3A_268, %mul3A_267 : i32
      "tpu.region"() ({
        %run_scoped3A = tpu.sem_alloc : memref<!tpu.dma_semaphore, #tpu.memory_space<semaphore_mem>>
        %dma_start3A_276 = arith.constant 9984 : i32
        %dma_start3A_277 = tpu.memref_slice %arg5[%dma_start3A_276] : memref<10112xi32, #tpu.memory_space<vmem>> -> memref<128xi32, #tpu.memory_space<vmem>>
        %dma_start3A_278 = tpu.memref_slice %arg2[%add3A_269] : memref<320000xi32, #tpu.memory_space<hbm>> -> memref<128xi32, #tpu.memory_space<hbm>>
        %dma_start3A_279 = arith.constant 9984 : i32
        %dma_start3A_280 = tpu.memref_slice %arg5[%dma_start3A_279] : memref<10112xi32, #tpu.memory_space<vmem>> -> memref<128xi32, #tpu.memory_space<vmem>>
        %dma_start3A_281 = tpu.memref_slice %arg2[%add3A_269] : memref<320000xi32, #tpu.memory_space<hbm>> -> memref<128xi32, #tpu.memory_space<hbm>>
        tpu.enqueue_dma source(%dma_start3A_281 : memref<128xi32, #tpu.memory_space<hbm>>) target(%dma_start3A_280 : memref<128xi32, #tpu.memory_space<vmem>>) target_semaphore(%run_scoped3A : memref<!tpu.dma_semaphore, #tpu.memory_space<semaphore_mem>>)
        %dma_wait3A_282 = arith.constant 9984 : i32
        %dma_wait3A_283 = tpu.memref_slice %arg5[%dma_wait3A_282] : memref<10112xi32, #tpu.memory_space<vmem>> -> memref<128xi32, #tpu.memory_space<vmem>>
        %dma_wait3A_284 = tpu.memref_slice %arg2[%add3A_269] : memref<320000xi32, #tpu.memory_space<hbm>> -> memref<128xi32, #tpu.memory_space<hbm>>
        %dma_wait3A_285 = arith.constant 9984 : i32
        %dma_wait3A_286 = tpu.memref_slice %arg5[%dma_wait3A_285] : memref<10112xi32, #tpu.memory_space<vmem>> -> memref<128xi32, #tpu.memory_space<vmem>>
        %dma_wait3A_287 = tpu.memref_slice %arg2[%add3A_269] : memref<320000xi32, #tpu.memory_space<hbm>> -> memref<128xi32, #tpu.memory_space<hbm>>
        tpu.wait_dma2 semaphore(%run_scoped3A : memref<!tpu.dma_semaphore, #tpu.memory_space<semaphore_mem>>) src(%dma_wait3A_287 : memref<128xi32, #tpu.memory_space<hbm>>) dst(%dma_wait3A_286 : memref<128xi32, #tpu.memory_space<vmem>>)
        tpu.yield
      }) : () -> ()
      %scan3A_270 = arith.constant 0 : i32
      %scan3A_271 = arith.constant 0 : i32
      %scan3A_272 = arith.constant 8 : i32
      %scan3A_273 = arith.addi %scan3A_271, %scan3A_272 : i32
      %scan3A_274 = arith.constant 1 : i32
      scf.for %scan3A_276 = %scan3A_271 to %scan3A_273 step %scan3A_274  : i32 {
        %mul3A_277 = arith.constant 16 : i32
        %mul3A_278 = arith.muli %scan3A_276, %mul3A_277 : i32
        %add3A_279 = arith.constant 9984 : i32
        %add3A_280 = arith.addi %add3A_279, %mul3A_278 : i32
        %get3A = arith.index_cast %add3A_280 : i32 to index
        %get3A_281 = tpu.vector_load %arg5[%get3A] {strides = array<i32>} : memref<10112xi32, #tpu.memory_space<vmem>>, vector<16xi32>,
        tpu.vector_store_idx %arg4[%get3A_281], %broadcast_in_dim3A_20 {add = true} : memref<10240xf32, #tpu.memory_space<vmem>>[vector<16xi32>], vector<16xf32>,
      }
      %scan3A_275 = arith.constant 8 : i32
    } else {
    }
    %mul3A_29 = arith.constant 10240 : i32
    %mul3A_30 = arith.muli %arg1, %mul3A_29 : i32
    "tpu.region"() ({
      %run_scoped3A = tpu.sem_alloc : memref<!tpu.dma_semaphore, #tpu.memory_space<semaphore_mem>>
      %dma_start3A_266 = tpu.memref_slice %arg9[%mul3A_30] : memref<163840xf32, #tpu.memory_space<vmem_shared>> -> memref<10240xf32, #tpu.memory_space<vmem_shared>>
      %dma_start3A_267 = tpu.memref_slice %arg9[%mul3A_30] : memref<163840xf32, #tpu.memory_space<vmem_shared>> -> memref<10240xf32, #tpu.memory_space<vmem_shared>>
      tpu.enqueue_dma source(%arg4 : memref<10240xf32, #tpu.memory_space<vmem>>) target(%dma_start3A_267 : memref<10240xf32, #tpu.memory_space<vmem_shared>>) target_semaphore(%run_scoped3A : memref<!tpu.dma_semaphore, #tpu.memory_space<semaphore_mem>>)
      %dma_wait3A_268 = tpu.memref_slice %arg9[%mul3A_30] : memref<163840xf32, #tpu.memory_space<vmem_shared>> -> memref<10240xf32, #tpu.memory_space<vmem_shared>>
      %dma_wait3A_269 = tpu.memref_slice %arg9[%mul3A_30] : memref<163840xf32, #tpu.memory_space<vmem_shared>> -> memref<10240xf32, #tpu.memory_space<vmem_shared>>
      tpu.wait_dma2 semaphore(%run_scoped3A : memref<!tpu.dma_semaphore, #tpu.memory_space<semaphore_mem>>) src(%arg4 : memref<10240xf32, #tpu.memory_space<vmem>>) dst(%dma_wait3A_269 : memref<10240xf32, #tpu.memory_space<vmem_shared>>)
      tpu.yield
    }) : () -> ()
    %barrier3A = arith.constant 0 : index
    tpu.barrier barrier_id(%barrier3A)
    %mul3A_31 = arith.constant 640 : i32
    %mul3A_32 = arith.muli %arg1, %mul3A_31 : i32
    %add3A_33 = arith.constant 0 : i32
    %add3A_34 = arith.addi %add3A_33, %mul3A_32 : i32
    %dma_start3A_35 = arith.constant 0 : i32
    %dma_start3A_36 = tpu.memref_slice %arg7[%dma_start3A_35] : memref<10240xf32, #tpu.memory_space<vmem>> -> memref<640xf32, #tpu.memory_space<vmem>>
    %dma_start3A_37 = tpu.memref_slice %arg9[%add3A_34] : memref<163840xf32, #tpu.memory_space<vmem_shared>> -> memref<640xf32, #tpu.memory_space<vmem_shared>>
    %dma_start3A_38 = arith.constant 0 : i32
    %dma_start3A_39 = tpu.memref_slice %arg7[%dma_start3A_38] : memref<10240xf32, #tpu.memory_space<vmem>> -> memref<640xf32, #tpu.memory_space<vmem>>
    %dma_start3A_40 = tpu.memref_slice %arg9[%add3A_34] : memref<163840xf32, #tpu.memory_space<vmem_shared>> -> memref<640xf32, #tpu.memory_space<vmem_shared>>
    tpu.enqueue_dma source(%dma_start3A_40 : memref<640xf32, #tpu.memory_space<vmem_shared>>) target(%dma_start3A_39 : memref<640xf32, #tpu.memory_space<vmem>>) target_semaphore(%arg8 : memref<!tpu.dma_semaphore, #tpu.memory_space<semaphore_mem>>)
    %add3A_41 = arith.constant 10240 : i32
    %add3A_42 = arith.addi %add3A_41, %mul3A_32 : i32
    %dma_start3A_43 = arith.constant 640 : i32
    %dma_start3A_44 = tpu.memref_slice %arg7[%dma_start3A_43] : memref<10240xf32, #tpu.memory_space<vmem>> -> memref<640xf32, #tpu.memory_space<vmem>>
    %dma_start3A_45 = tpu.memref_slice %arg9[%add3A_42] : memref<163840xf32, #tpu.memory_space<vmem_shared>> -> memref<640xf32, #tpu.memory_space<vmem_shared>>
    %dma_start3A_46 = arith.constant 640 : i32
    %dma_start3A_47 = tpu.memref_slice %arg7[%dma_start3A_46] : memref<10240xf32, #tpu.memory_space<vmem>> -> memref<640xf32, #tpu.memory_space<vmem>>
    %dma_start3A_48 = tpu.memref_slice %arg9[%add3A_42] : memref<163840xf32, #tpu.memory_space<vmem_shared>> -> memref<640xf32, #tpu.memory_space<vmem_shared>>
    tpu.enqueue_dma source(%dma_start3A_48 : memref<640xf32, #tpu.memory_space<vmem_shared>>) target(%dma_start3A_47 : memref<640xf32, #tpu.memory_space<vmem>>) target_semaphore(%arg8 : memref<!tpu.dma_semaphore, #tpu.memory_space<semaphore_mem>>)
    %add3A_49 = arith.constant 20480 : i32
    %add3A_50 = arith.addi %add3A_49, %mul3A_32 : i32
    %dma_start3A_51 = arith.constant 1280 : i32
    %dma_start3A_52 = tpu.memref_slice %arg7[%dma_start3A_51] : memref<10240xf32, #tpu.memory_space<vmem>> -> memref<640xf32, #tpu.memory_space<vmem>>
    %dma_start3A_53 = tpu.memref_slice %arg9[%add3A_50] : memref<163840xf32, #tpu.memory_space<vmem_shared>> -> memref<640xf32, #tpu.memory_space<vmem_shared>>
    %dma_start3A_54 = arith.constant 1280 : i32
    %dma_start3A_55 = tpu.memref_slice %arg7[%dma_start3A_54] : memref<10240xf32, #tpu.memory_space<vmem>> -> memref<640xf32, #tpu.memory_space<vmem>>
    %dma_start3A_56 = tpu.memref_slice %arg9[%add3A_50] : memref<163840xf32, #tpu.memory_space<vmem_shared>> -> memref<640xf32, #tpu.memory_space<vmem_shared>>
    tpu.enqueue_dma source(%dma_start3A_56 : memref<640xf32, #tpu.memory_space<vmem_shared>>) target(%dma_start3A_55 : memref<640xf32, #tpu.memory_space<vmem>>) target_semaphore(%arg8 : memref<!tpu.dma_semaphore, #tpu.memory_space<semaphore_mem>>)
    %add3A_57 = arith.constant 30720 : i32
    %add3A_58 = arith.addi %add3A_57, %mul3A_32 : i32
    %dma_start3A_59 = arith.constant 1920 : i32
    %dma_start3A_60 = tpu.memref_slice %arg7[%dma_start3A_59] : memref<10240xf32, #tpu.memory_space<vmem>> -> memref<640xf32, #tpu.memory_space<vmem>>
    %dma_start3A_61 = tpu.memref_slice %arg9[%add3A_58] : memref<163840xf32, #tpu.memory_space<vmem_shared>> -> memref<640xf32, #tpu.memory_space<vmem_shared>>
    %dma_start3A_62 = arith.constant 1920 : i32
    %dma_start3A_63 = tpu.memref_slice %arg7[%dma_start3A_62] : memref<10240xf32, #tpu.memory_space<vmem>> -> memref<640xf32, #tpu.memory_space<vmem>>
    %dma_start3A_64 = tpu.memref_slice %arg9[%add3A_58] : memref<163840xf32, #tpu.memory_space<vmem_shared>> -> memref<640xf32, #tpu.memory_space<vmem_shared>>
    tpu.enqueue_dma source(%dma_start3A_64 : memref<640xf32, #tpu.memory_space<vmem_shared>>) target(%dma_start3A_63 : memref<640xf32, #tpu.memory_space<vmem>>) target_semaphore(%arg8 : memref<!tpu.dma_semaphore, #tpu.memory_space<semaphore_mem>>)
    %add3A_65 = arith.constant 40960 : i32
    %add3A_66 = arith.addi %add3A_65, %mul3A_32 : i32
    %dma_start3A_67 = arith.constant 2560 : i32
    %dma_start3A_68 = tpu.memref_slice %arg7[%dma_start3A_67] : memref<10240xf32, #tpu.memory_space<vmem>> -> memref<640xf32, #tpu.memory_space<vmem>>
    %dma_start3A_69 = tpu.memref_slice %arg9[%add3A_66] : memref<163840xf32, #tpu.memory_space<vmem_shared>> -> memref<640xf32, #tpu.memory_space<vmem_shared>>
    %dma_start3A_70 = arith.constant 2560 : i32
    %dma_start3A_71 = tpu.memref_slice %arg7[%dma_start3A_70] : memref<10240xf32, #tpu.memory_space<vmem>> -> memref<640xf32, #tpu.memory_space<vmem>>
    %dma_start3A_72 = tpu.memref_slice %arg9[%add3A_66] : memref<163840xf32, #tpu.memory_space<vmem_shared>> -> memref<640xf32, #tpu.memory_space<vmem_shared>>
    tpu.enqueue_dma source(%dma_start3A_72 : memref<640xf32, #tpu.memory_space<vmem_shared>>) target(%dma_start3A_71 : memref<640xf32, #tpu.memory_space<vmem>>) target_semaphore(%arg8 : memref<!tpu.dma_semaphore, #tpu.memory_space<semaphore_mem>>)
    %add3A_73 = arith.constant 51200 : i32
    %add3A_74 = arith.addi %add3A_73, %mul3A_32 : i32
    %dma_start3A_75 = arith.constant 3200 : i32
    %dma_start3A_76 = tpu.memref_slice %arg7[%dma_start3A_75] : memref<10240xf32, #tpu.memory_space<vmem>> -> memref<640xf32, #tpu.memory_space<vmem>>
    %dma_start3A_77 = tpu.memref_slice %arg9[%add3A_74] : memref<163840xf32, #tpu.memory_space<vmem_shared>> -> memref<640xf32, #tpu.memory_space<vmem_shared>>
    %dma_start3A_78 = arith.constant 3200 : i32
    %dma_start3A_79 = tpu.memref_slice %arg7[%dma_start3A_78] : memref<10240xf32, #tpu.memory_space<vmem>> -> memref<640xf32, #tpu.memory_space<vmem>>
    %dma_start3A_80 = tpu.memref_slice %arg9[%add3A_74] : memref<163840xf32, #tpu.memory_space<vmem_shared>> -> memref<640xf32, #tpu.memory_space<vmem_shared>>
    tpu.enqueue_dma source(%dma_start3A_80 : memref<640xf32, #tpu.memory_space<vmem_shared>>) target(%dma_start3A_79 : memref<640xf32, #tpu.memory_space<vmem>>) target_semaphore(%arg8 : memref<!tpu.dma_semaphore, #tpu.memory_space<semaphore_mem>>)
    %add3A_81 = arith.constant 61440 : i32
    %add3A_82 = arith.addi %add3A_81, %mul3A_32 : i32
    %dma_start3A_83 = arith.constant 3840 : i32
    %dma_start3A_84 = tpu.memref_slice %arg7[%dma_start3A_83] : memref<10240xf32, #tpu.memory_space<vmem>> -> memref<640xf32, #tpu.memory_space<vmem>>
    %dma_start3A_85 = tpu.memref_slice %arg9[%add3A_82] : memref<163840xf32, #tpu.memory_space<vmem_shared>> -> memref<640xf32, #tpu.memory_space<vmem_shared>>
    %dma_start3A_86 = arith.constant 3840 : i32
    %dma_start3A_87 = tpu.memref_slice %arg7[%dma_start3A_86] : memref<10240xf32, #tpu.memory_space<vmem>> -> memref<640xf32, #tpu.memory_space<vmem>>
    %dma_start3A_88 = tpu.memref_slice %arg9[%add3A_82] : memref<163840xf32, #tpu.memory_space<vmem_shared>> -> memref<640xf32, #tpu.memory_space<vmem_shared>>
    tpu.enqueue_dma source(%dma_start3A_88 : memref<640xf32, #tpu.memory_space<vmem_shared>>) target(%dma_start3A_87 : memref<640xf32, #tpu.memory_space<vmem>>) target_semaphore(%arg8 : memref<!tpu.dma_semaphore, #tpu.memory_space<semaphore_mem>>)
    %add3A_89 = arith.constant 71680 : i32
    %add3A_90 = arith.addi %add3A_89, %mul3A_32 : i32
    %dma_start3A_91 = arith.constant 4480 : i32
    %dma_start3A_92 = tpu.memref_slice %arg7[%dma_start3A_91] : memref<10240xf32, #tpu.memory_space<vmem>> -> memref<640xf32, #tpu.memory_space<vmem>>
    %dma_start3A_93 = tpu.memref_slice %arg9[%add3A_90] : memref<163840xf32, #tpu.memory_space<vmem_shared>> -> memref<640xf32, #tpu.memory_space<vmem_shared>>
    %dma_start3A_94 = arith.constant 4480 : i32
    %dma_start3A_95 = tpu.memref_slice %arg7[%dma_start3A_94] : memref<10240xf32, #tpu.memory_space<vmem>> -> memref<640xf32, #tpu.memory_space<vmem>>
    %dma_start3A_96 = tpu.memref_slice %arg9[%add3A_90] : memref<163840xf32, #tpu.memory_space<vmem_shared>> -> memref<640xf32, #tpu.memory_space<vmem_shared>>
    tpu.enqueue_dma source(%dma_start3A_96 : memref<640xf32, #tpu.memory_space<vmem_shared>>) target(%dma_start3A_95 : memref<640xf32, #tpu.memory_space<vmem>>) target_semaphore(%arg8 : memref<!tpu.dma_semaphore, #tpu.memory_space<semaphore_mem>>)
    %add3A_97 = arith.constant 81920 : i32
    %add3A_98 = arith.addi %add3A_97, %mul3A_32 : i32
    %dma_start3A_99 = arith.constant 5120 : i32
    %dma_start3A_100 = tpu.memref_slice %arg7[%dma_start3A_99] : memref<10240xf32, #tpu.memory_space<vmem>> -> memref<640xf32, #tpu.memory_space<vmem>>
    %dma_start3A_101 = tpu.memref_slice %arg9[%add3A_98] : memref<163840xf32, #tpu.memory_space<vmem_shared>> -> memref<640xf32, #tpu.memory_space<vmem_shared>>
    %dma_start3A_102 = arith.constant 5120 : i32
    %dma_start3A_103 = tpu.memref_slice %arg7[%dma_start3A_102] : memref<10240xf32, #tpu.memory_space<vmem>> -> memref<640xf32, #tpu.memory_space<vmem>>
    %dma_start3A_104 = tpu.memref_slice %arg9[%add3A_98] : memref<163840xf32, #tpu.memory_space<vmem_shared>> -> memref<640xf32, #tpu.memory_space<vmem_shared>>
    tpu.enqueue_dma source(%dma_start3A_104 : memref<640xf32, #tpu.memory_space<vmem_shared>>) target(%dma_start3A_103 : memref<640xf32, #tpu.memory_space<vmem>>) target_semaphore(%arg8 : memref<!tpu.dma_semaphore, #tpu.memory_space<semaphore_mem>>)
    %add3A_105 = arith.constant 92160 : i32
    %add3A_106 = arith.addi %add3A_105, %mul3A_32 : i32
    %dma_start3A_107 = arith.constant 5760 : i32
    %dma_start3A_108 = tpu.memref_slice %arg7[%dma_start3A_107] : memref<10240xf32, #tpu.memory_space<vmem>> -> memref<640xf32, #tpu.memory_space<vmem>>
    %dma_start3A_109 = tpu.memref_slice %arg9[%add3A_106] : memref<163840xf32, #tpu.memory_space<vmem_shared>> -> memref<640xf32, #tpu.memory_space<vmem_shared>>
    %dma_start3A_110 = arith.constant 5760 : i32
    %dma_start3A_111 = tpu.memref_slice %arg7[%dma_start3A_110] : memref<10240xf32, #tpu.memory_space<vmem>> -> memref<640xf32, #tpu.memory_space<vmem>>
    %dma_start3A_112 = tpu.memref_slice %arg9[%add3A_106] : memref<163840xf32, #tpu.memory_space<vmem_shared>> -> memref<640xf32, #tpu.memory_space<vmem_shared>>
    tpu.enqueue_dma source(%dma_start3A_112 : memref<640xf32, #tpu.memory_space<vmem_shared>>) target(%dma_start3A_111 : memref<640xf32, #tpu.memory_space<vmem>>) target_semaphore(%arg8 : memref<!tpu.dma_semaphore, #tpu.memory_space<semaphore_mem>>)
    %add3A_113 = arith.constant 102400 : i32
    %add3A_114 = arith.addi %add3A_113, %mul3A_32 : i32
    %dma_start3A_115 = arith.constant 6400 : i32
    %dma_start3A_116 = tpu.memref_slice %arg7[%dma_start3A_115] : memref<10240xf32, #tpu.memory_space<vmem>> -> memref<640xf32, #tpu.memory_space<vmem>>
    %dma_start3A_117 = tpu.memref_slice %arg9[%add3A_114] : memref<163840xf32, #tpu.memory_space<vmem_shared>> -> memref<640xf32, #tpu.memory_space<vmem_shared>>
    %dma_start3A_118 = arith.constant 6400 : i32
    %dma_start3A_119 = tpu.memref_slice %arg7[%dma_start3A_118] : memref<10240xf32, #tpu.memory_space<vmem>> -> memref<640xf32, #tpu.memory_space<vmem>>
    %dma_start3A_120 = tpu.memref_slice %arg9[%add3A_114] : memref<163840xf32, #tpu.memory_space<vmem_shared>> -> memref<640xf32, #tpu.memory_space<vmem_shared>>
    tpu.enqueue_dma source(%dma_start3A_120 : memref<640xf32, #tpu.memory_space<vmem_shared>>) target(%dma_start3A_119 : memref<640xf32, #tpu.memory_space<vmem>>) target_semaphore(%arg8 : memref<!tpu.dma_semaphore, #tpu.memory_space<semaphore_mem>>)
    %add3A_121 = arith.constant 112640 : i32
    %add3A_122 = arith.addi %add3A_121, %mul3A_32 : i32
    %dma_start3A_123 = arith.constant 7040 : i32
    %dma_start3A_124 = tpu.memref_slice %arg7[%dma_start3A_123] : memref<10240xf32, #tpu.memory_space<vmem>> -> memref<640xf32, #tpu.memory_space<vmem>>
    %dma_start3A_125 = tpu.memref_slice %arg9[%add3A_122] : memref<163840xf32, #tpu.memory_space<vmem_shared>> -> memref<640xf32, #tpu.memory_space<vmem_shared>>
    %dma_start3A_126 = arith.constant 7040 : i32
    %dma_start3A_127 = tpu.memref_slice %arg7[%dma_start3A_126] : memref<10240xf32, #tpu.memory_space<vmem>> -> memref<640xf32, #tpu.memory_space<vmem>>
    %dma_start3A_128 = tpu.memref_slice %arg9[%add3A_122] : memref<163840xf32, #tpu.memory_space<vmem_shared>> -> memref<640xf32, #tpu.memory_space<vmem_shared>>
    tpu.enqueue_dma source(%dma_start3A_128 : memref<640xf32, #tpu.memory_space<vmem_shared>>) target(%dma_start3A_127 : memref<640xf32, #tpu.memory_space<vmem>>) target_semaphore(%arg8 : memref<!tpu.dma_semaphore, #tpu.memory_space<semaphore_mem>>)
    %add3A_129 = arith.constant 122880 : i32
    %add3A_130 = arith.addi %add3A_129, %mul3A_32 : i32
    %dma_start3A_131 = arith.constant 7680 : i32
    %dma_start3A_132 = tpu.memref_slice %arg7[%dma_start3A_131] : memref<10240xf32, #tpu.memory_space<vmem>> -> memref<640xf32, #tpu.memory_space<vmem>>
    %dma_start3A_133 = tpu.memref_slice %arg9[%add3A_130] : memref<163840xf32, #tpu.memory_space<vmem_shared>> -> memref<640xf32, #tpu.memory_space<vmem_shared>>
    %dma_start3A_134 = arith.constant 7680 : i32
    %dma_start3A_135 = tpu.memref_slice %arg7[%dma_start3A_134] : memref<10240xf32, #tpu.memory_space<vmem>> -> memref<640xf32, #tpu.memory_space<vmem>>
    %dma_start3A_136 = tpu.memref_slice %arg9[%add3A_130] : memref<163840xf32, #tpu.memory_space<vmem_shared>> -> memref<640xf32, #tpu.memory_space<vmem_shared>>
    tpu.enqueue_dma source(%dma_start3A_136 : memref<640xf32, #tpu.memory_space<vmem_shared>>) target(%dma_start3A_135 : memref<640xf32, #tpu.memory_space<vmem>>) target_semaphore(%arg8 : memref<!tpu.dma_semaphore, #tpu.memory_space<semaphore_mem>>)
    %add3A_137 = arith.constant 133120 : i32
    %add3A_138 = arith.addi %add3A_137, %mul3A_32 : i32
    %dma_start3A_139 = arith.constant 8320 : i32
    %dma_start3A_140 = tpu.memref_slice %arg7[%dma_start3A_139] : memref<10240xf32, #tpu.memory_space<vmem>> -> memref<640xf32, #tpu.memory_space<vmem>>
    %dma_start3A_141 = tpu.memref_slice %arg9[%add3A_138] : memref<163840xf32, #tpu.memory_space<vmem_shared>> -> memref<640xf32, #tpu.memory_space<vmem_shared>>
    %dma_start3A_142 = arith.constant 8320 : i32
    %dma_start3A_143 = tpu.memref_slice %arg7[%dma_start3A_142] : memref<10240xf32, #tpu.memory_space<vmem>> -> memref<640xf32, #tpu.memory_space<vmem>>
    %dma_start3A_144 = tpu.memref_slice %arg9[%add3A_138] : memref<163840xf32, #tpu.memory_space<vmem_shared>> -> memref<640xf32, #tpu.memory_space<vmem_shared>>
    tpu.enqueue_dma source(%dma_start3A_144 : memref<640xf32, #tpu.memory_space<vmem_shared>>) target(%dma_start3A_143 : memref<640xf32, #tpu.memory_space<vmem>>) target_semaphore(%arg8 : memref<!tpu.dma_semaphore, #tpu.memory_space<semaphore_mem>>)
    %add3A_145 = arith.constant 143360 : i32
    %add3A_146 = arith.addi %add3A_145, %mul3A_32 : i32
    %dma_start3A_147 = arith.constant 8960 : i32
    %dma_start3A_148 = tpu.memref_slice %arg7[%dma_start3A_147] : memref<10240xf32, #tpu.memory_space<vmem>> -> memref<640xf32, #tpu.memory_space<vmem>>
    %dma_start3A_149 = tpu.memref_slice %arg9[%add3A_146] : memref<163840xf32, #tpu.memory_space<vmem_shared>> -> memref<640xf32, #tpu.memory_space<vmem_shared>>
    %dma_start3A_150 = arith.constant 8960 : i32
    %dma_start3A_151 = tpu.memref_slice %arg7[%dma_start3A_150] : memref<10240xf32, #tpu.memory_space<vmem>> -> memref<640xf32, #tpu.memory_space<vmem>>
    %dma_start3A_152 = tpu.memref_slice %arg9[%add3A_146] : memref<163840xf32, #tpu.memory_space<vmem_shared>> -> memref<640xf32, #tpu.memory_space<vmem_shared>>
    tpu.enqueue_dma source(%dma_start3A_152 : memref<640xf32, #tpu.memory_space<vmem_shared>>) target(%dma_start3A_151 : memref<640xf32, #tpu.memory_space<vmem>>) target_semaphore(%arg8 : memref<!tpu.dma_semaphore, #tpu.memory_space<semaphore_mem>>)
    %add3A_153 = arith.constant 153600 : i32
    %add3A_154 = arith.addi %add3A_153, %mul3A_32 : i32
    %dma_start3A_155 = arith.constant 9600 : i32
    %dma_start3A_156 = tpu.memref_slice %arg7[%dma_start3A_155] : memref<10240xf32, #tpu.memory_space<vmem>> -> memref<640xf32, #tpu.memory_space<vmem>>
    %dma_start3A_157 = tpu.memref_slice %arg9[%add3A_154] : memref<163840xf32, #tpu.memory_space<vmem_shared>> -> memref<640xf32, #tpu.memory_space<vmem_shared>>
    %dma_start3A_158 = arith.constant 9600 : i32
    %dma_start3A_159 = tpu.memref_slice %arg7[%dma_start3A_158] : memref<10240xf32, #tpu.memory_space<vmem>> -> memref<640xf32, #tpu.memory_space<vmem>>
    %dma_start3A_160 = tpu.memref_slice %arg9[%add3A_154] : memref<163840xf32, #tpu.memory_space<vmem_shared>> -> memref<640xf32, #tpu.memory_space<vmem_shared>>
    tpu.enqueue_dma source(%dma_start3A_160 : memref<640xf32, #tpu.memory_space<vmem_shared>>) target(%dma_start3A_159 : memref<640xf32, #tpu.memory_space<vmem>>) target_semaphore(%arg8 : memref<!tpu.dma_semaphore, #tpu.memory_space<semaphore_mem>>)
    %dma_wait3A_161 = arith.constant 0 : i32
    %dma_wait3A_162 = tpu.memref_slice %arg7[%dma_wait3A_161] : memref<10240xf32, #tpu.memory_space<vmem>> -> memref<640xf32, #tpu.memory_space<vmem>>
    %dma_wait3A_163 = tpu.memref_slice %arg9[%add3A_34] : memref<163840xf32, #tpu.memory_space<vmem_shared>> -> memref<640xf32, #tpu.memory_space<vmem_shared>>
    %dma_wait3A_164 = arith.constant 0 : i32
    %dma_wait3A_165 = tpu.memref_slice %arg7[%dma_wait3A_164] : memref<10240xf32, #tpu.memory_space<vmem>> -> memref<640xf32, #tpu.memory_space<vmem>>
    %dma_wait3A_166 = tpu.memref_slice %arg9[%add3A_34] : memref<163840xf32, #tpu.memory_space<vmem_shared>> -> memref<640xf32, #tpu.memory_space<vmem_shared>>
    tpu.wait_dma2 semaphore(%arg8 : memref<!tpu.dma_semaphore, #tpu.memory_space<semaphore_mem>>) src(%dma_wait3A_166 : memref<640xf32, #tpu.memory_space<vmem_shared>>) dst(%dma_wait3A_165 : memref<640xf32, #tpu.memory_space<vmem>>)
    %dma_wait3A_167 = arith.constant 640 : i32
    %dma_wait3A_168 = tpu.memref_slice %arg7[%dma_wait3A_167] : memref<10240xf32, #tpu.memory_space<vmem>> -> memref<640xf32, #tpu.memory_space<vmem>>
    %dma_wait3A_169 = tpu.memref_slice %arg9[%add3A_42] : memref<163840xf32, #tpu.memory_space<vmem_shared>> -> memref<640xf32, #tpu.memory_space<vmem_shared>>
    %dma_wait3A_170 = arith.constant 640 : i32
    %dma_wait3A_171 = tpu.memref_slice %arg7[%dma_wait3A_170] : memref<10240xf32, #tpu.memory_space<vmem>> -> memref<640xf32, #tpu.memory_space<vmem>>
    %dma_wait3A_172 = tpu.memref_slice %arg9[%add3A_42] : memref<163840xf32, #tpu.memory_space<vmem_shared>> -> memref<640xf32, #tpu.memory_space<vmem_shared>>
    tpu.wait_dma2 semaphore(%arg8 : memref<!tpu.dma_semaphore, #tpu.memory_space<semaphore_mem>>) src(%dma_wait3A_172 : memref<640xf32, #tpu.memory_space<vmem_shared>>) dst(%dma_wait3A_171 : memref<640xf32, #tpu.memory_space<vmem>>)
    %dma_wait3A_173 = arith.constant 1280 : i32
    %dma_wait3A_174 = tpu.memref_slice %arg7[%dma_wait3A_173] : memref<10240xf32, #tpu.memory_space<vmem>> -> memref<640xf32, #tpu.memory_space<vmem>>
    %dma_wait3A_175 = tpu.memref_slice %arg9[%add3A_50] : memref<163840xf32, #tpu.memory_space<vmem_shared>> -> memref<640xf32, #tpu.memory_space<vmem_shared>>
    %dma_wait3A_176 = arith.constant 1280 : i32
    %dma_wait3A_177 = tpu.memref_slice %arg7[%dma_wait3A_176] : memref<10240xf32, #tpu.memory_space<vmem>> -> memref<640xf32, #tpu.memory_space<vmem>>
    %dma_wait3A_178 = tpu.memref_slice %arg9[%add3A_50] : memref<163840xf32, #tpu.memory_space<vmem_shared>> -> memref<640xf32, #tpu.memory_space<vmem_shared>>
    tpu.wait_dma2 semaphore(%arg8 : memref<!tpu.dma_semaphore, #tpu.memory_space<semaphore_mem>>) src(%dma_wait3A_178 : memref<640xf32, #tpu.memory_space<vmem_shared>>) dst(%dma_wait3A_177 : memref<640xf32, #tpu.memory_space<vmem>>)
    %dma_wait3A_179 = arith.constant 1920 : i32
    %dma_wait3A_180 = tpu.memref_slice %arg7[%dma_wait3A_179] : memref<10240xf32, #tpu.memory_space<vmem>> -> memref<640xf32, #tpu.memory_space<vmem>>
    %dma_wait3A_181 = tpu.memref_slice %arg9[%add3A_58] : memref<163840xf32, #tpu.memory_space<vmem_shared>> -> memref<640xf32, #tpu.memory_space<vmem_shared>>
    %dma_wait3A_182 = arith.constant 1920 : i32
    %dma_wait3A_183 = tpu.memref_slice %arg7[%dma_wait3A_182] : memref<10240xf32, #tpu.memory_space<vmem>> -> memref<640xf32, #tpu.memory_space<vmem>>
    %dma_wait3A_184 = tpu.memref_slice %arg9[%add3A_58] : memref<163840xf32, #tpu.memory_space<vmem_shared>> -> memref<640xf32, #tpu.memory_space<vmem_shared>>
    tpu.wait_dma2 semaphore(%arg8 : memref<!tpu.dma_semaphore, #tpu.memory_space<semaphore_mem>>) src(%dma_wait3A_184 : memref<640xf32, #tpu.memory_space<vmem_shared>>) dst(%dma_wait3A_183 : memref<640xf32, #tpu.memory_space<vmem>>)
    %dma_wait3A_185 = arith.constant 2560 : i32
    %dma_wait3A_186 = tpu.memref_slice %arg7[%dma_wait3A_185] : memref<10240xf32, #tpu.memory_space<vmem>> -> memref<640xf32, #tpu.memory_space<vmem>>
    %dma_wait3A_187 = tpu.memref_slice %arg9[%add3A_66] : memref<163840xf32, #tpu.memory_space<vmem_shared>> -> memref<640xf32, #tpu.memory_space<vmem_shared>>
    %dma_wait3A_188 = arith.constant 2560 : i32
    %dma_wait3A_189 = tpu.memref_slice %arg7[%dma_wait3A_188] : memref<10240xf32, #tpu.memory_space<vmem>> -> memref<640xf32, #tpu.memory_space<vmem>>
    %dma_wait3A_190 = tpu.memref_slice %arg9[%add3A_66] : memref<163840xf32, #tpu.memory_space<vmem_shared>> -> memref<640xf32, #tpu.memory_space<vmem_shared>>
    tpu.wait_dma2 semaphore(%arg8 : memref<!tpu.dma_semaphore, #tpu.memory_space<semaphore_mem>>) src(%dma_wait3A_190 : memref<640xf32, #tpu.memory_space<vmem_shared>>) dst(%dma_wait3A_189 : memref<640xf32, #tpu.memory_space<vmem>>)
    %dma_wait3A_191 = arith.constant 3200 : i32
    %dma_wait3A_192 = tpu.memref_slice %arg7[%dma_wait3A_191] : memref<10240xf32, #tpu.memory_space<vmem>> -> memref<640xf32, #tpu.memory_space<vmem>>
    %dma_wait3A_193 = tpu.memref_slice %arg9[%add3A_74] : memref<163840xf32, #tpu.memory_space<vmem_shared>> -> memref<640xf32, #tpu.memory_space<vmem_shared>>
    %dma_wait3A_194 = arith.constant 3200 : i32
    %dma_wait3A_195 = tpu.memref_slice %arg7[%dma_wait3A_194] : memref<10240xf32, #tpu.memory_space<vmem>> -> memref<640xf32, #tpu.memory_space<vmem>>
    %dma_wait3A_196 = tpu.memref_slice %arg9[%add3A_74] : memref<163840xf32, #tpu.memory_space<vmem_shared>> -> memref<640xf32, #tpu.memory_space<vmem_shared>>
    tpu.wait_dma2 semaphore(%arg8 : memref<!tpu.dma_semaphore, #tpu.memory_space<semaphore_mem>>) src(%dma_wait3A_196 : memref<640xf32, #tpu.memory_space<vmem_shared>>) dst(%dma_wait3A_195 : memref<640xf32, #tpu.memory_space<vmem>>)
    %dma_wait3A_197 = arith.constant 3840 : i32
    %dma_wait3A_198 = tpu.memref_slice %arg7[%dma_wait3A_197] : memref<10240xf32, #tpu.memory_space<vmem>> -> memref<640xf32, #tpu.memory_space<vmem>>
    %dma_wait3A_199 = tpu.memref_slice %arg9[%add3A_82] : memref<163840xf32, #tpu.memory_space<vmem_shared>> -> memref<640xf32, #tpu.memory_space<vmem_shared>>
    %dma_wait3A_200 = arith.constant 3840 : i32
    %dma_wait3A_201 = tpu.memref_slice %arg7[%dma_wait3A_200] : memref<10240xf32, #tpu.memory_space<vmem>> -> memref<640xf32, #tpu.memory_space<vmem>>
    %dma_wait3A_202 = tpu.memref_slice %arg9[%add3A_82] : memref<163840xf32, #tpu.memory_space<vmem_shared>> -> memref<640xf32, #tpu.memory_space<vmem_shared>>
    tpu.wait_dma2 semaphore(%arg8 : memref<!tpu.dma_semaphore, #tpu.memory_space<semaphore_mem>>) src(%dma_wait3A_202 : memref<640xf32, #tpu.memory_space<vmem_shared>>) dst(%dma_wait3A_201 : memref<640xf32, #tpu.memory_space<vmem>>)
    %dma_wait3A_203 = arith.constant 4480 : i32
    %dma_wait3A_204 = tpu.memref_slice %arg7[%dma_wait3A_203] : memref<10240xf32, #tpu.memory_space<vmem>> -> memref<640xf32, #tpu.memory_space<vmem>>
    %dma_wait3A_205 = tpu.memref_slice %arg9[%add3A_90] : memref<163840xf32, #tpu.memory_space<vmem_shared>> -> memref<640xf32, #tpu.memory_space<vmem_shared>>
    %dma_wait3A_206 = arith.constant 4480 : i32
    %dma_wait3A_207 = tpu.memref_slice %arg7[%dma_wait3A_206] : memref<10240xf32, #tpu.memory_space<vmem>> -> memref<640xf32, #tpu.memory_space<vmem>>
    %dma_wait3A_208 = tpu.memref_slice %arg9[%add3A_90] : memref<163840xf32, #tpu.memory_space<vmem_shared>> -> memref<640xf32, #tpu.memory_space<vmem_shared>>
    tpu.wait_dma2 semaphore(%arg8 : memref<!tpu.dma_semaphore, #tpu.memory_space<semaphore_mem>>) src(%dma_wait3A_208 : memref<640xf32, #tpu.memory_space<vmem_shared>>) dst(%dma_wait3A_207 : memref<640xf32, #tpu.memory_space<vmem>>)
    %dma_wait3A_209 = arith.constant 5120 : i32
    %dma_wait3A_210 = tpu.memref_slice %arg7[%dma_wait3A_209] : memref<10240xf32, #tpu.memory_space<vmem>> -> memref<640xf32, #tpu.memory_space<vmem>>
    %dma_wait3A_211 = tpu.memref_slice %arg9[%add3A_98] : memref<163840xf32, #tpu.memory_space<vmem_shared>> -> memref<640xf32, #tpu.memory_space<vmem_shared>>
    %dma_wait3A_212 = arith.constant 5120 : i32
    %dma_wait3A_213 = tpu.memref_slice %arg7[%dma_wait3A_212] : memref<10240xf32, #tpu.memory_space<vmem>> -> memref<640xf32, #tpu.memory_space<vmem>>
    %dma_wait3A_214 = tpu.memref_slice %arg9[%add3A_98] : memref<163840xf32, #tpu.memory_space<vmem_shared>> -> memref<640xf32, #tpu.memory_space<vmem_shared>>
    tpu.wait_dma2 semaphore(%arg8 : memref<!tpu.dma_semaphore, #tpu.memory_space<semaphore_mem>>) src(%dma_wait3A_214 : memref<640xf32, #tpu.memory_space<vmem_shared>>) dst(%dma_wait3A_213 : memref<640xf32, #tpu.memory_space<vmem>>)
    %dma_wait3A_215 = arith.constant 5760 : i32
    %dma_wait3A_216 = tpu.memref_slice %arg7[%dma_wait3A_215] : memref<10240xf32, #tpu.memory_space<vmem>> -> memref<640xf32, #tpu.memory_space<vmem>>
    %dma_wait3A_217 = tpu.memref_slice %arg9[%add3A_106] : memref<163840xf32, #tpu.memory_space<vmem_shared>> -> memref<640xf32, #tpu.memory_space<vmem_shared>>
    %dma_wait3A_218 = arith.constant 5760 : i32
    %dma_wait3A_219 = tpu.memref_slice %arg7[%dma_wait3A_218] : memref<10240xf32, #tpu.memory_space<vmem>> -> memref<640xf32, #tpu.memory_space<vmem>>
    %dma_wait3A_220 = tpu.memref_slice %arg9[%add3A_106] : memref<163840xf32, #tpu.memory_space<vmem_shared>> -> memref<640xf32, #tpu.memory_space<vmem_shared>>
    tpu.wait_dma2 semaphore(%arg8 : memref<!tpu.dma_semaphore, #tpu.memory_space<semaphore_mem>>) src(%dma_wait3A_220 : memref<640xf32, #tpu.memory_space<vmem_shared>>) dst(%dma_wait3A_219 : memref<640xf32, #tpu.memory_space<vmem>>)
    %dma_wait3A_221 = arith.constant 6400 : i32
    %dma_wait3A_222 = tpu.memref_slice %arg7[%dma_wait3A_221] : memref<10240xf32, #tpu.memory_space<vmem>> -> memref<640xf32, #tpu.memory_space<vmem>>
    %dma_wait3A_223 = tpu.memref_slice %arg9[%add3A_114] : memref<163840xf32, #tpu.memory_space<vmem_shared>> -> memref<640xf32, #tpu.memory_space<vmem_shared>>
    %dma_wait3A_224 = arith.constant 6400 : i32
    %dma_wait3A_225 = tpu.memref_slice %arg7[%dma_wait3A_224] : memref<10240xf32, #tpu.memory_space<vmem>> -> memref<640xf32, #tpu.memory_space<vmem>>
    %dma_wait3A_226 = tpu.memref_slice %arg9[%add3A_114] : memref<163840xf32, #tpu.memory_space<vmem_shared>> -> memref<640xf32, #tpu.memory_space<vmem_shared>>
    tpu.wait_dma2 semaphore(%arg8 : memref<!tpu.dma_semaphore, #tpu.memory_space<semaphore_mem>>) src(%dma_wait3A_226 : memref<640xf32, #tpu.memory_space<vmem_shared>>) dst(%dma_wait3A_225 : memref<640xf32, #tpu.memory_space<vmem>>)
    %dma_wait3A_227 = arith.constant 7040 : i32
    %dma_wait3A_228 = tpu.memref_slice %arg7[%dma_wait3A_227] : memref<10240xf32, #tpu.memory_space<vmem>> -> memref<640xf32, #tpu.memory_space<vmem>>
    %dma_wait3A_229 = tpu.memref_slice %arg9[%add3A_122] : memref<163840xf32, #tpu.memory_space<vmem_shared>> -> memref<640xf32, #tpu.memory_space<vmem_shared>>
    %dma_wait3A_230 = arith.constant 7040 : i32
    %dma_wait3A_231 = tpu.memref_slice %arg7[%dma_wait3A_230] : memref<10240xf32, #tpu.memory_space<vmem>> -> memref<640xf32, #tpu.memory_space<vmem>>
    %dma_wait3A_232 = tpu.memref_slice %arg9[%add3A_122] : memref<163840xf32, #tpu.memory_space<vmem_shared>> -> memref<640xf32, #tpu.memory_space<vmem_shared>>
    tpu.wait_dma2 semaphore(%arg8 : memref<!tpu.dma_semaphore, #tpu.memory_space<semaphore_mem>>) src(%dma_wait3A_232 : memref<640xf32, #tpu.memory_space<vmem_shared>>) dst(%dma_wait3A_231 : memref<640xf32, #tpu.memory_space<vmem>>)
    %dma_wait3A_233 = arith.constant 7680 : i32
    %dma_wait3A_234 = tpu.memref_slice %arg7[%dma_wait3A_233] : memref<10240xf32, #tpu.memory_space<vmem>> -> memref<640xf32, #tpu.memory_space<vmem>>
    %dma_wait3A_235 = tpu.memref_slice %arg9[%add3A_130] : memref<163840xf32, #tpu.memory_space<vmem_shared>> -> memref<640xf32, #tpu.memory_space<vmem_shared>>
    %dma_wait3A_236 = arith.constant 7680 : i32
    %dma_wait3A_237 = tpu.memref_slice %arg7[%dma_wait3A_236] : memref<10240xf32, #tpu.memory_space<vmem>> -> memref<640xf32, #tpu.memory_space<vmem>>
    %dma_wait3A_238 = tpu.memref_slice %arg9[%add3A_130] : memref<163840xf32, #tpu.memory_space<vmem_shared>> -> memref<640xf32, #tpu.memory_space<vmem_shared>>
    tpu.wait_dma2 semaphore(%arg8 : memref<!tpu.dma_semaphore, #tpu.memory_space<semaphore_mem>>) src(%dma_wait3A_238 : memref<640xf32, #tpu.memory_space<vmem_shared>>) dst(%dma_wait3A_237 : memref<640xf32, #tpu.memory_space<vmem>>)
    %dma_wait3A_239 = arith.constant 8320 : i32
    %dma_wait3A_240 = tpu.memref_slice %arg7[%dma_wait3A_239] : memref<10240xf32, #tpu.memory_space<vmem>> -> memref<640xf32, #tpu.memory_space<vmem>>
    %dma_wait3A_241 = tpu.memref_slice %arg9[%add3A_138] : memref<163840xf32, #tpu.memory_space<vmem_shared>> -> memref<640xf32, #tpu.memory_space<vmem_shared>>
    %dma_wait3A_242 = arith.constant 8320 : i32
    %dma_wait3A_243 = tpu.memref_slice %arg7[%dma_wait3A_242] : memref<10240xf32, #tpu.memory_space<vmem>> -> memref<640xf32, #tpu.memory_space<vmem>>
    %dma_wait3A_244 = tpu.memref_slice %arg9[%add3A_138] : memref<163840xf32, #tpu.memory_space<vmem_shared>> -> memref<640xf32, #tpu.memory_space<vmem_shared>>
    tpu.wait_dma2 semaphore(%arg8 : memref<!tpu.dma_semaphore, #tpu.memory_space<semaphore_mem>>) src(%dma_wait3A_244 : memref<640xf32, #tpu.memory_space<vmem_shared>>) dst(%dma_wait3A_243 : memref<640xf32, #tpu.memory_space<vmem>>)
    %dma_wait3A_245 = arith.constant 8960 : i32
    %dma_wait3A_246 = tpu.memref_slice %arg7[%dma_wait3A_245] : memref<10240xf32, #tpu.memory_space<vmem>> -> memref<640xf32, #tpu.memory_space<vmem>>
    %dma_wait3A_247 = tpu.memref_slice %arg9[%add3A_146] : memref<163840xf32, #tpu.memory_space<vmem_shared>> -> memref<640xf32, #tpu.memory_space<vmem_shared>>
    %dma_wait3A_248 = arith.constant 8960 : i32
    %dma_wait3A_249 = tpu.memref_slice %arg7[%dma_wait3A_248] : memref<10240xf32, #tpu.memory_space<vmem>> -> memref<640xf32, #tpu.memory_space<vmem>>
    %dma_wait3A_250 = tpu.memref_slice %arg9[%add3A_146] : memref<163840xf32, #tpu.memory_space<vmem_shared>> -> memref<640xf32, #tpu.memory_space<vmem_shared>>
    tpu.wait_dma2 semaphore(%arg8 : memref<!tpu.dma_semaphore, #tpu.memory_space<semaphore_mem>>) src(%dma_wait3A_250 : memref<640xf32, #tpu.memory_space<vmem_shared>>) dst(%dma_wait3A_249 : memref<640xf32, #tpu.memory_space<vmem>>)
    %dma_wait3A_251 = arith.constant 9600 : i32
    %dma_wait3A_252 = tpu.memref_slice %arg7[%dma_wait3A_251] : memref<10240xf32, #tpu.memory_space<vmem>> -> memref<640xf32, #tpu.memory_space<vmem>>
    %dma_wait3A_253 = tpu.memref_slice %arg9[%add3A_154] : memref<163840xf32, #tpu.memory_space<vmem_shared>> -> memref<640xf32, #tpu.memory_space<vmem_shared>>
    %dma_wait3A_254 = arith.constant 9600 : i32
    %dma_wait3A_255 = tpu.memref_slice %arg7[%dma_wait3A_254] : memref<10240xf32, #tpu.memory_space<vmem>> -> memref<640xf32, #tpu.memory_space<vmem>>
    %dma_wait3A_256 = tpu.memref_slice %arg9[%add3A_154] : memref<163840xf32, #tpu.memory_space<vmem_shared>> -> memref<640xf32, #tpu.memory_space<vmem_shared>>
    tpu.wait_dma2 semaphore(%arg8 : memref<!tpu.dma_semaphore, #tpu.memory_space<semaphore_mem>>) src(%dma_wait3A_256 : memref<640xf32, #tpu.memory_space<vmem_shared>>) dst(%dma_wait3A_255 : memref<640xf32, #tpu.memory_space<vmem>>)
    %scan3A_257 = arith.constant 0 : i32
    %scan3A_258 = arith.constant 0 : i32
    %scan3A_259 = arith.constant 40 : i32
    %scan3A_260 = arith.addi %scan3A_258, %scan3A_259 : i32
    %scan3A_261 = arith.constant 1 : i32
    scf.for %scan3A_266 = %scan3A_258 to %scan3A_260 step %scan3A_261  : i32 {
      %mul3A_267 = arith.constant 16 : i32
      %mul3A_268 = arith.muli %scan3A_266, %mul3A_267 : i32
      %get3A = arith.index_cast %mul3A_268 : i32 to index
      %get3A_269 = tpu.vector_load %arg7[%get3A] {strides = array<i32>} : memref<10240xf32, #tpu.memory_space<vmem>>, vector<16xf32>,
      %add3A_270 = arith.constant 640 : i32
      %add3A_271 = arith.addi %add3A_270, %mul3A_268 : i32
      %get3A_272 = arith.index_cast %add3A_271 : i32 to index
      %get3A_273 = tpu.vector_load %arg7[%get3A_272] {strides = array<i32>} : memref<10240xf32, #tpu.memory_space<vmem>>, vector<16xf32>,
      %add3A_274 = arith.addf %get3A_269, %get3A_273 : vector<16xf32>
      %add3A_275 = arith.constant 1280 : i32
      %add3A_276 = arith.addi %add3A_275, %mul3A_268 : i32
      %get3A_277 = arith.index_cast %add3A_276 : i32 to index
      %get3A_278 = tpu.vector_load %arg7[%get3A_277] {strides = array<i32>} : memref<10240xf32, #tpu.memory_space<vmem>>, vector<16xf32>,
      %add3A_279 = arith.addf %add3A_274, %get3A_278 : vector<16xf32>
      %add3A_280 = arith.constant 1920 : i32
      %add3A_281 = arith.addi %add3A_280, %mul3A_268 : i32
      %get3A_282 = arith.index_cast %add3A_281 : i32 to index
      %get3A_283 = tpu.vector_load %arg7[%get3A_282] {strides = array<i32>} : memref<10240xf32, #tpu.memory_space<vmem>>, vector<16xf32>,
      %add3A_284 = arith.addf %add3A_279, %get3A_283 : vector<16xf32>
      %add3A_285 = arith.constant 2560 : i32
      %add3A_286 = arith.addi %add3A_285, %mul3A_268 : i32
      %get3A_287 = arith.index_cast %add3A_286 : i32 to index
      %get3A_288 = tpu.vector_load %arg7[%get3A_287] {strides = array<i32>} : memref<10240xf32, #tpu.memory_space<vmem>>, vector<16xf32>,
      %add3A_289 = arith.addf %add3A_284, %get3A_288 : vector<16xf32>
      %add3A_290 = arith.constant 3200 : i32
      %add3A_291 = arith.addi %add3A_290, %mul3A_268 : i32
      %get3A_292 = arith.index_cast %add3A_291 : i32 to index
      %get3A_293 = tpu.vector_load %arg7[%get3A_292] {strides = array<i32>} : memref<10240xf32, #tpu.memory_space<vmem>>, vector<16xf32>,
      %add3A_294 = arith.addf %add3A_289, %get3A_293 : vector<16xf32>
      %add3A_295 = arith.constant 3840 : i32
      %add3A_296 = arith.addi %add3A_295, %mul3A_268 : i32
      %get3A_297 = arith.index_cast %add3A_296 : i32 to index
      %get3A_298 = tpu.vector_load %arg7[%get3A_297] {strides = array<i32>} : memref<10240xf32, #tpu.memory_space<vmem>>, vector<16xf32>,
      %add3A_299 = arith.addf %add3A_294, %get3A_298 : vector<16xf32>
      %add3A_300 = arith.constant 4480 : i32
      %add3A_301 = arith.addi %add3A_300, %mul3A_268 : i32
      %get3A_302 = arith.index_cast %add3A_301 : i32 to index
      %get3A_303 = tpu.vector_load %arg7[%get3A_302] {strides = array<i32>} : memref<10240xf32, #tpu.memory_space<vmem>>, vector<16xf32>,
      %add3A_304 = arith.addf %add3A_299, %get3A_303 : vector<16xf32>
      %add3A_305 = arith.constant 5120 : i32
      %add3A_306 = arith.addi %add3A_305, %mul3A_268 : i32
      %get3A_307 = arith.index_cast %add3A_306 : i32 to index
      %get3A_308 = tpu.vector_load %arg7[%get3A_307] {strides = array<i32>} : memref<10240xf32, #tpu.memory_space<vmem>>, vector<16xf32>,
      %add3A_309 = arith.addf %add3A_304, %get3A_308 : vector<16xf32>
      %add3A_310 = arith.constant 5760 : i32
      %add3A_311 = arith.addi %add3A_310, %mul3A_268 : i32
      %get3A_312 = arith.index_cast %add3A_311 : i32 to index
      %get3A_313 = tpu.vector_load %arg7[%get3A_312] {strides = array<i32>} : memref<10240xf32, #tpu.memory_space<vmem>>, vector<16xf32>,
      %add3A_314 = arith.addf %add3A_309, %get3A_313 : vector<16xf32>
      %add3A_315 = arith.constant 6400 : i32
      %add3A_316 = arith.addi %add3A_315, %mul3A_268 : i32
      %get3A_317 = arith.index_cast %add3A_316 : i32 to index
      %get3A_318 = tpu.vector_load %arg7[%get3A_317] {strides = array<i32>} : memref<10240xf32, #tpu.memory_space<vmem>>, vector<16xf32>,
      %add3A_319 = arith.addf %add3A_314, %get3A_318 : vector<16xf32>
      %add3A_320 = arith.constant 7040 : i32
      %add3A_321 = arith.addi %add3A_320, %mul3A_268 : i32
      %get3A_322 = arith.index_cast %add3A_321 : i32 to index
      %get3A_323 = tpu.vector_load %arg7[%get3A_322] {strides = array<i32>} : memref<10240xf32, #tpu.memory_space<vmem>>, vector<16xf32>,
      %add3A_324 = arith.addf %add3A_319, %get3A_323 : vector<16xf32>
      %add3A_325 = arith.constant 7680 : i32
      %add3A_326 = arith.addi %add3A_325, %mul3A_268 : i32
      %get3A_327 = arith.index_cast %add3A_326 : i32 to index
      %get3A_328 = tpu.vector_load %arg7[%get3A_327] {strides = array<i32>} : memref<10240xf32, #tpu.memory_space<vmem>>, vector<16xf32>,
      %add3A_329 = arith.addf %add3A_324, %get3A_328 : vector<16xf32>
      %add3A_330 = arith.constant 8320 : i32
      %add3A_331 = arith.addi %add3A_330, %mul3A_268 : i32
      %get3A_332 = arith.index_cast %add3A_331 : i32 to index
      %get3A_333 = tpu.vector_load %arg7[%get3A_332] {strides = array<i32>} : memref<10240xf32, #tpu.memory_space<vmem>>, vector<16xf32>,
      %add3A_334 = arith.addf %add3A_329, %get3A_333 : vector<16xf32>
      %add3A_335 = arith.constant 8960 : i32
      %add3A_336 = arith.addi %add3A_335, %mul3A_268 : i32
      %get3A_337 = arith.index_cast %add3A_336 : i32 to index
      %get3A_338 = tpu.vector_load %arg7[%get3A_337] {strides = array<i32>} : memref<10240xf32, #tpu.memory_space<vmem>>, vector<16xf32>,
      %add3A_339 = arith.addf %add3A_334, %get3A_338 : vector<16xf32>
      %add3A_340 = arith.constant 9600 : i32
      %add3A_341 = arith.addi %add3A_340, %mul3A_268 : i32
      %get3A_342 = arith.index_cast %add3A_341 : i32 to index
      %get3A_343 = tpu.vector_load %arg7[%get3A_342] {strides = array<i32>} : memref<10240xf32, #tpu.memory_space<vmem>>, vector<16xf32>,
      %add3A_344 = arith.addf %add3A_339, %get3A_343 : vector<16xf32>
      %swap3A = arith.index_cast %mul3A_268 : i32 to index
      %swap3A_345 = tpu.vector_load %arg6[%swap3A] {strides = array<i32>} : memref<640xf32, #tpu.memory_space<vmem>>, vector<16xf32>,
      tpu.vector_store %arg6[%swap3A], %add3A_344 {strides = array<i32>} : memref<640xf32, #tpu.memory_space<vmem>>, vector<16xf32>,
    }
    %scan3A_262 = arith.constant 40 : i32
    %mul3A_263 = arith.constant 10240 : i32
    %mul3A_264 = arith.muli %arg0, %mul3A_263 : i32
    %add3A_265 = arith.addi %mul3A_264, %mul3A_32 : i32
    "tpu.region"() ({
      %run_scoped3A = tpu.sem_alloc : memref<!tpu.dma_semaphore, #tpu.memory_space<semaphore_mem>>
      %dma_start3A_266 = tpu.memref_slice %arg3[%add3A_265] : memref<20480xf32, #tpu.memory_space<hbm>> -> memref<640xf32, #tpu.memory_space<hbm>>
      %dma_start3A_267 = tpu.memref_slice %arg3[%add3A_265] : memref<20480xf32, #tpu.memory_space<hbm>> -> memref<640xf32, #tpu.memory_space<hbm>>
      tpu.enqueue_dma source(%arg6 : memref<640xf32, #tpu.memory_space<vmem>>) target(%dma_start3A_267 : memref<640xf32, #tpu.memory_space<hbm>>) target_semaphore(%run_scoped3A : memref<!tpu.dma_semaphore, #tpu.memory_space<semaphore_mem>>)
      %dma_wait3A_268 = tpu.memref_slice %arg3[%add3A_265] : memref<20480xf32, #tpu.memory_space<hbm>> -> memref<640xf32, #tpu.memory_space<hbm>>
      %dma_wait3A_269 = tpu.memref_slice %arg3[%add3A_265] : memref<20480xf32, #tpu.memory_space<hbm>> -> memref<640xf32, #tpu.memory_space<hbm>>
      tpu.wait_dma2 semaphore(%run_scoped3A : memref<!tpu.dma_semaphore, #tpu.memory_space<semaphore_mem>>) src(%arg6 : memref<640xf32, #tpu.memory_space<vmem>>) dst(%dma_wait3A_269 : memref<640xf32, #tpu.memory_space<hbm>>)
      tpu.yield
    }) : () -> ()
    return
  }
}

#map = affine_map<(d0, d1) -> (0)>
module attributes {stable_mosaic.version = 14 : i64} {
  func.func @_pool_body(%arg0: i32, %arg1: i32, %arg2: memref<655360xf32, #tpu.memory_space<hbm>>, %arg3: memref<327680xf32, #tpu.memory_space<hbm>>, %arg4: memref<24576xf32, #tpu.memory_space<hbm>>, %arg5: memref<12288xi32, #tpu.memory_space<hbm>>, %arg6: memref<32xf32, #tpu.memory_space<hbm>>, %arg7: memref<4096xf32, #tpu.memory_space<hbm>>, %arg8: memref<4096xf32, #tpu.memory_space<hbm>>, %arg9: memref<10240xf32, #tpu.memory_space<vmem>>, %arg10: memref<10240xf32, #tpu.memory_space<vmem>>, %arg11: memref<10240xf32, #tpu.memory_space<vmem>>, %arg12: memref<384xf32, #tpu.memory_space<vmem>>, %arg13: memref<384xf32, #tpu.memory_space<vmem>>, %arg14: memref<384xi32, #tpu.memory_space<vmem>>, %arg15: memref<32xf32, #tpu.memory_space<vmem>>, %arg16: memref<2080xf32, #tpu.memory_space<vmem>>, %arg17: memref<2080xf32, #tpu.memory_space<vmem>>, %arg18: memref<128xf32, #tpu.memory_space<vmem>>, %arg19: memref<128xf32, #tpu.memory_space<vmem>>, %arg20: memref<4096xf32, #tpu.memory_space<vmem>>, %arg21: memref<!tpu.dma_semaphore, #tpu.memory_space<semaphore_mem>>, %arg22: memref<69632xf32, #tpu.memory_space<vmem_shared>>) attributes {dimension_semantics = [#tpu.dimension_semantics<core_parallel>, #tpu.dimension_semantics<subcore_parallel>], iteration_bounds = array<i64: 2, 16>, scalar_prefetch = 0 : i64, scratch_operands = 14 : i64, tpu.core_type = #tpu.core_type<sc_vector_subcore>, window_params = [{transform_indices = #map}, {transform_indices = #map}, {transform_indices = #map}, {transform_indices = #map}, {transform_indices = #map}, {transform_indices = #map}, {transform_indices = #map}]} {
    %mul3A = arith.constant 16 : i32
    %mul3A_0 = arith.muli %arg0, %mul3A : i32
    %add3A = arith.addi %mul3A_0, %arg1 : i32
    %mul3A_1 = arith.constant 320 : i32
    %mul3A_2 = arith.muli %add3A, %mul3A_1 : i32
    %mul3A_3 = arith.constant 32 : i32
    %mul3A_4 = arith.muli %mul3A_2, %mul3A_3 : i32
    %dma_start3A = tpu.memref_slice %arg2[%mul3A_4] : memref<655360xf32, #tpu.memory_space<hbm>> -> memref<10240xf32, #tpu.memory_space<hbm>>
    %dma_start3A_5 = tpu.memref_slice %arg2[%mul3A_4] : memref<655360xf32, #tpu.memory_space<hbm>> -> memref<10240xf32, #tpu.memory_space<hbm>>
    tpu.enqueue_dma source(%dma_start3A_5 : memref<10240xf32, #tpu.memory_space<hbm>>) target(%arg9 : memref<10240xf32, #tpu.memory_space<vmem>>) target_semaphore(%arg21 : memref<!tpu.dma_semaphore, #tpu.memory_space<semaphore_mem>>)
    %add3A_6 = arith.constant 327680 : i32
    %add3A_7 = arith.addi %add3A_6, %mul3A_4 : i32
    %dma_start3A_8 = tpu.memref_slice %arg2[%add3A_7] : memref<655360xf32, #tpu.memory_space<hbm>> -> memref<10240xf32, #tpu.memory_space<hbm>>
    %dma_start3A_9 = tpu.memref_slice %arg2[%add3A_7] : memref<655360xf32, #tpu.memory_space<hbm>> -> memref<10240xf32, #tpu.memory_space<hbm>>
    tpu.enqueue_dma source(%dma_start3A_9 : memref<10240xf32, #tpu.memory_space<hbm>>) target(%arg10 : memref<10240xf32, #tpu.memory_space<vmem>>) target_semaphore(%arg21 : memref<!tpu.dma_semaphore, #tpu.memory_space<semaphore_mem>>)
    %dma_start3A_10 = tpu.memref_slice %arg3[%mul3A_4] : memref<327680xf32, #tpu.memory_space<hbm>> -> memref<10240xf32, #tpu.memory_space<hbm>>
    %dma_start3A_11 = tpu.memref_slice %arg3[%mul3A_4] : memref<327680xf32, #tpu.memory_space<hbm>> -> memref<10240xf32, #tpu.memory_space<hbm>>
    tpu.enqueue_dma source(%dma_start3A_11 : memref<10240xf32, #tpu.memory_space<hbm>>) target(%arg11 : memref<10240xf32, #tpu.memory_space<vmem>>) target_semaphore(%arg21 : memref<!tpu.dma_semaphore, #tpu.memory_space<semaphore_mem>>)
    %mul3A_12 = arith.constant 384 : i32
    %mul3A_13 = arith.muli %add3A, %mul3A_12 : i32
    %dma_start3A_14 = tpu.memref_slice %arg4[%mul3A_13] : memref<24576xf32, #tpu.memory_space<hbm>> -> memref<384xf32, #tpu.memory_space<hbm>>
    %dma_start3A_15 = tpu.memref_slice %arg4[%mul3A_13] : memref<24576xf32, #tpu.memory_space<hbm>> -> memref<384xf32, #tpu.memory_space<hbm>>
    tpu.enqueue_dma source(%dma_start3A_15 : memref<384xf32, #tpu.memory_space<hbm>>) target(%arg12 : memref<384xf32, #tpu.memory_space<vmem>>) target_semaphore(%arg21 : memref<!tpu.dma_semaphore, #tpu.memory_space<semaphore_mem>>)
    %mul3A_16 = arith.constant 384 : i32
    %mul3A_17 = arith.muli %add3A, %mul3A_16 : i32
    %add3A_18 = arith.constant 12288 : i32
    %add3A_19 = arith.addi %add3A_18, %mul3A_17 : i32
    %dma_start3A_20 = tpu.memref_slice %arg4[%add3A_19] : memref<24576xf32, #tpu.memory_space<hbm>> -> memref<384xf32, #tpu.memory_space<hbm>>
    %dma_start3A_21 = tpu.memref_slice %arg4[%add3A_19] : memref<24576xf32, #tpu.memory_space<hbm>> -> memref<384xf32, #tpu.memory_space<hbm>>
    tpu.enqueue_dma source(%dma_start3A_21 : memref<384xf32, #tpu.memory_space<hbm>>) target(%arg13 : memref<384xf32, #tpu.memory_space<vmem>>) target_semaphore(%arg21 : memref<!tpu.dma_semaphore, #tpu.memory_space<semaphore_mem>>)
    %mul3A_22 = arith.constant 384 : i32
    %mul3A_23 = arith.muli %add3A, %mul3A_22 : i32
    %dma_start3A_24 = tpu.memref_slice %arg5[%mul3A_23] : memref<12288xi32, #tpu.memory_space<hbm>> -> memref<384xi32, #tpu.memory_space<hbm>>
    %dma_start3A_25 = tpu.memref_slice %arg5[%mul3A_23] : memref<12288xi32, #tpu.memory_space<hbm>> -> memref<384xi32, #tpu.memory_space<hbm>>
    tpu.enqueue_dma source(%dma_start3A_25 : memref<384xi32, #tpu.memory_space<hbm>>) target(%arg14 : memref<384xi32, #tpu.memory_space<vmem>>) target_semaphore(%arg21 : memref<!tpu.dma_semaphore, #tpu.memory_space<semaphore_mem>>)
    tpu.enqueue_dma source(%arg6 : memref<32xf32, #tpu.memory_space<hbm>>) target(%arg15 : memref<32xf32, #tpu.memory_space<vmem>>) target_semaphore(%arg21 : memref<!tpu.dma_semaphore, #tpu.memory_space<semaphore_mem>>)
    %broadcast_in_dim3A = arith.constant 0.000000e+00 : f32
    %broadcast_in_dim3A_26 = vector.broadcast %broadcast_in_dim3A : f32 to vector<16xf32>
    %scan3A = arith.constant 0 : i32
    %scan3A_27 = arith.constant 0 : i32
    %scan3A_28 = arith.constant 130 : i32
    %scan3A_29 = arith.addi %scan3A_27, %scan3A_28 : i32
    %scan3A_30 = arith.constant 1 : i32
    scf.for %scan3A_552 = %scan3A_27 to %scan3A_29 step %scan3A_30  : i32 {
      %mul3A_553 = arith.constant 16 : i32
      %mul3A_554 = arith.muli %scan3A_552, %mul3A_553 : i32
      %swap3A = arith.index_cast %mul3A_554 : i32 to index
      %swap3A_555 = tpu.vector_load %arg16[%swap3A] {strides = array<i32>} : memref<2080xf32, #tpu.memory_space<vmem>>, vector<16xf32>,
      tpu.vector_store %arg16[%swap3A], %broadcast_in_dim3A_26 {strides = array<i32>} : memref<2080xf32, #tpu.memory_space<vmem>>, vector<16xf32>,
    }
    %scan3A_31 = arith.constant 130 : i32
    %broadcast_in_dim3A_32 = arith.constant -3.40282347E+38 : f32
    %broadcast_in_dim3A_33 = vector.broadcast %broadcast_in_dim3A_32 : f32 to vector<16xf32>
    %scan3A_34 = arith.constant 0 : i32
    %scan3A_35 = arith.constant 0 : i32
    %scan3A_36 = arith.constant 130 : i32
    %scan3A_37 = arith.addi %scan3A_35, %scan3A_36 : i32
    %scan3A_38 = arith.constant 1 : i32
    scf.for %scan3A_552 = %scan3A_35 to %scan3A_37 step %scan3A_38  : i32 {
      %mul3A_553 = arith.constant 16 : i32
      %mul3A_554 = arith.muli %scan3A_552, %mul3A_553 : i32
      %swap3A = arith.index_cast %mul3A_554 : i32 to index
      %swap3A_555 = tpu.vector_load %arg17[%swap3A] {strides = array<i32>} : memref<2080xf32, #tpu.memory_space<vmem>>, vector<16xf32>,
      tpu.vector_store %arg17[%swap3A], %broadcast_in_dim3A_33 {strides = array<i32>} : memref<2080xf32, #tpu.memory_space<vmem>>, vector<16xf32>,
    }
    %scan3A_39 = arith.constant 130 : i32
    %dma_wait3A = tpu.memref_slice %arg2[%mul3A_4] : memref<655360xf32, #tpu.memory_space<hbm>> -> memref<10240xf32, #tpu.memory_space<hbm>>
    %dma_wait3A_40 = tpu.memref_slice %arg2[%mul3A_4] : memref<655360xf32, #tpu.memory_space<hbm>> -> memref<10240xf32, #tpu.memory_space<hbm>>
    tpu.wait_dma2 semaphore(%arg21 : memref<!tpu.dma_semaphore, #tpu.memory_space<semaphore_mem>>) src(%dma_wait3A_40 : memref<10240xf32, #tpu.memory_space<hbm>>) dst(%arg9 : memref<10240xf32, #tpu.memory_space<vmem>>)
    %dma_wait3A_41 = tpu.memref_slice %arg2[%add3A_7] : memref<655360xf32, #tpu.memory_space<hbm>> -> memref<10240xf32, #tpu.memory_space<hbm>>
    %dma_wait3A_42 = tpu.memref_slice %arg2[%add3A_7] : memref<655360xf32, #tpu.memory_space<hbm>> -> memref<10240xf32, #tpu.memory_space<hbm>>
    tpu.wait_dma2 semaphore(%arg21 : memref<!tpu.dma_semaphore, #tpu.memory_space<semaphore_mem>>) src(%dma_wait3A_42 : memref<10240xf32, #tpu.memory_space<hbm>>) dst(%arg10 : memref<10240xf32, #tpu.memory_space<vmem>>)
    %dma_wait3A_43 = tpu.memref_slice %arg3[%mul3A_4] : memref<327680xf32, #tpu.memory_space<hbm>> -> memref<10240xf32, #tpu.memory_space<hbm>>
    %dma_wait3A_44 = tpu.memref_slice %arg3[%mul3A_4] : memref<327680xf32, #tpu.memory_space<hbm>> -> memref<10240xf32, #tpu.memory_space<hbm>>
    tpu.wait_dma2 semaphore(%arg21 : memref<!tpu.dma_semaphore, #tpu.memory_space<semaphore_mem>>) src(%dma_wait3A_44 : memref<10240xf32, #tpu.memory_space<hbm>>) dst(%arg11 : memref<10240xf32, #tpu.memory_space<vmem>>)
    %dma_wait3A_45 = tpu.memref_slice %arg4[%mul3A_13] : memref<24576xf32, #tpu.memory_space<hbm>> -> memref<384xf32, #tpu.memory_space<hbm>>
    %dma_wait3A_46 = tpu.memref_slice %arg4[%mul3A_13] : memref<24576xf32, #tpu.memory_space<hbm>> -> memref<384xf32, #tpu.memory_space<hbm>>
    tpu.wait_dma2 semaphore(%arg21 : memref<!tpu.dma_semaphore, #tpu.memory_space<semaphore_mem>>) src(%dma_wait3A_46 : memref<384xf32, #tpu.memory_space<hbm>>) dst(%arg12 : memref<384xf32, #tpu.memory_space<vmem>>)
    %dma_wait3A_47 = tpu.memref_slice %arg4[%add3A_19] : memref<24576xf32, #tpu.memory_space<hbm>> -> memref<384xf32, #tpu.memory_space<hbm>>
    %dma_wait3A_48 = tpu.memref_slice %arg4[%add3A_19] : memref<24576xf32, #tpu.memory_space<hbm>> -> memref<384xf32, #tpu.memory_space<hbm>>
    tpu.wait_dma2 semaphore(%arg21 : memref<!tpu.dma_semaphore, #tpu.memory_space<semaphore_mem>>) src(%dma_wait3A_48 : memref<384xf32, #tpu.memory_space<hbm>>) dst(%arg13 : memref<384xf32, #tpu.memory_space<vmem>>)
    %dma_wait3A_49 = tpu.memref_slice %arg5[%mul3A_23] : memref<12288xi32, #tpu.memory_space<hbm>> -> memref<384xi32, #tpu.memory_space<hbm>>
    %dma_wait3A_50 = tpu.memref_slice %arg5[%mul3A_23] : memref<12288xi32, #tpu.memory_space<hbm>> -> memref<384xi32, #tpu.memory_space<hbm>>
    tpu.wait_dma2 semaphore(%arg21 : memref<!tpu.dma_semaphore, #tpu.memory_space<semaphore_mem>>) src(%dma_wait3A_50 : memref<384xi32, #tpu.memory_space<hbm>>) dst(%arg14 : memref<384xi32, #tpu.memory_space<vmem>>)
    tpu.wait_dma2 semaphore(%arg21 : memref<!tpu.dma_semaphore, #tpu.memory_space<semaphore_mem>>) src(%arg6 : memref<32xf32, #tpu.memory_space<hbm>>) dst(%arg15 : memref<32xf32, #tpu.memory_space<vmem>>)
    %broadcast_in_dim3A_51 = arith.constant 5.000000e-01 : f32
    %broadcast_in_dim3A_52 = vector.broadcast %broadcast_in_dim3A_51 : f32 to vector<16xf32>
    %broadcast_in_dim3A_53 = arith.constant 1.500000e+00 : f32
    %broadcast_in_dim3A_54 = vector.broadcast %broadcast_in_dim3A_53 : f32 to vector<16xf32>
    %broadcast_in_dim3A_55 = arith.constant 1597463007 : i32
    %broadcast_in_dim3A_56 = vector.broadcast %broadcast_in_dim3A_55 : i32 to vector<16xi32>
    %scan3A_57 = arith.constant 0 : i32
    %scan3A_58 = arith.constant 0 : i32
    %scan3A_59 = arith.constant 20 : i32
    %scan3A_60 = arith.addi %scan3A_58, %scan3A_59 : i32
    %scan3A_61 = arith.constant 1 : i32
    scf.for %scan3A_552 = %scan3A_58 to %scan3A_60 step %scan3A_61  : i32 {
      %mul3A_553 = arith.constant 16 : i32
      %mul3A_554 = arith.muli %scan3A_552, %mul3A_553 : i32
      %get3A_555 = arith.index_cast %mul3A_554 : i32 to index
      %get3A_556 = tpu.vector_load %arg12[%get3A_555] {strides = array<i32>} : memref<384xf32, #tpu.memory_space<vmem>>, vector<16xf32>,
      %add3A_557 = arith.constant 1.000000e+00 : f32
      %add3A_558 = vector.broadcast %add3A_557 : f32 to vector<16xf32>
      %add3A_559 = arith.addf %add3A_558, %get3A_556 : vector<16xf32>
      %mul3A_560 = arith.constant 16 : i32
      %mul3A_561 = arith.muli %scan3A_552, %mul3A_560 : i32
      %get3A_562 = arith.index_cast %mul3A_561 : i32 to index
      %get3A_563 = tpu.vector_load %arg13[%get3A_562] {strides = array<i32>} : memref<384xf32, #tpu.memory_space<vmem>>, vector<16xf32>,
      %add3A_564 = arith.addf %add3A_559, %get3A_563 : vector<16xf32>
      %bitcast3A = vector.bitcast %add3A_564 : vector<16xf32> to vector<16xi32>
      %shift_right_arithmetic3A = arith.constant 1 : i32
      %shift_right_arithmetic3A_565 = vector.broadcast %shift_right_arithmetic3A : i32 to vector<16xi32>
      %shift_right_arithmetic3A_566 = arith.shrsi %bitcast3A, %shift_right_arithmetic3A_565 : vector<16xi32>
      %sub3A = arith.subi %broadcast_in_dim3A_56, %shift_right_arithmetic3A_566 : vector<16xi32>
      %bitcast3A_567 = vector.bitcast %sub3A : vector<16xi32> to vector<16xf32>
      %mul3A_568 = arith.mulf %broadcast_in_dim3A_52, %add3A_564 : vector<16xf32>
      %mul3A_569 = arith.mulf %mul3A_568, %bitcast3A_567 : vector<16xf32>
      %mul3A_570 = arith.mulf %mul3A_569, %bitcast3A_567 : vector<16xf32>
      %sub3A_571 = arith.subf %broadcast_in_dim3A_54, %mul3A_570 : vector<16xf32>
      %mul3A_572 = arith.mulf %bitcast3A_567, %sub3A_571 : vector<16xf32>
      %mul3A_573 = arith.mulf %broadcast_in_dim3A_52, %add3A_564 : vector<16xf32>
      %mul3A_574 = arith.mulf %mul3A_573, %mul3A_572 : vector<16xf32>
      %mul3A_575 = arith.mulf %mul3A_574, %mul3A_572 : vector<16xf32>
      %sub3A_576 = arith.subf %broadcast_in_dim3A_54, %mul3A_575 : vector<16xf32>
      %mul3A_577 = arith.mulf %mul3A_572, %sub3A_576 : vector<16xf32>
      %mul3A_578 = arith.mulf %broadcast_in_dim3A_52, %add3A_564 : vector<16xf32>
      %mul3A_579 = arith.mulf %mul3A_578, %mul3A_577 : vector<16xf32>
      %mul3A_580 = arith.mulf %mul3A_579, %mul3A_577 : vector<16xf32>
      %sub3A_581 = arith.subf %broadcast_in_dim3A_54, %mul3A_580 : vector<16xf32>
      %mul3A_582 = arith.mulf %mul3A_577, %sub3A_581 : vector<16xf32>
      %mul3A_583 = arith.constant 16 : i32
      %mul3A_584 = arith.muli %scan3A_552, %mul3A_583 : i32
      %swap3A = arith.index_cast %mul3A_584 : i32 to index
      %swap3A_585 = tpu.vector_load %arg13[%swap3A] {strides = array<i32>} : memref<384xf32, #tpu.memory_space<vmem>>, vector<16xf32>,
      tpu.vector_store %arg13[%swap3A], %mul3A_582 {strides = array<i32>} : memref<384xf32, #tpu.memory_space<vmem>>, vector<16xf32>,
    }
    %scan3A_62 = arith.constant 20 : i32
    %get3A = arith.constant 0 : index
    %get3A_63 = tpu.vector_load %arg15[%get3A] {strides = array<i32>} : memref<32xf32, #tpu.memory_space<vmem>>, vector<16xf32>,
    %get3A_64 = arith.constant 16 : index
    %get3A_65 = tpu.vector_load %arg15[%get3A_64] {strides = array<i32>} : memref<32xf32, #tpu.memory_space<vmem>>, vector<16xf32>,
    %iota3A = tpu.iota {dimensions = array<i32: 0>} : vector<16xi32>
    %broadcast_in_dim3A_66 = arith.constant 0.000000e+00 : f32
    %broadcast_in_dim3A_67 = vector.broadcast %broadcast_in_dim3A_66 : f32 to vector<16xf32>
    %broadcast_in_dim3A_68 = arith.constant 0 : i32
    %broadcast_in_dim3A_69 = vector.broadcast %broadcast_in_dim3A_68 : i32 to vector<16xi32>
    %scan3A_70 = arith.constant 0 : i32
    %scan3A_71 = arith.constant 0 : i32
    %scan3A_72 = arith.constant 320 : i32
    %scan3A_73 = arith.addi %scan3A_71, %scan3A_72 : i32
    %scan3A_74 = arith.constant 1 : i32
    scf.for %scan3A_552 = %scan3A_71 to %scan3A_73 step %scan3A_74  : i32 {
      %add3A_553 = vector.broadcast %scan3A_552 : i32 to vector<16xi32>
      %add3A_554 = arith.addi %broadcast_in_dim3A_69, %add3A_553 : vector<16xi32>
      %gather3A = tpu.vector_load_idx %arg14[%add3A_554] : memref<384xi32, #tpu.memory_space<vmem>>[vector<16xi32>], vector<16xi32>,
      %add3A_555 = vector.broadcast %scan3A_552 : i32 to vector<16xi32>
      %add3A_556 = arith.addi %broadcast_in_dim3A_69, %add3A_555 : vector<16xi32>
      %gather3A_557 = tpu.vector_load_idx %arg13[%add3A_556] : memref<384xf32, #tpu.memory_space<vmem>>[vector<16xi32>], vector<16xf32>,
      %mul3A_558 = arith.constant 32 : i32
      %mul3A_559 = arith.muli %scan3A_552, %mul3A_558 : i32
      %add3A_560 = arith.constant 16 : i32
      %add3A_561 = arith.addi %mul3A_559, %add3A_560 : i32
      %get3A_562 = arith.index_cast %mul3A_559 : i32 to index
      %get3A_563 = tpu.vector_load %arg9[%get3A_562] {strides = array<i32>} : memref<10240xf32, #tpu.memory_space<vmem>>, vector<16xf32>,
      %get3A_564 = arith.index_cast %mul3A_559 : i32 to index
      %get3A_565 = tpu.vector_load %arg10[%get3A_564] {strides = array<i32>} : memref<10240xf32, #tpu.memory_space<vmem>>, vector<16xf32>,
      %add3A_566 = arith.addf %get3A_563, %get3A_565 : vector<16xf32>
      %get3A_567 = arith.index_cast %mul3A_559 : i32 to index
      %get3A_568 = tpu.vector_load %arg11[%get3A_567] {strides = array<i32>} : memref<10240xf32, #tpu.memory_space<vmem>>, vector<16xf32>,
      %add3A_569 = arith.addf %add3A_566, %get3A_568 : vector<16xf32>
      %mul3A_570 = arith.mulf %gather3A_557, %add3A_569 : vector<16xf32>
      %add3A_571 = arith.addf %mul3A_570, %get3A_63 : vector<16xf32>
      %max3A = arith.maximumf %add3A_571, %broadcast_in_dim3A_67 : vector<16xf32>
      %get3A_572 = arith.index_cast %add3A_561 : i32 to index
      %get3A_573 = tpu.vector_load %arg9[%get3A_572] {strides = array<i32>} : memref<10240xf32, #tpu.memory_space<vmem>>, vector<16xf32>,
      %get3A_574 = arith.index_cast %add3A_561 : i32 to index
      %get3A_575 = tpu.vector_load %arg10[%get3A_574] {strides = array<i32>} : memref<10240xf32, #tpu.memory_space<vmem>>, vector<16xf32>,
      %add3A_576 = arith.addf %get3A_573, %get3A_575 : vector<16xf32>
      %get3A_577 = arith.index_cast %add3A_561 : i32 to index
      %get3A_578 = tpu.vector_load %arg11[%get3A_577] {strides = array<i32>} : memref<10240xf32, #tpu.memory_space<vmem>>, vector<16xf32>,
      %add3A_579 = arith.addf %add3A_576, %get3A_578 : vector<16xf32>
      %mul3A_580 = arith.mulf %gather3A_557, %add3A_579 : vector<16xf32>
      %add3A_581 = arith.addf %mul3A_580, %get3A_65 : vector<16xf32>
      %max3A_582 = arith.maximumf %add3A_581, %broadcast_in_dim3A_67 : vector<16xf32>
      %mul3A_583 = arith.constant 32 : i32
      %mul3A_584 = vector.broadcast %mul3A_583 : i32 to vector<16xi32>
      %mul3A_585 = arith.muli %gather3A, %mul3A_584 : vector<16xi32>
      %add3A_586 = arith.addi %mul3A_585, %iota3A : vector<16xi32>
      %add3A_587 = arith.constant 16 : i32
      %add3A_588 = vector.broadcast %add3A_587 : i32 to vector<16xi32>
      %add3A_589 = arith.addi %add3A_586, %add3A_588 : vector<16xi32>
      tpu.vector_store_idx %arg16[%add3A_586], %max3A {add = true} : memref<2080xf32, #tpu.memory_space<vmem>>[vector<16xi32>], vector<16xf32>,
      tpu.vector_store_idx %arg16[%add3A_589], %max3A_582 {add = true} : memref<2080xf32, #tpu.memory_space<vmem>>[vector<16xi32>], vector<16xf32>,
      %gather3A_590 = tpu.vector_load_idx %arg17[%add3A_586] : memref<2080xf32, #tpu.memory_space<vmem>>[vector<16xi32>], vector<16xf32>,
      %max3A_591 = arith.maximumf %gather3A_590, %max3A : vector<16xf32>
      tpu.vector_store_idx %arg17[%add3A_586], %max3A_591 : memref<2080xf32, #tpu.memory_space<vmem>>[vector<16xi32>], vector<16xf32>,
      %gather3A_592 = tpu.vector_load_idx %arg17[%add3A_589] : memref<2080xf32, #tpu.memory_space<vmem>>[vector<16xi32>], vector<16xf32>,
      %max3A_593 = arith.maximumf %gather3A_592, %max3A_582 : vector<16xf32>
      tpu.vector_store_idx %arg17[%add3A_589], %max3A_593 : memref<2080xf32, #tpu.memory_space<vmem>>[vector<16xi32>], vector<16xf32>,
    }
    %scan3A_75 = arith.constant 320 : i32
    %mul3A_76 = arith.constant 2 : i32
    %mul3A_77 = arith.muli %arg1, %mul3A_76 : i32
    %mul3A_78 = arith.constant 2176 : i32
    %mul3A_79 = arith.muli %mul3A_77, %mul3A_78 : i32
    "tpu.region"() ({
      %run_scoped3A = tpu.sem_alloc : memref<!tpu.dma_semaphore, #tpu.memory_space<semaphore_mem>>
      %dma_start3A_552 = tpu.memref_slice %arg22[%mul3A_79] : memref<69632xf32, #tpu.memory_space<vmem_shared>> -> memref<2080xf32, #tpu.memory_space<vmem_shared>>
      %dma_start3A_553 = tpu.memref_slice %arg22[%mul3A_79] : memref<69632xf32, #tpu.memory_space<vmem_shared>> -> memref<2080xf32, #tpu.memory_space<vmem_shared>>
      tpu.enqueue_dma source(%arg16 : memref<2080xf32, #tpu.memory_space<vmem>>) target(%dma_start3A_553 : memref<2080xf32, #tpu.memory_space<vmem_shared>>) target_semaphore(%run_scoped3A : memref<!tpu.dma_semaphore, #tpu.memory_space<semaphore_mem>>)
      %dma_wait3A_554 = tpu.memref_slice %arg22[%mul3A_79] : memref<69632xf32, #tpu.memory_space<vmem_shared>> -> memref<2080xf32, #tpu.memory_space<vmem_shared>>
      %dma_wait3A_555 = tpu.memref_slice %arg22[%mul3A_79] : memref<69632xf32, #tpu.memory_space<vmem_shared>> -> memref<2080xf32, #tpu.memory_space<vmem_shared>>
      tpu.wait_dma2 semaphore(%run_scoped3A : memref<!tpu.dma_semaphore, #tpu.memory_space<semaphore_mem>>) src(%arg16 : memref<2080xf32, #tpu.memory_space<vmem>>) dst(%dma_wait3A_555 : memref<2080xf32, #tpu.memory_space<vmem_shared>>)
      tpu.yield
    }) : () -> ()
    %mul3A_80 = arith.constant 2 : i32
    %mul3A_81 = arith.muli %arg1, %mul3A_80 : i32
    %mul3A_82 = arith.constant 2176 : i32
    %mul3A_83 = arith.muli %mul3A_81, %mul3A_82 : i32
    %add3A_84 = arith.constant 2176 : i32
    %add3A_85 = arith.addi %mul3A_83, %add3A_84 : i32
    "tpu.region"() ({
      %run_scoped3A = tpu.sem_alloc : memref<!tpu.dma_semaphore, #tpu.memory_space<semaphore_mem>>
      %dma_start3A_552 = tpu.memref_slice %arg22[%add3A_85] : memref<69632xf32, #tpu.memory_space<vmem_shared>> -> memref<2080xf32, #tpu.memory_space<vmem_shared>>
      %dma_start3A_553 = tpu.memref_slice %arg22[%add3A_85] : memref<69632xf32, #tpu.memory_space<vmem_shared>> -> memref<2080xf32, #tpu.memory_space<vmem_shared>>
      tpu.enqueue_dma source(%arg17 : memref<2080xf32, #tpu.memory_space<vmem>>) target(%dma_start3A_553 : memref<2080xf32, #tpu.memory_space<vmem_shared>>) target_semaphore(%run_scoped3A : memref<!tpu.dma_semaphore, #tpu.memory_space<semaphore_mem>>)
      %dma_wait3A_554 = tpu.memref_slice %arg22[%add3A_85] : memref<69632xf32, #tpu.memory_space<vmem_shared>> -> memref<2080xf32, #tpu.memory_space<vmem_shared>>
      %dma_wait3A_555 = tpu.memref_slice %arg22[%add3A_85] : memref<69632xf32, #tpu.memory_space<vmem_shared>> -> memref<2080xf32, #tpu.memory_space<vmem_shared>>
      tpu.wait_dma2 semaphore(%run_scoped3A : memref<!tpu.dma_semaphore, #tpu.memory_space<semaphore_mem>>) src(%arg17 : memref<2080xf32, #tpu.memory_space<vmem>>) dst(%dma_wait3A_555 : memref<2080xf32, #tpu.memory_space<vmem_shared>>)
      tpu.yield
    }) : () -> ()
    %barrier3A = arith.constant 0 : index
    tpu.barrier barrier_id(%barrier3A)
    %mul3A_86 = arith.constant 128 : i32
    %mul3A_87 = arith.muli %arg1, %mul3A_86 : i32
    %add3A_88 = arith.constant 0 : i32
    %add3A_89 = arith.addi %add3A_88, %mul3A_87 : i32
    %dma_start3A_90 = arith.constant 0 : i32
    %dma_start3A_91 = tpu.memref_slice %arg20[%dma_start3A_90] : memref<4096xf32, #tpu.memory_space<vmem>> -> memref<128xf32, #tpu.memory_space<vmem>>
    %dma_start3A_92 = tpu.memref_slice %arg22[%add3A_89] : memref<69632xf32, #tpu.memory_space<vmem_shared>> -> memref<128xf32, #tpu.memory_space<vmem_shared>>
    %dma_start3A_93 = arith.constant 0 : i32
    %dma_start3A_94 = tpu.memref_slice %arg20[%dma_start3A_93] : memref<4096xf32, #tpu.memory_space<vmem>> -> memref<128xf32, #tpu.memory_space<vmem>>
    %dma_start3A_95 = tpu.memref_slice %arg22[%add3A_89] : memref<69632xf32, #tpu.memory_space<vmem_shared>> -> memref<128xf32, #tpu.memory_space<vmem_shared>>
    tpu.enqueue_dma source(%dma_start3A_95 : memref<128xf32, #tpu.memory_space<vmem_shared>>) target(%dma_start3A_94 : memref<128xf32, #tpu.memory_space<vmem>>) target_semaphore(%arg21 : memref<!tpu.dma_semaphore, #tpu.memory_space<semaphore_mem>>)
    %add3A_96 = arith.constant 2176 : i32
    %add3A_97 = arith.addi %add3A_96, %mul3A_87 : i32
    %dma_start3A_98 = arith.constant 2048 : i32
    %dma_start3A_99 = tpu.memref_slice %arg20[%dma_start3A_98] : memref<4096xf32, #tpu.memory_space<vmem>> -> memref<128xf32, #tpu.memory_space<vmem>>
    %dma_start3A_100 = tpu.memref_slice %arg22[%add3A_97] : memref<69632xf32, #tpu.memory_space<vmem_shared>> -> memref<128xf32, #tpu.memory_space<vmem_shared>>
    %dma_start3A_101 = arith.constant 2048 : i32
    %dma_start3A_102 = tpu.memref_slice %arg20[%dma_start3A_101] : memref<4096xf32, #tpu.memory_space<vmem>> -> memref<128xf32, #tpu.memory_space<vmem>>
    %dma_start3A_103 = tpu.memref_slice %arg22[%add3A_97] : memref<69632xf32, #tpu.memory_space<vmem_shared>> -> memref<128xf32, #tpu.memory_space<vmem_shared>>
    tpu.enqueue_dma source(%dma_start3A_103 : memref<128xf32, #tpu.memory_space<vmem_shared>>) target(%dma_start3A_102 : memref<128xf32, #tpu.memory_space<vmem>>) target_semaphore(%arg21 : memref<!tpu.dma_semaphore, #tpu.memory_space<semaphore_mem>>)
    %add3A_104 = arith.constant 4352 : i32
    %add3A_105 = arith.addi %add3A_104, %mul3A_87 : i32
    %dma_start3A_106 = arith.constant 128 : i32
    %dma_start3A_107 = tpu.memref_slice %arg20[%dma_start3A_106] : memref<4096xf32, #tpu.memory_space<vmem>> -> memref<128xf32, #tpu.memory_space<vmem>>
    %dma_start3A_108 = tpu.memref_slice %arg22[%add3A_105] : memref<69632xf32, #tpu.memory_space<vmem_shared>> -> memref<128xf32, #tpu.memory_space<vmem_shared>>
    %dma_start3A_109 = arith.constant 128 : i32
    %dma_start3A_110 = tpu.memref_slice %arg20[%dma_start3A_109] : memref<4096xf32, #tpu.memory_space<vmem>> -> memref<128xf32, #tpu.memory_space<vmem>>
    %dma_start3A_111 = tpu.memref_slice %arg22[%add3A_105] : memref<69632xf32, #tpu.memory_space<vmem_shared>> -> memref<128xf32, #tpu.memory_space<vmem_shared>>
    tpu.enqueue_dma source(%dma_start3A_111 : memref<128xf32, #tpu.memory_space<vmem_shared>>) target(%dma_start3A_110 : memref<128xf32, #tpu.memory_space<vmem>>) target_semaphore(%arg21 : memref<!tpu.dma_semaphore, #tpu.memory_space<semaphore_mem>>)
    %add3A_112 = arith.constant 6528 : i32
    %add3A_113 = arith.addi %add3A_112, %mul3A_87 : i32
    %dma_start3A_114 = arith.constant 2176 : i32
    %dma_start3A_115 = tpu.memref_slice %arg20[%dma_start3A_114] : memref<4096xf32, #tpu.memory_space<vmem>> -> memref<128xf32, #tpu.memory_space<vmem>>
    %dma_start3A_116 = tpu.memref_slice %arg22[%add3A_113] : memref<69632xf32, #tpu.memory_space<vmem_shared>> -> memref<128xf32, #tpu.memory_space<vmem_shared>>
    %dma_start3A_117 = arith.constant 2176 : i32
    %dma_start3A_118 = tpu.memref_slice %arg20[%dma_start3A_117] : memref<4096xf32, #tpu.memory_space<vmem>> -> memref<128xf32, #tpu.memory_space<vmem>>
    %dma_start3A_119 = tpu.memref_slice %arg22[%add3A_113] : memref<69632xf32, #tpu.memory_space<vmem_shared>> -> memref<128xf32, #tpu.memory_space<vmem_shared>>
    tpu.enqueue_dma source(%dma_start3A_119 : memref<128xf32, #tpu.memory_space<vmem_shared>>) target(%dma_start3A_118 : memref<128xf32, #tpu.memory_space<vmem>>) target_semaphore(%arg21 : memref<!tpu.dma_semaphore, #tpu.memory_space<semaphore_mem>>)
    %add3A_120 = arith.constant 8704 : i32
    %add3A_121 = arith.addi %add3A_120, %mul3A_87 : i32
    %dma_start3A_122 = arith.constant 256 : i32
    %dma_start3A_123 = tpu.memref_slice %arg20[%dma_start3A_122] : memref<4096xf32, #tpu.memory_space<vmem>> -> memref<128xf32, #tpu.memory_space<vmem>>
    %dma_start3A_124 = tpu.memref_slice %arg22[%add3A_121] : memref<69632xf32, #tpu.memory_space<vmem_shared>> -> memref<128xf32, #tpu.memory_space<vmem_shared>>
    %dma_start3A_125 = arith.constant 256 : i32
    %dma_start3A_126 = tpu.memref_slice %arg20[%dma_start3A_125] : memref<4096xf32, #tpu.memory_space<vmem>> -> memref<128xf32, #tpu.memory_space<vmem>>
    %dma_start3A_127 = tpu.memref_slice %arg22[%add3A_121] : memref<69632xf32, #tpu.memory_space<vmem_shared>> -> memref<128xf32, #tpu.memory_space<vmem_shared>>
    tpu.enqueue_dma source(%dma_start3A_127 : memref<128xf32, #tpu.memory_space<vmem_shared>>) target(%dma_start3A_126 : memref<128xf32, #tpu.memory_space<vmem>>) target_semaphore(%arg21 : memref<!tpu.dma_semaphore, #tpu.memory_space<semaphore_mem>>)
    %add3A_128 = arith.constant 10880 : i32
    %add3A_129 = arith.addi %add3A_128, %mul3A_87 : i32
    %dma_start3A_130 = arith.constant 2304 : i32
    %dma_start3A_131 = tpu.memref_slice %arg20[%dma_start3A_130] : memref<4096xf32, #tpu.memory_space<vmem>> -> memref<128xf32, #tpu.memory_space<vmem>>
    %dma_start3A_132 = tpu.memref_slice %arg22[%add3A_129] : memref<69632xf32, #tpu.memory_space<vmem_shared>> -> memref<128xf32, #tpu.memory_space<vmem_shared>>
    %dma_start3A_133 = arith.constant 2304 : i32
    %dma_start3A_134 = tpu.memref_slice %arg20[%dma_start3A_133] : memref<4096xf32, #tpu.memory_space<vmem>> -> memref<128xf32, #tpu.memory_space<vmem>>
    %dma_start3A_135 = tpu.memref_slice %arg22[%add3A_129] : memref<69632xf32, #tpu.memory_space<vmem_shared>> -> memref<128xf32, #tpu.memory_space<vmem_shared>>
    tpu.enqueue_dma source(%dma_start3A_135 : memref<128xf32, #tpu.memory_space<vmem_shared>>) target(%dma_start3A_134 : memref<128xf32, #tpu.memory_space<vmem>>) target_semaphore(%arg21 : memref<!tpu.dma_semaphore, #tpu.memory_space<semaphore_mem>>)
    %add3A_136 = arith.constant 13056 : i32
    %add3A_137 = arith.addi %add3A_136, %mul3A_87 : i32
    %dma_start3A_138 = arith.constant 384 : i32
    %dma_start3A_139 = tpu.memref_slice %arg20[%dma_start3A_138] : memref<4096xf32, #tpu.memory_space<vmem>> -> memref<128xf32, #tpu.memory_space<vmem>>
    %dma_start3A_140 = tpu.memref_slice %arg22[%add3A_137] : memref<69632xf32, #tpu.memory_space<vmem_shared>> -> memref<128xf32, #tpu.memory_space<vmem_shared>>
    %dma_start3A_141 = arith.constant 384 : i32
    %dma_start3A_142 = tpu.memref_slice %arg20[%dma_start3A_141] : memref<4096xf32, #tpu.memory_space<vmem>> -> memref<128xf32, #tpu.memory_space<vmem>>
    %dma_start3A_143 = tpu.memref_slice %arg22[%add3A_137] : memref<69632xf32, #tpu.memory_space<vmem_shared>> -> memref<128xf32, #tpu.memory_space<vmem_shared>>
    tpu.enqueue_dma source(%dma_start3A_143 : memref<128xf32, #tpu.memory_space<vmem_shared>>) target(%dma_start3A_142 : memref<128xf32, #tpu.memory_space<vmem>>) target_semaphore(%arg21 : memref<!tpu.dma_semaphore, #tpu.memory_space<semaphore_mem>>)
    %add3A_144 = arith.constant 15232 : i32
    %add3A_145 = arith.addi %add3A_144, %mul3A_87 : i32
    %dma_start3A_146 = arith.constant 2432 : i32
    %dma_start3A_147 = tpu.memref_slice %arg20[%dma_start3A_146] : memref<4096xf32, #tpu.memory_space<vmem>> -> memref<128xf32, #tpu.memory_space<vmem>>
    %dma_start3A_148 = tpu.memref_slice %arg22[%add3A_145] : memref<69632xf32, #tpu.memory_space<vmem_shared>> -> memref<128xf32, #tpu.memory_space<vmem_shared>>
    %dma_start3A_149 = arith.constant 2432 : i32
    %dma_start3A_150 = tpu.memref_slice %arg20[%dma_start3A_149] : memref<4096xf32, #tpu.memory_space<vmem>> -> memref<128xf32, #tpu.memory_space<vmem>>
    %dma_start3A_151 = tpu.memref_slice %arg22[%add3A_145] : memref<69632xf32, #tpu.memory_space<vmem_shared>> -> memref<128xf32, #tpu.memory_space<vmem_shared>>
    tpu.enqueue_dma source(%dma_start3A_151 : memref<128xf32, #tpu.memory_space<vmem_shared>>) target(%dma_start3A_150 : memref<128xf32, #tpu.memory_space<vmem>>) target_semaphore(%arg21 : memref<!tpu.dma_semaphore, #tpu.memory_space<semaphore_mem>>)
    %add3A_152 = arith.constant 17408 : i32
    %add3A_153 = arith.addi %add3A_152, %mul3A_87 : i32
    %dma_start3A_154 = arith.constant 512 : i32
    %dma_start3A_155 = tpu.memref_slice %arg20[%dma_start3A_154] : memref<4096xf32, #tpu.memory_space<vmem>> -> memref<128xf32, #tpu.memory_space<vmem>>
    %dma_start3A_156 = tpu.memref_slice %arg22[%add3A_153] : memref<69632xf32, #tpu.memory_space<vmem_shared>> -> memref<128xf32, #tpu.memory_space<vmem_shared>>
    %dma_start3A_157 = arith.constant 512 : i32
    %dma_start3A_158 = tpu.memref_slice %arg20[%dma_start3A_157] : memref<4096xf32, #tpu.memory_space<vmem>> -> memref<128xf32, #tpu.memory_space<vmem>>
    %dma_start3A_159 = tpu.memref_slice %arg22[%add3A_153] : memref<69632xf32, #tpu.memory_space<vmem_shared>> -> memref<128xf32, #tpu.memory_space<vmem_shared>>
    tpu.enqueue_dma source(%dma_start3A_159 : memref<128xf32, #tpu.memory_space<vmem_shared>>) target(%dma_start3A_158 : memref<128xf32, #tpu.memory_space<vmem>>) target_semaphore(%arg21 : memref<!tpu.dma_semaphore, #tpu.memory_space<semaphore_mem>>)
    %add3A_160 = arith.constant 19584 : i32
    %add3A_161 = arith.addi %add3A_160, %mul3A_87 : i32
    %dma_start3A_162 = arith.constant 2560 : i32
    %dma_start3A_163 = tpu.memref_slice %arg20[%dma_start3A_162] : memref<4096xf32, #tpu.memory_space<vmem>> -> memref<128xf32, #tpu.memory_space<vmem>>
    %dma_start3A_164 = tpu.memref_slice %arg22[%add3A_161] : memref<69632xf32, #tpu.memory_space<vmem_shared>> -> memref<128xf32, #tpu.memory_space<vmem_shared>>
    %dma_start3A_165 = arith.constant 2560 : i32
    %dma_start3A_166 = tpu.memref_slice %arg20[%dma_start3A_165] : memref<4096xf32, #tpu.memory_space<vmem>> -> memref<128xf32, #tpu.memory_space<vmem>>
    %dma_start3A_167 = tpu.memref_slice %arg22[%add3A_161] : memref<69632xf32, #tpu.memory_space<vmem_shared>> -> memref<128xf32, #tpu.memory_space<vmem_shared>>
    tpu.enqueue_dma source(%dma_start3A_167 : memref<128xf32, #tpu.memory_space<vmem_shared>>) target(%dma_start3A_166 : memref<128xf32, #tpu.memory_space<vmem>>) target_semaphore(%arg21 : memref<!tpu.dma_semaphore, #tpu.memory_space<semaphore_mem>>)
    %add3A_168 = arith.constant 21760 : i32
    %add3A_169 = arith.addi %add3A_168, %mul3A_87 : i32
    %dma_start3A_170 = arith.constant 640 : i32
    %dma_start3A_171 = tpu.memref_slice %arg20[%dma_start3A_170] : memref<4096xf32, #tpu.memory_space<vmem>> -> memref<128xf32, #tpu.memory_space<vmem>>
    %dma_start3A_172 = tpu.memref_slice %arg22[%add3A_169] : memref<69632xf32, #tpu.memory_space<vmem_shared>> -> memref<128xf32, #tpu.memory_space<vmem_shared>>
    %dma_start3A_173 = arith.constant 640 : i32
    %dma_start3A_174 = tpu.memref_slice %arg20[%dma_start3A_173] : memref<4096xf32, #tpu.memory_space<vmem>> -> memref<128xf32, #tpu.memory_space<vmem>>
    %dma_start3A_175 = tpu.memref_slice %arg22[%add3A_169] : memref<69632xf32, #tpu.memory_space<vmem_shared>> -> memref<128xf32, #tpu.memory_space<vmem_shared>>
    tpu.enqueue_dma source(%dma_start3A_175 : memref<128xf32, #tpu.memory_space<vmem_shared>>) target(%dma_start3A_174 : memref<128xf32, #tpu.memory_space<vmem>>) target_semaphore(%arg21 : memref<!tpu.dma_semaphore, #tpu.memory_space<semaphore_mem>>)
    %add3A_176 = arith.constant 23936 : i32
    %add3A_177 = arith.addi %add3A_176, %mul3A_87 : i32
    %dma_start3A_178 = arith.constant 2688 : i32
    %dma_start3A_179 = tpu.memref_slice %arg20[%dma_start3A_178] : memref<4096xf32, #tpu.memory_space<vmem>> -> memref<128xf32, #tpu.memory_space<vmem>>
    %dma_start3A_180 = tpu.memref_slice %arg22[%add3A_177] : memref<69632xf32, #tpu.memory_space<vmem_shared>> -> memref<128xf32, #tpu.memory_space<vmem_shared>>
    %dma_start3A_181 = arith.constant 2688 : i32
    %dma_start3A_182 = tpu.memref_slice %arg20[%dma_start3A_181] : memref<4096xf32, #tpu.memory_space<vmem>> -> memref<128xf32, #tpu.memory_space<vmem>>
    %dma_start3A_183 = tpu.memref_slice %arg22[%add3A_177] : memref<69632xf32, #tpu.memory_space<vmem_shared>> -> memref<128xf32, #tpu.memory_space<vmem_shared>>
    tpu.enqueue_dma source(%dma_start3A_183 : memref<128xf32, #tpu.memory_space<vmem_shared>>) target(%dma_start3A_182 : memref<128xf32, #tpu.memory_space<vmem>>) target_semaphore(%arg21 : memref<!tpu.dma_semaphore, #tpu.memory_space<semaphore_mem>>)
    %add3A_184 = arith.constant 26112 : i32
    %add3A_185 = arith.addi %add3A_184, %mul3A_87 : i32
    %dma_start3A_186 = arith.constant 768 : i32
    %dma_start3A_187 = tpu.memref_slice %arg20[%dma_start3A_186] : memref<4096xf32, #tpu.memory_space<vmem>> -> memref<128xf32, #tpu.memory_space<vmem>>
    %dma_start3A_188 = tpu.memref_slice %arg22[%add3A_185] : memref<69632xf32, #tpu.memory_space<vmem_shared>> -> memref<128xf32, #tpu.memory_space<vmem_shared>>
    %dma_start3A_189 = arith.constant 768 : i32
    %dma_start3A_190 = tpu.memref_slice %arg20[%dma_start3A_189] : memref<4096xf32, #tpu.memory_space<vmem>> -> memref<128xf32, #tpu.memory_space<vmem>>
    %dma_start3A_191 = tpu.memref_slice %arg22[%add3A_185] : memref<69632xf32, #tpu.memory_space<vmem_shared>> -> memref<128xf32, #tpu.memory_space<vmem_shared>>
    tpu.enqueue_dma source(%dma_start3A_191 : memref<128xf32, #tpu.memory_space<vmem_shared>>) target(%dma_start3A_190 : memref<128xf32, #tpu.memory_space<vmem>>) target_semaphore(%arg21 : memref<!tpu.dma_semaphore, #tpu.memory_space<semaphore_mem>>)
    %add3A_192 = arith.constant 28288 : i32
    %add3A_193 = arith.addi %add3A_192, %mul3A_87 : i32
    %dma_start3A_194 = arith.constant 2816 : i32
    %dma_start3A_195 = tpu.memref_slice %arg20[%dma_start3A_194] : memref<4096xf32, #tpu.memory_space<vmem>> -> memref<128xf32, #tpu.memory_space<vmem>>
    %dma_start3A_196 = tpu.memref_slice %arg22[%add3A_193] : memref<69632xf32, #tpu.memory_space<vmem_shared>> -> memref<128xf32, #tpu.memory_space<vmem_shared>>
    %dma_start3A_197 = arith.constant 2816 : i32
    %dma_start3A_198 = tpu.memref_slice %arg20[%dma_start3A_197] : memref<4096xf32, #tpu.memory_space<vmem>> -> memref<128xf32, #tpu.memory_space<vmem>>
    %dma_start3A_199 = tpu.memref_slice %arg22[%add3A_193] : memref<69632xf32, #tpu.memory_space<vmem_shared>> -> memref<128xf32, #tpu.memory_space<vmem_shared>>
    tpu.enqueue_dma source(%dma_start3A_199 : memref<128xf32, #tpu.memory_space<vmem_shared>>) target(%dma_start3A_198 : memref<128xf32, #tpu.memory_space<vmem>>) target_semaphore(%arg21 : memref<!tpu.dma_semaphore, #tpu.memory_space<semaphore_mem>>)
    %add3A_200 = arith.constant 30464 : i32
    %add3A_201 = arith.addi %add3A_200, %mul3A_87 : i32
    %dma_start3A_202 = arith.constant 896 : i32
    %dma_start3A_203 = tpu.memref_slice %arg20[%dma_start3A_202] : memref<4096xf32, #tpu.memory_space<vmem>> -> memref<128xf32, #tpu.memory_space<vmem>>
    %dma_start3A_204 = tpu.memref_slice %arg22[%add3A_201] : memref<69632xf32, #tpu.memory_space<vmem_shared>> -> memref<128xf32, #tpu.memory_space<vmem_shared>>
    %dma_start3A_205 = arith.constant 896 : i32
    %dma_start3A_206 = tpu.memref_slice %arg20[%dma_start3A_205] : memref<4096xf32, #tpu.memory_space<vmem>> -> memref<128xf32, #tpu.memory_space<vmem>>
    %dma_start3A_207 = tpu.memref_slice %arg22[%add3A_201] : memref<69632xf32, #tpu.memory_space<vmem_shared>> -> memref<128xf32, #tpu.memory_space<vmem_shared>>
    tpu.enqueue_dma source(%dma_start3A_207 : memref<128xf32, #tpu.memory_space<vmem_shared>>) target(%dma_start3A_206 : memref<128xf32, #tpu.memory_space<vmem>>) target_semaphore(%arg21 : memref<!tpu.dma_semaphore, #tpu.memory_space<semaphore_mem>>)
    %add3A_208 = arith.constant 32640 : i32
    %add3A_209 = arith.addi %add3A_208, %mul3A_87 : i32
    %dma_start3A_210 = arith.constant 2944 : i32
    %dma_start3A_211 = tpu.memref_slice %arg20[%dma_start3A_210] : memref<4096xf32, #tpu.memory_space<vmem>> -> memref<128xf32, #tpu.memory_space<vmem>>
    %dma_start3A_212 = tpu.memref_slice %arg22[%add3A_209] : memref<69632xf32, #tpu.memory_space<vmem_shared>> -> memref<128xf32, #tpu.memory_space<vmem_shared>>
    %dma_start3A_213 = arith.constant 2944 : i32
    %dma_start3A_214 = tpu.memref_slice %arg20[%dma_start3A_213] : memref<4096xf32, #tpu.memory_space<vmem>> -> memref<128xf32, #tpu.memory_space<vmem>>
    %dma_start3A_215 = tpu.memref_slice %arg22[%add3A_209] : memref<69632xf32, #tpu.memory_space<vmem_shared>> -> memref<128xf32, #tpu.memory_space<vmem_shared>>
    tpu.enqueue_dma source(%dma_start3A_215 : memref<128xf32, #tpu.memory_space<vmem_shared>>) target(%dma_start3A_214 : memref<128xf32, #tpu.memory_space<vmem>>) target_semaphore(%arg21 : memref<!tpu.dma_semaphore, #tpu.memory_space<semaphore_mem>>)
    %add3A_216 = arith.constant 34816 : i32
    %add3A_217 = arith.addi %add3A_216, %mul3A_87 : i32
    %dma_start3A_218 = arith.constant 1024 : i32
    %dma_start3A_219 = tpu.memref_slice %arg20[%dma_start3A_218] : memref<4096xf32, #tpu.memory_space<vmem>> -> memref<128xf32, #tpu.memory_space<vmem>>
    %dma_start3A_220 = tpu.memref_slice %arg22[%add3A_217] : memref<69632xf32, #tpu.memory_space<vmem_shared>> -> memref<128xf32, #tpu.memory_space<vmem_shared>>
    %dma_start3A_221 = arith.constant 1024 : i32
    %dma_start3A_222 = tpu.memref_slice %arg20[%dma_start3A_221] : memref<4096xf32, #tpu.memory_space<vmem>> -> memref<128xf32, #tpu.memory_space<vmem>>
    %dma_start3A_223 = tpu.memref_slice %arg22[%add3A_217] : memref<69632xf32, #tpu.memory_space<vmem_shared>> -> memref<128xf32, #tpu.memory_space<vmem_shared>>
    tpu.enqueue_dma source(%dma_start3A_223 : memref<128xf32, #tpu.memory_space<vmem_shared>>) target(%dma_start3A_222 : memref<128xf32, #tpu.memory_space<vmem>>) target_semaphore(%arg21 : memref<!tpu.dma_semaphore, #tpu.memory_space<semaphore_mem>>)
    %add3A_224 = arith.constant 36992 : i32
    %add3A_225 = arith.addi %add3A_224, %mul3A_87 : i32
    %dma_start3A_226 = arith.constant 3072 : i32
    %dma_start3A_227 = tpu.memref_slice %arg20[%dma_start3A_226] : memref<4096xf32, #tpu.memory_space<vmem>> -> memref<128xf32, #tpu.memory_space<vmem>>
    %dma_start3A_228 = tpu.memref_slice %arg22[%add3A_225] : memref<69632xf32, #tpu.memory_space<vmem_shared>> -> memref<128xf32, #tpu.memory_space<vmem_shared>>
    %dma_start3A_229 = arith.constant 3072 : i32
    %dma_start3A_230 = tpu.memref_slice %arg20[%dma_start3A_229] : memref<4096xf32, #tpu.memory_space<vmem>> -> memref<128xf32, #tpu.memory_space<vmem>>
    %dma_start3A_231 = tpu.memref_slice %arg22[%add3A_225] : memref<69632xf32, #tpu.memory_space<vmem_shared>> -> memref<128xf32, #tpu.memory_space<vmem_shared>>
    tpu.enqueue_dma source(%dma_start3A_231 : memref<128xf32, #tpu.memory_space<vmem_shared>>) target(%dma_start3A_230 : memref<128xf32, #tpu.memory_space<vmem>>) target_semaphore(%arg21 : memref<!tpu.dma_semaphore, #tpu.memory_space<semaphore_mem>>)
    %add3A_232 = arith.constant 39168 : i32
    %add3A_233 = arith.addi %add3A_232, %mul3A_87 : i32
    %dma_start3A_234 = arith.constant 1152 : i32
    %dma_start3A_235 = tpu.memref_slice %arg20[%dma_start3A_234] : memref<4096xf32, #tpu.memory_space<vmem>> -> memref<128xf32, #tpu.memory_space<vmem>>
    %dma_start3A_236 = tpu.memref_slice %arg22[%add3A_233] : memref<69632xf32, #tpu.memory_space<vmem_shared>> -> memref<128xf32, #tpu.memory_space<vmem_shared>>
    %dma_start3A_237 = arith.constant 1152 : i32
    %dma_start3A_238 = tpu.memref_slice %arg20[%dma_start3A_237] : memref<4096xf32, #tpu.memory_space<vmem>> -> memref<128xf32, #tpu.memory_space<vmem>>
    %dma_start3A_239 = tpu.memref_slice %arg22[%add3A_233] : memref<69632xf32, #tpu.memory_space<vmem_shared>> -> memref<128xf32, #tpu.memory_space<vmem_shared>>
    tpu.enqueue_dma source(%dma_start3A_239 : memref<128xf32, #tpu.memory_space<vmem_shared>>) target(%dma_start3A_238 : memref<128xf32, #tpu.memory_space<vmem>>) target_semaphore(%arg21 : memref<!tpu.dma_semaphore, #tpu.memory_space<semaphore_mem>>)
    %add3A_240 = arith.constant 41344 : i32
    %add3A_241 = arith.addi %add3A_240, %mul3A_87 : i32
    %dma_start3A_242 = arith.constant 3200 : i32
    %dma_start3A_243 = tpu.memref_slice %arg20[%dma_start3A_242] : memref<4096xf32, #tpu.memory_space<vmem>> -> memref<128xf32, #tpu.memory_space<vmem>>
    %dma_start3A_244 = tpu.memref_slice %arg22[%add3A_241] : memref<69632xf32, #tpu.memory_space<vmem_shared>> -> memref<128xf32, #tpu.memory_space<vmem_shared>>
    %dma_start3A_245 = arith.constant 3200 : i32
    %dma_start3A_246 = tpu.memref_slice %arg20[%dma_start3A_245] : memref<4096xf32, #tpu.memory_space<vmem>> -> memref<128xf32, #tpu.memory_space<vmem>>
    %dma_start3A_247 = tpu.memref_slice %arg22[%add3A_241] : memref<69632xf32, #tpu.memory_space<vmem_shared>> -> memref<128xf32, #tpu.memory_space<vmem_shared>>
    tpu.enqueue_dma source(%dma_start3A_247 : memref<128xf32, #tpu.memory_space<vmem_shared>>) target(%dma_start3A_246 : memref<128xf32, #tpu.memory_space<vmem>>) target_semaphore(%arg21 : memref<!tpu.dma_semaphore, #tpu.memory_space<semaphore_mem>>)
    %add3A_248 = arith.constant 43520 : i32
    %add3A_249 = arith.addi %add3A_248, %mul3A_87 : i32
    %dma_start3A_250 = arith.constant 1280 : i32
    %dma_start3A_251 = tpu.memref_slice %arg20[%dma_start3A_250] : memref<4096xf32, #tpu.memory_space<vmem>> -> memref<128xf32, #tpu.memory_space<vmem>>
    %dma_start3A_252 = tpu.memref_slice %arg22[%add3A_249] : memref<69632xf32, #tpu.memory_space<vmem_shared>> -> memref<128xf32, #tpu.memory_space<vmem_shared>>
    %dma_start3A_253 = arith.constant 1280 : i32
    %dma_start3A_254 = tpu.memref_slice %arg20[%dma_start3A_253] : memref<4096xf32, #tpu.memory_space<vmem>> -> memref<128xf32, #tpu.memory_space<vmem>>
    %dma_start3A_255 = tpu.memref_slice %arg22[%add3A_249] : memref<69632xf32, #tpu.memory_space<vmem_shared>> -> memref<128xf32, #tpu.memory_space<vmem_shared>>
    tpu.enqueue_dma source(%dma_start3A_255 : memref<128xf32, #tpu.memory_space<vmem_shared>>) target(%dma_start3A_254 : memref<128xf32, #tpu.memory_space<vmem>>) target_semaphore(%arg21 : memref<!tpu.dma_semaphore, #tpu.memory_space<semaphore_mem>>)
    %add3A_256 = arith.constant 45696 : i32
    %add3A_257 = arith.addi %add3A_256, %mul3A_87 : i32
    %dma_start3A_258 = arith.constant 3328 : i32
    %dma_start3A_259 = tpu.memref_slice %arg20[%dma_start3A_258] : memref<4096xf32, #tpu.memory_space<vmem>> -> memref<128xf32, #tpu.memory_space<vmem>>
    %dma_start3A_260 = tpu.memref_slice %arg22[%add3A_257] : memref<69632xf32, #tpu.memory_space<vmem_shared>> -> memref<128xf32, #tpu.memory_space<vmem_shared>>
    %dma_start3A_261 = arith.constant 3328 : i32
    %dma_start3A_262 = tpu.memref_slice %arg20[%dma_start3A_261] : memref<4096xf32, #tpu.memory_space<vmem>> -> memref<128xf32, #tpu.memory_space<vmem>>
    %dma_start3A_263 = tpu.memref_slice %arg22[%add3A_257] : memref<69632xf32, #tpu.memory_space<vmem_shared>> -> memref<128xf32, #tpu.memory_space<vmem_shared>>
    tpu.enqueue_dma source(%dma_start3A_263 : memref<128xf32, #tpu.memory_space<vmem_shared>>) target(%dma_start3A_262 : memref<128xf32, #tpu.memory_space<vmem>>) target_semaphore(%arg21 : memref<!tpu.dma_semaphore, #tpu.memory_space<semaphore_mem>>)
    %add3A_264 = arith.constant 47872 : i32
    %add3A_265 = arith.addi %add3A_264, %mul3A_87 : i32
    %dma_start3A_266 = arith.constant 1408 : i32
    %dma_start3A_267 = tpu.memref_slice %arg20[%dma_start3A_266] : memref<4096xf32, #tpu.memory_space<vmem>> -> memref<128xf32, #tpu.memory_space<vmem>>
    %dma_start3A_268 = tpu.memref_slice %arg22[%add3A_265] : memref<69632xf32, #tpu.memory_space<vmem_shared>> -> memref<128xf32, #tpu.memory_space<vmem_shared>>
    %dma_start3A_269 = arith.constant 1408 : i32
    %dma_start3A_270 = tpu.memref_slice %arg20[%dma_start3A_269] : memref<4096xf32, #tpu.memory_space<vmem>> -> memref<128xf32, #tpu.memory_space<vmem>>
    %dma_start3A_271 = tpu.memref_slice %arg22[%add3A_265] : memref<69632xf32, #tpu.memory_space<vmem_shared>> -> memref<128xf32, #tpu.memory_space<vmem_shared>>
    tpu.enqueue_dma source(%dma_start3A_271 : memref<128xf32, #tpu.memory_space<vmem_shared>>) target(%dma_start3A_270 : memref<128xf32, #tpu.memory_space<vmem>>) target_semaphore(%arg21 : memref<!tpu.dma_semaphore, #tpu.memory_space<semaphore_mem>>)
    %add3A_272 = arith.constant 50048 : i32
    %add3A_273 = arith.addi %add3A_272, %mul3A_87 : i32
    %dma_start3A_274 = arith.constant 3456 : i32
    %dma_start3A_275 = tpu.memref_slice %arg20[%dma_start3A_274] : memref<4096xf32, #tpu.memory_space<vmem>> -> memref<128xf32, #tpu.memory_space<vmem>>
    %dma_start3A_276 = tpu.memref_slice %arg22[%add3A_273] : memref<69632xf32, #tpu.memory_space<vmem_shared>> -> memref<128xf32, #tpu.memory_space<vmem_shared>>
    %dma_start3A_277 = arith.constant 3456 : i32
    %dma_start3A_278 = tpu.memref_slice %arg20[%dma_start3A_277] : memref<4096xf32, #tpu.memory_space<vmem>> -> memref<128xf32, #tpu.memory_space<vmem>>
    %dma_start3A_279 = tpu.memref_slice %arg22[%add3A_273] : memref<69632xf32, #tpu.memory_space<vmem_shared>> -> memref<128xf32, #tpu.memory_space<vmem_shared>>
    tpu.enqueue_dma source(%dma_start3A_279 : memref<128xf32, #tpu.memory_space<vmem_shared>>) target(%dma_start3A_278 : memref<128xf32, #tpu.memory_space<vmem>>) target_semaphore(%arg21 : memref<!tpu.dma_semaphore, #tpu.memory_space<semaphore_mem>>)
    %add3A_280 = arith.constant 52224 : i32
    %add3A_281 = arith.addi %add3A_280, %mul3A_87 : i32
    %dma_start3A_282 = arith.constant 1536 : i32
    %dma_start3A_283 = tpu.memref_slice %arg20[%dma_start3A_282] : memref<4096xf32, #tpu.memory_space<vmem>> -> memref<128xf32, #tpu.memory_space<vmem>>
    %dma_start3A_284 = tpu.memref_slice %arg22[%add3A_281] : memref<69632xf32, #tpu.memory_space<vmem_shared>> -> memref<128xf32, #tpu.memory_space<vmem_shared>>
    %dma_start3A_285 = arith.constant 1536 : i32
    %dma_start3A_286 = tpu.memref_slice %arg20[%dma_start3A_285] : memref<4096xf32, #tpu.memory_space<vmem>> -> memref<128xf32, #tpu.memory_space<vmem>>
    %dma_start3A_287 = tpu.memref_slice %arg22[%add3A_281] : memref<69632xf32, #tpu.memory_space<vmem_shared>> -> memref<128xf32, #tpu.memory_space<vmem_shared>>
    tpu.enqueue_dma source(%dma_start3A_287 : memref<128xf32, #tpu.memory_space<vmem_shared>>) target(%dma_start3A_286 : memref<128xf32, #tpu.memory_space<vmem>>) target_semaphore(%arg21 : memref<!tpu.dma_semaphore, #tpu.memory_space<semaphore_mem>>)
    %add3A_288 = arith.constant 54400 : i32
    %add3A_289 = arith.addi %add3A_288, %mul3A_87 : i32
    %dma_start3A_290 = arith.constant 3584 : i32
    %dma_start3A_291 = tpu.memref_slice %arg20[%dma_start3A_290] : memref<4096xf32, #tpu.memory_space<vmem>> -> memref<128xf32, #tpu.memory_space<vmem>>
    %dma_start3A_292 = tpu.memref_slice %arg22[%add3A_289] : memref<69632xf32, #tpu.memory_space<vmem_shared>> -> memref<128xf32, #tpu.memory_space<vmem_shared>>
    %dma_start3A_293 = arith.constant 3584 : i32
    %dma_start3A_294 = tpu.memref_slice %arg20[%dma_start3A_293] : memref<4096xf32, #tpu.memory_space<vmem>> -> memref<128xf32, #tpu.memory_space<vmem>>
    %dma_start3A_295 = tpu.memref_slice %arg22[%add3A_289] : memref<69632xf32, #tpu.memory_space<vmem_shared>> -> memref<128xf32, #tpu.memory_space<vmem_shared>>
    tpu.enqueue_dma source(%dma_start3A_295 : memref<128xf32, #tpu.memory_space<vmem_shared>>) target(%dma_start3A_294 : memref<128xf32, #tpu.memory_space<vmem>>) target_semaphore(%arg21 : memref<!tpu.dma_semaphore, #tpu.memory_space<semaphore_mem>>)
    %add3A_296 = arith.constant 56576 : i32
    %add3A_297 = arith.addi %add3A_296, %mul3A_87 : i32
    %dma_start3A_298 = arith.constant 1664 : i32
    %dma_start3A_299 = tpu.memref_slice %arg20[%dma_start3A_298] : memref<4096xf32, #tpu.memory_space<vmem>> -> memref<128xf32, #tpu.memory_space<vmem>>
    %dma_start3A_300 = tpu.memref_slice %arg22[%add3A_297] : memref<69632xf32, #tpu.memory_space<vmem_shared>> -> memref<128xf32, #tpu.memory_space<vmem_shared>>
    %dma_start3A_301 = arith.constant 1664 : i32
    %dma_start3A_302 = tpu.memref_slice %arg20[%dma_start3A_301] : memref<4096xf32, #tpu.memory_space<vmem>> -> memref<128xf32, #tpu.memory_space<vmem>>
    %dma_start3A_303 = tpu.memref_slice %arg22[%add3A_297] : memref<69632xf32, #tpu.memory_space<vmem_shared>> -> memref<128xf32, #tpu.memory_space<vmem_shared>>
    tpu.enqueue_dma source(%dma_start3A_303 : memref<128xf32, #tpu.memory_space<vmem_shared>>) target(%dma_start3A_302 : memref<128xf32, #tpu.memory_space<vmem>>) target_semaphore(%arg21 : memref<!tpu.dma_semaphore, #tpu.memory_space<semaphore_mem>>)
    %add3A_304 = arith.constant 58752 : i32
    %add3A_305 = arith.addi %add3A_304, %mul3A_87 : i32
    %dma_start3A_306 = arith.constant 3712 : i32
    %dma_start3A_307 = tpu.memref_slice %arg20[%dma_start3A_306] : memref<4096xf32, #tpu.memory_space<vmem>> -> memref<128xf32, #tpu.memory_space<vmem>>
    %dma_start3A_308 = tpu.memref_slice %arg22[%add3A_305] : memref<69632xf32, #tpu.memory_space<vmem_shared>> -> memref<128xf32, #tpu.memory_space<vmem_shared>>
    %dma_start3A_309 = arith.constant 3712 : i32
    %dma_start3A_310 = tpu.memref_slice %arg20[%dma_start3A_309] : memref<4096xf32, #tpu.memory_space<vmem>> -> memref<128xf32, #tpu.memory_space<vmem>>
    %dma_start3A_311 = tpu.memref_slice %arg22[%add3A_305] : memref<69632xf32, #tpu.memory_space<vmem_shared>> -> memref<128xf32, #tpu.memory_space<vmem_shared>>
    tpu.enqueue_dma source(%dma_start3A_311 : memref<128xf32, #tpu.memory_space<vmem_shared>>) target(%dma_start3A_310 : memref<128xf32, #tpu.memory_space<vmem>>) target_semaphore(%arg21 : memref<!tpu.dma_semaphore, #tpu.memory_space<semaphore_mem>>)
    %add3A_312 = arith.constant 60928 : i32
    %add3A_313 = arith.addi %add3A_312, %mul3A_87 : i32
    %dma_start3A_314 = arith.constant 1792 : i32
    %dma_start3A_315 = tpu.memref_slice %arg20[%dma_start3A_314] : memref<4096xf32, #tpu.memory_space<vmem>> -> memref<128xf32, #tpu.memory_space<vmem>>
    %dma_start3A_316 = tpu.memref_slice %arg22[%add3A_313] : memref<69632xf32, #tpu.memory_space<vmem_shared>> -> memref<128xf32, #tpu.memory_space<vmem_shared>>
    %dma_start3A_317 = arith.constant 1792 : i32
    %dma_start3A_318 = tpu.memref_slice %arg20[%dma_start3A_317] : memref<4096xf32, #tpu.memory_space<vmem>> -> memref<128xf32, #tpu.memory_space<vmem>>
    %dma_start3A_319 = tpu.memref_slice %arg22[%add3A_313] : memref<69632xf32, #tpu.memory_space<vmem_shared>> -> memref<128xf32, #tpu.memory_space<vmem_shared>>
    tpu.enqueue_dma source(%dma_start3A_319 : memref<128xf32, #tpu.memory_space<vmem_shared>>) target(%dma_start3A_318 : memref<128xf32, #tpu.memory_space<vmem>>) target_semaphore(%arg21 : memref<!tpu.dma_semaphore, #tpu.memory_space<semaphore_mem>>)
    %add3A_320 = arith.constant 63104 : i32
    %add3A_321 = arith.addi %add3A_320, %mul3A_87 : i32
    %dma_start3A_322 = arith.constant 3840 : i32
    %dma_start3A_323 = tpu.memref_slice %arg20[%dma_start3A_322] : memref<4096xf32, #tpu.memory_space<vmem>> -> memref<128xf32, #tpu.memory_space<vmem>>
    %dma_start3A_324 = tpu.memref_slice %arg22[%add3A_321] : memref<69632xf32, #tpu.memory_space<vmem_shared>> -> memref<128xf32, #tpu.memory_space<vmem_shared>>
    %dma_start3A_325 = arith.constant 3840 : i32
    %dma_start3A_326 = tpu.memref_slice %arg20[%dma_start3A_325] : memref<4096xf32, #tpu.memory_space<vmem>> -> memref<128xf32, #tpu.memory_space<vmem>>
    %dma_start3A_327 = tpu.memref_slice %arg22[%add3A_321] : memref<69632xf32, #tpu.memory_space<vmem_shared>> -> memref<128xf32, #tpu.memory_space<vmem_shared>>
    tpu.enqueue_dma source(%dma_start3A_327 : memref<128xf32, #tpu.memory_space<vmem_shared>>) target(%dma_start3A_326 : memref<128xf32, #tpu.memory_space<vmem>>) target_semaphore(%arg21 : memref<!tpu.dma_semaphore, #tpu.memory_space<semaphore_mem>>)
    %add3A_328 = arith.constant 65280 : i32
    %add3A_329 = arith.addi %add3A_328, %mul3A_87 : i32
    %dma_start3A_330 = arith.constant 1920 : i32
    %dma_start3A_331 = tpu.memref_slice %arg20[%dma_start3A_330] : memref<4096xf32, #tpu.memory_space<vmem>> -> memref<128xf32, #tpu.memory_space<vmem>>
    %dma_start3A_332 = tpu.memref_slice %arg22[%add3A_329] : memref<69632xf32, #tpu.memory_space<vmem_shared>> -> memref<128xf32, #tpu.memory_space<vmem_shared>>
    %dma_start3A_333 = arith.constant 1920 : i32
    %dma_start3A_334 = tpu.memref_slice %arg20[%dma_start3A_333] : memref<4096xf32, #tpu.memory_space<vmem>> -> memref<128xf32, #tpu.memory_space<vmem>>
    %dma_start3A_335 = tpu.memref_slice %arg22[%add3A_329] : memref<69632xf32, #tpu.memory_space<vmem_shared>> -> memref<128xf32, #tpu.memory_space<vmem_shared>>
    tpu.enqueue_dma source(%dma_start3A_335 : memref<128xf32, #tpu.memory_space<vmem_shared>>) target(%dma_start3A_334 : memref<128xf32, #tpu.memory_space<vmem>>) target_semaphore(%arg21 : memref<!tpu.dma_semaphore, #tpu.memory_space<semaphore_mem>>)
    %add3A_336 = arith.constant 67456 : i32
    %add3A_337 = arith.addi %add3A_336, %mul3A_87 : i32
    %dma_start3A_338 = arith.constant 3968 : i32
    %dma_start3A_339 = tpu.memref_slice %arg20[%dma_start3A_338] : memref<4096xf32, #tpu.memory_space<vmem>> -> memref<128xf32, #tpu.memory_space<vmem>>
    %dma_start3A_340 = tpu.memref_slice %arg22[%add3A_337] : memref<69632xf32, #tpu.memory_space<vmem_shared>> -> memref<128xf32, #tpu.memory_space<vmem_shared>>
    %dma_start3A_341 = arith.constant 3968 : i32
    %dma_start3A_342 = tpu.memref_slice %arg20[%dma_start3A_341] : memref<4096xf32, #tpu.memory_space<vmem>> -> memref<128xf32, #tpu.memory_space<vmem>>
    %dma_start3A_343 = tpu.memref_slice %arg22[%add3A_337] : memref<69632xf32, #tpu.memory_space<vmem_shared>> -> memref<128xf32, #tpu.memory_space<vmem_shared>>
    tpu.enqueue_dma source(%dma_start3A_343 : memref<128xf32, #tpu.memory_space<vmem_shared>>) target(%dma_start3A_342 : memref<128xf32, #tpu.memory_space<vmem>>) target_semaphore(%arg21 : memref<!tpu.dma_semaphore, #tpu.memory_space<semaphore_mem>>)
    %dma_wait3A_344 = arith.constant 0 : i32
    %dma_wait3A_345 = tpu.memref_slice %arg20[%dma_wait3A_344] : memref<4096xf32, #tpu.memory_space<vmem>> -> memref<128xf32, #tpu.memory_space<vmem>>
    %dma_wait3A_346 = tpu.memref_slice %arg22[%add3A_89] : memref<69632xf32, #tpu.memory_space<vmem_shared>> -> memref<128xf32, #tpu.memory_space<vmem_shared>>
    %dma_wait3A_347 = arith.constant 0 : i32
    %dma_wait3A_348 = tpu.memref_slice %arg20[%dma_wait3A_347] : memref<4096xf32, #tpu.memory_space<vmem>> -> memref<128xf32, #tpu.memory_space<vmem>>
    %dma_wait3A_349 = tpu.memref_slice %arg22[%add3A_89] : memref<69632xf32, #tpu.memory_space<vmem_shared>> -> memref<128xf32, #tpu.memory_space<vmem_shared>>
    tpu.wait_dma2 semaphore(%arg21 : memref<!tpu.dma_semaphore, #tpu.memory_space<semaphore_mem>>) src(%dma_wait3A_349 : memref<128xf32, #tpu.memory_space<vmem_shared>>) dst(%dma_wait3A_348 : memref<128xf32, #tpu.memory_space<vmem>>)
    %dma_wait3A_350 = arith.constant 2048 : i32
    %dma_wait3A_351 = tpu.memref_slice %arg20[%dma_wait3A_350] : memref<4096xf32, #tpu.memory_space<vmem>> -> memref<128xf32, #tpu.memory_space<vmem>>
    %dma_wait3A_352 = tpu.memref_slice %arg22[%add3A_97] : memref<69632xf32, #tpu.memory_space<vmem_shared>> -> memref<128xf32, #tpu.memory_space<vmem_shared>>
    %dma_wait3A_353 = arith.constant 2048 : i32
    %dma_wait3A_354 = tpu.memref_slice %arg20[%dma_wait3A_353] : memref<4096xf32, #tpu.memory_space<vmem>> -> memref<128xf32, #tpu.memory_space<vmem>>
    %dma_wait3A_355 = tpu.memref_slice %arg22[%add3A_97] : memref<69632xf32, #tpu.memory_space<vmem_shared>> -> memref<128xf32, #tpu.memory_space<vmem_shared>>
    tpu.wait_dma2 semaphore(%arg21 : memref<!tpu.dma_semaphore, #tpu.memory_space<semaphore_mem>>) src(%dma_wait3A_355 : memref<128xf32, #tpu.memory_space<vmem_shared>>) dst(%dma_wait3A_354 : memref<128xf32, #tpu.memory_space<vmem>>)
    %dma_wait3A_356 = arith.constant 128 : i32
    %dma_wait3A_357 = tpu.memref_slice %arg20[%dma_wait3A_356] : memref<4096xf32, #tpu.memory_space<vmem>> -> memref<128xf32, #tpu.memory_space<vmem>>
    %dma_wait3A_358 = tpu.memref_slice %arg22[%add3A_105] : memref<69632xf32, #tpu.memory_space<vmem_shared>> -> memref<128xf32, #tpu.memory_space<vmem_shared>>
    %dma_wait3A_359 = arith.constant 128 : i32
    %dma_wait3A_360 = tpu.memref_slice %arg20[%dma_wait3A_359] : memref<4096xf32, #tpu.memory_space<vmem>> -> memref<128xf32, #tpu.memory_space<vmem>>
    %dma_wait3A_361 = tpu.memref_slice %arg22[%add3A_105] : memref<69632xf32, #tpu.memory_space<vmem_shared>> -> memref<128xf32, #tpu.memory_space<vmem_shared>>
    tpu.wait_dma2 semaphore(%arg21 : memref<!tpu.dma_semaphore, #tpu.memory_space<semaphore_mem>>) src(%dma_wait3A_361 : memref<128xf32, #tpu.memory_space<vmem_shared>>) dst(%dma_wait3A_360 : memref<128xf32, #tpu.memory_space<vmem>>)
    %dma_wait3A_362 = arith.constant 2176 : i32
    %dma_wait3A_363 = tpu.memref_slice %arg20[%dma_wait3A_362] : memref<4096xf32, #tpu.memory_space<vmem>> -> memref<128xf32, #tpu.memory_space<vmem>>
    %dma_wait3A_364 = tpu.memref_slice %arg22[%add3A_113] : memref<69632xf32, #tpu.memory_space<vmem_shared>> -> memref<128xf32, #tpu.memory_space<vmem_shared>>
    %dma_wait3A_365 = arith.constant 2176 : i32
    %dma_wait3A_366 = tpu.memref_slice %arg20[%dma_wait3A_365] : memref<4096xf32, #tpu.memory_space<vmem>> -> memref<128xf32, #tpu.memory_space<vmem>>
    %dma_wait3A_367 = tpu.memref_slice %arg22[%add3A_113] : memref<69632xf32, #tpu.memory_space<vmem_shared>> -> memref<128xf32, #tpu.memory_space<vmem_shared>>
    tpu.wait_dma2 semaphore(%arg21 : memref<!tpu.dma_semaphore, #tpu.memory_space<semaphore_mem>>) src(%dma_wait3A_367 : memref<128xf32, #tpu.memory_space<vmem_shared>>) dst(%dma_wait3A_366 : memref<128xf32, #tpu.memory_space<vmem>>)
    %dma_wait3A_368 = arith.constant 256 : i32
    %dma_wait3A_369 = tpu.memref_slice %arg20[%dma_wait3A_368] : memref<4096xf32, #tpu.memory_space<vmem>> -> memref<128xf32, #tpu.memory_space<vmem>>
    %dma_wait3A_370 = tpu.memref_slice %arg22[%add3A_121] : memref<69632xf32, #tpu.memory_space<vmem_shared>> -> memref<128xf32, #tpu.memory_space<vmem_shared>>
    %dma_wait3A_371 = arith.constant 256 : i32
    %dma_wait3A_372 = tpu.memref_slice %arg20[%dma_wait3A_371] : memref<4096xf32, #tpu.memory_space<vmem>> -> memref<128xf32, #tpu.memory_space<vmem>>
    %dma_wait3A_373 = tpu.memref_slice %arg22[%add3A_121] : memref<69632xf32, #tpu.memory_space<vmem_shared>> -> memref<128xf32, #tpu.memory_space<vmem_shared>>
    tpu.wait_dma2 semaphore(%arg21 : memref<!tpu.dma_semaphore, #tpu.memory_space<semaphore_mem>>) src(%dma_wait3A_373 : memref<128xf32, #tpu.memory_space<vmem_shared>>) dst(%dma_wait3A_372 : memref<128xf32, #tpu.memory_space<vmem>>)
    %dma_wait3A_374 = arith.constant 2304 : i32
    %dma_wait3A_375 = tpu.memref_slice %arg20[%dma_wait3A_374] : memref<4096xf32, #tpu.memory_space<vmem>> -> memref<128xf32, #tpu.memory_space<vmem>>
    %dma_wait3A_376 = tpu.memref_slice %arg22[%add3A_129] : memref<69632xf32, #tpu.memory_space<vmem_shared>> -> memref<128xf32, #tpu.memory_space<vmem_shared>>
    %dma_wait3A_377 = arith.constant 2304 : i32
    %dma_wait3A_378 = tpu.memref_slice %arg20[%dma_wait3A_377] : memref<4096xf32, #tpu.memory_space<vmem>> -> memref<128xf32, #tpu.memory_space<vmem>>
    %dma_wait3A_379 = tpu.memref_slice %arg22[%add3A_129] : memref<69632xf32, #tpu.memory_space<vmem_shared>> -> memref<128xf32, #tpu.memory_space<vmem_shared>>
    tpu.wait_dma2 semaphore(%arg21 : memref<!tpu.dma_semaphore, #tpu.memory_space<semaphore_mem>>) src(%dma_wait3A_379 : memref<128xf32, #tpu.memory_space<vmem_shared>>) dst(%dma_wait3A_378 : memref<128xf32, #tpu.memory_space<vmem>>)
    %dma_wait3A_380 = arith.constant 384 : i32
    %dma_wait3A_381 = tpu.memref_slice %arg20[%dma_wait3A_380] : memref<4096xf32, #tpu.memory_space<vmem>> -> memref<128xf32, #tpu.memory_space<vmem>>
    %dma_wait3A_382 = tpu.memref_slice %arg22[%add3A_137] : memref<69632xf32, #tpu.memory_space<vmem_shared>> -> memref<128xf32, #tpu.memory_space<vmem_shared>>
    %dma_wait3A_383 = arith.constant 384 : i32
    %dma_wait3A_384 = tpu.memref_slice %arg20[%dma_wait3A_383] : memref<4096xf32, #tpu.memory_space<vmem>> -> memref<128xf32, #tpu.memory_space<vmem>>
    %dma_wait3A_385 = tpu.memref_slice %arg22[%add3A_137] : memref<69632xf32, #tpu.memory_space<vmem_shared>> -> memref<128xf32, #tpu.memory_space<vmem_shared>>
    tpu.wait_dma2 semaphore(%arg21 : memref<!tpu.dma_semaphore, #tpu.memory_space<semaphore_mem>>) src(%dma_wait3A_385 : memref<128xf32, #tpu.memory_space<vmem_shared>>) dst(%dma_wait3A_384 : memref<128xf32, #tpu.memory_space<vmem>>)
    %dma_wait3A_386 = arith.constant 2432 : i32
    %dma_wait3A_387 = tpu.memref_slice %arg20[%dma_wait3A_386] : memref<4096xf32, #tpu.memory_space<vmem>> -> memref<128xf32, #tpu.memory_space<vmem>>
    %dma_wait3A_388 = tpu.memref_slice %arg22[%add3A_145] : memref<69632xf32, #tpu.memory_space<vmem_shared>> -> memref<128xf32, #tpu.memory_space<vmem_shared>>
    %dma_wait3A_389 = arith.constant 2432 : i32
    %dma_wait3A_390 = tpu.memref_slice %arg20[%dma_wait3A_389] : memref<4096xf32, #tpu.memory_space<vmem>> -> memref<128xf32, #tpu.memory_space<vmem>>
    %dma_wait3A_391 = tpu.memref_slice %arg22[%add3A_145] : memref<69632xf32, #tpu.memory_space<vmem_shared>> -> memref<128xf32, #tpu.memory_space<vmem_shared>>
    tpu.wait_dma2 semaphore(%arg21 : memref<!tpu.dma_semaphore, #tpu.memory_space<semaphore_mem>>) src(%dma_wait3A_391 : memref<128xf32, #tpu.memory_space<vmem_shared>>) dst(%dma_wait3A_390 : memref<128xf32, #tpu.memory_space<vmem>>)
    %dma_wait3A_392 = arith.constant 512 : i32
    %dma_wait3A_393 = tpu.memref_slice %arg20[%dma_wait3A_392] : memref<4096xf32, #tpu.memory_space<vmem>> -> memref<128xf32, #tpu.memory_space<vmem>>
    %dma_wait3A_394 = tpu.memref_slice %arg22[%add3A_153] : memref<69632xf32, #tpu.memory_space<vmem_shared>> -> memref<128xf32, #tpu.memory_space<vmem_shared>>
    %dma_wait3A_395 = arith.constant 512 : i32
    %dma_wait3A_396 = tpu.memref_slice %arg20[%dma_wait3A_395] : memref<4096xf32, #tpu.memory_space<vmem>> -> memref<128xf32, #tpu.memory_space<vmem>>
    %dma_wait3A_397 = tpu.memref_slice %arg22[%add3A_153] : memref<69632xf32, #tpu.memory_space<vmem_shared>> -> memref<128xf32, #tpu.memory_space<vmem_shared>>
    tpu.wait_dma2 semaphore(%arg21 : memref<!tpu.dma_semaphore, #tpu.memory_space<semaphore_mem>>) src(%dma_wait3A_397 : memref<128xf32, #tpu.memory_space<vmem_shared>>) dst(%dma_wait3A_396 : memref<128xf32, #tpu.memory_space<vmem>>)
    %dma_wait3A_398 = arith.constant 2560 : i32
    %dma_wait3A_399 = tpu.memref_slice %arg20[%dma_wait3A_398] : memref<4096xf32, #tpu.memory_space<vmem>> -> memref<128xf32, #tpu.memory_space<vmem>>
    %dma_wait3A_400 = tpu.memref_slice %arg22[%add3A_161] : memref<69632xf32, #tpu.memory_space<vmem_shared>> -> memref<128xf32, #tpu.memory_space<vmem_shared>>
    %dma_wait3A_401 = arith.constant 2560 : i32
    %dma_wait3A_402 = tpu.memref_slice %arg20[%dma_wait3A_401] : memref<4096xf32, #tpu.memory_space<vmem>> -> memref<128xf32, #tpu.memory_space<vmem>>
    %dma_wait3A_403 = tpu.memref_slice %arg22[%add3A_161] : memref<69632xf32, #tpu.memory_space<vmem_shared>> -> memref<128xf32, #tpu.memory_space<vmem_shared>>
    tpu.wait_dma2 semaphore(%arg21 : memref<!tpu.dma_semaphore, #tpu.memory_space<semaphore_mem>>) src(%dma_wait3A_403 : memref<128xf32, #tpu.memory_space<vmem_shared>>) dst(%dma_wait3A_402 : memref<128xf32, #tpu.memory_space<vmem>>)
    %dma_wait3A_404 = arith.constant 640 : i32
    %dma_wait3A_405 = tpu.memref_slice %arg20[%dma_wait3A_404] : memref<4096xf32, #tpu.memory_space<vmem>> -> memref<128xf32, #tpu.memory_space<vmem>>
    %dma_wait3A_406 = tpu.memref_slice %arg22[%add3A_169] : memref<69632xf32, #tpu.memory_space<vmem_shared>> -> memref<128xf32, #tpu.memory_space<vmem_shared>>
    %dma_wait3A_407 = arith.constant 640 : i32
    %dma_wait3A_408 = tpu.memref_slice %arg20[%dma_wait3A_407] : memref<4096xf32, #tpu.memory_space<vmem>> -> memref<128xf32, #tpu.memory_space<vmem>>
    %dma_wait3A_409 = tpu.memref_slice %arg22[%add3A_169] : memref<69632xf32, #tpu.memory_space<vmem_shared>> -> memref<128xf32, #tpu.memory_space<vmem_shared>>
    tpu.wait_dma2 semaphore(%arg21 : memref<!tpu.dma_semaphore, #tpu.memory_space<semaphore_mem>>) src(%dma_wait3A_409 : memref<128xf32, #tpu.memory_space<vmem_shared>>) dst(%dma_wait3A_408 : memref<128xf32, #tpu.memory_space<vmem>>)
    %dma_wait3A_410 = arith.constant 2688 : i32
    %dma_wait3A_411 = tpu.memref_slice %arg20[%dma_wait3A_410] : memref<4096xf32, #tpu.memory_space<vmem>> -> memref<128xf32, #tpu.memory_space<vmem>>
    %dma_wait3A_412 = tpu.memref_slice %arg22[%add3A_177] : memref<69632xf32, #tpu.memory_space<vmem_shared>> -> memref<128xf32, #tpu.memory_space<vmem_shared>>
    %dma_wait3A_413 = arith.constant 2688 : i32
    %dma_wait3A_414 = tpu.memref_slice %arg20[%dma_wait3A_413] : memref<4096xf32, #tpu.memory_space<vmem>> -> memref<128xf32, #tpu.memory_space<vmem>>
    %dma_wait3A_415 = tpu.memref_slice %arg22[%add3A_177] : memref<69632xf32, #tpu.memory_space<vmem_shared>> -> memref<128xf32, #tpu.memory_space<vmem_shared>>
    tpu.wait_dma2 semaphore(%arg21 : memref<!tpu.dma_semaphore, #tpu.memory_space<semaphore_mem>>) src(%dma_wait3A_415 : memref<128xf32, #tpu.memory_space<vmem_shared>>) dst(%dma_wait3A_414 : memref<128xf32, #tpu.memory_space<vmem>>)
    %dma_wait3A_416 = arith.constant 768 : i32
    %dma_wait3A_417 = tpu.memref_slice %arg20[%dma_wait3A_416] : memref<4096xf32, #tpu.memory_space<vmem>> -> memref<128xf32, #tpu.memory_space<vmem>>
    %dma_wait3A_418 = tpu.memref_slice %arg22[%add3A_185] : memref<69632xf32, #tpu.memory_space<vmem_shared>> -> memref<128xf32, #tpu.memory_space<vmem_shared>>
    %dma_wait3A_419 = arith.constant 768 : i32
    %dma_wait3A_420 = tpu.memref_slice %arg20[%dma_wait3A_419] : memref<4096xf32, #tpu.memory_space<vmem>> -> memref<128xf32, #tpu.memory_space<vmem>>
    %dma_wait3A_421 = tpu.memref_slice %arg22[%add3A_185] : memref<69632xf32, #tpu.memory_space<vmem_shared>> -> memref<128xf32, #tpu.memory_space<vmem_shared>>
    tpu.wait_dma2 semaphore(%arg21 : memref<!tpu.dma_semaphore, #tpu.memory_space<semaphore_mem>>) src(%dma_wait3A_421 : memref<128xf32, #tpu.memory_space<vmem_shared>>) dst(%dma_wait3A_420 : memref<128xf32, #tpu.memory_space<vmem>>)
    %dma_wait3A_422 = arith.constant 2816 : i32
    %dma_wait3A_423 = tpu.memref_slice %arg20[%dma_wait3A_422] : memref<4096xf32, #tpu.memory_space<vmem>> -> memref<128xf32, #tpu.memory_space<vmem>>
    %dma_wait3A_424 = tpu.memref_slice %arg22[%add3A_193] : memref<69632xf32, #tpu.memory_space<vmem_shared>> -> memref<128xf32, #tpu.memory_space<vmem_shared>>
    %dma_wait3A_425 = arith.constant 2816 : i32
    %dma_wait3A_426 = tpu.memref_slice %arg20[%dma_wait3A_425] : memref<4096xf32, #tpu.memory_space<vmem>> -> memref<128xf32, #tpu.memory_space<vmem>>
    %dma_wait3A_427 = tpu.memref_slice %arg22[%add3A_193] : memref<69632xf32, #tpu.memory_space<vmem_shared>> -> memref<128xf32, #tpu.memory_space<vmem_shared>>
    tpu.wait_dma2 semaphore(%arg21 : memref<!tpu.dma_semaphore, #tpu.memory_space<semaphore_mem>>) src(%dma_wait3A_427 : memref<128xf32, #tpu.memory_space<vmem_shared>>) dst(%dma_wait3A_426 : memref<128xf32, #tpu.memory_space<vmem>>)
    %dma_wait3A_428 = arith.constant 896 : i32
    %dma_wait3A_429 = tpu.memref_slice %arg20[%dma_wait3A_428] : memref<4096xf32, #tpu.memory_space<vmem>> -> memref<128xf32, #tpu.memory_space<vmem>>
    %dma_wait3A_430 = tpu.memref_slice %arg22[%add3A_201] : memref<69632xf32, #tpu.memory_space<vmem_shared>> -> memref<128xf32, #tpu.memory_space<vmem_shared>>
    %dma_wait3A_431 = arith.constant 896 : i32
    %dma_wait3A_432 = tpu.memref_slice %arg20[%dma_wait3A_431] : memref<4096xf32, #tpu.memory_space<vmem>> -> memref<128xf32, #tpu.memory_space<vmem>>
    %dma_wait3A_433 = tpu.memref_slice %arg22[%add3A_201] : memref<69632xf32, #tpu.memory_space<vmem_shared>> -> memref<128xf32, #tpu.memory_space<vmem_shared>>
    tpu.wait_dma2 semaphore(%arg21 : memref<!tpu.dma_semaphore, #tpu.memory_space<semaphore_mem>>) src(%dma_wait3A_433 : memref<128xf32, #tpu.memory_space<vmem_shared>>) dst(%dma_wait3A_432 : memref<128xf32, #tpu.memory_space<vmem>>)
    %dma_wait3A_434 = arith.constant 2944 : i32
    %dma_wait3A_435 = tpu.memref_slice %arg20[%dma_wait3A_434] : memref<4096xf32, #tpu.memory_space<vmem>> -> memref<128xf32, #tpu.memory_space<vmem>>
    %dma_wait3A_436 = tpu.memref_slice %arg22[%add3A_209] : memref<69632xf32, #tpu.memory_space<vmem_shared>> -> memref<128xf32, #tpu.memory_space<vmem_shared>>
    %dma_wait3A_437 = arith.constant 2944 : i32
    %dma_wait3A_438 = tpu.memref_slice %arg20[%dma_wait3A_437] : memref<4096xf32, #tpu.memory_space<vmem>> -> memref<128xf32, #tpu.memory_space<vmem>>
    %dma_wait3A_439 = tpu.memref_slice %arg22[%add3A_209] : memref<69632xf32, #tpu.memory_space<vmem_shared>> -> memref<128xf32, #tpu.memory_space<vmem_shared>>
    tpu.wait_dma2 semaphore(%arg21 : memref<!tpu.dma_semaphore, #tpu.memory_space<semaphore_mem>>) src(%dma_wait3A_439 : memref<128xf32, #tpu.memory_space<vmem_shared>>) dst(%dma_wait3A_438 : memref<128xf32, #tpu.memory_space<vmem>>)
    %dma_wait3A_440 = arith.constant 1024 : i32
    %dma_wait3A_441 = tpu.memref_slice %arg20[%dma_wait3A_440] : memref<4096xf32, #tpu.memory_space<vmem>> -> memref<128xf32, #tpu.memory_space<vmem>>
    %dma_wait3A_442 = tpu.memref_slice %arg22[%add3A_217] : memref<69632xf32, #tpu.memory_space<vmem_shared>> -> memref<128xf32, #tpu.memory_space<vmem_shared>>
    %dma_wait3A_443 = arith.constant 1024 : i32
    %dma_wait3A_444 = tpu.memref_slice %arg20[%dma_wait3A_443] : memref<4096xf32, #tpu.memory_space<vmem>> -> memref<128xf32, #tpu.memory_space<vmem>>
    %dma_wait3A_445 = tpu.memref_slice %arg22[%add3A_217] : memref<69632xf32, #tpu.memory_space<vmem_shared>> -> memref<128xf32, #tpu.memory_space<vmem_shared>>
    tpu.wait_dma2 semaphore(%arg21 : memref<!tpu.dma_semaphore, #tpu.memory_space<semaphore_mem>>) src(%dma_wait3A_445 : memref<128xf32, #tpu.memory_space<vmem_shared>>) dst(%dma_wait3A_444 : memref<128xf32, #tpu.memory_space<vmem>>)
    %dma_wait3A_446 = arith.constant 3072 : i32
    %dma_wait3A_447 = tpu.memref_slice %arg20[%dma_wait3A_446] : memref<4096xf32, #tpu.memory_space<vmem>> -> memref<128xf32, #tpu.memory_space<vmem>>
    %dma_wait3A_448 = tpu.memref_slice %arg22[%add3A_225] : memref<69632xf32, #tpu.memory_space<vmem_shared>> -> memref<128xf32, #tpu.memory_space<vmem_shared>>
    %dma_wait3A_449 = arith.constant 3072 : i32
    %dma_wait3A_450 = tpu.memref_slice %arg20[%dma_wait3A_449] : memref<4096xf32, #tpu.memory_space<vmem>> -> memref<128xf32, #tpu.memory_space<vmem>>
    %dma_wait3A_451 = tpu.memref_slice %arg22[%add3A_225] : memref<69632xf32, #tpu.memory_space<vmem_shared>> -> memref<128xf32, #tpu.memory_space<vmem_shared>>
    tpu.wait_dma2 semaphore(%arg21 : memref<!tpu.dma_semaphore, #tpu.memory_space<semaphore_mem>>) src(%dma_wait3A_451 : memref<128xf32, #tpu.memory_space<vmem_shared>>) dst(%dma_wait3A_450 : memref<128xf32, #tpu.memory_space<vmem>>)
    %dma_wait3A_452 = arith.constant 1152 : i32
    %dma_wait3A_453 = tpu.memref_slice %arg20[%dma_wait3A_452] : memref<4096xf32, #tpu.memory_space<vmem>> -> memref<128xf32, #tpu.memory_space<vmem>>
    %dma_wait3A_454 = tpu.memref_slice %arg22[%add3A_233] : memref<69632xf32, #tpu.memory_space<vmem_shared>> -> memref<128xf32, #tpu.memory_space<vmem_shared>>
    %dma_wait3A_455 = arith.constant 1152 : i32
    %dma_wait3A_456 = tpu.memref_slice %arg20[%dma_wait3A_455] : memref<4096xf32, #tpu.memory_space<vmem>> -> memref<128xf32, #tpu.memory_space<vmem>>
    %dma_wait3A_457 = tpu.memref_slice %arg22[%add3A_233] : memref<69632xf32, #tpu.memory_space<vmem_shared>> -> memref<128xf32, #tpu.memory_space<vmem_shared>>
    tpu.wait_dma2 semaphore(%arg21 : memref<!tpu.dma_semaphore, #tpu.memory_space<semaphore_mem>>) src(%dma_wait3A_457 : memref<128xf32, #tpu.memory_space<vmem_shared>>) dst(%dma_wait3A_456 : memref<128xf32, #tpu.memory_space<vmem>>)
    %dma_wait3A_458 = arith.constant 3200 : i32
    %dma_wait3A_459 = tpu.memref_slice %arg20[%dma_wait3A_458] : memref<4096xf32, #tpu.memory_space<vmem>> -> memref<128xf32, #tpu.memory_space<vmem>>
    %dma_wait3A_460 = tpu.memref_slice %arg22[%add3A_241] : memref<69632xf32, #tpu.memory_space<vmem_shared>> -> memref<128xf32, #tpu.memory_space<vmem_shared>>
    %dma_wait3A_461 = arith.constant 3200 : i32
    %dma_wait3A_462 = tpu.memref_slice %arg20[%dma_wait3A_461] : memref<4096xf32, #tpu.memory_space<vmem>> -> memref<128xf32, #tpu.memory_space<vmem>>
    %dma_wait3A_463 = tpu.memref_slice %arg22[%add3A_241] : memref<69632xf32, #tpu.memory_space<vmem_shared>> -> memref<128xf32, #tpu.memory_space<vmem_shared>>
    tpu.wait_dma2 semaphore(%arg21 : memref<!tpu.dma_semaphore, #tpu.memory_space<semaphore_mem>>) src(%dma_wait3A_463 : memref<128xf32, #tpu.memory_space<vmem_shared>>) dst(%dma_wait3A_462 : memref<128xf32, #tpu.memory_space<vmem>>)
    %dma_wait3A_464 = arith.constant 1280 : i32
    %dma_wait3A_465 = tpu.memref_slice %arg20[%dma_wait3A_464] : memref<4096xf32, #tpu.memory_space<vmem>> -> memref<128xf32, #tpu.memory_space<vmem>>
    %dma_wait3A_466 = tpu.memref_slice %arg22[%add3A_249] : memref<69632xf32, #tpu.memory_space<vmem_shared>> -> memref<128xf32, #tpu.memory_space<vmem_shared>>
    %dma_wait3A_467 = arith.constant 1280 : i32
    %dma_wait3A_468 = tpu.memref_slice %arg20[%dma_wait3A_467] : memref<4096xf32, #tpu.memory_space<vmem>> -> memref<128xf32, #tpu.memory_space<vmem>>
    %dma_wait3A_469 = tpu.memref_slice %arg22[%add3A_249] : memref<69632xf32, #tpu.memory_space<vmem_shared>> -> memref<128xf32, #tpu.memory_space<vmem_shared>>
    tpu.wait_dma2 semaphore(%arg21 : memref<!tpu.dma_semaphore, #tpu.memory_space<semaphore_mem>>) src(%dma_wait3A_469 : memref<128xf32, #tpu.memory_space<vmem_shared>>) dst(%dma_wait3A_468 : memref<128xf32, #tpu.memory_space<vmem>>)
    %dma_wait3A_470 = arith.constant 3328 : i32
    %dma_wait3A_471 = tpu.memref_slice %arg20[%dma_wait3A_470] : memref<4096xf32, #tpu.memory_space<vmem>> -> memref<128xf32, #tpu.memory_space<vmem>>
    %dma_wait3A_472 = tpu.memref_slice %arg22[%add3A_257] : memref<69632xf32, #tpu.memory_space<vmem_shared>> -> memref<128xf32, #tpu.memory_space<vmem_shared>>
    %dma_wait3A_473 = arith.constant 3328 : i32
    %dma_wait3A_474 = tpu.memref_slice %arg20[%dma_wait3A_473] : memref<4096xf32, #tpu.memory_space<vmem>> -> memref<128xf32, #tpu.memory_space<vmem>>
    %dma_wait3A_475 = tpu.memref_slice %arg22[%add3A_257] : memref<69632xf32, #tpu.memory_space<vmem_shared>> -> memref<128xf32, #tpu.memory_space<vmem_shared>>
    tpu.wait_dma2 semaphore(%arg21 : memref<!tpu.dma_semaphore, #tpu.memory_space<semaphore_mem>>) src(%dma_wait3A_475 : memref<128xf32, #tpu.memory_space<vmem_shared>>) dst(%dma_wait3A_474 : memref<128xf32, #tpu.memory_space<vmem>>)
    %dma_wait3A_476 = arith.constant 1408 : i32
    %dma_wait3A_477 = tpu.memref_slice %arg20[%dma_wait3A_476] : memref<4096xf32, #tpu.memory_space<vmem>> -> memref<128xf32, #tpu.memory_space<vmem>>
    %dma_wait3A_478 = tpu.memref_slice %arg22[%add3A_265] : memref<69632xf32, #tpu.memory_space<vmem_shared>> -> memref<128xf32, #tpu.memory_space<vmem_shared>>
    %dma_wait3A_479 = arith.constant 1408 : i32
    %dma_wait3A_480 = tpu.memref_slice %arg20[%dma_wait3A_479] : memref<4096xf32, #tpu.memory_space<vmem>> -> memref<128xf32, #tpu.memory_space<vmem>>
    %dma_wait3A_481 = tpu.memref_slice %arg22[%add3A_265] : memref<69632xf32, #tpu.memory_space<vmem_shared>> -> memref<128xf32, #tpu.memory_space<vmem_shared>>
    tpu.wait_dma2 semaphore(%arg21 : memref<!tpu.dma_semaphore, #tpu.memory_space<semaphore_mem>>) src(%dma_wait3A_481 : memref<128xf32, #tpu.memory_space<vmem_shared>>) dst(%dma_wait3A_480 : memref<128xf32, #tpu.memory_space<vmem>>)
    %dma_wait3A_482 = arith.constant 3456 : i32
    %dma_wait3A_483 = tpu.memref_slice %arg20[%dma_wait3A_482] : memref<4096xf32, #tpu.memory_space<vmem>> -> memref<128xf32, #tpu.memory_space<vmem>>
    %dma_wait3A_484 = tpu.memref_slice %arg22[%add3A_273] : memref<69632xf32, #tpu.memory_space<vmem_shared>> -> memref<128xf32, #tpu.memory_space<vmem_shared>>
    %dma_wait3A_485 = arith.constant 3456 : i32
    %dma_wait3A_486 = tpu.memref_slice %arg20[%dma_wait3A_485] : memref<4096xf32, #tpu.memory_space<vmem>> -> memref<128xf32, #tpu.memory_space<vmem>>
    %dma_wait3A_487 = tpu.memref_slice %arg22[%add3A_273] : memref<69632xf32, #tpu.memory_space<vmem_shared>> -> memref<128xf32, #tpu.memory_space<vmem_shared>>
    tpu.wait_dma2 semaphore(%arg21 : memref<!tpu.dma_semaphore, #tpu.memory_space<semaphore_mem>>) src(%dma_wait3A_487 : memref<128xf32, #tpu.memory_space<vmem_shared>>) dst(%dma_wait3A_486 : memref<128xf32, #tpu.memory_space<vmem>>)
    %dma_wait3A_488 = arith.constant 1536 : i32
    %dma_wait3A_489 = tpu.memref_slice %arg20[%dma_wait3A_488] : memref<4096xf32, #tpu.memory_space<vmem>> -> memref<128xf32, #tpu.memory_space<vmem>>
    %dma_wait3A_490 = tpu.memref_slice %arg22[%add3A_281] : memref<69632xf32, #tpu.memory_space<vmem_shared>> -> memref<128xf32, #tpu.memory_space<vmem_shared>>
    %dma_wait3A_491 = arith.constant 1536 : i32
    %dma_wait3A_492 = tpu.memref_slice %arg20[%dma_wait3A_491] : memref<4096xf32, #tpu.memory_space<vmem>> -> memref<128xf32, #tpu.memory_space<vmem>>
    %dma_wait3A_493 = tpu.memref_slice %arg22[%add3A_281] : memref<69632xf32, #tpu.memory_space<vmem_shared>> -> memref<128xf32, #tpu.memory_space<vmem_shared>>
    tpu.wait_dma2 semaphore(%arg21 : memref<!tpu.dma_semaphore, #tpu.memory_space<semaphore_mem>>) src(%dma_wait3A_493 : memref<128xf32, #tpu.memory_space<vmem_shared>>) dst(%dma_wait3A_492 : memref<128xf32, #tpu.memory_space<vmem>>)
    %dma_wait3A_494 = arith.constant 3584 : i32
    %dma_wait3A_495 = tpu.memref_slice %arg20[%dma_wait3A_494] : memref<4096xf32, #tpu.memory_space<vmem>> -> memref<128xf32, #tpu.memory_space<vmem>>
    %dma_wait3A_496 = tpu.memref_slice %arg22[%add3A_289] : memref<69632xf32, #tpu.memory_space<vmem_shared>> -> memref<128xf32, #tpu.memory_space<vmem_shared>>
    %dma_wait3A_497 = arith.constant 3584 : i32
    %dma_wait3A_498 = tpu.memref_slice %arg20[%dma_wait3A_497] : memref<4096xf32, #tpu.memory_space<vmem>> -> memref<128xf32, #tpu.memory_space<vmem>>
    %dma_wait3A_499 = tpu.memref_slice %arg22[%add3A_289] : memref<69632xf32, #tpu.memory_space<vmem_shared>> -> memref<128xf32, #tpu.memory_space<vmem_shared>>
    tpu.wait_dma2 semaphore(%arg21 : memref<!tpu.dma_semaphore, #tpu.memory_space<semaphore_mem>>) src(%dma_wait3A_499 : memref<128xf32, #tpu.memory_space<vmem_shared>>) dst(%dma_wait3A_498 : memref<128xf32, #tpu.memory_space<vmem>>)
    %dma_wait3A_500 = arith.constant 1664 : i32
    %dma_wait3A_501 = tpu.memref_slice %arg20[%dma_wait3A_500] : memref<4096xf32, #tpu.memory_space<vmem>> -> memref<128xf32, #tpu.memory_space<vmem>>
    %dma_wait3A_502 = tpu.memref_slice %arg22[%add3A_297] : memref<69632xf32, #tpu.memory_space<vmem_shared>> -> memref<128xf32, #tpu.memory_space<vmem_shared>>
    %dma_wait3A_503 = arith.constant 1664 : i32
    %dma_wait3A_504 = tpu.memref_slice %arg20[%dma_wait3A_503] : memref<4096xf32, #tpu.memory_space<vmem>> -> memref<128xf32, #tpu.memory_space<vmem>>
    %dma_wait3A_505 = tpu.memref_slice %arg22[%add3A_297] : memref<69632xf32, #tpu.memory_space<vmem_shared>> -> memref<128xf32, #tpu.memory_space<vmem_shared>>
    tpu.wait_dma2 semaphore(%arg21 : memref<!tpu.dma_semaphore, #tpu.memory_space<semaphore_mem>>) src(%dma_wait3A_505 : memref<128xf32, #tpu.memory_space<vmem_shared>>) dst(%dma_wait3A_504 : memref<128xf32, #tpu.memory_space<vmem>>)
    %dma_wait3A_506 = arith.constant 3712 : i32
    %dma_wait3A_507 = tpu.memref_slice %arg20[%dma_wait3A_506] : memref<4096xf32, #tpu.memory_space<vmem>> -> memref<128xf32, #tpu.memory_space<vmem>>
    %dma_wait3A_508 = tpu.memref_slice %arg22[%add3A_305] : memref<69632xf32, #tpu.memory_space<vmem_shared>> -> memref<128xf32, #tpu.memory_space<vmem_shared>>
    %dma_wait3A_509 = arith.constant 3712 : i32
    %dma_wait3A_510 = tpu.memref_slice %arg20[%dma_wait3A_509] : memref<4096xf32, #tpu.memory_space<vmem>> -> memref<128xf32, #tpu.memory_space<vmem>>
    %dma_wait3A_511 = tpu.memref_slice %arg22[%add3A_305] : memref<69632xf32, #tpu.memory_space<vmem_shared>> -> memref<128xf32, #tpu.memory_space<vmem_shared>>
    tpu.wait_dma2 semaphore(%arg21 : memref<!tpu.dma_semaphore, #tpu.memory_space<semaphore_mem>>) src(%dma_wait3A_511 : memref<128xf32, #tpu.memory_space<vmem_shared>>) dst(%dma_wait3A_510 : memref<128xf32, #tpu.memory_space<vmem>>)
    %dma_wait3A_512 = arith.constant 1792 : i32
    %dma_wait3A_513 = tpu.memref_slice %arg20[%dma_wait3A_512] : memref<4096xf32, #tpu.memory_space<vmem>> -> memref<128xf32, #tpu.memory_space<vmem>>
    %dma_wait3A_514 = tpu.memref_slice %arg22[%add3A_313] : memref<69632xf32, #tpu.memory_space<vmem_shared>> -> memref<128xf32, #tpu.memory_space<vmem_shared>>
    %dma_wait3A_515 = arith.constant 1792 : i32
    %dma_wait3A_516 = tpu.memref_slice %arg20[%dma_wait3A_515] : memref<4096xf32, #tpu.memory_space<vmem>> -> memref<128xf32, #tpu.memory_space<vmem>>
    %dma_wait3A_517 = tpu.memref_slice %arg22[%add3A_313] : memref<69632xf32, #tpu.memory_space<vmem_shared>> -> memref<128xf32, #tpu.memory_space<vmem_shared>>
    tpu.wait_dma2 semaphore(%arg21 : memref<!tpu.dma_semaphore, #tpu.memory_space<semaphore_mem>>) src(%dma_wait3A_517 : memref<128xf32, #tpu.memory_space<vmem_shared>>) dst(%dma_wait3A_516 : memref<128xf32, #tpu.memory_space<vmem>>)
    %dma_wait3A_518 = arith.constant 3840 : i32
    %dma_wait3A_519 = tpu.memref_slice %arg20[%dma_wait3A_518] : memref<4096xf32, #tpu.memory_space<vmem>> -> memref<128xf32, #tpu.memory_space<vmem>>
    %dma_wait3A_520 = tpu.memref_slice %arg22[%add3A_321] : memref<69632xf32, #tpu.memory_space<vmem_shared>> -> memref<128xf32, #tpu.memory_space<vmem_shared>>
    %dma_wait3A_521 = arith.constant 3840 : i32
    %dma_wait3A_522 = tpu.memref_slice %arg20[%dma_wait3A_521] : memref<4096xf32, #tpu.memory_space<vmem>> -> memref<128xf32, #tpu.memory_space<vmem>>
    %dma_wait3A_523 = tpu.memref_slice %arg22[%add3A_321] : memref<69632xf32, #tpu.memory_space<vmem_shared>> -> memref<128xf32, #tpu.memory_space<vmem_shared>>
    tpu.wait_dma2 semaphore(%arg21 : memref<!tpu.dma_semaphore, #tpu.memory_space<semaphore_mem>>) src(%dma_wait3A_523 : memref<128xf32, #tpu.memory_space<vmem_shared>>) dst(%dma_wait3A_522 : memref<128xf32, #tpu.memory_space<vmem>>)
    %dma_wait3A_524 = arith.constant 1920 : i32
    %dma_wait3A_525 = tpu.memref_slice %arg20[%dma_wait3A_524] : memref<4096xf32, #tpu.memory_space<vmem>> -> memref<128xf32, #tpu.memory_space<vmem>>
    %dma_wait3A_526 = tpu.memref_slice %arg22[%add3A_329] : memref<69632xf32, #tpu.memory_space<vmem_shared>> -> memref<128xf32, #tpu.memory_space<vmem_shared>>
    %dma_wait3A_527 = arith.constant 1920 : i32
    %dma_wait3A_528 = tpu.memref_slice %arg20[%dma_wait3A_527] : memref<4096xf32, #tpu.memory_space<vmem>> -> memref<128xf32, #tpu.memory_space<vmem>>
    %dma_wait3A_529 = tpu.memref_slice %arg22[%add3A_329] : memref<69632xf32, #tpu.memory_space<vmem_shared>> -> memref<128xf32, #tpu.memory_space<vmem_shared>>
    tpu.wait_dma2 semaphore(%arg21 : memref<!tpu.dma_semaphore, #tpu.memory_space<semaphore_mem>>) src(%dma_wait3A_529 : memref<128xf32, #tpu.memory_space<vmem_shared>>) dst(%dma_wait3A_528 : memref<128xf32, #tpu.memory_space<vmem>>)
    %dma_wait3A_530 = arith.constant 3968 : i32
    %dma_wait3A_531 = tpu.memref_slice %arg20[%dma_wait3A_530] : memref<4096xf32, #tpu.memory_space<vmem>> -> memref<128xf32, #tpu.memory_space<vmem>>
    %dma_wait3A_532 = tpu.memref_slice %arg22[%add3A_337] : memref<69632xf32, #tpu.memory_space<vmem_shared>> -> memref<128xf32, #tpu.memory_space<vmem_shared>>
    %dma_wait3A_533 = arith.constant 3968 : i32
    %dma_wait3A_534 = tpu.memref_slice %arg20[%dma_wait3A_533] : memref<4096xf32, #tpu.memory_space<vmem>> -> memref<128xf32, #tpu.memory_space<vmem>>
    %dma_wait3A_535 = tpu.memref_slice %arg22[%add3A_337] : memref<69632xf32, #tpu.memory_space<vmem_shared>> -> memref<128xf32, #tpu.memory_space<vmem_shared>>
    tpu.wait_dma2 semaphore(%arg21 : memref<!tpu.dma_semaphore, #tpu.memory_space<semaphore_mem>>) src(%dma_wait3A_535 : memref<128xf32, #tpu.memory_space<vmem_shared>>) dst(%dma_wait3A_534 : memref<128xf32, #tpu.memory_space<vmem>>)
    %scan3A_536 = arith.constant 0 : i32
    %scan3A_537 = arith.constant 0 : i32
    %scan3A_538 = arith.constant 8 : i32
    %scan3A_539 = arith.addi %scan3A_537, %scan3A_538 : i32
    %scan3A_540 = arith.constant 1 : i32
    scf.for %scan3A_552 = %scan3A_537 to %scan3A_539 step %scan3A_540  : i32 {
      %mul3A_553 = arith.constant 16 : i32
      %mul3A_554 = arith.muli %scan3A_552, %mul3A_553 : i32
      %get3A_555 = arith.index_cast %mul3A_554 : i32 to index
      %get3A_556 = tpu.vector_load %arg20[%get3A_555] {strides = array<i32>} : memref<4096xf32, #tpu.memory_space<vmem>>, vector<16xf32>,
      %add3A_557 = arith.constant 2048 : i32
      %add3A_558 = arith.addi %add3A_557, %mul3A_554 : i32
      %get3A_559 = arith.index_cast %add3A_558 : i32 to index
      %get3A_560 = tpu.vector_load %arg20[%get3A_559] {strides = array<i32>} : memref<4096xf32, #tpu.memory_space<vmem>>, vector<16xf32>,
      %add3A_561 = arith.constant 128 : i32
      %add3A_562 = arith.addi %add3A_561, %mul3A_554 : i32
      %get3A_563 = arith.index_cast %add3A_562 : i32 to index
      %get3A_564 = tpu.vector_load %arg20[%get3A_563] {strides = array<i32>} : memref<4096xf32, #tpu.memory_space<vmem>>, vector<16xf32>,
      %add3A_565 = arith.addf %get3A_556, %get3A_564 : vector<16xf32>
      %add3A_566 = arith.constant 2176 : i32
      %add3A_567 = arith.addi %add3A_566, %mul3A_554 : i32
      %get3A_568 = arith.index_cast %add3A_567 : i32 to index
      %get3A_569 = tpu.vector_load %arg20[%get3A_568] {strides = array<i32>} : memref<4096xf32, #tpu.memory_space<vmem>>, vector<16xf32>,
      %max3A = arith.maximumf %get3A_560, %get3A_569 : vector<16xf32>
      %add3A_570 = arith.constant 256 : i32
      %add3A_571 = arith.addi %add3A_570, %mul3A_554 : i32
      %get3A_572 = arith.index_cast %add3A_571 : i32 to index
      %get3A_573 = tpu.vector_load %arg20[%get3A_572] {strides = array<i32>} : memref<4096xf32, #tpu.memory_space<vmem>>, vector<16xf32>,
      %add3A_574 = arith.addf %add3A_565, %get3A_573 : vector<16xf32>
      %add3A_575 = arith.constant 2304 : i32
      %add3A_576 = arith.addi %add3A_575, %mul3A_554 : i32
      %get3A_577 = arith.index_cast %add3A_576 : i32 to index
      %get3A_578 = tpu.vector_load %arg20[%get3A_577] {strides = array<i32>} : memref<4096xf32, #tpu.memory_space<vmem>>, vector<16xf32>,
      %max3A_579 = arith.maximumf %max3A, %get3A_578 : vector<16xf32>
      %add3A_580 = arith.constant 384 : i32
      %add3A_581 = arith.addi %add3A_580, %mul3A_554 : i32
      %get3A_582 = arith.index_cast %add3A_581 : i32 to index
      %get3A_583 = tpu.vector_load %arg20[%get3A_582] {strides = array<i32>} : memref<4096xf32, #tpu.memory_space<vmem>>, vector<16xf32>,
      %add3A_584 = arith.addf %add3A_574, %get3A_583 : vector<16xf32>
      %add3A_585 = arith.constant 2432 : i32
      %add3A_586 = arith.addi %add3A_585, %mul3A_554 : i32
      %get3A_587 = arith.index_cast %add3A_586 : i32 to index
      %get3A_588 = tpu.vector_load %arg20[%get3A_587] {strides = array<i32>} : memref<4096xf32, #tpu.memory_space<vmem>>, vector<16xf32>,
      %max3A_589 = arith.maximumf %max3A_579, %get3A_588 : vector<16xf32>
      %add3A_590 = arith.constant 512 : i32
      %add3A_591 = arith.addi %add3A_590, %mul3A_554 : i32
      %get3A_592 = arith.index_cast %add3A_591 : i32 to index
      %get3A_593 = tpu.vector_load %arg20[%get3A_592] {strides = array<i32>} : memref<4096xf32, #tpu.memory_space<vmem>>, vector<16xf32>,
      %add3A_594 = arith.addf %add3A_584, %get3A_593 : vector<16xf32>
      %add3A_595 = arith.constant 2560 : i32
      %add3A_596 = arith.addi %add3A_595, %mul3A_554 : i32
      %get3A_597 = arith.index_cast %add3A_596 : i32 to index
      %get3A_598 = tpu.vector_load %arg20[%get3A_597] {strides = array<i32>} : memref<4096xf32, #tpu.memory_space<vmem>>, vector<16xf32>,
      %max3A_599 = arith.maximumf %max3A_589, %get3A_598 : vector<16xf32>
      %add3A_600 = arith.constant 640 : i32
      %add3A_601 = arith.addi %add3A_600, %mul3A_554 : i32
      %get3A_602 = arith.index_cast %add3A_601 : i32 to index
      %get3A_603 = tpu.vector_load %arg20[%get3A_602] {strides = array<i32>} : memref<4096xf32, #tpu.memory_space<vmem>>, vector<16xf32>,
      %add3A_604 = arith.addf %add3A_594, %get3A_603 : vector<16xf32>
      %add3A_605 = arith.constant 2688 : i32
      %add3A_606 = arith.addi %add3A_605, %mul3A_554 : i32
      %get3A_607 = arith.index_cast %add3A_606 : i32 to index
      %get3A_608 = tpu.vector_load %arg20[%get3A_607] {strides = array<i32>} : memref<4096xf32, #tpu.memory_space<vmem>>, vector<16xf32>,
      %max3A_609 = arith.maximumf %max3A_599, %get3A_608 : vector<16xf32>
      %add3A_610 = arith.constant 768 : i32
      %add3A_611 = arith.addi %add3A_610, %mul3A_554 : i32
      %get3A_612 = arith.index_cast %add3A_611 : i32 to index
      %get3A_613 = tpu.vector_load %arg20[%get3A_612] {strides = array<i32>} : memref<4096xf32, #tpu.memory_space<vmem>>, vector<16xf32>,
      %add3A_614 = arith.addf %add3A_604, %get3A_613 : vector<16xf32>
      %add3A_615 = arith.constant 2816 : i32
      %add3A_616 = arith.addi %add3A_615, %mul3A_554 : i32
      %get3A_617 = arith.index_cast %add3A_616 : i32 to index
      %get3A_618 = tpu.vector_load %arg20[%get3A_617] {strides = array<i32>} : memref<4096xf32, #tpu.memory_space<vmem>>, vector<16xf32>,
      %max3A_619 = arith.maximumf %max3A_609, %get3A_618 : vector<16xf32>
      %add3A_620 = arith.constant 896 : i32
      %add3A_621 = arith.addi %add3A_620, %mul3A_554 : i32
      %get3A_622 = arith.index_cast %add3A_621 : i32 to index
      %get3A_623 = tpu.vector_load %arg20[%get3A_622] {strides = array<i32>} : memref<4096xf32, #tpu.memory_space<vmem>>, vector<16xf32>,
      %add3A_624 = arith.addf %add3A_614, %get3A_623 : vector<16xf32>
      %add3A_625 = arith.constant 2944 : i32
      %add3A_626 = arith.addi %add3A_625, %mul3A_554 : i32
      %get3A_627 = arith.index_cast %add3A_626 : i32 to index
      %get3A_628 = tpu.vector_load %arg20[%get3A_627] {strides = array<i32>} : memref<4096xf32, #tpu.memory_space<vmem>>, vector<16xf32>,
      %max3A_629 = arith.maximumf %max3A_619, %get3A_628 : vector<16xf32>
      %add3A_630 = arith.constant 1024 : i32
      %add3A_631 = arith.addi %add3A_630, %mul3A_554 : i32
      %get3A_632 = arith.index_cast %add3A_631 : i32 to index
      %get3A_633 = tpu.vector_load %arg20[%get3A_632] {strides = array<i32>} : memref<4096xf32, #tpu.memory_space<vmem>>, vector<16xf32>,
      %add3A_634 = arith.addf %add3A_624, %get3A_633 : vector<16xf32>
      %add3A_635 = arith.constant 3072 : i32
      %add3A_636 = arith.addi %add3A_635, %mul3A_554 : i32
      %get3A_637 = arith.index_cast %add3A_636 : i32 to index
      %get3A_638 = tpu.vector_load %arg20[%get3A_637] {strides = array<i32>} : memref<4096xf32, #tpu.memory_space<vmem>>, vector<16xf32>,
      %max3A_639 = arith.maximumf %max3A_629, %get3A_638 : vector<16xf32>
      %add3A_640 = arith.constant 1152 : i32
      %add3A_641 = arith.addi %add3A_640, %mul3A_554 : i32
      %get3A_642 = arith.index_cast %add3A_641 : i32 to index
      %get3A_643 = tpu.vector_load %arg20[%get3A_642] {strides = array<i32>} : memref<4096xf32, #tpu.memory_space<vmem>>, vector<16xf32>,
      %add3A_644 = arith.addf %add3A_634, %get3A_643 : vector<16xf32>
      %add3A_645 = arith.constant 3200 : i32
      %add3A_646 = arith.addi %add3A_645, %mul3A_554 : i32
      %get3A_647 = arith.index_cast %add3A_646 : i32 to index
      %get3A_648 = tpu.vector_load %arg20[%get3A_647] {strides = array<i32>} : memref<4096xf32, #tpu.memory_space<vmem>>, vector<16xf32>,
      %max3A_649 = arith.maximumf %max3A_639, %get3A_648 : vector<16xf32>
      %add3A_650 = arith.constant 1280 : i32
      %add3A_651 = arith.addi %add3A_650, %mul3A_554 : i32
      %get3A_652 = arith.index_cast %add3A_651 : i32 to index
      %get3A_653 = tpu.vector_load %arg20[%get3A_652] {strides = array<i32>} : memref<4096xf32, #tpu.memory_space<vmem>>, vector<16xf32>,
      %add3A_654 = arith.addf %add3A_644, %get3A_653 : vector<16xf32>
      %add3A_655 = arith.constant 3328 : i32
      %add3A_656 = arith.addi %add3A_655, %mul3A_554 : i32
      %get3A_657 = arith.index_cast %add3A_656 : i32 to index
      %get3A_658 = tpu.vector_load %arg20[%get3A_657] {strides = array<i32>} : memref<4096xf32, #tpu.memory_space<vmem>>, vector<16xf32>,
      %max3A_659 = arith.maximumf %max3A_649, %get3A_658 : vector<16xf32>
      %add3A_660 = arith.constant 1408 : i32
      %add3A_661 = arith.addi %add3A_660, %mul3A_554 : i32
      %get3A_662 = arith.index_cast %add3A_661 : i32 to index
      %get3A_663 = tpu.vector_load %arg20[%get3A_662] {strides = array<i32>} : memref<4096xf32, #tpu.memory_space<vmem>>, vector<16xf32>,
      %add3A_664 = arith.addf %add3A_654, %get3A_663 : vector<16xf32>
      %add3A_665 = arith.constant 3456 : i32
      %add3A_666 = arith.addi %add3A_665, %mul3A_554 : i32
      %get3A_667 = arith.index_cast %add3A_666 : i32 to index
      %get3A_668 = tpu.vector_load %arg20[%get3A_667] {strides = array<i32>} : memref<4096xf32, #tpu.memory_space<vmem>>, vector<16xf32>,
      %max3A_669 = arith.maximumf %max3A_659, %get3A_668 : vector<16xf32>
      %add3A_670 = arith.constant 1536 : i32
      %add3A_671 = arith.addi %add3A_670, %mul3A_554 : i32
      %get3A_672 = arith.index_cast %add3A_671 : i32 to index
      %get3A_673 = tpu.vector_load %arg20[%get3A_672] {strides = array<i32>} : memref<4096xf32, #tpu.memory_space<vmem>>, vector<16xf32>,
      %add3A_674 = arith.addf %add3A_664, %get3A_673 : vector<16xf32>
      %add3A_675 = arith.constant 3584 : i32
      %add3A_676 = arith.addi %add3A_675, %mul3A_554 : i32
      %get3A_677 = arith.index_cast %add3A_676 : i32 to index
      %get3A_678 = tpu.vector_load %arg20[%get3A_677] {strides = array<i32>} : memref<4096xf32, #tpu.memory_space<vmem>>, vector<16xf32>,
      %max3A_679 = arith.maximumf %max3A_669, %get3A_678 : vector<16xf32>
      %add3A_680 = arith.constant 1664 : i32
      %add3A_681 = arith.addi %add3A_680, %mul3A_554 : i32
      %get3A_682 = arith.index_cast %add3A_681 : i32 to index
      %get3A_683 = tpu.vector_load %arg20[%get3A_682] {strides = array<i32>} : memref<4096xf32, #tpu.memory_space<vmem>>, vector<16xf32>,
      %add3A_684 = arith.addf %add3A_674, %get3A_683 : vector<16xf32>
      %add3A_685 = arith.constant 3712 : i32
      %add3A_686 = arith.addi %add3A_685, %mul3A_554 : i32
      %get3A_687 = arith.index_cast %add3A_686 : i32 to index
      %get3A_688 = tpu.vector_load %arg20[%get3A_687] {strides = array<i32>} : memref<4096xf32, #tpu.memory_space<vmem>>, vector<16xf32>,
      %max3A_689 = arith.maximumf %max3A_679, %get3A_688 : vector<16xf32>
      %add3A_690 = arith.constant 1792 : i32
      %add3A_691 = arith.addi %add3A_690, %mul3A_554 : i32
      %get3A_692 = arith.index_cast %add3A_691 : i32 to index
      %get3A_693 = tpu.vector_load %arg20[%get3A_692] {strides = array<i32>} : memref<4096xf32, #tpu.memory_space<vmem>>, vector<16xf32>,
      %add3A_694 = arith.addf %add3A_684, %get3A_693 : vector<16xf32>
      %add3A_695 = arith.constant 3840 : i32
      %add3A_696 = arith.addi %add3A_695, %mul3A_554 : i32
      %get3A_697 = arith.index_cast %add3A_696 : i32 to index
      %get3A_698 = tpu.vector_load %arg20[%get3A_697] {strides = array<i32>} : memref<4096xf32, #tpu.memory_space<vmem>>, vector<16xf32>,
      %max3A_699 = arith.maximumf %max3A_689, %get3A_698 : vector<16xf32>
      %add3A_700 = arith.constant 1920 : i32
      %add3A_701 = arith.addi %add3A_700, %mul3A_554 : i32
      %get3A_702 = arith.index_cast %add3A_701 : i32 to index
      %get3A_703 = tpu.vector_load %arg20[%get3A_702] {strides = array<i32>} : memref<4096xf32, #tpu.memory_space<vmem>>, vector<16xf32>,
      %add3A_704 = arith.addf %add3A_694, %get3A_703 : vector<16xf32>
      %add3A_705 = arith.constant 3968 : i32
      %add3A_706 = arith.addi %add3A_705, %mul3A_554 : i32
      %get3A_707 = arith.index_cast %add3A_706 : i32 to index
      %get3A_708 = tpu.vector_load %arg20[%get3A_707] {strides = array<i32>} : memref<4096xf32, #tpu.memory_space<vmem>>, vector<16xf32>,
      %max3A_709 = arith.maximumf %max3A_699, %get3A_708 : vector<16xf32>
      %swap3A = arith.index_cast %mul3A_554 : i32 to index
      %swap3A_710 = tpu.vector_load %arg18[%swap3A] {strides = array<i32>} : memref<128xf32, #tpu.memory_space<vmem>>, vector<16xf32>,
      tpu.vector_store %arg18[%swap3A], %add3A_704 {strides = array<i32>} : memref<128xf32, #tpu.memory_space<vmem>>, vector<16xf32>,
      %swap3A_711 = arith.index_cast %mul3A_554 : i32 to index
      %swap3A_712 = tpu.vector_load %arg19[%swap3A_711] {strides = array<i32>} : memref<128xf32, #tpu.memory_space<vmem>>, vector<16xf32>,
      tpu.vector_store %arg19[%swap3A_711], %max3A_709 {strides = array<i32>} : memref<128xf32, #tpu.memory_space<vmem>>, vector<16xf32>,
    }
    %scan3A_541 = arith.constant 8 : i32
    %mul3A_542 = arith.constant 64 : i32
    %mul3A_543 = arith.muli %arg0, %mul3A_542 : i32
    %mul3A_544 = arith.constant 32 : i32
    %mul3A_545 = arith.muli %mul3A_543, %mul3A_544 : i32
    %add3A_546 = arith.addi %mul3A_545, %mul3A_87 : i32
    "tpu.region"() ({
      %run_scoped3A = tpu.sem_alloc : memref<!tpu.dma_semaphore, #tpu.memory_space<semaphore_mem>>
      %dma_start3A_552 = tpu.memref_slice %arg7[%add3A_546] : memref<4096xf32, #tpu.memory_space<hbm>> -> memref<128xf32, #tpu.memory_space<hbm>>
      %dma_start3A_553 = tpu.memref_slice %arg7[%add3A_546] : memref<4096xf32, #tpu.memory_space<hbm>> -> memref<128xf32, #tpu.memory_space<hbm>>
      tpu.enqueue_dma source(%arg18 : memref<128xf32, #tpu.memory_space<vmem>>) target(%dma_start3A_553 : memref<128xf32, #tpu.memory_space<hbm>>) target_semaphore(%run_scoped3A : memref<!tpu.dma_semaphore, #tpu.memory_space<semaphore_mem>>)
      %dma_wait3A_554 = tpu.memref_slice %arg7[%add3A_546] : memref<4096xf32, #tpu.memory_space<hbm>> -> memref<128xf32, #tpu.memory_space<hbm>>
      %dma_wait3A_555 = tpu.memref_slice %arg7[%add3A_546] : memref<4096xf32, #tpu.memory_space<hbm>> -> memref<128xf32, #tpu.memory_space<hbm>>
      tpu.wait_dma2 semaphore(%run_scoped3A : memref<!tpu.dma_semaphore, #tpu.memory_space<semaphore_mem>>) src(%arg18 : memref<128xf32, #tpu.memory_space<vmem>>) dst(%dma_wait3A_555 : memref<128xf32, #tpu.memory_space<hbm>>)
      tpu.yield
    }) : () -> ()
    %mul3A_547 = arith.constant 64 : i32
    %mul3A_548 = arith.muli %arg0, %mul3A_547 : i32
    %mul3A_549 = arith.constant 32 : i32
    %mul3A_550 = arith.muli %mul3A_548, %mul3A_549 : i32
    %add3A_551 = arith.addi %mul3A_550, %mul3A_87 : i32
    "tpu.region"() ({
      %run_scoped3A = tpu.sem_alloc : memref<!tpu.dma_semaphore, #tpu.memory_space<semaphore_mem>>
      %dma_start3A_552 = tpu.memref_slice %arg8[%add3A_551] : memref<4096xf32, #tpu.memory_space<hbm>> -> memref<128xf32, #tpu.memory_space<hbm>>
      %dma_start3A_553 = tpu.memref_slice %arg8[%add3A_551] : memref<4096xf32, #tpu.memory_space<hbm>> -> memref<128xf32, #tpu.memory_space<hbm>>
      tpu.enqueue_dma source(%arg19 : memref<128xf32, #tpu.memory_space<vmem>>) target(%dma_start3A_553 : memref<128xf32, #tpu.memory_space<hbm>>) target_semaphore(%run_scoped3A : memref<!tpu.dma_semaphore, #tpu.memory_space<semaphore_mem>>)
      %dma_wait3A_554 = tpu.memref_slice %arg8[%add3A_551] : memref<4096xf32, #tpu.memory_space<hbm>> -> memref<128xf32, #tpu.memory_space<hbm>>
      %dma_wait3A_555 = tpu.memref_slice %arg8[%add3A_551] : memref<4096xf32, #tpu.memory_space<hbm>> -> memref<128xf32, #tpu.memory_space<hbm>>
      tpu.wait_dma2 semaphore(%run_scoped3A : memref<!tpu.dma_semaphore, #tpu.memory_space<semaphore_mem>>) src(%arg19 : memref<128xf32, #tpu.memory_space<vmem>>) dst(%dma_wait3A_555 : memref<128xf32, #tpu.memory_space<hbm>>)
      tpu.yield
    }) : () -> ()
    return
  }
}

module attributes {stable_mosaic.version = 14 : i64} {
  func.func @_scale_body(%arg0: i32, %arg1: memref<1024x128xf32, #tpu.memory_space<vmem>>, %arg2: memref<128x32xf32, #tpu.memory_space<vmem>>, %arg3: memref<2x1024xf32, #tpu.memory_space<vmem>>, %arg4: memref<1024x32xf32, #tpu.memory_space<vmem>>) attributes {dimension_semantics = [#tpu.dimension_semantics<arbitrary>], iteration_bounds = array<i64: 10>, scalar_prefetch = 0 : i64, scratch_operands = 0 : i64, tpu.core_type = #tpu.core_type<tc>, window_params = [{transform_indices = @transform_0, window_bounds = array<i64: 1024, 128>}, {pipeline_mode = #tpu.pipeline_mode<synchronous>, transform_indices = @transform_1, window_bounds = array<i64: 128, 32>}, {transform_indices = @transform_2, window_bounds = array<i64: 2, 1024>}, {transform_indices = @transform_3, window_bounds = array<i64: 1024, 32>}]} {
    %get3A = arith.constant 0 : index
    %get3A_0 = arith.constant 0 : index
    %get3A_1 = vector.load %arg1[%get3A, %get3A_0] : memref<1024x128xf32, #tpu.memory_space<vmem>>, vector<1024x128xf32>
    %get3A_2 = arith.constant 0 : index
    %get3A_3 = arith.constant 0 : index
    %get3A_4 = vector.load %arg2[%get3A_2, %get3A_3] : memref<128x32xf32, #tpu.memory_space<vmem>>, vector<128x32xf32>
    %dot_general3A = arith.constant dense<0.000000e+00> : vector<1024x32xf32>
    %dot_general3A_5 = tpu.matmul %get3A_1, %get3A_4, %dot_general3A {dimension_numbers = #tpu.dot_dimension_numbers<[1], [0], [0], [1], [0, 0, 1, 1], [], []>, transpose_lhs_hint = false} : vector<1024x128xf32>, vector<128x32xf32>, vector<1024x32xf32> -> vector<1024x32xf32>
    %get3A_6 = arith.constant 0 : index
    %get3A_7 = arith.constant 0 : index
    %get3A_8 = vector.load %arg3[%get3A_6, %get3A_7] : memref<2x1024xf32, #tpu.memory_space<vmem>>, vector<2x1024xf32>
    %slice3A = vector.extract_strided_slice %get3A_8 {offsets = [0, 0], sizes = [1, 1024], strides = [1, 1]} : vector<2x1024xf32> to vector<1x1024xf32>
    %squeeze3A = vector.shape_cast %slice3A : vector<1x1024xf32> to vector<1024xf32>
    %add3A = arith.constant 1.000000e+00 : f32
    %add3A_9 = vector.broadcast %add3A : f32 to vector<1024xf32>
    %add3A_10 = arith.addf %add3A_9, %squeeze3A : vector<1024xf32>
    %slice3A_11 = vector.extract_strided_slice %get3A_8 {offsets = [1, 0], sizes = [1, 1024], strides = [1, 1]} : vector<2x1024xf32> to vector<1x1024xf32>
    %squeeze3A_12 = vector.shape_cast %slice3A_11 : vector<1x1024xf32> to vector<1024xf32>
    %add3A_13 = arith.addf %add3A_10, %squeeze3A_12 : vector<1024xf32>
    %rsqrt3A = math.rsqrt %add3A_13 : vector<1024xf32>
    %broadcast_in_dim3A = vector.shape_cast %rsqrt3A : vector<1024xf32> to vector<1024x1xf32>
    %mul3A = vector.broadcast %broadcast_in_dim3A : vector<1024x1xf32> to vector<1024x32xf32>
    %mul3A_14 = arith.mulf %dot_general3A_5, %mul3A : vector<1024x32xf32>
    %swap3A = arith.constant 0 : index
    %swap3A_15 = arith.constant 0 : index
    %swap3A_16 = vector.load %arg4[%swap3A, %swap3A_15] : memref<1024x32xf32, #tpu.memory_space<vmem>>, vector<1024x32xf32>
    tpu.vector_store %arg4[%swap3A, %swap3A_15], %mul3A_14 {strides = array<i32>} : memref<1024x32xf32, #tpu.memory_space<vmem>>, vector<1024x32xf32>,
    return
  }
  func.func @transform_0(%arg0: i32) -> (i32, i32) {
    %c0_i32 = arith.constant 0 : i32
    %c0_i32_0 = arith.constant 0 : i32
    return %arg0, %c0_i32 : i32, i32
  }
  func.func @transform_1(%arg0: i32) -> (i32, i32) {
    %c0_i32 = arith.constant 0 : i32
    %c0_i32_0 = arith.constant 0 : i32
    %c0_i32_1 = arith.constant 0 : i32
    return %c0_i32, %c0_i32_0 : i32, i32
  }
  func.func @transform_2(%arg0: i32) -> (i32, i32) {
    %c0_i32 = arith.constant 0 : i32
    %c0_i32_0 = arith.constant 0 : i32
    return %c0_i32, %arg0 : i32, i32
  }
  func.func @transform_3(%arg0: i32) -> (i32, i32) {
    %c0_i32 = arith.constant 0 : i32
    %c0_i32_0 = arith.constant 0 : i32
    return %arg0, %c0_i32 : i32, i32
  }
}

module attributes {stable_mosaic.version = 14 : i64} {
  func.func @_final_body(%arg0: memref<2x64x32xf32, #tpu.memory_space<vmem>>, %arg1: memref<2x64x32xf32, #tpu.memory_space<vmem>>, %arg2: memref<1x10000xi32, #tpu.memory_space<vmem>>, %arg3: memref<96x1xf32, #tpu.memory_space<vmem>>, %arg4: memref<1xf32, #tpu.memory_space<vmem>>, %arg5: memref<64x1xf32, #tpu.memory_space<vmem>>) attributes {dimension_semantics = [], scalar_prefetch = 0 : i64, scratch_operands = 0 : i64, tpu.core_type = #tpu.core_type<tc>} {
    %get3A = arith.constant 0 : index
    %get3A_0 = arith.constant 0 : index
    %get3A_1 = arith.constant 0 : index
    %get3A_2 = vector.load %arg0[%get3A, %get3A_0, %get3A_1] : memref<2x64x32xf32, #tpu.memory_space<vmem>>, vector<2x64x32xf32>
    %slice3A = vector.extract_strided_slice %get3A_2 {offsets = [0, 0, 0], sizes = [1, 64, 32], strides = [1, 1, 1]} : vector<2x64x32xf32> to vector<1x64x32xf32>
    %squeeze3A = vector.shape_cast %slice3A : vector<1x64x32xf32> to vector<64x32xf32>
    %slice3A_3 = vector.extract_strided_slice %get3A_2 {offsets = [1, 0, 0], sizes = [1, 64, 32], strides = [1, 1, 1]} : vector<2x64x32xf32> to vector<1x64x32xf32>
    %squeeze3A_4 = vector.shape_cast %slice3A_3 : vector<1x64x32xf32> to vector<64x32xf32>
    %add3A = arith.addf %squeeze3A, %squeeze3A_4 : vector<64x32xf32>
    %get3A_5 = arith.constant 0 : index
    %get3A_6 = arith.constant 0 : index
    %get3A_7 = arith.constant 0 : index
    %get3A_8 = vector.load %arg1[%get3A_5, %get3A_6, %get3A_7] : memref<2x64x32xf32, #tpu.memory_space<vmem>>, vector<2x64x32xf32>
    %slice3A_9 = vector.extract_strided_slice %get3A_8 {offsets = [0, 0, 0], sizes = [1, 64, 32], strides = [1, 1, 1]} : vector<2x64x32xf32> to vector<1x64x32xf32>
    %squeeze3A_10 = vector.shape_cast %slice3A_9 : vector<1x64x32xf32> to vector<64x32xf32>
    %slice3A_11 = vector.extract_strided_slice %get3A_8 {offsets = [1, 0, 0], sizes = [1, 64, 32], strides = [1, 1, 1]} : vector<2x64x32xf32> to vector<1x64x32xf32>
    %squeeze3A_12 = vector.shape_cast %slice3A_11 : vector<1x64x32xf32> to vector<64x32xf32>
    %max3A = arith.maximumf %squeeze3A_10, %squeeze3A_12 : vector<64x32xf32>
    %get3A_13 = arith.constant 0 : index
    %get3A_14 = arith.constant 0 : index
    %get3A_15 = vector.load %arg2[%get3A_13, %get3A_14] : memref<1x10000xi32, #tpu.memory_space<vmem>>, vector<1x10000xi32>
    %iota3A = tpu.iota {dimensions = array<i32: 0>} : vector<64x10000xi32>
    %eq3A = vector.broadcast %get3A_15 : vector<1x10000xi32> to vector<64x10000xi32>
    %eq3A_16 = arith.cmpi eq, %eq3A, %iota3A : vector<64x10000xi32>
    %jit3A = arith.constant 1.000000e+00 : f32
    %jit3A_17 = arith.constant 0.000000e+00 : f32
    %broadcast_in_dim3A = vector.broadcast %jit3A : f32 to vector<64x10000xf32>
    %broadcast_in_dim3A_18 = vector.broadcast %jit3A_17 : f32 to vector<64x10000xf32>
    %select_n3A = arith.select %eq3A_16, %broadcast_in_dim3A, %broadcast_in_dim3A_18 : vector<64x10000xi1>, vector<64x10000xf32>
    %reduce_sum3A = arith.constant dense<0.000000e+00> : vector<64xf32>
    %reduce_sum3A_19 = vector.multi_reduction <add>, %select_n3A, %reduce_sum3A [1] : vector<64x10000xf32> to vector<64xf32>
    %max3A_20 = arith.constant 1.000000e+00 : f32
    %max3A_21 = vector.broadcast %max3A_20 : f32 to vector<64xf32>
    %max3A_22 = arith.maximumf %reduce_sum3A_19, %max3A_21 : vector<64xf32>
    %broadcast_in_dim3A_23 = vector.shape_cast %max3A_22 : vector<64xf32> to vector<64x1xf32>
    %div3A = vector.broadcast %broadcast_in_dim3A_23 : vector<64x1xf32> to vector<64x32xf32>
    %div3A_24 = arith.divf %add3A, %div3A : vector<64x32xf32>
    %concatenate3A = tpu.concatenate %add3A, %div3A_24, %max3A in 1 : vector<64x32xf32>, vector<64x32xf32>, vector<64x32xf32> -> vector<64x96xf32>
    %get3A_25 = arith.constant 0 : index
    %get3A_26 = arith.constant 0 : index
    %get3A_27 = vector.load %arg3[%get3A_25, %get3A_26] : memref<96x1xf32, #tpu.memory_space<vmem>>, vector<96x1xf32>
    %dot_general3A = arith.constant dense<0.000000e+00> : vector<64x1xf32>
    %dot_general3A_28 = tpu.matmul %concatenate3A, %get3A_27, %dot_general3A {dimension_numbers = #tpu.dot_dimension_numbers<[1], [0], [0], [1], [0, 0, 1, 1], [], []>, transpose_lhs_hint = false} : vector<64x96xf32>, vector<96x1xf32>, vector<64x1xf32> -> vector<64x1xf32>
    %get3A_29 = arith.constant 0 : index
    %get3A_30 = vector.load %arg4[%get3A_29] : memref<1xf32, #tpu.memory_space<vmem>>, vector<1xf32>
    %broadcast_in_dim3A_31 = vector.shape_cast %get3A_30 : vector<1xf32> to vector<1x1xf32>
    %add3A_32 = vector.broadcast %broadcast_in_dim3A_31 : vector<1x1xf32> to vector<64x1xf32>
    %add3A_33 = arith.addf %dot_general3A_28, %add3A_32 : vector<64x1xf32>
    %swap3A = arith.constant 0 : index
    %swap3A_34 = arith.constant 0 : index
    %swap3A_35 = vector.load %arg5[%swap3A, %swap3A_34] : memref<64x1xf32, #tpu.memory_space<vmem>>, vector<64x1xf32>
    tpu.vector_store %arg5[%swap3A, %swap3A_34], %add3A_33 {strides = array<i32>} : memref<64x1xf32, #tpu.memory_space<vmem>>, vector<64x1xf32>,
    return
  }
}

</mosaic_0001>

<sc_bundles>
// kernel: kernel.10.cloned.1.call-start
scs
__scs_entry_jumppad:
0x0: {  	(pc) =	sbr.rel $0x88, $3  }
0x1: {  	(tag) =	ssettag $0x0;
	lr =	simm.s32 $0x1  }
0x2: {  	[smem:$0x3F9A] =	sst lr;
	_ =	strace $0xD0000000  }
0x3: {  	_ = 	snop  }
0x4: {  	_ = 	snop  }
0x5: {  	_ = 	snop  }
0x6: {  	_ = 	snop  }
0x7: {  	_ = 	snop  }
__scs_overlays_trampoline_lowered:
0x8: {  	[smem:$0x3FA9] =	sst s0  }
0x9: {  	[smem:$0x3FAA] =	sst s1  }
0xa: {  	[smem:$0x3FAB] =	sst s2  }
0xb: {  	[smem:$0x3FAC] =	sst s3  }
0xc: {  	[smem:$0x3FAD] =	sst s4  }
0xd: {  	[smem:$0x3FAE] =	sst s5  }
0xe: {  	[smem:$0x3FAF] =	sst s6  }
0xf: {  	[smem:$0x3FB0] =	sst s7  }
0x10: {  	[smem:$0x3FB1] =	sst s8  }
0x11: {  	[smem:$0x3FB2] =	sst s9;
	s0 =	simm.s32 @!p0 $0x0  }
0x12: {  	s1 =	sld [smem:$0x3F98];
	s0 =	simm.s32 @p0 $0x1  }
0x13: {  	[smem:$0x3FB3] =	sst s0;
	s0 =	simm.s32 @!p1 $0x0  }
0x14: {  	s2 =	sld [smem:$0x3F97];
	s0 =	simm.s32 @p1 $0x1  }
0x15: {  	[smem:$0x3FB4] =	sst s0;
	s0 =	simm.s32 @!p2 $0x0  }
0x16: {  	s3 =	sld [smem:$0x3FDB];
	s0 =	simm.s32 @p2 $0x1  }
0x17: {  	s4 =	simm.s32 $0x1BF5;
	[smem:$0x3FB6] =	sst s0  }
0x18: {  	s0 =	sld [smem:$0x3F99];
	_ =	swait.ge [sflag:s4], $0x0  }
0x19: {  	s7 =	sld [smem:$0x3F9A]  }
0x1a: {  	s8 =	sadd.s32 $0xFFFFE003, lr  }
0x1b: {  	s9 =	sadd.s32 $0xFFFFFEF7, lr;
	s5 =	simm.s32 $0xFFFFFFFF;
	p2 =	slt.u32 s8, $0xFFFFF086  }
0x1c: {  	p1 =	slt.u32 s9, $0xF7A;
	s5 =	simm.s32 @!p2 $0x0  }
0x1d: {  	s5 =	simm.s32 @p1 $0x1;
	p0 =	seq.s32 s7, s2  }
0x1e: {  	s7 =	smul.u32 @!p0 $0xF7A, s2;
	p2 =	seq.s32 @!p0 s5, $0x0  }
0x1f: {  	s9 =	smul.u32 $0xF7A, s1;
	s8 =	simm.s32 @!p0 $0x1BF5;
	p2 =	por !p2, p0  }
0x20: {  	[sflag:s8] =	ssyncset.s32 @!p0 $0xFFFFF086;
	s6 =	sadd.s32 @!p0 s3, s7;
	s7 =	simm.s32 @!p0 $0x108  }
0x21: {  	s3 =	sadd.s32 s3, s9;
	s6 =	sadd.s32 @!p0 $0x88, s6;
	s7 =	simm.s32 @p2 $0x1082  }
0x22: {  	[simem:s7], [sflag:s8] =	dma.local @!p0 [hbm:s6], $0xF7A  }
0x23: {  	s9 =	sor.u32 $0xD0000000, s2;
	s6 =	simm.s32 $0x108;
	_ =	swait.ge @!p0 [sflag:s8], $0x0  }
0x24: {  	s3 =	sadd.s32 $0x88, s3;
	s6 =	simm.s32 @!p1 $0x1082;
	[sflag:s4] =	ssyncset.s32 $0xFFFFF086  }
0x25: {  	[simem:s6], [sflag:s4] =	dma.local [hbm:s3], $0xF7A  }
0x26: {  	[smem:$0x3F9A] =	sst s1;
	(tag) =	ssettag s2;
	_ =	strace s9  }
0x27: {  	s1 =	sld [smem:$0x3FAA]  }
0x28: {  	s2 =	sld [smem:$0x3FAB]  }
0x29: {  	s4 =	sld [smem:$0x3FAD]  }
0x2a: {  	p0 =	seq.s32 s5, $0x0;
	s5 =	sld [smem:$0x3FAE]  }
0x2b: {  	s6 =	sld [smem:$0x3FAF]  }
0x2c: {  	s7 =	sld [smem:$0x3FB0]  }
0x2d: {  	s3 =	simm.s32 $0x108;
	s8 =	sld [smem:$0x3FB1]  }
0x2e: {  	s3 =	simm.s32 @!p0 $0x1082;
	s9 =	sld [smem:$0x3FB2]  }
0x2f: {  	lr =	sadd.s32 s0, s3;
	s0 =	sld [smem:$0x3FA9]  }
0x30: {  	s3 =	sld [smem:$0x3FAC]  }
0x31: {  	[smem:$0x3FB5] =	sst s10  }
0x32: {  	s10 =	sld [smem:$0x3FB3];
	_ =	sdelay $0x3  }
0x33: {  	p0 =	seq.s32 s10, $0x1;
	s10 =	sld [smem:$0x3FB5];
	_ =	sdelay $0x3  }
0x34: {  	[smem:$0x3FB5] =	sst s10  }
0x35: {  	s10 =	sld [smem:$0x3FB4];
	_ =	sdelay $0x3  }
0x36: {  	p1 =	seq.s32 s10, $0x1;
	s10 =	sld [smem:$0x3FB5];
	_ =	sdelay $0x3  }
0x37: {  	[smem:$0x3FB5] =	sst s10  }
0x38: {  	s10 =	sld [smem:$0x3FB6]  }
0x39: {  	_ = 	snop;
	(pc) =	sbr.ind lr, $3  }
0x3a: {  	_ = 	snop  }
0x3b: {  	_ = 	snop  }
0x3c: {  	p2 =	seq.s32 s10, $0x1;
	s10 =	sld [smem:$0x3FB5]  }
0x3d: {  	_ =	shalt  }
0x3e: {  	_ =	shalt  }
0x3f: {  	_ =	shalt  }
0x40: {  	_ =	shalt  }
0x41: {  	_ =	shalt  }
0x42: {  	_ =	shalt  }
0x43: {  	_ =	shalt  }
0x44: {  	_ =	shalt  }
0x45: {  	_ =	shalt  }
0x46: {  	_ =	shalt  }
0x47: {  	_ =	shalt  }
0x48: {  	_ =	shalt  }
0x49: {  	_ =	shalt  }
0x4a: {  	_ =	shalt  }
0x4b: {  	_ =	shalt  }
0x4c: {  	_ =	shalt  }
0x4d: {  	_ =	shalt  }
0x4e: {  	_ =	shalt  }
0x4f: {  	_ =	shalt  }
0x50: {  	_ =	shalt  }
0x51: {  	_ =	shalt  }
0x52: {  	_ =	shalt  }
0x53: {  	_ =	shalt  }
0x54: {  	_ =	shalt  }
0x55: {  	_ =	shalt  }
0x56: {  	_ =	shalt  }
0x57: {  	_ =	shalt  }
0x58: {  	_ =	shalt  }
0x59: {  	_ =	shalt  }
0x5a: {  	_ =	shalt  }
0x5b: {  	_ =	shalt  }
0x5c: {  	_ =	shalt  }
0x5d: {  	_ =	shalt  }
0x5e: {  	_ =	shalt  }
0x5f: {  	_ =	shalt  }
0x60: {  	_ =	shalt  }
0x61: {  	_ =	shalt  }
0x62: {  	_ =	shalt  }
0x63: {  	_ =	shalt  }
0x64: {  	_ =	shalt  }
0x65: {  	_ =	shalt  }
0x66: {  	_ =	shalt  }
0x67: {  	_ =	shalt  }
0x68: {  	_ =	shalt  }
0x69: {  	_ =	shalt  }
0x6a: {  	_ =	shalt  }
0x6b: {  	_ =	shalt  }
0x6c: {  	_ =	shalt  }
0x6d: {  	_ =	shalt  }
0x6e: {  	_ =	shalt  }
0x6f: {  	_ =	shalt  }
0x70: {  	_ =	shalt  }
0x71: {  	_ =	shalt  }
0x72: {  	_ =	shalt  }
0x73: {  	_ =	shalt  }
0x74: {  	_ =	shalt  }
0x75: {  	_ =	shalt  }
0x76: {  	_ =	shalt  }
0x77: {  	_ =	shalt  }
0x78: {  	_ =	shalt  }
0x79: {  	_ =	shalt  }
0x7a: {  	_ =	shalt  }
0x7b: {  	_ =	shalt  }
0x7c: {  	_ =	shalt  }
0x7d: {  	_ =	shalt  }
0x7e: {  	_ =	shalt  }
0x7f: {  	_ =	shalt  }
0x80: {  	_ =	shalt  }
0x81: {  	_ =	shalt  }
0x82: {  	_ =	shalt  }
0x83: {  	_ =	shalt  }
0x84: {  	_ =	shalt  }
0x85: {  	_ =	shalt  }
0x86: {  	_ =	shalt  }
0x87: {  	_ =	shalt  }
.Lfunc_end0:
.L_simem_size_0:
called_computation.1_lowered:
.L_overlay_start_0:
0x88: {  	s2 =	sld [smem:$0x3FD9]  }
0x89: {  	s3 =	sld [smem:$0x3FFE];
	_ =	sdelay $0x1  }
0x8a: {  	s1 =	srdreg.scid  }
0x8b: {  	s0 =	sand.u32 $0x1, s1  }
0x8c: {  	s16 =	sshll.u32 s0, $0xA;
	s2 =	sadd.s32 s3, s2  }
0x8d: {  	s2 =	sadd.s32 s2, s16  }
0x8e: {  	[smem:$0x3FC1] =	sst s2  }
0x8f: {  	_ = 	snop  }
0x90: {  	(tm) =	ssettm $0x1  }
0x91: {  	s17 =	sld [smem:$0x3FFB];
	_ =	sdelay $0x3  }
0x92: {  	_ =	strace s17  }
0x93: {  	s2 =	sld [smem:$0x3FFC];
	_ =	sdelay $0x3  }
0x94: {  	_ =	strace s2  }
0x95: {  	s2 =	sld [smem:$0x3FFD];
	_ =	sdelay $0x3  }
0x96: {  	_ =	strace s2  }
0x97: {  	_ =	strace $0x8FFFFFFF  }
0x98: {  	s18 =	sld [smem:$0x3FDB];
	_ =	sdelay $0x1  }
0x99: {  	s19 =	simm.s32 $_scs_section_size  }
0x9a: {  	s4 =	simm.s32 $_size__tile_overlayer_lowered;
	s5 =	simm.s32 $_tile_overlayer_lowered  }
0x9b: {  	s22 =	simm.s32 $0x1BFF;
	s21 =	sshll.u32 s5, $0x1;
	s2 =	sadd.s32 s19, s18  }
0x9c: {  	s6 =	simm.s32 $0x0;
	s20 =	sshll.u32 s4, $0x1;
	s4 =	sadd.s32 s21, s2  }
0x9d: {  	[timem:s6], [sflag:s22] =	dma.local [hbm:s4], s20  }
0x9e: {  	_ =	swait.ge [sflag:s22], s20  }
0x9f: {  	s3 =	ssub.s32 $0x0, s20;
	[sflag:s22] =	ssyncset.done $0x0  }
0xa0: {  	[sflag:s22] =	ssyncadd.s32 s3;
	_ =	sdelay $0x1  }
0xa1: {  	s23 =	simm.s32 $0x1B8B  }
0xa2: {  	_ =	swait.ge [sflag:s23], $0x1  }
0xa3: {  	[sflag:s23] =	ssyncset.done $0x0  }
0xa4: {  	s25 =	simm.s32 $0x1B8E;
	s24 =	sld [smem:$0x3FFE];
	[sflag:s23] =	ssyncadd.s32 $0xFFFFFFFF  }
0xa5: {  	s26 =	simm.s32 $execute0_lowered;
	[smem:$0x3FD2] =	sst s25  }
0xa6: {  	s4 =	sshll.u32 s26, $0x1;
	_ =	strace $0x80000049;
	[dreg:$0x1] =	wrdreg $0xFFFFFFFF  }
0xa7: {  	s28 =	simm.s32 $_size_execute0_lowered;
	s2 =	sadd.s32 s2, s4;
	[dreg:$0x0] =	wrdreg $0x0  }
0xa8: {  	s4 =	sshll.u32 s28, $0x1;
	[dreg:$0x2] =	wrdreg s2  }
0xa9: {  	[dreg:$0x3] =	wrdreg s4  }
0xaa: {  	[dreg:$0x4] =	wrdreg $0xC0  }
0xab: {  	_ =	task [dreg:s6], $0x5FFFF  }
0xac: {  	[dreg:$0x1] =	wrdreg $0xFFFFFFFF  }
0xad: {  	[dreg:$0x0] =	wrdreg $0x60  }
0xae: {  	[dreg:$0x2] =	wrdreg s24  }
0xaf: {  	[dreg:$0x3] =	wrdreg $0x16F000  }
0xb0: {  	[dreg:$0x4] =	wrdreg $0x9  }
0xb1: {  	_ =	task.clear_ibuf [dreg:s6], $0x5FFFF;
	_ =	strace $0x90000049  }
0xb2: {  	s29 =	simm.s32 $0x9;
	_ =	strace $0x8000004B  }
0xb3: {  	_ =	swait.ge [sflag:s29], $0x1  }
0xb4: {  	[sflag:s29] =	ssyncadd.s32 $0xFFFFFFFF  }
0xb5: {  	_ =	strace $0x9000004B  }
0xb6: {  	_ =	sfence  }
0xb7: {  	s30 =	sld [smem:$0x0];
	_ =	sdelay $0x2  }
0xb8: {  	s31 =	sshll.u32 s1, $0xD;
	s1 =	sshrl.u32 s1, $0x2  }
0xb9: {  	s3 =	sand.u32 $0x4000, s31;
	s1 =	sadd.s32 s1, s30  }
0xba: {  	s0 =	sor.u32 s3, s0;
	s1 =	sshll.u32 s1, $0x11  }
0xbb: {  	s0 =	sor.u32 s1, s0  }
0xbc: {  	s0 =	sadd.s32 $0x8F2B, s0  }
0xbd: {  	[sflag:s0] =	ssyncadd.remote.s32 $0x1  }
0xbe: {  	_ =	sfence.sel $0xFFFF  }
0xbf: {  	[dreg:$0x0] =	wrdreg $0xFFFFFFFF;
	(pc) =	sbr.abs _section_cstart, $3  }
0xc0: {  	[dreg:$0x1] =	wrdreg $0xFFFFFFFF  }
0xc1: {  	_ =	task.clear_ibuf [dreg:s6], $0x2FFFF;
	_ =	strace $0x9FFFFFFF  }
0xc2: {  	(tm) =	ssettm $0x7FFFFFFF  }
0xc3: {  	_ =	shalt  }
tec
execute0_lowered:
.L_overlay_start_1:
0x0: {  	(tag) =	ssettag $0x1  }
0x1: {  	s0 =	rddreg [dreg:$0x0]  }
0x2: {  	s2 =	rddreg [dreg:$0x1];
	s26 =	stileid.u32  }
0x3: {  	s25 =	rddreg [dreg:$0x2];
	s22 =	simm.s32 $0x0;
	s3 =	srdreg.scid  }
0x4: {  	s12 =	simm.s32 $0xF00;
	s13 =	simm.s32 $0x3080;
	s14 =	simm.s32 $0x1200  }
0x5: {  	s15 =	simm.s32 $0x3380;
	s16 =	simm.s32 $0x1500;
	s18 =	simm.s32 $0x3680  }
0x6: {  	s19 =	simm.s32 $0x1800;
	s20 =	simm.s32 $0x3980;
	[smem:$0x7FF] =	sst s22  }
0x7: {  	s21 =	simm.s32 $0x1B00;
	_ =	strace $0x8000004A;
	[dreg:$0xf] =	wrdreg s12  }
0x8: {  	s29 =	simm.s32 $0x4280;
	p1 =	por $0x0, $0x0;
	[dreg:$0x10] =	wrdreg s13  }
0x9: {  	s1 =	smul.u32 $0x5000, s26;
	s3 =	sand.u32 $0x1, s3;
	[dreg:$0x11] =	wrdreg s14  }
0xa: {  	s5 =	smul.u32 $0xA00, s26;
	s7 =	sadd.s32 $0xB000, s0;
	[dreg:$0x12] =	wrdreg s15  }
0xb: {  	s8 =	smul.u32 $0x2700, s26;
	s9 =	sadd.s32 $0x1200, s0;
	[dreg:$0x13] =	wrdreg s16  }
0xc: {  	s17 =	sshll.u32 s26, $0x6;
	s24 =	sshll.u32 s26, $0x7;
	[dreg:$0x14] =	wrdreg s18  }
0xd: {  	p0 =	sgt.u32 s26, $0x1;
	s6 =	smul.u32 $0x27100, s3;
	[dreg:$0x15] =	wrdreg s19  }
0xe: {  	s10 =	smul.u32 $0xA000, s3;
	s11 =	sor.u32 $0x1C01, s17;
	[dreg:$0x16] =	wrdreg s20  }
0xf: {  	s3 =	ssub.s32 $0x2, s3;
	s16 =	simm.s32 $0xAF00;
	[dreg:$0x17] =	wrdreg s21  }
0x10: {  	s15 =	simm.s32 $0x10F00;
	s12 =	simm.s32 $0x4;
	s13 =	simm.s32 $0x5  }
0x11: {  	s14 =	simm.s32 $0x6;
	s21 =	simm.s32 $0x2400;
	s20 =	simm.s32 $0x4580  }
0x12: {  	s19 =	simm.s32 $0x4880;
	s18 =	simm.s32 $0x4B80;
	[dreg:$0x1c] =	wrdreg s17  }
0x13: {  	s4 =	sshrl.u32 s1, $0x3;
	[dreg:$0x4] =	wrdreg s11;
	s1 =	sadd.s32 s1, s2  }
0x14: {  	s11 =	simm.s32 $0x2D80;
	s4 =	sadd.s32 s4, s0;
	s23 =	sadd.s32 s8, s6  }
0x15: {  	s6 =	sadd.s32 s24, s6;
	s5 =	sadd.s32 s5, s10;
	s8 =	sshrl.u32 s3, $0x1  }
0x16: {  	s10 =	simm.s32 $0xC00;
	[dreg:$0xe] =	wrdreg s11;
	s11 =	simm.s32 $0x4F00  }
0x17: {  	s24 =	simm.s32 $0x3C80;
	s4 =	sadd.s32 $0x1F800, s4;
	[dreg:$0xd] =	wrdreg s10  }
0x18: {  	s6 =	sshrl.u32 s6, $0x3;
	s5 =	sadd.s32 s5, s0;
	[dreg:$0x18] =	wrdreg s24  }
0x19: {  	[dreg:$0x3] =	wrdreg s4;
	s4 =	sshrl.u32 s23, $0x3;
	s5 =	sadd.s32 $0x29800, s5  }
0x1a: {  	s3 =	ssub.s32 s3, s8;
	s28 =	sadd.s32 s7, s4;
	[dreg:$0x9] =	wrdreg s5  }
0x1b: {  	s6 =	sadd.s32 $0x4E00, s6;
	s4 =	sadd.s32 s9, s4;
	[dreg:$0x5] =	wrdreg s28  }
0x1c: {  	s10 =	simm.s32 $0x2;
	s30 =	sadd.s32 s7, s6;
	[dreg:$0x6] =	wrdreg s4  }
0x1d: {  	s3 =	smax.u32 s3, $0x1;
	s31 =	sadd.s32 s9, s6;
	[dreg:$0x7] =	wrdreg s30  }
0x1e: {  	s6 =	simm.s32 $0x600;
	s7 =	simm.s32 $0x900;
	[dreg:$0x8] =	wrdreg s31  }
0x1f: {  	s4 =	sadd.s32 $0x15800, s0;
	[dreg:$0xa] =	wrdreg s6;
	s0 =	sadd.s32 $0xFFFFFFFF, s3  }
0x20: {  	s9 =	simm.s32 $0x2A80;
	[dreg:$0xb] =	wrdreg s7;
	p2 =	sne.s32 s0, $0x0  }
.Ltmp0:
0x21: {  	s8 =	simm.s32 $0x7;
	[dreg:$0xc] =	wrdreg s9;
	(pc) =	sbr.rel @!p2 .LBB2_5-.Ltmp0, $4  }
0x22: {  	s23 =	simm.s32 $0x2780;
	s28 =	simm.s32 $0x1E00;
	s3 =	rddreg [dreg:$0x3]  }
0x23: {  	s5 =	sshrl.u32 s1, $0x3;
	s30 =	simm.s32 $0x3F80;
	[dreg:$0x19] =	wrdreg s28  }
0x24: {  	s6 =	simm.s32 $0x1;
	s31 =	simm.s32 $0x2100;
	[dreg:$0x1a] =	wrdreg s30  }
0x25: {  	s9 =	simm.s32 $0x3;
	s7 =	simm.s32 $0x300;
	[dreg:$0x1b] =	wrdreg s31  }
0x26: {  	s1 =	rddreg [dreg:$0x4]  }
0x27: {  	[spmem:s5], [sflag:s1] =	dma.local [hbm:s3], $0xA00  }
0x28: {  	s1 =	rddreg [dreg:$0x5]  }
0x29: {  	[tilespmem:s22], [sflag:$0x2] =	stream.linear.gather [hbm4b:s1+s22], $0x2700, $0x38;
	[tilespmem:$0x1BF00] =	vst v63  }
0x2a: {  	s24 =	simm.s32 @!p0 $0x0;
	s3 =	rddreg [dreg:$0x6]  }
0x2b: {  	[tilespmem:s23], [sflag:$0x3] =	stream.linear.gather [hbm4b:s3+s22], $0x2700, $0x38;
	[tilespmem:$0x1BF00] =	vst v63  }
0x2c: {  	s25 =	simm.s32 @!p0 $0x2700;
	s26 =	simm.s32 @!p0 $0x7;
	s1 =	rddreg [dreg:$0x7]  }
0x2d: {  	[tilespmem:s25], [sflag:$0x7] =	stream.linear.gather @!p0 [hbm4b:s1+s24], $0x80, $0x38;
	[tilespmem:$0x1BF00] =	vst v63  }
0x2e: {  	_ =	swait.ge @!p0 [sflag:s26], $0x80  }
0x2f: {  	[sflag:s26] =	ssyncset.done @!p0 $0x0  }
0x30: {  	s28 =	simm.s32 @!p0 $0x4E80;
	s1 =	rddreg [dreg:$0x8];
	[sflag:s26] =	ssyncadd.s32 @!p0 $0xFFFFFF80  }
0x31: {  	[tilespmem:s28], [sflag:$0x7] =	stream.linear.gather @!p0 [hbm4b:s1+s24], $0x80, $0x38;
	[tilespmem:$0x1BF00] =	vst v63  }
0x32: {  	_ =	swait.ge @!p0 [sflag:s26], $0x80  }
0x33: {  	[sflag:s26] =	ssyncset.done @!p0 $0x0  }
0x34: {  	[sflag:s26] =	ssyncadd.s32 @!p0 $0xFFFFFF80  }
0x35: {  	_ =	swait.ge [sflag:s6], $0xA00  }
0x36: {  	[sflag:s6] =	ssyncset.done $0x0  }
0x37: {  	[sflag:s6] =	ssyncadd.s32 $0xFFFFF600  }
0x38: {  	_ =	swait.ge [sflag:s10], $0x2700  }
0x39: {  	[sflag:s10] =	ssyncset.done $0x0  }
0x3a: {  	[sflag:s10] =	ssyncadd.s32 $0xFFFFD900  }
0x3b: {  	_ =	swait.ge [sflag:s9], $0x2700  }
0x3c: {  	[sflag:s9] =	ssyncset.done $0x0  }
0x3d: {  	[sflag:s9] =	ssyncadd.s32 $0xFFFFD900  }
0x3e: {  	[bflag:$0x0] =	sbarrier.arrive $0xFFFF  }
0x3f: {  	[tilespmem:s11], [sflag:$0x1] =	stream.indirect.gather [hbm4b:s4+s7], $0x20, s22, s7, $0xb8;
	[tilespmem:$0x1BF00] =	vst v63  }
0x40: {  	_ = 	snop  }
0x41: {  	[tilespmem:s16], [sflag:$0x2] =	stream.indirect.gather [hbm4b:s4+s7], $0x20, s7, s7, $0xb8;
	[tilespmem:$0x1BF00] =	vst v63  }
0x42: {  	s3 =	rddreg [dreg:$0xa]  }
0x43: {  	[tilespmem:s15], [sflag:$0x3] =	stream.indirect.gather [hbm4b:s4+s7], $0x20, s3, s7, $0xb8;
	[tilespmem:$0x1BF00] =	vst v63  }
0x44: {  	_ =	swait.ge [sflag:s6], $0x6000  }
0x45: {  	[sflag:s6] =	ssyncset.done $0x0  }
0x46: {  	[sflag:s6] =	ssyncadd.s32 $0xFFFFA000  }
0x47: {  	[spmem:s2] =	stream.indirect.scatter.add.f32 [tilespmem:s11], [sflag:$0x4], $0x20, s23, s7, $0xb8;
	[tilespmem:$0x1BF00] =	vst v63  }
0x48: {  	_ =	swait.ge [sflag:s12], $0x6000  }
0x49: {  	[sflag:s12] =	ssyncset.done $0x0  }
0x4a: {  	s3 =	rddreg [dreg:$0xb];
	[sflag:s12] =	ssyncadd.s32 $0xFFFFA000  }
0x4b: {  	[tilespmem:s11], [sflag:$0x1] =	stream.indirect.gather [hbm4b:s4+s7], $0x20, s3, s7, $0xb8;
	[tilespmem:$0x1BF00] =	vst v63  }
0x4c: {  	_ =	swait.ge [sflag:s10], $0x6000  }
0x4d: {  	[sflag:s10] =	ssyncset.done $0x0  }
0x4e: {  	s3 =	rddreg [dreg:$0xc];
	[sflag:s10] =	ssyncadd.s32 $0xFFFFA000  }
0x4f: {  	[spmem:s2] =	stream.indirect.scatter.add.f32 [tilespmem:s16], [sflag:$0x5], $0x20, s3, s7, $0xb8;
	[tilespmem:$0x1BF00] =	vst v63  }
0x50: {  	_ =	swait.ge [sflag:s13], $0x6000  }
0x51: {  	[sflag:s13] =	ssyncset.done $0x0  }
0x52: {  	s3 =	rddreg [dreg:$0xd];
	[sflag:s13] =	ssyncadd.s32 $0xFFFFA000  }
0x53: {  	[tilespmem:s16], [sflag:$0x2] =	stream.indirect.gather [hbm4b:s4+s7], $0x20, s3, s7, $0xb8;
	[tilespmem:$0x1BF00] =	vst v63  }
0x54: {  	_ =	swait.ge [sflag:s9], $0x6000  }
0x55: {  	[sflag:s9] =	ssyncset.done $0x0  }
0x56: {  	s3 =	rddreg [dreg:$0xe];
	[sflag:s9] =	ssyncadd.s32 $0xFFFFA000  }
0x57: {  	[spmem:s2] =	stream.indirect.scatter.add.f32 [tilespmem:s15], [sflag:$0x6], $0x20, s3, s7, $0xb8;
	[tilespmem:$0x1BF00] =	vst v63  }
0x58: {  	_ =	swait.ge [sflag:s14], $0x6000  }
0x59: {  	[sflag:s14] =	ssyncset.done $0x0  }
0x5a: {  	s3 =	rddreg [dreg:$0xf];
	[sflag:s14] =	ssyncadd.s32 $0xFFFFA000  }
0x5b: {  	[tilespmem:s15], [sflag:$0x3] =	stream.indirect.gather [hbm4b:s4+s7], $0x20, s3, s7, $0xb8;
	[tilespmem:$0x1BF00] =	vst v63  }
0x5c: {  	_ =	swait.ge [sflag:s6], $0x6000  }
0x5d: {  	[sflag:s6] =	ssyncset.done $0x0  }
0x5e: {  	s3 =	rddreg [dreg:$0x10];
	[sflag:s6] =	ssyncadd.s32 $0xFFFFA000  }
0x5f: {  	[spmem:s2] =	stream.indirect.scatter.add.f32 [tilespmem:s11], [sflag:$0x4], $0x20, s3, s7, $0xb8;
	[tilespmem:$0x1BF00] =	vst v63  }
0x60: {  	_ =	swait.ge [sflag:s12], $0x6000  }
0x61: {  	[sflag:s12] =	ssyncset.done $0x0  }
0x62: {  	s3 =	rddreg [dreg:$0x11];
	[sflag:s12] =	ssyncadd.s32 $0xFFFFA000  }
0x63: {  	[tilespmem:s11], [sflag:$0x1] =	stream.indirect.gather [hbm4b:s4+s7], $0x20, s3, s7, $0xb8;
	[tilespmem:$0x1BF00] =	vst v63  }
0x64: {  	_ =	swait.ge [sflag:s10], $0x6000  }
0x65: {  	[sflag:s10] =	ssyncset.done $0x0  }
0x66: {  	s3 =	rddreg [dreg:$0x12];
	[sflag:s10] =	ssyncadd.s32 $0xFFFFA000  }
0x67: {  	[spmem:s2] =	stream.indirect.scatter.add.f32 [tilespmem:s16], [sflag:$0x5], $0x20, s3, s7, $0xb8;
	[tilespmem:$0x1BF00] =	vst v63  }
0x68: {  	_ =	swait.ge [sflag:s13], $0x6000  }
0x69: {  	[sflag:s13] =	ssyncset.done $0x0  }
0x6a: {  	s3 =	rddreg [dreg:$0x13];
	[sflag:s13] =	ssyncadd.s32 $0xFFFFA000  }
0x6b: {  	[tilespmem:s16], [sflag:$0x2] =	stream.indirect.gather [hbm4b:s4+s7], $0x20, s3, s7, $0xb8;
	[tilespmem:$0x1BF00] =	vst v63  }
0x6c: {  	_ =	swait.ge [sflag:s9], $0x6000  }
0x6d: {  	[sflag:s9] =	ssyncset.done $0x0  }
0x6e: {  	s3 =	rddreg [dreg:$0x14];
	[sflag:s9] =	ssyncadd.s32 $0xFFFFA000  }
0x6f: {  	[spmem:s2] =	stream.indirect.scatter.add.f32 [tilespmem:s15], [sflag:$0x6], $0x20, s3, s7, $0xb8;
	[tilespmem:$0x1BF00] =	vst v63  }
0x70: {  	_ =	swait.ge [sflag:s14], $0x6000  }
0x71: {  	[sflag:s14] =	ssyncset.done $0x0  }
0x72: {  	s3 =	rddreg [dreg:$0x15];
	[sflag:s14] =	ssyncadd.s32 $0xFFFFA000  }
0x73: {  	[tilespmem:s15], [sflag:$0x3] =	stream.indirect.gather [hbm4b:s4+s7], $0x20, s3, s7, $0xb8;
	[tilespmem:$0x1BF00] =	vst v63  }
0x74: {  	_ =	swait.ge [sflag:s6], $0x6000  }
0x75: {  	[sflag:s6] =	ssyncset.done $0x0  }
0x76: {  	s3 =	rddreg [dreg:$0x16];
	[sflag:s6] =	ssyncadd.s32 $0xFFFFA000  }
0x77: {  	[spmem:s2] =	stream.indirect.scatter.add.f32 [tilespmem:s11], [sflag:$0x4], $0x20, s3, s7, $0xb8;
	[tilespmem:$0x1BF00] =	vst v63  }
0x78: {  	_ =	swait.ge [sflag:s12], $0x6000  }
0x79: {  	[sflag:s12] =	ssyncset.done $0x0  }
0x7a: {  	s3 =	rddreg [dreg:$0x17];
	[sflag:s12] =	ssyncadd.s32 $0xFFFFA000  }
0x7b: {  	[tilespmem:s11], [sflag:$0x1] =	stream.indirect.gather [hbm4b:s4+s7], $0x20, s3, s7, $0xb8;
	[tilespmem:$0x1BF00] =	vst v63  }
0x7c: {  	_ =	swait.ge [sflag:s10], $0x6000  }
0x7d: {  	[sflag:s10] =	ssyncset.done $0x0  }
0x7e: {  	s3 =	rddreg [dreg:$0x18];
	[sflag:s10] =	ssyncadd.s32 $0xFFFFA000  }
0x7f: {  	[spmem:s2] =	stream.indirect.scatter.add.f32 [tilespmem:s16], [sflag:$0x5], $0x20, s3, s7, $0xb8;
	[tilespmem:$0x1BF00] =	vst v63  }
0x80: {  	_ =	swait.ge [sflag:s13], $0x6000  }
0x81: {  	[sflag:s13] =	ssyncset.done $0x0  }
0x82: {  	s3 =	rddreg [dreg:$0x19];
	[sflag:s13] =	ssyncadd.s32 $0xFFFFA000  }
0x83: {  	[tilespmem:s16], [sflag:$0x2] =	stream.indirect.gather [hbm4b:s4+s7], $0x20, s3, s7, $0xb8;
	[tilespmem:$0x1BF00] =	vst v63  }
0x84: {  	_ =	swait.ge [sflag:s9], $0x6000  }
0x85: {  	[sflag:s9] =	ssyncset.done $0x0  }
0x86: {  	s3 =	rddreg [dreg:$0x1a];
	[sflag:s9] =	ssyncadd.s32 $0xFFFFA000  }
0x87: {  	[spmem:s2] =	stream.indirect.scatter.add.f32 [tilespmem:s15], [sflag:$0x6], $0x20, s3, s7, $0xb8;
	[tilespmem:$0x1BF00] =	vst v63  }
0x88: {  	_ =	swait.ge [sflag:s14], $0x6000  }
0x89: {  	[sflag:s14] =	ssyncset.done $0x0  }
0x8a: {  	s3 =	rddreg [dreg:$0x1b];
	[sflag:s14] =	ssyncadd.s32 $0xFFFFA000  }
0x8b: {  	[tilespmem:s15], [sflag:$0x3] =	stream.indirect.gather [hbm4b:s4+s7], $0x20, s3, s7, $0xb8;
	[tilespmem:$0x1BF00] =	vst v63  }
0x8c: {  	_ =	swait.ge [sflag:s6], $0x6000  }
0x8d: {  	[sflag:s6] =	ssyncset.done $0x0  }
0x8e: {  	[sflag:s6] =	ssyncadd.s32 $0xFFFFA000  }
0x8f: {  	[spmem:s2] =	stream.indirect.scatter.add.f32 [tilespmem:s11], [sflag:$0x4], $0x20, s29, s7, $0xb8;
	[tilespmem:$0x1BF00] =	vst v63  }
0x90: {  	_ =	swait.ge [sflag:s12], $0x6000  }
0x91: {  	[sflag:s12] =	ssyncset.done $0x0  }
0x92: {  	[sflag:s12] =	ssyncadd.s32 $0xFFFFA000  }
0x93: {  	[tilespmem:s11], [sflag:$0x1] =	stream.indirect.gather [hbm4b:s4+s7], $0x20, s21, s7, $0xb8;
	[tilespmem:$0x1BF00] =	vst v63  }
0x94: {  	_ =	swait.ge [sflag:s10], $0x6000  }
0x95: {  	[sflag:s10] =	ssyncset.done $0x0  }
0x96: {  	[sflag:s10] =	ssyncadd.s32 $0xFFFFA000  }
0x97: {  	[spmem:s2] =	stream.indirect.scatter.add.f32 [tilespmem:s16], [sflag:$0x5], $0x20, s20, s7, $0xb8;
	[tilespmem:$0x1BF00] =	vst v63  }
0x98: {  	_ =	swait.ge [sflag:s9], $0x6000  }
0x99: {  	[sflag:s9] =	ssyncset.done $0x0  }
0x9a: {  	[sflag:s9] =	ssyncadd.s32 $0xFFFFA000  }
0x9b: {  	[spmem:s2] =	stream.indirect.scatter.add.f32 [tilespmem:s15], [sflag:$0x6], $0x20, s19, s7, $0xb8;
	[tilespmem:$0x1BF00] =	vst v63  }
0x9c: {  	_ =	swait.ge [sflag:s6], $0x6000  }
0x9d: {  	[sflag:s6] =	ssyncset.done $0x0  }
0x9e: {  	[sflag:s6] =	ssyncadd.s32 $0xFFFFA000  }
0x9f: {  	[spmem:s2] =	stream.indirect.scatter.add.f32 [tilespmem:s11], [sflag:$0x4], $0x20, s18, s7, $0xb8;
	[tilespmem:$0x1BF00] =	vst v63  }
0xa0: {  	_ =	swait.ge [sflag:s13], $0x6000  }
0xa1: {  	[sflag:s13] =	ssyncset.done $0x0  }
0xa2: {  	[sflag:s13] =	ssyncadd.s32 $0xFFFFA000  }
0xa3: {  	_ =	swait.ge [sflag:s14], $0x6000  }
0xa4: {  	[sflag:s14] =	ssyncset.done $0x0  }
0xa5: {  	[sflag:s14] =	ssyncadd.s32 $0xFFFFA000  }
0xa6: {  	_ =	swait.ge [sflag:s12], $0x6000  }
0xa7: {  	s30 =	simm.s32 @!p0 $0x80;
	[sflag:s12] =	ssyncset.done $0x0  }
0xa8: {  	s31 =	simm.s32 @!p0 $0x4F00;
	s29 =	simm.s32 @!p0 $0x1;
	[sflag:s12] =	ssyncadd.s32 $0xFFFFA000  }
0xa9: {  	[tilespmem:s31], [sflag:$0x1] =	stream.indirect.gather @!p0 [hbm4b:s4+s30], $0x20, s25, s30, $0xb8;
	[tilespmem:$0x1BF00] =	vst v63  }
0xaa: {  	_ =	swait.ge @!p0 [sflag:s29], $0x1000  }
0xab: {  	[sflag:s29] =	ssyncset.done @!p0 $0x0  }
0xac: {  	[sflag:s29] =	ssyncadd.s32 @!p0 $0xFFFFF000  }
0xad: {  	[spmem:s2] =	stream.indirect.scatter.add.f32 @!p0 [tilespmem:s31], [sflag:$0x7], $0x20, s28, s30, $0xb8;
	[tilespmem:$0x1BF00] =	vst v63  }
0xae: {  	_ =	swait.ge @!p0 [sflag:s26], $0x1000  }
0xaf: {  	s0 =	sadd.s32 $0xFFFFFFFF, s0;
	[sflag:s26] =	ssyncset.done @!p0 $0x0  }
0xb0: {  	p2 =	sne.s32 s0, $0x0;
	[sflag:s26] =	ssyncadd.s32 @!p0 $0xFFFFF000  }
.Ltmp1:
0xb1: {  	p1 =	por $0x1, $0x1;
	[bflag:$0x0] =	sbarrier.arrive $0xFFFF;
	(pc) =	sbr.rel @!p2 .LBB2_2-.Ltmp1, $4  }
0xb2: {  	s1 =	sor.u32 $0x1C07, s17;
	s21 =	simm.s32 $0x2400;
	s3 =	rddreg [dreg:$0x9]  }
0xb3: {  	[hbm:s3], [sflag:s1] =	dma.local [spmem:s5], $0xA00  }
0xb4: {  	s20 =	simm.s32 $0x4580;
	s19 =	simm.s32 $0x4880;
	_ =	swait.ge [sflag:s8], $0xA00  }
0xb5: {  	s18 =	simm.s32 $0x4280;
	s3 =	rddreg [dreg:$0x3];
	[sflag:s8] =	ssyncset.done $0x0  }
.LBB2_3:
0xb6: {  	s17 =	rddreg [dreg:$0x4];
	[sflag:s8] =	ssyncadd.s32 $0xFFFFF600  }
0xb7: {  	[spmem:s5], [sflag:s17] =	dma.local [hbm:s3], $0xA00  }
0xb8: {  	s3 =	rddreg [dreg:$0x5]  }
0xb9: {  	[tilespmem:s22], [sflag:$0x2] =	stream.linear.gather [hbm4b:s3+s22], $0x2700, $0x38;
	[tilespmem:$0x1BF00] =	vst v63  }
0xba: {  	s17 =	rddreg [dreg:$0x6]  }
0xbb: {  	[tilespmem:s23], [sflag:$0x3] =	stream.linear.gather [hbm4b:s17+s22], $0x2700, $0x38;
	[tilespmem:$0x1BF00] =	vst v63  }
0xbc: {  	s3 =	rddreg [dreg:$0x7]  }
0xbd: {  	[tilespmem:s25], [sflag:$0x7] =	stream.linear.gather @!p0 [hbm4b:s3+s24], $0x80, $0x38;
	[tilespmem:$0x1BF00] =	vst v63  }
0xbe: {  	_ =	swait.ge @!p0 [sflag:s26], $0x80  }
0xbf: {  	[sflag:s26] =	ssyncset.done @!p0 $0x0  }
0xc0: {  	s3 =	rddreg [dreg:$0x8];
	[sflag:s26] =	ssyncadd.s32 @!p0 $0xFFFFFF80  }
0xc1: {  	[tilespmem:s28], [sflag:$0x7] =	stream.linear.gather @!p0 [hbm4b:s3+s24], $0x80, $0x38;
	[tilespmem:$0x1BF00] =	vst v63  }
0xc2: {  	_ =	swait.ge @!p0 [sflag:s26], $0x80  }
0xc3: {  	[sflag:s26] =	ssyncset.done @!p0 $0x0  }
0xc4: {  	[sflag:s26] =	ssyncadd.s32 @!p0 $0xFFFFFF80  }
0xc5: {  	_ =	swait.ge [sflag:s6], $0xA00  }
0xc6: {  	[sflag:s6] =	ssyncset.done $0x0  }
0xc7: {  	[sflag:s6] =	ssyncadd.s32 $0xFFFFF600  }
0xc8: {  	_ =	swait.ge [sflag:s10], $0x2700  }
0xc9: {  	[sflag:s10] =	ssyncset.done $0x0  }
0xca: {  	[sflag:s10] =	ssyncadd.s32 $0xFFFFD900  }
0xcb: {  	_ =	swait.ge [sflag:s9], $0x2700  }
0xcc: {  	[sflag:s9] =	ssyncset.done $0x0  }
0xcd: {  	[sflag:s9] =	ssyncadd.s32 $0xFFFFD900  }
0xce: {  	[bflag:$0x0] =	sbarrier.arrive $0xFFFF  }
0xcf: {  	[tilespmem:s11], [sflag:$0x1] =	stream.indirect.gather [hbm4b:s4+s7], $0x20, s22, s7, $0xb8;
	[tilespmem:$0x1BF00] =	vst v63  }
0xd0: {  	_ = 	snop  }
0xd1: {  	[tilespmem:s16], [sflag:$0x2] =	stream.indirect.gather [hbm4b:s4+s7], $0x20, s7, s7, $0xb8;
	[tilespmem:$0x1BF00] =	vst v63  }
0xd2: {  	s17 =	rddreg [dreg:$0xa]  }
0xd3: {  	[tilespmem:s15], [sflag:$0x3] =	stream.indirect.gather [hbm4b:s4+s7], $0x20, s17, s7, $0xb8;
	[tilespmem:$0x1BF00] =	vst v63  }
0xd4: {  	_ =	swait.ge [sflag:s6], $0x6000  }
0xd5: {  	[sflag:s6] =	ssyncset.done $0x0  }
0xd6: {  	[sflag:s6] =	ssyncadd.s32 $0xFFFFA000  }
0xd7: {  	[spmem:s2] =	stream.indirect.scatter.add.f32 [tilespmem:s11], [sflag:$0x4], $0x20, s23, s7, $0xb8;
	[tilespmem:$0x1BF00] =	vst v63  }
0xd8: {  	_ =	swait.ge [sflag:s12], $0x6000  }
0xd9: {  	[sflag:s12] =	ssyncset.done $0x0  }
0xda: {  	s17 =	rddreg [dreg:$0xb];
	[sflag:s12] =	ssyncadd.s32 $0xFFFFA000  }
0xdb: {  	[tilespmem:s11], [sflag:$0x1] =	stream.indirect.gather [hbm4b:s4+s7], $0x20, s17, s7, $0xb8;
	[tilespmem:$0x1BF00] =	vst v63  }
0xdc: {  	_ =	swait.ge [sflag:s10], $0x6000  }
0xdd: {  	[sflag:s10] =	ssyncset.done $0x0  }
0xde: {  	s17 =	rddreg [dreg:$0xc];
	[sflag:s10] =	ssyncadd.s32 $0xFFFFA000  }
0xdf: {  	[spmem:s2] =	stream.indirect.scatter.add.f32 [tilespmem:s16], [sflag:$0x5], $0x20, s17, s7, $0xb8;
	[tilespmem:$0x1BF00] =	vst v63  }
0xe0: {  	_ =	swait.ge [sflag:s13], $0x6000  }
0xe1: {  	[sflag:s13] =	ssyncset.done $0x0  }
0xe2: {  	s17 =	rddreg [dreg:$0xd];
	[sflag:s13] =	ssyncadd.s32 $0xFFFFA000  }
0xe3: {  	[tilespmem:s16], [sflag:$0x2] =	stream.indirect.gather [hbm4b:s4+s7], $0x20, s17, s7, $0xb8;
	[tilespmem:$0x1BF00] =	vst v63  }
0xe4: {  	_ =	swait.ge [sflag:s9], $0x6000  }
0xe5: {  	[sflag:s9] =	ssyncset.done $0x0  }
0xe6: {  	s17 =	rddreg [dreg:$0xe];
	[sflag:s9] =	ssyncadd.s32 $0xFFFFA000  }
0xe7: {  	[spmem:s2] =	stream.indirect.scatter.add.f32 [tilespmem:s15], [sflag:$0x6], $0x20, s17, s7, $0xb8;
	[tilespmem:$0x1BF00] =	vst v63  }
0xe8: {  	_ =	swait.ge [sflag:s14], $0x6000  }
0xe9: {  	[sflag:s14] =	ssyncset.done $0x0  }
0xea: {  	s17 =	rddreg [dreg:$0xf];
	[sflag:s14] =	ssyncadd.s32 $0xFFFFA000  }
0xeb: {  	[tilespmem:s15], [sflag:$0x3] =	stream.indirect.gather [hbm4b:s4+s7], $0x20, s17, s7, $0xb8;
	[tilespmem:$0x1BF00] =	vst v63  }
0xec: {  	_ =	swait.ge [sflag:s6], $0x6000  }
0xed: {  	[sflag:s6] =	ssyncset.done $0x0  }
0xee: {  	s17 =	rddreg [dreg:$0x10];
	[sflag:s6] =	ssyncadd.s32 $0xFFFFA000  }
0xef: {  	[spmem:s2] =	stream.indirect.scatter.add.f32 [tilespmem:s11], [sflag:$0x4], $0x20, s17, s7, $0xb8;
	[tilespmem:$0x1BF00] =	vst v63  }
0xf0: {  	_ =	swait.ge [sflag:s12], $0x6000  }
0xf1: {  	[sflag:s12] =	ssyncset.done $0x0  }
0xf2: {  	s17 =	rddreg [dreg:$0x11];
	[sflag:s12] =	ssyncadd.s32 $0xFFFFA000  }
0xf3: {  	[tilespmem:s11], [sflag:$0x1] =	stream.indirect.gather [hbm4b:s4+s7], $0x20, s17, s7, $0xb8;
	[tilespmem:$0x1BF00] =	vst v63  }
0xf4: {  	_ =	swait.ge [sflag:s10], $0x6000  }
0xf5: {  	[sflag:s10] =	ssyncset.done $0x0  }
0xf6: {  	s17 =	rddreg [dreg:$0x12];
	[sflag:s10] =	ssyncadd.s32 $0xFFFFA000  }
0xf7: {  	[spmem:s2] =	stream.indirect.scatter.add.f32 [tilespmem:s16], [sflag:$0x5], $0x20, s17, s7, $0xb8;
	[tilespmem:$0x1BF00] =	vst v63  }
0xf8: {  	_ =	swait.ge [sflag:s13], $0x6000  }
0xf9: {  	[sflag:s13] =	ssyncset.done $0x0  }
0xfa: {  	s17 =	rddreg [dreg:$0x13];
	[sflag:s13] =	ssyncadd.s32 $0xFFFFA000  }
0xfb: {  	[tilespmem:s16], [sflag:$0x2] =	stream.indirect.gather [hbm4b:s4+s7], $0x20, s17, s7, $0xb8;
	[tilespmem:$0x1BF00] =	vst v63  }
0xfc: {  	_ =	swait.ge [sflag:s9], $0x6000  }
0xfd: {  	[sflag:s9] =	ssyncset.done $0x0  }
0xfe: {  	s17 =	rddreg [dreg:$0x14];
	[sflag:s9] =	ssyncadd.s32 $0xFFFFA000  }
0xff: {  	[spmem:s2] =	stream.indirect.scatter.add.f32 [tilespmem:s15], [sflag:$0x6], $0x20, s17, s7, $0xb8;
	[tilespmem:$0x1BF00] =	vst v63  }
0x100: {  	_ =	swait.ge [sflag:s14], $0x6000  }
0x101: {  	[sflag:s14] =	ssyncset.done $0x0  }
0x102: {  	s17 =	rddreg [dreg:$0x15];
	[sflag:s14] =	ssyncadd.s32 $0xFFFFA000  }
0x103: {  	[tilespmem:s15], [sflag:$0x3] =	stream.indirect.gather [hbm4b:s4+s7], $0x20, s17, s7, $0xb8;
	[tilespmem:$0x1BF00] =	vst v63  }
0x104: {  	_ =	swait.ge [sflag:s6], $0x6000  }
0x105: {  	[sflag:s6] =	ssyncset.done $0x0  }
0x106: {  	s17 =	rddreg [dreg:$0x16];
	[sflag:s6] =	ssyncadd.s32 $0xFFFFA000  }
0x107: {  	[spmem:s2] =	stream.indirect.scatter.add.f32 [tilespmem:s11], [sflag:$0x4], $0x20, s17, s7, $0xb8;
	[tilespmem:$0x1BF00] =	vst v63  }
0x108: {  	_ =	swait.ge [sflag:s12], $0x6000  }
0x109: {  	[sflag:s12] =	ssyncset.done $0x0  }
0x10a: {  	s17 =	rddreg [dreg:$0x17];
	[sflag:s12] =	ssyncadd.s32 $0xFFFFA000  }
0x10b: {  	[tilespmem:s11], [sflag:$0x1] =	stream.indirect.gather [hbm4b:s4+s7], $0x20, s17, s7, $0xb8;
	[tilespmem:$0x1BF00] =	vst v63  }
0x10c: {  	_ =	swait.ge [sflag:s10], $0x6000  }
0x10d: {  	[sflag:s10] =	ssyncset.done $0x0  }
0x10e: {  	s17 =	rddreg [dreg:$0x18];
	[sflag:s10] =	ssyncadd.s32 $0xFFFFA000  }
0x10f: {  	[spmem:s2] =	stream.indirect.scatter.add.f32 [tilespmem:s16], [sflag:$0x5], $0x20, s17, s7, $0xb8;
	[tilespmem:$0x1BF00] =	vst v63  }
0x110: {  	_ =	swait.ge [sflag:s13], $0x6000  }
0x111: {  	[sflag:s13] =	ssyncset.done $0x0  }
0x112: {  	s17 =	rddreg [dreg:$0x19];
	[sflag:s13] =	ssyncadd.s32 $0xFFFFA000  }
0x113: {  	[tilespmem:s16], [sflag:$0x2] =	stream.indirect.gather [hbm4b:s4+s7], $0x20, s17, s7, $0xb8;
	[tilespmem:$0x1BF00] =	vst v63  }
0x114: {  	_ =	swait.ge [sflag:s9], $0x6000  }
0x115: {  	[sflag:s9] =	ssyncset.done $0x0  }
0x116: {  	s17 =	rddreg [dreg:$0x1a];
	[sflag:s9] =	ssyncadd.s32 $0xFFFFA000  }
0x117: {  	[spmem:s2] =	stream.indirect.scatter.add.f32 [tilespmem:s15], [sflag:$0x6], $0x20, s17, s7, $0xb8;
	[tilespmem:$0x1BF00] =	vst v63  }
0x118: {  	_ =	swait.ge [sflag:s14], $0x6000  }
0x119: {  	[sflag:s14] =	ssyncset.done $0x0  }
0x11a: {  	s17 =	rddreg [dreg:$0x1b];
	[sflag:s14] =	ssyncadd.s32 $0xFFFFA000  }
0x11b: {  	[tilespmem:s15], [sflag:$0x3] =	stream.indirect.gather [hbm4b:s4+s7], $0x20, s17, s7, $0xb8;
	[tilespmem:$0x1BF00] =	vst v63  }
0x11c: {  	_ =	swait.ge [sflag:s6], $0x6000  }
0x11d: {  	[sflag:s6] =	ssyncset.done $0x0  }
0x11e: {  	[sflag:s6] =	ssyncadd.s32 $0xFFFFA000  }
0x11f: {  	[spmem:s2] =	stream.indirect.scatter.add.f32 [tilespmem:s11], [sflag:$0x4], $0x20, s18, s7, $0xb8;
	[tilespmem:$0x1BF00] =	vst v63  }
0x120: {  	_ =	swait.ge [sflag:s12], $0x6000  }
0x121: {  	[sflag:s12] =	ssyncset.done $0x0  }
0x122: {  	[sflag:s12] =	ssyncadd.s32 $0xFFFFA000  }
0x123: {  	[tilespmem:s11], [sflag:$0x1] =	stream.indirect.gather [hbm4b:s4+s7], $0x20, s21, s7, $0xb8;
	[tilespmem:$0x1BF00] =	vst v63  }
0x124: {  	_ =	swait.ge [sflag:s10], $0x6000  }
0x125: {  	[sflag:s10] =	ssyncset.done $0x0  }
0x126: {  	[sflag:s10] =	ssyncadd.s32 $0xFFFFA000  }
0x127: {  	[spmem:s2] =	stream.indirect.scatter.add.f32 [tilespmem:s16], [sflag:$0x5], $0x20, s20, s7, $0xb8;
	[tilespmem:$0x1BF00] =	vst v63  }
0x128: {  	_ =	swait.ge [sflag:s9], $0x6000  }
0x129: {  	[sflag:s9] =	ssyncset.done $0x0  }
0x12a: {  	[sflag:s9] =	ssyncadd.s32 $0xFFFFA000  }
0x12b: {  	[spmem:s2] =	stream.indirect.scatter.add.f32 [tilespmem:s15], [sflag:$0x6], $0x20, s19, s7, $0xb8;
	[tilespmem:$0x1BF00] =	vst v63  }
0x12c: {  	_ =	swait.ge [sflag:s6], $0x6000  }
0x12d: {  	[sflag:s6] =	ssyncset.done $0x0  }
0x12e: {  	s17 =	simm.s32 $0x4B80;
	[sflag:s6] =	ssyncadd.s32 $0xFFFFA000  }
0x12f: {  	[spmem:s2] =	stream.indirect.scatter.add.f32 [tilespmem:s11], [sflag:$0x4], $0x20, s17, s7, $0xb8;
	[tilespmem:$0x1BF00] =	vst v63  }
0x130: {  	_ =	swait.ge [sflag:s13], $0x6000  }
0x131: {  	[sflag:s13] =	ssyncset.done $0x0  }
0x132: {  	[sflag:s13] =	ssyncadd.s32 $0xFFFFA000  }
0x133: {  	_ =	swait.ge [sflag:s14], $0x6000  }
0x134: {  	[sflag:s14] =	ssyncset.done $0x0  }
0x135: {  	[sflag:s14] =	ssyncadd.s32 $0xFFFFA000  }
0x136: {  	_ =	swait.ge [sflag:s12], $0x6000  }
0x137: {  	[sflag:s12] =	ssyncset.done $0x0  }
0x138: {  	[sflag:s12] =	ssyncadd.s32 $0xFFFFA000  }
0x139: {  	[tilespmem:s31], [sflag:$0x1] =	stream.indirect.gather @!p0 [hbm4b:s4+s30], $0x20, s25, s30, $0xb8;
	[tilespmem:$0x1BF00] =	vst v63  }
0x13a: {  	_ =	swait.ge @!p0 [sflag:s29], $0x1000  }
0x13b: {  	[sflag:s29] =	ssyncset.done @!p0 $0x0  }
0x13c: {  	[sflag:s29] =	ssyncadd.s32 @!p0 $0xFFFFF000  }
0x13d: {  	[spmem:s2] =	stream.indirect.scatter.add.f32 @!p0 [tilespmem:s31], [sflag:$0x7], $0x20, s28, s30, $0xb8;
	[tilespmem:$0x1BF00] =	vst v63  }
0x13e: {  	_ =	swait.ge @!p0 [sflag:s26], $0x1000  }
0x13f: {  	s0 =	sadd.s32 $0xFFFFFFFF, s0;
	[sflag:s26] =	ssyncset.done @!p0 $0x0  }
0x140: {  	p2 =	sne.s32 s0, $0x0;
	[sflag:s26] =	ssyncadd.s32 @!p0 $0xFFFFF000  }
.Ltmp2:
0x141: {  	[bflag:$0x0] =	sbarrier.arrive $0xFFFF;
	(pc) =	sbr.rel @p2 .LBB2_3-.Ltmp2, $4  }
0x142: {  	s17 =	rddreg [dreg:$0x9]  }
0x143: {  	[hbm:s17], [sflag:s1] =	dma.local [spmem:s5], $0xA00  }
0x144: {  	_ =	swait.ge [sflag:s8], $0xA00  }
0x145: {  	s3 =	rddreg [dreg:$0x3];
	[sflag:s8] =	ssyncset.done $0x0  }
0x146: {  	s25 =	rddreg [dreg:$0x2]  }
0x147: {  	s26 =	stileid.u32;
	s18 =	simm.s32 $0x4B80;
	s19 =	simm.s32 $0x4880  }
0x148: {  	s20 =	simm.s32 $0x4580;
	s21 =	simm.s32 $0x2400;
	s29 =	simm.s32 $0x4280  }
.LBB2_5:
0x149: {  	s0 =	rddreg [dreg:$0x4];
	[sflag:s8] =	ssyncadd.s32 @p1 $0xFFFFF600  }
0x14a: {  	[spmem:s5], [sflag:s0] =	dma.local [hbm:s3], $0xA00  }
0x14b: {  	s0 =	rddreg [dreg:$0x5]  }
0x14c: {  	[tilespmem:s22], [sflag:$0x2] =	stream.linear.gather [hbm4b:s0+s22], $0x2700, $0x38;
	[tilespmem:$0x1BF00] =	vst v63  }
0x14d: {  	s1 =	rddreg [dreg:$0x6]  }
0x14e: {  	[tilespmem:s23], [sflag:$0x3] =	stream.linear.gather [hbm4b:s1+s22], $0x2700, $0x38;
	[tilespmem:$0x1BF00] =	vst v63  }
0x14f: {  	s3 =	simm.s32 @!p0 $0x0;
	s0 =	rddreg [dreg:$0x7];
	s1 =	simm.s32 @!p0 $0x2700  }
0x150: {  	[tilespmem:s1], [sflag:$0x7] =	stream.linear.gather @!p0 [hbm4b:s0+s3], $0x80, $0x38;
	[tilespmem:$0x1BF00] =	vst v63  }
0x151: {  	s0 =	simm.s32 @!p0 $0x7  }
0x152: {  	_ =	swait.ge @!p0 [sflag:s0], $0x80  }
0x153: {  	[sflag:s0] =	ssyncset.done @!p0 $0x0  }
0x154: {  	s24 =	simm.s32 @!p0 $0x4E80;
	s17 =	rddreg [dreg:$0x8];
	[sflag:s0] =	ssyncadd.s32 @!p0 $0xFFFFFF80  }
0x155: {  	[tilespmem:s24], [sflag:$0x7] =	stream.linear.gather @!p0 [hbm4b:s17+s3], $0x80, $0x38;
	[tilespmem:$0x1BF00] =	vst v63  }
0x156: {  	_ =	swait.ge @!p0 [sflag:s0], $0x80  }
0x157: {  	[sflag:s0] =	ssyncset.done @!p0 $0x0  }
0x158: {  	[sflag:s0] =	ssyncadd.s32 @!p0 $0xFFFFFF80  }
0x159: {  	_ =	swait.ge [sflag:s6], $0xA00  }
0x15a: {  	[sflag:s6] =	ssyncset.done $0x0  }
0x15b: {  	[sflag:s6] =	ssyncadd.s32 $0xFFFFF600  }
0x15c: {  	_ =	swait.ge [sflag:s10], $0x2700  }
0x15d: {  	[sflag:s10] =	ssyncset.done $0x0  }
0x15e: {  	[sflag:s10] =	ssyncadd.s32 $0xFFFFD900  }
0x15f: {  	_ =	swait.ge [sflag:s9], $0x2700  }
0x160: {  	[sflag:s9] =	ssyncset.done $0x0  }
0x161: {  	[sflag:s9] =	ssyncadd.s32 $0xFFFFD900  }
0x162: {  	[bflag:$0x0] =	sbarrier.arrive $0xFFFF  }
0x163: {  	[tilespmem:s11], [sflag:$0x1] =	stream.indirect.gather [hbm4b:s4+s7], $0x20, s22, s7, $0xb8;
	[tilespmem:$0x1BF00] =	vst v63  }
0x164: {  	_ = 	snop  }
0x165: {  	[tilespmem:s16], [sflag:$0x2] =	stream.indirect.gather [hbm4b:s4+s7], $0x20, s7, s7, $0xb8;
	[tilespmem:$0x1BF00] =	vst v63  }
0x166: {  	s30 =	rddreg [dreg:$0xa]  }
0x167: {  	[tilespmem:s15], [sflag:$0x3] =	stream.indirect.gather [hbm4b:s4+s7], $0x20, s30, s7, $0xb8;
	[tilespmem:$0x1BF00] =	vst v63  }
0x168: {  	_ =	swait.ge [sflag:s6], $0x6000  }
0x169: {  	[sflag:s6] =	ssyncset.done $0x0  }
0x16a: {  	[sflag:s6] =	ssyncadd.s32 $0xFFFFA000  }
0x16b: {  	[spmem:s2] =	stream.indirect.scatter.add.f32 [tilespmem:s11], [sflag:$0x4], $0x20, s23, s7, $0xb8;
	[tilespmem:$0x1BF00] =	vst v63  }
0x16c: {  	_ =	swait.ge [sflag:s12], $0x6000  }
0x16d: {  	[sflag:s12] =	ssyncset.done $0x0  }
0x16e: {  	s31 =	rddreg [dreg:$0xb];
	[sflag:s12] =	ssyncadd.s32 $0xFFFFA000  }
0x16f: {  	[tilespmem:s11], [sflag:$0x1] =	stream.indirect.gather [hbm4b:s4+s7], $0x20, s31, s7, $0xb8;
	[tilespmem:$0x1BF00] =	vst v63  }
0x170: {  	_ =	swait.ge [sflag:s10], $0x6000  }
0x171: {  	[sflag:s10] =	ssyncset.done $0x0  }
0x172: {  	s17 =	rddreg [dreg:$0xc];
	[sflag:s10] =	ssyncadd.s32 $0xFFFFA000  }
0x173: {  	[spmem:s2] =	stream.indirect.scatter.add.f32 [tilespmem:s16], [sflag:$0x5], $0x20, s17, s7, $0xb8;
	[tilespmem:$0x1BF00] =	vst v63  }
0x174: {  	_ =	swait.ge [sflag:s13], $0x6000  }
0x175: {  	[sflag:s13] =	ssyncset.done $0x0  }
0x176: {  	s22 =	rddreg [dreg:$0xd];
	[sflag:s13] =	ssyncadd.s32 $0xFFFFA000  }
0x177: {  	[tilespmem:s16], [sflag:$0x2] =	stream.indirect.gather [hbm4b:s4+s7], $0x20, s22, s7, $0xb8;
	[tilespmem:$0x1BF00] =	vst v63  }
0x178: {  	_ =	swait.ge [sflag:s9], $0x6000  }
0x179: {  	[sflag:s9] =	ssyncset.done $0x0  }
0x17a: {  	s23 =	rddreg [dreg:$0xe];
	[sflag:s9] =	ssyncadd.s32 $0xFFFFA000  }
0x17b: {  	[spmem:s2] =	stream.indirect.scatter.add.f32 [tilespmem:s15], [sflag:$0x6], $0x20, s23, s7, $0xb8;
	[tilespmem:$0x1BF00] =	vst v63  }
0x17c: {  	_ =	swait.ge [sflag:s14], $0x6000  }
0x17d: {  	[sflag:s14] =	ssyncset.done $0x0  }
0x17e: {  	s28 =	rddreg [dreg:$0xf];
	[sflag:s14] =	ssyncadd.s32 $0xFFFFA000  }
0x17f: {  	[tilespmem:s15], [sflag:$0x3] =	stream.indirect.gather [hbm4b:s4+s7], $0x20, s28, s7, $0xb8;
	[tilespmem:$0x1BF00] =	vst v63  }
0x180: {  	_ =	swait.ge [sflag:s6], $0x6000  }
0x181: {  	[sflag:s6] =	ssyncset.done $0x0  }
0x182: {  	s30 =	rddreg [dreg:$0x10];
	[sflag:s6] =	ssyncadd.s32 $0xFFFFA000  }
0x183: {  	[spmem:s2] =	stream.indirect.scatter.add.f32 [tilespmem:s11], [sflag:$0x4], $0x20, s30, s7, $0xb8;
	[tilespmem:$0x1BF00] =	vst v63  }
0x184: {  	_ =	swait.ge [sflag:s12], $0x6000  }
0x185: {  	[sflag:s12] =	ssyncset.done $0x0  }
0x186: {  	s31 =	rddreg [dreg:$0x11];
	[sflag:s12] =	ssyncadd.s32 $0xFFFFA000  }
0x187: {  	[tilespmem:s11], [sflag:$0x1] =	stream.indirect.gather [hbm4b:s4+s7], $0x20, s31, s7, $0xb8;
	[tilespmem:$0x1BF00] =	vst v63  }
0x188: {  	_ =	swait.ge [sflag:s10], $0x6000  }
0x189: {  	[sflag:s10] =	ssyncset.done $0x0  }
0x18a: {  	s17 =	rddreg [dreg:$0x12];
	[sflag:s10] =	ssyncadd.s32 $0xFFFFA000  }
0x18b: {  	[spmem:s2] =	stream.indirect.scatter.add.f32 [tilespmem:s16], [sflag:$0x5], $0x20, s17, s7, $0xb8;
	[tilespmem:$0x1BF00] =	vst v63  }
0x18c: {  	_ =	swait.ge [sflag:s13], $0x6000  }
0x18d: {  	[sflag:s13] =	ssyncset.done $0x0  }
0x18e: {  	s22 =	rddreg [dreg:$0x13];
	[sflag:s13] =	ssyncadd.s32 $0xFFFFA000  }
0x18f: {  	[tilespmem:s16], [sflag:$0x2] =	stream.indirect.gather [hbm4b:s4+s7], $0x20, s22, s7, $0xb8;
	[tilespmem:$0x1BF00] =	vst v63  }
0x190: {  	_ =	swait.ge [sflag:s9], $0x6000  }
0x191: {  	[sflag:s9] =	ssyncset.done $0x0  }
0x192: {  	s23 =	rddreg [dreg:$0x14];
	[sflag:s9] =	ssyncadd.s32 $0xFFFFA000  }
0x193: {  	[spmem:s2] =	stream.indirect.scatter.add.f32 [tilespmem:s15], [sflag:$0x6], $0x20, s23, s7, $0xb8;
	[tilespmem:$0x1BF00] =	vst v63  }
0x194: {  	_ =	swait.ge [sflag:s14], $0x6000  }
0x195: {  	[sflag:s14] =	ssyncset.done $0x0  }
0x196: {  	s28 =	rddreg [dreg:$0x15];
	[sflag:s14] =	ssyncadd.s32 $0xFFFFA000  }
0x197: {  	[tilespmem:s15], [sflag:$0x3] =	stream.indirect.gather [hbm4b:s4+s7], $0x20, s28, s7, $0xb8;
	[tilespmem:$0x1BF00] =	vst v63  }
0x198: {  	_ =	swait.ge [sflag:s6], $0x6000  }
0x199: {  	[sflag:s6] =	ssyncset.done $0x0  }
0x19a: {  	s30 =	rddreg [dreg:$0x16];
	[sflag:s6] =	ssyncadd.s32 $0xFFFFA000  }
0x19b: {  	[spmem:s2] =	stream.indirect.scatter.add.f32 [tilespmem:s11], [sflag:$0x4], $0x20, s30, s7, $0xb8;
	[tilespmem:$0x1BF00] =	vst v63  }
0x19c: {  	_ =	swait.ge [sflag:s12], $0x6000  }
0x19d: {  	[sflag:s12] =	ssyncset.done $0x0  }
0x19e: {  	s31 =	rddreg [dreg:$0x17];
	[sflag:s12] =	ssyncadd.s32 $0xFFFFA000  }
0x19f: {  	[tilespmem:s11], [sflag:$0x1] =	stream.indirect.gather [hbm4b:s4+s7], $0x20, s31, s7, $0xb8;
	[tilespmem:$0x1BF00] =	vst v63  }
0x1a0: {  	_ =	swait.ge [sflag:s10], $0x6000  }
0x1a1: {  	[sflag:s10] =	ssyncset.done $0x0  }
0x1a2: {  	s17 =	rddreg [dreg:$0x18];
	[sflag:s10] =	ssyncadd.s32 $0xFFFFA000  }
0x1a3: {  	[spmem:s2] =	stream.indirect.scatter.add.f32 [tilespmem:s16], [sflag:$0x5], $0x20, s17, s7, $0xb8;
	[tilespmem:$0x1BF00] =	vst v63  }
0x1a4: {  	_ =	swait.ge [sflag:s13], $0x6000  }
0x1a5: {  	[sflag:s13] =	ssyncset.done $0x0  }
0x1a6: {  	s22 =	rddreg [dreg:$0x19];
	[sflag:s13] =	ssyncadd.s32 $0xFFFFA000  }
0x1a7: {  	[tilespmem:s16], [sflag:$0x2] =	stream.indirect.gather [hbm4b:s4+s7], $0x20, s22, s7, $0xb8;
	[tilespmem:$0x1BF00] =	vst v63  }
0x1a8: {  	_ =	swait.ge [sflag:s9], $0x6000  }
0x1a9: {  	[sflag:s9] =	ssyncset.done $0x0  }
0x1aa: {  	s23 =	rddreg [dreg:$0x1a];
	[sflag:s9] =	ssyncadd.s32 $0xFFFFA000  }
0x1ab: {  	[spmem:s2] =	stream.indirect.scatter.add.f32 [tilespmem:s15], [sflag:$0x6], $0x20, s23, s7, $0xb8;
	[tilespmem:$0x1BF00] =	vst v63  }
0x1ac: {  	_ =	swait.ge [sflag:s14], $0x6000  }
0x1ad: {  	[sflag:s14] =	ssyncset.done $0x0  }
0x1ae: {  	s28 =	rddreg [dreg:$0x1b];
	[sflag:s14] =	ssyncadd.s32 $0xFFFFA000  }
0x1af: {  	[tilespmem:s15], [sflag:$0x3] =	stream.indirect.gather [hbm4b:s4+s7], $0x20, s28, s7, $0xb8;
	[tilespmem:$0x1BF00] =	vst v63  }
0x1b0: {  	_ =	swait.ge [sflag:s6], $0x6000  }
0x1b1: {  	[sflag:s6] =	ssyncset.done $0x0  }
0x1b2: {  	[sflag:s6] =	ssyncadd.s32 $0xFFFFA000  }
0x1b3: {  	[spmem:s2] =	stream.indirect.scatter.add.f32 [tilespmem:s11], [sflag:$0x4], $0x20, s29, s7, $0xb8;
	[tilespmem:$0x1BF00] =	vst v63  }
0x1b4: {  	_ =	swait.ge [sflag:s12], $0x6000  }
0x1b5: {  	[sflag:s12] =	ssyncset.done $0x0  }
0x1b6: {  	[sflag:s12] =	ssyncadd.s32 $0xFFFFA000  }
0x1b7: {  	[tilespmem:s11], [sflag:$0x1] =	stream.indirect.gather [hbm4b:s4+s7], $0x20, s21, s7, $0xb8;
	[tilespmem:$0x1BF00] =	vst v63  }
0x1b8: {  	_ =	swait.ge [sflag:s10], $0x6000  }
0x1b9: {  	[sflag:s10] =	ssyncset.done $0x0  }
0x1ba: {  	[sflag:s10] =	ssyncadd.s32 $0xFFFFA000  }
0x1bb: {  	[spmem:s2] =	stream.indirect.scatter.add.f32 [tilespmem:s16], [sflag:$0x5], $0x20, s20, s7, $0xb8;
	[tilespmem:$0x1BF00] =	vst v63  }
0x1bc: {  	_ =	swait.ge [sflag:s9], $0x6000  }
0x1bd: {  	[sflag:s9] =	ssyncset.done $0x0  }
0x1be: {  	[sflag:s9] =	ssyncadd.s32 $0xFFFFA000  }
0x1bf: {  	[spmem:s2] =	stream.indirect.scatter.add.f32 [tilespmem:s15], [sflag:$0x6], $0x20, s19, s7, $0xb8;
	[tilespmem:$0x1BF00] =	vst v63  }
0x1c0: {  	_ =	swait.ge [sflag:s6], $0x6000  }
0x1c1: {  	[sflag:s6] =	ssyncset.done $0x0  }
0x1c2: {  	[sflag:s6] =	ssyncadd.s32 $0xFFFFA000  }
0x1c3: {  	[spmem:s2] =	stream.indirect.scatter.add.f32 [tilespmem:s11], [sflag:$0x4], $0x20, s18, s7, $0xb8;
	[tilespmem:$0x1BF00] =	vst v63  }
0x1c4: {  	_ =	swait.ge [sflag:s13], $0x6000  }
0x1c5: {  	[sflag:s13] =	ssyncset.done $0x0  }
0x1c6: {  	[sflag:s13] =	ssyncadd.s32 $0xFFFFA000  }
0x1c7: {  	_ =	swait.ge [sflag:s14], $0x6000  }
0x1c8: {  	[sflag:s14] =	ssyncset.done $0x0  }
0x1c9: {  	[sflag:s14] =	ssyncadd.s32 $0xFFFFA000  }
0x1ca: {  	_ =	swait.ge [sflag:s12], $0x6000  }
0x1cb: {  	[sflag:s12] =	ssyncset.done $0x0  }
0x1cc: {  	s3 =	simm.s32 @!p0 $0x80;
	s6 =	simm.s32 @!p0 $0x4F00;
	[sflag:s12] =	ssyncadd.s32 $0xFFFFA000  }
0x1cd: {  	[tilespmem:s6], [sflag:$0x1] =	stream.indirect.gather @!p0 [hbm4b:s4+s3], $0x20, s1, s3, $0xb8;
	[tilespmem:$0x1BF00] =	vst v63  }
0x1ce: {  	s1 =	simm.s32 @!p0 $0x1  }
0x1cf: {  	_ =	swait.ge @!p0 [sflag:s1], $0x1000  }
0x1d0: {  	[sflag:s1] =	ssyncset.done @!p0 $0x0  }
0x1d1: {  	[sflag:s1] =	ssyncadd.s32 @!p0 $0xFFFFF000  }
0x1d2: {  	[spmem:s2] =	stream.indirect.scatter.add.f32 @!p0 [tilespmem:s6], [sflag:$0x7], $0x20, s24, s3, $0xb8;
	[tilespmem:$0x1BF00] =	vst v63  }
0x1d3: {  	_ =	swait.ge @!p0 [sflag:s0], $0x1000  }
0x1d4: {  	[sflag:s0] =	ssyncset.done @!p0 $0x0  }
0x1d5: {  	[sflag:s0] =	ssyncadd.s32 @!p0 $0xFFFFF000  }
0x1d6: {  	[bflag:$0x0] =	sbarrier.arrive $0xFFFF  }
0x1d7: {  	s31 =	rddreg [dreg:$0x1c]  }
0x1d8: {  	s30 =	rddreg [dreg:$0x9];
	s1 =	sor.u32 $0x1C07, s31  }
0x1d9: {  	[hbm:s30], [sflag:s1] =	dma.local [spmem:s5], $0xA00  }
0x1da: {  	_ =	swait.ge [sflag:s8], $0xA00  }
0x1db: {  	[sflag:s8] =	ssyncset.done $0x0  }
0x1dc: {  	[sflag:s8] =	ssyncadd.s32 $0xFFFFF600  }
0x1dd: {  	_ =	sfence.sel $0x180000  }
0x1de: {  	[bflag:$0x0] =	sbarrier.arrive $0xFFFF  }
0x1df: {  	p0 =	sne.s32 s26, $0x0;
	_ =	strace $0x9000004A  }
0x1e0: {  	s0 =	sadd.s32 @!p0 $0x100000, s25;
	[bflag:$0x2] =	sbarrier.arrive $0xFFFF  }
0x1e1: {  	[sflag:s0] =	ssyncadd.tile.s32 @!p0 $0x1;
	_ =	shalt  }
.LBB2_2:
.Ltmp3:
0x1e2: {  	(pc) =	sbr.rel .LBB2_5-.Ltmp3, $4  }
0x1e3: {  	_ = 	snop  }
0x1e4: {  	s25 =	rddreg [dreg:$0x2]  }
0x1e5: {  	s26 =	stileid.u32;
	s18 =	simm.s32 $0x4B80;
	s19 =	simm.s32 $0x4880  }
0x1e6: {  	s20 =	simm.s32 $0x4580;
	s21 =	simm.s32 $0x2400;
	s29 =	simm.s32 $0x4280  }
.Lfunc_end2:
_tile_overlayer_lowered:
.L_overlay_start_2:
0x1e7: {  	(tag) =	ssettag $0x2  }
0x1e8: {  	s0 =	rddreg [dreg:$0x0];
	s2 =	stileid.u32  }
0x1e9: {  	s1 =	rddreg [dreg:$0x1];
	p0 =	sne.s32 s2, $0x0  }
0x1ea: {  	s3 =	rddreg [dreg:$0x2];
	[bflag:$0x3] =	sbarrier.arrive $0xFFFF;
	s2 =	simm.s32 @!p0 $0x1C07  }
0x1eb: {  	[timem:s3], [sflag:s2] =	dma.local @!p0 [hbm:s0], s1  }
0x1ec: {  	s0 =	simm.s32 @!p0 $0x7  }
0x1ed: {  	_ =	swait.ge @!p0 [sflag:s0], s1  }
0x1ee: {  	s1 =	ssub.s32 @!p0 $0x0, s1;
	[sflag:s0] =	ssyncset.done @!p0 $0x0  }
0x1ef: {  	[sflag:s0] =	ssyncadd.s32 @!p0 s1  }
0x1f0: {  	[bflag:$0x3] =	sbarrier.arrive $0xFFFF  }
0x1f1: {  	_ =	shalt  }

// kernel: kernel.13.cloned.1.call-start
scs
__scs_entry_jumppad:
0x0: {  	(pc) =	sbr.rel $0x88, $3  }
0x1: {  	(tag) =	ssettag $0x0;
	lr =	simm.s32 $0x1  }
0x2: {  	[smem:$0x3F9A] =	sst lr;
	_ =	strace $0xD0000000  }
0x3: {  	_ = 	snop  }
0x4: {  	_ = 	snop  }
0x5: {  	_ = 	snop  }
0x6: {  	_ = 	snop  }
0x7: {  	_ = 	snop  }
__scs_overlays_trampoline_lowered:
0x8: {  	[smem:$0x3FA9] =	sst s0  }
0x9: {  	[smem:$0x3FAA] =	sst s1  }
0xa: {  	[smem:$0x3FAB] =	sst s2  }
0xb: {  	[smem:$0x3FAC] =	sst s3  }
0xc: {  	[smem:$0x3FAD] =	sst s4  }
0xd: {  	[smem:$0x3FAE] =	sst s5  }
0xe: {  	[smem:$0x3FAF] =	sst s6  }
0xf: {  	[smem:$0x3FB0] =	sst s7  }
0x10: {  	[smem:$0x3FB1] =	sst s8  }
0x11: {  	[smem:$0x3FB2] =	sst s9;
	s0 =	simm.s32 @!p0 $0x0  }
0x12: {  	s1 =	sld [smem:$0x3F98];
	s0 =	simm.s32 @p0 $0x1  }
0x13: {  	[smem:$0x3FB3] =	sst s0;
	s0 =	simm.s32 @!p1 $0x0  }
0x14: {  	s2 =	sld [smem:$0x3F97];
	s0 =	simm.s32 @p1 $0x1  }
0x15: {  	[smem:$0x3FB4] =	sst s0;
	s0 =	simm.s32 @!p2 $0x0  }
0x16: {  	s3 =	sld [smem:$0x3FDB];
	s0 =	simm.s32 @p2 $0x1  }
0x17: {  	s4 =	simm.s32 $0x1BF5;
	[smem:$0x3FB6] =	sst s0  }
0x18: {  	s0 =	sld [smem:$0x3F99];
	_ =	swait.ge [sflag:s4], $0x0  }
0x19: {  	s7 =	sld [smem:$0x3F9A]  }
0x1a: {  	s8 =	sadd.s32 $0xFFFFE003, lr  }
0x1b: {  	s9 =	sadd.s32 $0xFFFFFEF7, lr;
	s5 =	simm.s32 $0xFFFFFFFF;
	p2 =	slt.u32 s8, $0xFFFFF086  }
0x1c: {  	p1 =	slt.u32 s9, $0xF7A;
	s5 =	simm.s32 @!p2 $0x0  }
0x1d: {  	s5 =	simm.s32 @p1 $0x1;
	p0 =	seq.s32 s7, s2  }
0x1e: {  	s7 =	smul.u32 @!p0 $0xF7A, s2;
	p2 =	seq.s32 @!p0 s5, $0x0  }
0x1f: {  	s9 =	smul.u32 $0xF7A, s1;
	s8 =	simm.s32 @!p0 $0x1BF5;
	p2 =	por !p2, p0  }
0x20: {  	[sflag:s8] =	ssyncset.s32 @!p0 $0xFFFFF086;
	s6 =	sadd.s32 @!p0 s3, s7;
	s7 =	simm.s32 @!p0 $0x108  }
0x21: {  	s3 =	sadd.s32 s3, s9;
	s6 =	sadd.s32 @!p0 $0x88, s6;
	s7 =	simm.s32 @p2 $0x1082  }
0x22: {  	[simem:s7], [sflag:s8] =	dma.local @!p0 [hbm:s6], $0xF7A  }
0x23: {  	s9 =	sor.u32 $0xD0000000, s2;
	s6 =	simm.s32 $0x108;
	_ =	swait.ge @!p0 [sflag:s8], $0x0  }
0x24: {  	s3 =	sadd.s32 $0x88, s3;
	s6 =	simm.s32 @!p1 $0x1082;
	[sflag:s4] =	ssyncset.s32 $0xFFFFF086  }
0x25: {  	[simem:s6], [sflag:s4] =	dma.local [hbm:s3], $0xF7A  }
0x26: {  	[smem:$0x3F9A] =	sst s1;
	(tag) =	ssettag s2;
	_ =	strace s9  }
0x27: {  	s1 =	sld [smem:$0x3FAA]  }
0x28: {  	s2 =	sld [smem:$0x3FAB]  }
0x29: {  	s4 =	sld [smem:$0x3FAD]  }
0x2a: {  	p0 =	seq.s32 s5, $0x0;
	s5 =	sld [smem:$0x3FAE]  }
0x2b: {  	s6 =	sld [smem:$0x3FAF]  }
0x2c: {  	s7 =	sld [smem:$0x3FB0]  }
0x2d: {  	s3 =	simm.s32 $0x108;
	s8 =	sld [smem:$0x3FB1]  }
0x2e: {  	s3 =	simm.s32 @!p0 $0x1082;
	s9 =	sld [smem:$0x3FB2]  }
0x2f: {  	lr =	sadd.s32 s0, s3;
	s0 =	sld [smem:$0x3FA9]  }
0x30: {  	s3 =	sld [smem:$0x3FAC]  }
0x31: {  	[smem:$0x3FB5] =	sst s10  }
0x32: {  	s10 =	sld [smem:$0x3FB3];
	_ =	sdelay $0x3  }
0x33: {  	p0 =	seq.s32 s10, $0x1;
	s10 =	sld [smem:$0x3FB5];
	_ =	sdelay $0x3  }
0x34: {  	[smem:$0x3FB5] =	sst s10  }
0x35: {  	s10 =	sld [smem:$0x3FB4];
	_ =	sdelay $0x3  }
0x36: {  	p1 =	seq.s32 s10, $0x1;
	s10 =	sld [smem:$0x3FB5];
	_ =	sdelay $0x3  }
0x37: {  	[smem:$0x3FB5] =	sst s10  }
0x38: {  	s10 =	sld [smem:$0x3FB6]  }
0x39: {  	_ = 	snop;
	(pc) =	sbr.ind lr, $3  }
0x3a: {  	_ = 	snop  }
0x3b: {  	_ = 	snop  }
0x3c: {  	p2 =	seq.s32 s10, $0x1;
	s10 =	sld [smem:$0x3FB5]  }
0x3d: {  	_ =	shalt  }
0x3e: {  	_ =	shalt  }
0x3f: {  	_ =	shalt  }
0x40: {  	_ =	shalt  }
0x41: {  	_ =	shalt  }
0x42: {  	_ =	shalt  }
0x43: {  	_ =	shalt  }
0x44: {  	_ =	shalt  }
0x45: {  	_ =	shalt  }
0x46: {  	_ =	shalt  }
0x47: {  	_ =	shalt  }
0x48: {  	_ =	shalt  }
0x49: {  	_ =	shalt  }
0x4a: {  	_ =	shalt  }
0x4b: {  	_ =	shalt  }
0x4c: {  	_ =	shalt  }
0x4d: {  	_ =	shalt  }
0x4e: {  	_ =	shalt  }
0x4f: {  	_ =	shalt  }
0x50: {  	_ =	shalt  }
0x51: {  	_ =	shalt  }
0x52: {  	_ =	shalt  }
0x53: {  	_ =	shalt  }
0x54: {  	_ =	shalt  }
0x55: {  	_ =	shalt  }
0x56: {  	_ =	shalt  }
0x57: {  	_ =	shalt  }
0x58: {  	_ =	shalt  }
0x59: {  	_ =	shalt  }
0x5a: {  	_ =	shalt  }
0x5b: {  	_ =	shalt  }
0x5c: {  	_ =	shalt  }
0x5d: {  	_ =	shalt  }
0x5e: {  	_ =	shalt  }
0x5f: {  	_ =	shalt  }
0x60: {  	_ =	shalt  }
0x61: {  	_ =	shalt  }
0x62: {  	_ =	shalt  }
0x63: {  	_ =	shalt  }
0x64: {  	_ =	shalt  }
0x65: {  	_ =	shalt  }
0x66: {  	_ =	shalt  }
0x67: {  	_ =	shalt  }
0x68: {  	_ =	shalt  }
0x69: {  	_ =	shalt  }
0x6a: {  	_ =	shalt  }
0x6b: {  	_ =	shalt  }
0x6c: {  	_ =	shalt  }
0x6d: {  	_ =	shalt  }
0x6e: {  	_ =	shalt  }
0x6f: {  	_ =	shalt  }
0x70: {  	_ =	shalt  }
0x71: {  	_ =	shalt  }
0x72: {  	_ =	shalt  }
0x73: {  	_ =	shalt  }
0x74: {  	_ =	shalt  }
0x75: {  	_ =	shalt  }
0x76: {  	_ =	shalt  }
0x77: {  	_ =	shalt  }
0x78: {  	_ =	shalt  }
0x79: {  	_ =	shalt  }
0x7a: {  	_ =	shalt  }
0x7b: {  	_ =	shalt  }
0x7c: {  	_ =	shalt  }
0x7d: {  	_ =	shalt  }
0x7e: {  	_ =	shalt  }
0x7f: {  	_ =	shalt  }
0x80: {  	_ =	shalt  }
0x81: {  	_ =	shalt  }
0x82: {  	_ =	shalt  }
0x83: {  	_ =	shalt  }
0x84: {  	_ =	shalt  }
0x85: {  	_ =	shalt  }
0x86: {  	_ =	shalt  }
0x87: {  	_ =	shalt  }
.Lfunc_end0:
.L_simem_size_0:
called_computation.2_lowered:
.L_overlay_start_0:
0x88: {  	s2 =	sld [smem:$0x3FD9]  }
0x89: {  	s3 =	sld [smem:$0x3FFE];
	_ =	sdelay $0x1  }
0x8a: {  	s1 =	srdreg.scid  }
0x8b: {  	s0 =	sand.u32 $0x1, s1  }
0x8c: {  	s17 =	sshll.u32 s0, $0xA;
	s2 =	sadd.s32 s3, s2  }
0x8d: {  	s2 =	sadd.s32 s2, s17  }
0x8e: {  	[smem:$0x3FC1] =	sst s2  }
0x8f: {  	_ = 	snop  }
0x90: {  	s2 =	sld [smem:$0x3FC5];
	(tm) =	ssettm $0x1  }
0x91: {  	s18 =	sld [smem:$0x3FFB];
	_ =	sdelay $0x3  }
0x92: {  	_ =	strace s18  }
0x93: {  	s3 =	sld [smem:$0x3FFC];
	_ =	sdelay $0x3  }
0x94: {  	_ =	strace s3  }
0x95: {  	s3 =	sld [smem:$0x3FFD];
	_ =	sdelay $0x3  }
0x96: {  	_ =	strace s3  }
0x97: {  	_ =	strace $0x8FFFFFFF  }
0x98: {  	s19 =	sld [smem:$0x3FDB];
	_ =	sdelay $0x1  }
0x99: {  	s4 =	simm.s32 $_scs_section_size  }
0x9a: {  	s5 =	simm.s32 $_size__tile_overlayer_lowered;
	s6 =	simm.s32 $_tile_overlayer_lowered  }
0x9b: {  	s22 =	simm.s32 $0x1BFF;
	s21 =	sshll.u32 s6, $0x1;
	s3 =	sadd.s32 s4, s19  }
0x9c: {  	s7 =	simm.s32 $0x0;
	s20 =	sshll.u32 s5, $0x1;
	s5 =	sadd.s32 s21, s3  }
0x9d: {  	[timem:s7], [sflag:s22] =	dma.local [hbm:s5], s20  }
0x9e: {  	_ =	swait.ge [sflag:s22], s20  }
0x9f: {  	s4 =	ssub.s32 $0x0, s20;
	[sflag:s22] =	ssyncset.done $0x0  }
0xa0: {  	[sflag:s22] =	ssyncadd.s32 s4;
	_ =	sdelay $0x1  }
0xa1: {  	s23 =	simm.s32 $0x1B8B  }
0xa2: {  	_ =	swait.ge [sflag:s23], $0x1  }
0xa3: {  	[sflag:s23] =	ssyncset.done $0x0  }
0xa4: {  	s25 =	simm.s32 $0x1B8E;
	s24 =	sld [smem:$0x3FFE];
	[sflag:s23] =	ssyncadd.s32 $0xFFFFFFFF  }
0xa5: {  	s26 =	simm.s32 $execute0_lowered;
	[smem:$0x3FD2] =	sst s25  }
0xa6: {  	s5 =	sshll.u32 s26, $0x1;
	_ =	strace $0x8000004C;
	[dreg:$0x1] =	wrdreg $0xFFFFFFFF  }
0xa7: {  	s28 =	simm.s32 $_size_execute0_lowered;
	s3 =	sadd.s32 s3, s5;
	[dreg:$0x0] =	wrdreg $0x0  }
0xa8: {  	s5 =	sshll.u32 s28, $0x1;
	[dreg:$0x2] =	wrdreg s3  }
0xa9: {  	[dreg:$0x3] =	wrdreg s5  }
0xaa: {  	[dreg:$0x4] =	wrdreg $0xC0  }
0xab: {  	_ =	task [dreg:s7], $0x5FFFF  }
0xac: {  	[dreg:$0x1] =	wrdreg $0xFFFFFFFF  }
0xad: {  	[dreg:$0x0] =	wrdreg $0x60  }
0xae: {  	[dreg:$0x2] =	wrdreg s24  }
0xaf: {  	[dreg:$0x3] =	wrdreg s2  }
0xb0: {  	[dreg:$0x4] =	wrdreg $0x9DE00  }
0xb1: {  	[dreg:$0x5] =	wrdreg $0x9  }
0xb2: {  	_ =	task.clear_ibuf [dreg:s7], $0x6FFFF;
	_ =	strace $0x9000004C  }
0xb3: {  	s29 =	simm.s32 $0x9;
	_ =	strace $0x8000004E  }
0xb4: {  	_ =	swait.ge [sflag:s29], $0x1  }
0xb5: {  	[sflag:s29] =	ssyncadd.s32 $0xFFFFFFFF  }
0xb6: {  	_ =	strace $0x9000004E  }
0xb7: {  	_ =	sfence  }
0xb8: {  	s30 =	sld [smem:$0x0];
	_ =	sdelay $0x2  }
0xb9: {  	s31 =	sshll.u32 s1, $0xD;
	s1 =	sshrl.u32 s1, $0x2  }
0xba: {  	s3 =	sand.u32 $0x4000, s31;
	s1 =	sadd.s32 s1, s30  }
0xbb: {  	s0 =	sor.u32 s3, s0;
	s1 =	sshll.u32 s1, $0x11  }
0xbc: {  	s0 =	sor.u32 s1, s0  }
0xbd: {  	s0 =	sadd.s32 $0x8F2B, s0  }
0xbe: {  	[sflag:s0] =	ssyncadd.remote.s32 $0x1  }
0xbf: {  	_ =	sfence.sel $0xFFFF  }
0xc0: {  	[dreg:$0x0] =	wrdreg $0xFFFFFFFF;
	(pc) =	sbr.abs _section_cstart, $3  }
0xc1: {  	[dreg:$0x1] =	wrdreg $0xFFFFFFFF  }
0xc2: {  	_ =	task.clear_ibuf [dreg:s7], $0x2FFFF;
	_ =	strace $0x9FFFFFFF  }
0xc3: {  	(tm) =	ssettm $0x7FFFFFFF  }
tec
execute0_lowered:
.L_overlay_start_1:
0x0: {  	(tag) =	ssettag $0x1  }
0x1: {  	s1 =	srdreg.scid  }
0x2: {  	s1 =	sand.u32 $0x1, s1  }
0x3: {  	s0 =	rddreg [dreg:$0x0];
	s8 =	stileid.u32;
	s4 =	sshll.u32 s1, $0x4  }
0x4: {  	s2 =	rddreg [dreg:$0x2];
	s3 =	simm.s32 $0x0;
	s4 =	sor.u32 s8, s4  }
0x5: {  	s7 =	sshll.u32 s1, $0xB;
	s1 =	ssub.s32 $0x2, s1;
	s5 =	smul.u32 $0x2800, s4  }
0x6: {  	[smem:$0x7FF] =	sst s3;
	s6 =	sshll.u32 s8, $0x7;
	s28 =	sshrl.u32 s1, $0x1  }
0x7: {  	_ =	strace $0x8000004D;
	s1 =	ssub.s32 s1, s28;
	s5 =	sshrl.u32 s5, $0x3  }
0x8: {  	s4 =	smul.u32 $0x180, s4;
	s25 =	smax.u32 s1, $0x1;
	s5 =	sadd.s32 s5, s0  }
0x9: {  	s7 =	sor.u32 s6, s7;
	[dreg:$0x17] =	wrdreg s25;
	s29 =	sadd.s32 $0x29800, s5  }
0xa: {  	s4 =	sshrl.u32 s4, $0x3;
	s30 =	sadd.s32 $0x33800, s5;
	[dreg:$0x4] =	wrdreg s29  }
0xb: {  	s4 =	sadd.s32 s4, s0;
	s5 =	sadd.s32 $0x15800, s5;
	[dreg:$0x5] =	wrdreg s30  }
0xc: {  	s8 =	smul.u32 $0x4400, s8;
	s9 =	sadd.s32 $0x3DE00, s4;
	[dreg:$0x6] =	wrdreg s5  }
0xd: {  	s7 =	sshrl.u32 s7, $0x3;
	s11 =	sadd.s32 $0x3E400, s4;
	[dreg:$0x7] =	wrdreg s9  }
0xe: {  	s0 =	sadd.s32 s7, s0;
	s12 =	sadd.s32 $0x3D800, s4;
	[dreg:$0x8] =	wrdreg s11  }
0xf: {  	s10 =	sshrl.u32 s8, $0x2;
	s24 =	sadd.s32 $0x1F800, s0;
	[dreg:$0x9] =	wrdreg s12  }
0x10: {  	s0 =	sadd.s32 $0x1FA00, s0;
	s9 =	sadd.s32 s10, s2;
	[dreg:$0x15] =	wrdreg s24  }
0x11: {  	s10 =	sadd.s32 s6, s2;
	[dreg:$0x16] =	wrdreg s0;
	s13 =	sadd.s32 $0x880, s9  }
0x12: {  	s14 =	sadd.s32 $0x880, s10;
	[dreg:$0xa] =	wrdreg s13  }
0x13: {  	s25 =	simm.s32 $0x0;
	s15 =	sadd.s32 $0x1100, s10;
	[dreg:$0xb] =	wrdreg s14  }
0x14: {  	s24 =	simm.s32 $0x2;
	s16 =	sadd.s32 $0x1980, s10;
	[dreg:$0xc] =	wrdreg s15  }
0x15: {  	s17 =	sadd.s32 $0x2200, s10;
	s18 =	sadd.s32 $0x2A80, s10;
	[dreg:$0xd] =	wrdreg s16  }
0x16: {  	s19 =	sadd.s32 $0x3300, s10;
	s20 =	sadd.s32 $0x3B80, s10;
	[dreg:$0xe] =	wrdreg s17  }
0x17: {  	s21 =	sadd.s32 $0x4400, s10;
	s22 =	sadd.s32 $0x4C80, s10;
	[dreg:$0xf] =	wrdreg s18  }
0x18: {  	s23 =	sadd.s32 $0x5500, s10;
	s26 =	sadd.s32 $0x5D80, s10;
	[dreg:$0x10] =	wrdreg s19  }
0x19: {  	s28 =	sadd.s32 $0x6600, s10;
	s29 =	sadd.s32 $0x6E80, s10;
	[dreg:$0x11] =	wrdreg s20  }
0x1a: {  	s30 =	sadd.s32 $0x7700, s10;
	s31 =	sadd.s32 $0x7F80, s10;
	[dreg:$0x12] =	wrdreg s21  }
0x1b: {  	s0 =	sadd.s32 $0x8800, s10;
	s1 =	sadd.s32 $0x9080, s10;
	[dreg:$0x13] =	wrdreg s22  }
0x1c: {  	s2 =	sadd.s32 $0x9900, s10;
	s4 =	sadd.s32 $0xA180, s10;
	[dreg:$0x14] =	wrdreg s23  }
0x1d: {  	s5 =	sadd.s32 $0xAA00, s10;
	s6 =	sadd.s32 $0xB280, s10;
	[dreg:$0x18] =	wrdreg s26  }
0x1e: {  	s7 =	sadd.s32 $0xBB00, s10;
	s8 =	sadd.s32 $0xC380, s10;
	[dreg:$0x19] =	wrdreg s28  }
0x1f: {  	s11 =	sadd.s32 $0xCC00, s10;
	s12 =	sadd.s32 $0xD480, s10;
	[dreg:$0x1a] =	wrdreg s29  }
0x20: {  	[dreg:$0x1b] =	wrdreg s30;
	s13 =	sadd.s32 $0xDD00, s10;
	s14 =	sadd.s32 $0xE580, s10  }
0x21: {  	s15 =	sadd.s32 $0xEE00, s10;
	s16 =	sadd.s32 $0xF680, s10;
	s17 =	sadd.s32 $0xFF00, s10  }
0x22: {  	v0 =	vlaneseq.u32;
	s18 =	sadd.s32 $0x10780, s10;
	s19 =	simm.s32 $0x7980;
	s20 =	simm.s32 $0x7B00  }
0x23: {  	v1 =	vimm.f32 $0.0e+00;
	v2 =	vimm.f32 $-3.402823470e+38;
	v3 =	vor.u32 $0x10, v0;
	s21 =	simm.s32 $0x1;
	s22 =	simm.s32 $0x7CA0;
	s23 =	simm.s32 $0x84C0  }
.LBB2_1:
0x24: {  	s26 =	rddreg [dreg:$0x4]  }
0x25: {  	[tilespmem:s3], [sflag:$0x1] =	stream.linear.gather [hbm4b:s26+s3], $0x2800, $0x38;
	[tilespmem:$0xAEE0] =	vst v63  }
0x26: {  	s29 =	rddreg [dreg:$0x5];
	s28 =	simm.s32 $0x2800  }
0x27: {  	[tilespmem:s28], [sflag:$0x1] =	stream.linear.gather [hbm4b:s29+s3], $0x2800, $0x38;
	[tilespmem:$0xAEE0] =	vst v63  }
0x28: {  	s30 =	rddreg [dreg:$0x6];
	s29 =	simm.s32 $0x5000  }
0x29: {  	[tilespmem:s29], [sflag:$0x1] =	stream.linear.gather [hbm4b:s30+s3], $0x2800, $0x38;
	[tilespmem:$0xAEE0] =	vst v63  }
0x2a: {  	s30 =	rddreg [dreg:$0x7];
	s29 =	simm.s32 $0x7800  }
0x2b: {  	[tilespmem:s29], [sflag:$0x1] =	stream.linear.gather [hbm4b:s30+s3], $0x180, $0x38;
	[tilespmem:$0xAEE0] =	vst v63  }
0x2c: {  	s30 =	rddreg [dreg:$0x8]  }
0x2d: {  	[tilespmem:s19], [sflag:$0x1] =	stream.linear.gather [hbm4b:s30+s3], $0x180, $0x38;
	[tilespmem:$0xAEE0] =	vst v63  }
0x2e: {  	s28 =	rddreg [dreg:$0x9]  }
0x2f: {  	[tilespmem:s20], [sflag:$0x1] =	stream.linear.gather [hbm4b:s28+s3], $0x180, $0x38;
	[tilespmem:$0xAEE0] =	vst v63  }
0x30: {  	s26 =	simm.s32 $0x0;
	s29 =	rddreg [dreg:$0x1];
	s30 =	simm.s32 $0x7C80  }
0x31: {  	[tilespmem:s30], [sflag:$0x1] =	stream.linear.gather [hbm4b:s29+s3], $0x20, $0x38;
	[tilespmem:$0xAEE0] =	vst v63  }
.LBB2_2:
0x32: {  	p0 =	sne.s32 s26, $0x2040  }
.Ltmp0:
0x33: {  	_ = 	snop;
	(pc) =	sbr.rel @p0 .LBB2_2-.Ltmp0, $3  }
0x34: {  	_ =	sdelay $0x1  }
0x35: {  	s28 =	sshra.s32 s26, $0x2  }
0x36: {  	s26 =	sadd.s32 $0x40, s26;
	[tilespmem:s28+$0x7CA0] =	vst v1  }
0x37: {  	s26 =	simm.s32 $0x40;
	s28 =	simm.s32 $0x0  }
.LBB2_4:
0x38: {  	p0 =	sne.s32 s26, $0x2040;
	[tilespmem:s28+$0x84C0] =	vst v2;
	s28 =	smov.u32 s26;
	s26 =	sadd.s32 $0x40, s26  }
.Ltmp1:
0x39: {  	(pc) =	sbr.rel @p0 .LBB2_4-.Ltmp1, $2  }
0x3a: {  	_ =	sdelay $0x2  }
0x3b: {  	s28 =	sshra.s32 s28, $0x2  }
0x3c: {  	[tilespmem:s28+$0x84C0] =	vst v2  }
0x3d: {  	_ =	swait.ge [sflag:s21], $0x2800  }
0x3e: {  	[sflag:s21] =	ssyncset.done $0x0  }
0x3f: {  	[sflag:s21] =	ssyncadd.s32 $0xFFFFD800  }
0x40: {  	_ =	swait.ge [sflag:s21], $0x2800  }
0x41: {  	[sflag:s21] =	ssyncset.done $0x0  }
0x42: {  	[sflag:s21] =	ssyncadd.s32 $0xFFFFD800  }
0x43: {  	_ =	swait.ge [sflag:s21], $0x2800  }
0x44: {  	[sflag:s21] =	ssyncset.done $0x0  }
0x45: {  	[sflag:s21] =	ssyncadd.s32 $0xFFFFD800  }
0x46: {  	_ =	swait.ge [sflag:s21], $0x180  }
0x47: {  	[sflag:s21] =	ssyncset.done $0x0  }
0x48: {  	[sflag:s21] =	ssyncadd.s32 $0xFFFFFE80  }
0x49: {  	_ =	swait.ge [sflag:s21], $0x180  }
0x4a: {  	[sflag:s21] =	ssyncset.done $0x0  }
0x4b: {  	[sflag:s21] =	ssyncadd.s32 $0xFFFFFE80  }
0x4c: {  	_ =	swait.ge [sflag:s21], $0x180  }
0x4d: {  	[sflag:s21] =	ssyncset.done $0x0  }
0x4e: {  	[sflag:s21] =	ssyncadd.s32 $0xFFFFFE80  }
0x4f: {  	_ =	swait.ge [sflag:s21], $0x20  }
0x50: {  	[sflag:s21] =	ssyncset.done $0x0  }
0x51: {  	s26 =	simm.s32 $0x0;
	[sflag:s21] =	ssyncadd.s32 $0xFFFFFFE0  }
0x52: {  	v4 =	vld [tilespmem:s26+$0x7800];
	_ =	sdelay $0x1  }
0x53: {  	v5 =	vld [tilespmem:s26+$0x7980];
	_ =	sdelay $0x2  }
0x54: {  	v4 =	vadd.f32 $1.000000000e+00, v4;
	_ =	sdelay $0x1  }
0x55: {  	v4 =	vadd.f32 v5, v4;
	_ =	sdelay $0x1  }
0x56: {  	v5 =	vshra.s32 v4, $0x1;
	v4 =	vmul.f32 $5.000000000e-01, v4  }
0x57: {  	v5 =	vsub.s32 $0x5F3759DF, v5  }
0x58: {  	v6 =	vmul.f32 v5, v4;
	_ =	sdelay $0x1  }
0x59: {  	v6 =	vmul.f32 v5, v6;
	_ =	sdelay $0x1  }
0x5a: {  	v6 =	vsub.f32 $1.500000000e+00, v6;
	_ =	sdelay $0x1  }
0x5b: {  	v5 =	vmul.f32 v5, v6;
	_ =	sdelay $0x1  }
0x5c: {  	v6 =	vmul.f32 v5, v4;
	_ =	sdelay $0x1  }
0x5d: {  	v6 =	vmul.f32 v6, v5;
	_ =	sdelay $0x1  }
0x5e: {  	v6 =	vsub.f32 $1.500000000e+00, v6;
	_ =	sdelay $0x1  }
0x5f: {  	v5 =	vmul.f32 v6, v5;
	_ =	sdelay $0x1  }
0x60: {  	v4 =	vmul.f32 v5, v4;
	_ =	sdelay $0x1  }
0x61: {  	v4 =	vmul.f32 v4, v5;
	_ =	sdelay $0x1  }
0x62: {  	v4 =	vsub.f32 $1.500000000e+00, v4;
	_ =	sdelay $0x1  }
0x63: {  	s29 =	simm.s32 $0x10;
	s28 =	simm.s32 $0x80;
	v4 =	vmul.f32 v4, v5  }
.LBB2_6:
0x64: {  	p0 =	sne.s32 s28, $0x4C0;
	v5 =	vld [tilespmem:s29+$0x7800]  }
0x65: {  	[tilespmem:s26+$0x7980] =	vst v4;
	s26 =	smov.u32 s29  }
0x66: {  	v4 =	vld [tilespmem:s26+$0x7980];
	_ =	sdelay $0x2  }
0x67: {  	v5 =	vadd.f32 $1.000000000e+00, v5;
	_ =	sdelay $0x1  }
0x68: {  	v4 =	vadd.f32 v4, v5;
	_ =	sdelay $0x1  }
0x69: {  	v5 =	vshra.s32 v4, $0x1;
	v4 =	vmul.f32 $5.000000000e-01, v4  }
0x6a: {  	v5 =	vsub.s32 $0x5F3759DF, v5  }
0x6b: {  	v6 =	vmul.f32 v5, v4;
	_ =	sdelay $0x1  }
0x6c: {  	v6 =	vmul.f32 v5, v6;
	_ =	sdelay $0x1  }
0x6d: {  	v6 =	vsub.f32 $1.500000000e+00, v6;
	_ =	sdelay $0x1  }
0x6e: {  	v5 =	vmul.f32 v5, v6;
	_ =	sdelay $0x1  }
0x6f: {  	v6 =	vmul.f32 v5, v4;
	_ =	sdelay $0x1  }
0x70: {  	v6 =	vmul.f32 v6, v5;
	_ =	sdelay $0x1  }
0x71: {  	v6 =	vsub.f32 $1.500000000e+00, v6;
	_ =	sdelay $0x1  }
0x72: {  	v5 =	vmul.f32 v6, v5;
	_ =	sdelay $0x1  }
0x73: {  	v4 =	vmul.f32 v5, v4;
	_ =	sdelay $0x1  }
.Ltmp2:
0x74: {  	v4 =	vmul.f32 v4, v5;
	(pc) =	sbr.rel @p0 .LBB2_6-.Ltmp2, $3  }
0x75: {  	_ = 	snop  }
0x76: {  	v4 =	vsub.f32 $1.500000000e+00, v4;
	_ =	sdelay $0x1  }
0x77: {  	s29 =	sshra.s32 s28, $0x2;
	s28 =	sadd.s32 $0x40, s28;
	v4 =	vmul.f32 v4, v5  }
0x78: {  	v5 =	vld [tilespmem:s29+$0x7800]  }
0x79: {  	[tilespmem:s26+$0x7980] =	vst v4  }
0x7a: {  	v4 =	vld [tilespmem:s29+$0x7980];
	_ =	sdelay $0x2  }
0x7b: {  	v5 =	vadd.f32 $1.000000000e+00, v5;
	_ =	sdelay $0x1  }
0x7c: {  	v4 =	vadd.f32 v4, v5;
	_ =	sdelay $0x1  }
0x7d: {  	v5 =	vshra.s32 v4, $0x1;
	v4 =	vmul.f32 $5.000000000e-01, v4  }
0x7e: {  	v5 =	vsub.s32 $0x5F3759DF, v5  }
0x7f: {  	v6 =	vmul.f32 v5, v4;
	_ =	sdelay $0x1  }
0x80: {  	v6 =	vmul.f32 v5, v6;
	_ =	sdelay $0x1  }
0x81: {  	v6 =	vsub.f32 $1.500000000e+00, v6;
	_ =	sdelay $0x1  }
0x82: {  	v5 =	vmul.f32 v5, v6;
	_ =	sdelay $0x1  }
0x83: {  	v6 =	vmul.f32 v5, v4;
	_ =	sdelay $0x1  }
0x84: {  	v6 =	vmul.f32 v6, v5;
	_ =	sdelay $0x1  }
0x85: {  	v6 =	vsub.f32 $1.500000000e+00, v6;
	_ =	sdelay $0x1  }
0x86: {  	v5 =	vmul.f32 v6, v5;
	_ =	sdelay $0x1  }
0x87: {  	v4 =	vmul.f32 v5, v4;
	_ =	sdelay $0x1  }
0x88: {  	v4 =	vmul.f32 v4, v5  }
0x89: {  	s26 =	simm.s32 $0x0  }
0x8a: {  	v6 =	vmov s26;
	v4 =	vsub.f32 $1.500000000e+00, v4;
	_ =	sdelay $0x1  }
0x8b: {  	v4 =	vmul.f32 v4, v5;
	_ =	sdelay $0x1  }
0x8c: {  	[tilespmem:s29+$0x7980] =	vst v4  }
0x8d: {  	s28 =	simm.s32 $0x2810;
	v7 =	vld.idx.msk [tilespmem:v6+s20+$0x0], $0xffff  }
0x8e: {  	s26 =	simm.s32 $0x10;
	v4 =	vld [tilespmem:s28+$0xFFFFFFF0]  }
0x8f: {  	v5 =	vld [tilespmem:s26+$0xFFFFFFF0]  }
0x90: {  	v8 =	vld [tilespmem:s26+$0x0]  }
0x91: {  	s26 =	simm.s32 $0x5010;
	v9 =	vld [tilespmem:s28+$0x0]  }
0x92: {  	v10 =	vld [tilespmem:s26+$0xFFFFFFF0]  }
0x93: {  	v11 =	vld [tilespmem:s26+$0x0]  }
0x94: {  	v6 =	vld.idx.msk [tilespmem:v6+s19+$0x0], $0xffff  }
0x95: {  	v12 =	vadd.f32 v4, v5  }
0x96: {  	v4 =	vld [tilespmem:$0x7C80];
	v8 =	vadd.f32 v9, v8  }
0x97: {  	v5 =	vld [tilespmem:$0x7C90];
	v9 =	vadd.f32 v10, v12  }
0x98: {  	v7 =	vshll.u32 v7, $0x5;
	v8 =	vadd.f32 v11, v8  }
0x99: {  	v10 =	vor.u32 v0, v7;
	v9 =	vmul.f32 v9, v6  }
0x9a: {  	v7 =	vor.u32 v3, v7;
	v6 =	vmul.f32 v8, v6  }
0x9b: {  	v8 =	vadd.f32 v9, v4  }
0x9c: {  	v6 =	vadd.f32 v6, v5  }
0x9d: {  	v8 =	vmax.f32 v8, $0.0e+00  }
0x9e: {  	v6 =	vmax.f32 v6, $0.0e+00;
	[tilespmem:v10+s22+$0x0] =	vst.idx.add.f32.msk $0xffff, v8  }
0x9f: {  	[tilespmem:v7+s22+$0x0] =	vst.idx.add.f32.msk $0xffff, v6  }
0xa0: {  	v9 =	vld.idx.msk [tilespmem:v10+s23+$0x0], $0xffff;
	_ =	sdelay $0x4  }
0xa1: {  	v8 =	vmax.f32 v9, v8  }
0xa2: {  	[tilespmem:v10+s23+$0x0] =	vst.idx.msk $0xffff, v8  }
0xa3: {  	v8 =	vld.idx.msk [tilespmem:v7+s23+$0x0], $0xffff  }
0xa4: {  	s28 =	simm.s32 $0x1  }
0xa5: {  	v9 =	vmov s28;
	_ =	sdelay $0x2  }
0xa6: {  	v6 =	vmax.f32 v8, v6  }
0xa7: {  	[tilespmem:v7+s23+$0x0] =	vst.idx.msk $0xffff, v6  }
0xa8: {  	v7 =	vld.idx.msk [tilespmem:v9+s20+$0x0], $0xffff  }
0xa9: {  	s28 =	simm.s32 $0x2830;
	v6 =	vld.idx.msk [tilespmem:v9+s19+$0x0], $0xffff  }
0xaa: {  	s30 =	simm.s32 $0x2;
	s29 =	simm.s32 $0x30;
	v8 =	vld [tilespmem:s28+$0xFFFFFFF0]  }
.LBB2_8:
0xab: {  	p0 =	sne.s32 s30, $0x13F;
	v9 =	vld [tilespmem:s29+$0xFFFFFFF0]  }
0xac: {  	v10 =	vld [tilespmem:s29+$0x0]  }
0xad: {  	s26 =	sadd.s32 $0x20, s26;
	v11 =	vld [tilespmem:s28+$0x0]  }
0xae: {  	v12 =	vld [tilespmem:s26+$0xFFFFFFF0]  }
0xaf: {  	v13 =	vld [tilespmem:s26+$0x0];
	_ =	sdelay $0x1  }
0xb0: {  	v8 =	vadd.f32 v8, v9  }
0xb1: {  	v9 =	vadd.f32 v11, v10  }
0xb2: {  	v8 =	vadd.f32 v12, v8  }
0xb3: {  	v7 =	vshll.u32 v7, $0x5;
	v9 =	vadd.f32 v13, v9  }
0xb4: {  	v10 =	vor.u32 v0, v7;
	v8 =	vmul.f32 v8, v6  }
0xb5: {  	v7 =	vor.u32 v3, v7;
	v6 =	vmul.f32 v9, v6  }
0xb6: {  	v8 =	vadd.f32 v8, v4  }
0xb7: {  	v6 =	vadd.f32 v6, v5  }
0xb8: {  	v8 =	vmax.f32 v8, $0.0e+00  }
0xb9: {  	v6 =	vmax.f32 v6, $0.0e+00;
	[tilespmem:v10+s22+$0x0] =	vst.idx.add.f32.msk $0xffff, v8  }
0xba: {  	[tilespmem:v7+s22+$0x0] =	vst.idx.add.f32.msk $0xffff, v6  }
0xbb: {  	v9 =	vld.idx.msk [tilespmem:v10+s23+$0x0], $0xffff;
	_ =	sdelay $0x5  }
0xbc: {  	v8 =	vmax.f32 v9, v8  }
0xbd: {  	[tilespmem:v10+s23+$0x0] =	vst.idx.msk $0xffff, v8  }
0xbe: {  	v8 =	vld.idx.msk [tilespmem:v7+s23+$0x0], $0xffff;
	_ =	sdelay $0x2  }
0xbf: {  	v9 =	vmov s30;
	_ =	sdelay $0x2  }
.Ltmp3:
0xc0: {  	v6 =	vmax.f32 v8, v6;
	(pc) =	sbr.rel @p0 .LBB2_8-.Ltmp3, $4  }
0xc1: {  	[tilespmem:v7+s23+$0x0] =	vst.idx.msk $0xffff, v6  }
0xc2: {  	v7 =	vld.idx.msk [tilespmem:v9+s20+$0x0], $0xffff  }
0xc3: {  	s28 =	sadd.s32 $0x20, s28;
	v6 =	vld.idx.msk [tilespmem:v9+s19+$0x0], $0xffff  }
0xc4: {  	s29 =	sadd.s32 $0x20, s29;
	s30 =	sadd.s32 $0x1, s30;
	v8 =	vld [tilespmem:s28+$0xFFFFFFF0]  }
0xc5: {  	v9 =	vld [tilespmem:s29+$0xFFFFFFF0]  }
0xc6: {  	v10 =	vld [tilespmem:s29+$0x0]  }
0xc7: {  	v11 =	vld [tilespmem:s28+$0x0];
	s26 =	sadd.s32 $0x20, s26  }
0xc8: {  	v12 =	vld [tilespmem:s26+$0xFFFFFFF0]  }
0xc9: {  	v13 =	vld [tilespmem:s26+$0x0];
	_ =	sdelay $0x1  }
0xca: {  	v8 =	vadd.f32 v8, v9  }
0xcb: {  	v9 =	vadd.f32 v11, v10  }
0xcc: {  	v8 =	vadd.f32 v12, v8  }
0xcd: {  	v7 =	vshll.u32 v7, $0x5;
	v9 =	vadd.f32 v13, v9  }
0xce: {  	v10 =	vor.u32 v0, v7;
	v8 =	vmul.f32 v8, v6  }
0xcf: {  	v7 =	vor.u32 v3, v7;
	v6 =	vmul.f32 v9, v6  }
0xd0: {  	v4 =	vadd.f32 v8, v4  }
0xd1: {  	v5 =	vadd.f32 v6, v5  }
0xd2: {  	v4 =	vmax.f32 v4, $0.0e+00  }
0xd3: {  	v5 =	vmax.f32 v5, $0.0e+00;
	[tilespmem:v10+s22+$0x0] =	vst.idx.add.f32.msk $0xffff, v4  }
0xd4: {  	[tilespmem:v7+s22+$0x0] =	vst.idx.add.f32.msk $0xffff, v5  }
0xd5: {  	v6 =	vld.idx.msk [tilespmem:v10+s23+$0x0], $0xffff;
	_ =	sdelay $0x4  }
0xd6: {  	v4 =	vmax.f32 v6, v4  }
0xd7: {  	[tilespmem:v10+s23+$0x0] =	vst.idx.msk $0xffff, v4  }
0xd8: {  	v4 =	vld.idx.msk [tilespmem:v7+s23+$0x0], $0xffff;
	_ =	sdelay $0x4  }
0xd9: {  	v4 =	vmax.f32 v4, v5  }
0xda: {  	[tilespmem:v7+s23+$0x0] =	vst.idx.msk $0xffff, v4  }
0xdb: {  	[spmem:s9] =	stream.linear.scatter [tilespmem:s22], [sflag:$0x2], $0x820, $0x38;
	[tilespmem:$0xAEE0] =	vst v63  }
0xdc: {  	_ =	swait.ge [sflag:s24], $0x820  }
0xdd: {  	[sflag:s24] =	ssyncset.done $0x0  }
0xde: {  	s30 =	rddreg [dreg:$0xa];
	[sflag:s24] =	ssyncadd.s32 $0xFFFFF7E0  }
0xdf: {  	[spmem:s30] =	stream.linear.scatter [tilespmem:s23], [sflag:$0x2], $0x820, $0x38;
	[tilespmem:$0xAEE0] =	vst v63  }
0xe0: {  	_ =	swait.ge [sflag:s24], $0x820  }
0xe1: {  	[sflag:s24] =	ssyncset.done $0x0  }
0xe2: {  	[sflag:s24] =	ssyncadd.s32 $0xFFFFF7E0  }
0xe3: {  	s30 =	simm.s32 $0x8DE0;
	[bflag:$0x0] =	sbarrier.arrive $0xFFFF  }
0xe4: {  	[tilespmem:s30], [sflag:$0x1] =	stream.linear.gather [spmem:s10], $0x80, $0x38;
	[tilespmem:$0xAEE0] =	vst v63  }
0xe5: {  	s28 =	simm.s32 $0x95E0;
	s30 =	rddreg [dreg:$0xb]  }
0xe6: {  	[tilespmem:s28], [sflag:$0x1] =	stream.linear.gather [spmem:s30], $0x80, $0x38;
	[tilespmem:$0xAEE0] =	vst v63  }
0xe7: {  	s30 =	rddreg [dreg:$0xc];
	s28 =	simm.s32 $0x8E60  }
0xe8: {  	[tilespmem:s28], [sflag:$0x1] =	stream.linear.gather [spmem:s30], $0x80, $0x38;
	[tilespmem:$0xAEE0] =	vst v63  }
0xe9: {  	s30 =	rddreg [dreg:$0xd];
	s28 =	simm.s32 $0x9660  }
0xea: {  	[tilespmem:s28], [sflag:$0x1] =	stream.linear.gather [spmem:s30], $0x80, $0x38;
	[tilespmem:$0xAEE0] =	vst v63  }
0xeb: {  	s30 =	rddreg [dreg:$0xe];
	s28 =	simm.s32 $0x8EE0  }
0xec: {  	[tilespmem:s28], [sflag:$0x1] =	stream.linear.gather [spmem:s30], $0x80, $0x38;
	[tilespmem:$0xAEE0] =	vst v63  }
0xed: {  	s30 =	rddreg [dreg:$0xf];
	s28 =	simm.s32 $0x96E0  }
0xee: {  	[tilespmem:s28], [sflag:$0x1] =	stream.linear.gather [spmem:s30], $0x80, $0x38;
	[tilespmem:$0xAEE0] =	vst v63  }
0xef: {  	s30 =	rddreg [dreg:$0x10];
	s28 =	simm.s32 $0x8F60  }
0xf0: {  	[tilespmem:s28], [sflag:$0x1] =	stream.linear.gather [spmem:s30], $0x80, $0x38;
	[tilespmem:$0xAEE0] =	vst v63  }
0xf1: {  	s30 =	rddreg [dreg:$0x11];
	s28 =	simm.s32 $0x9760  }
0xf2: {  	[tilespmem:s28], [sflag:$0x1] =	stream.linear.gather [spmem:s30], $0x80, $0x38;
	[tilespmem:$0xAEE0] =	vst v63  }
0xf3: {  	s30 =	rddreg [dreg:$0x12];
	s28 =	simm.s32 $0x8FE0  }
0xf4: {  	[tilespmem:s28], [sflag:$0x1] =	stream.linear.gather [spmem:s30], $0x80, $0x38;
	[tilespmem:$0xAEE0] =	vst v63  }
0xf5: {  	s30 =	rddreg [dreg:$0x13];
	s28 =	simm.s32 $0x97E0  }
0xf6: {  	[tilespmem:s28], [sflag:$0x1] =	stream.linear.gather [spmem:s30], $0x80, $0x38;
	[tilespmem:$0xAEE0] =	vst v63  }
0xf7: {  	s30 =	rddreg [dreg:$0x14];
	s28 =	simm.s32 $0x9060  }
0xf8: {  	[tilespmem:s28], [sflag:$0x1] =	stream.linear.gather [spmem:s30], $0x80, $0x38;
	[tilespmem:$0xAEE0] =	vst v63  }
0xf9: {  	s30 =	rddreg [dreg:$0x18];
	s28 =	simm.s32 $0x9860  }
0xfa: {  	[tilespmem:s28], [sflag:$0x1] =	stream.linear.gather [spmem:s30], $0x80, $0x38;
	[tilespmem:$0xAEE0] =	vst v63  }
0xfb: {  	s30 =	rddreg [dreg:$0x19];
	s28 =	simm.s32 $0x90E0  }
0xfc: {  	[tilespmem:s28], [sflag:$0x1] =	stream.linear.gather [spmem:s30], $0x80, $0x38;
	[tilespmem:$0xAEE0] =	vst v63  }
0xfd: {  	s30 =	rddreg [dreg:$0x1a];
	s28 =	simm.s32 $0x98E0  }
0xfe: {  	[tilespmem:s28], [sflag:$0x1] =	stream.linear.gather [spmem:s30], $0x80, $0x38;
	[tilespmem:$0xAEE0] =	vst v63  }
0xff: {  	s30 =	rddreg [dreg:$0x1b];
	s28 =	simm.s32 $0x9160  }
0x100: {  	[tilespmem:s28], [sflag:$0x1] =	stream.linear.gather [spmem:s30], $0x80, $0x38;
	[tilespmem:$0xAEE0] =	vst v63  }
0x101: {  	s30 =	simm.s32 $0x9960  }
0x102: {  	[tilespmem:s30], [sflag:$0x1] =	stream.linear.gather [spmem:s31], $0x80, $0x38;
	[tilespmem:$0xAEE0] =	vst v63  }
0x103: {  	s30 =	simm.s32 $0x91E0  }
0x104: {  	[tilespmem:s30], [sflag:$0x1] =	stream.linear.gather [spmem:s0], $0x80, $0x38;
	[tilespmem:$0xAEE0] =	vst v63  }
0x105: {  	s30 =	simm.s32 $0x99E0  }
0x106: {  	[tilespmem:s30], [sflag:$0x1] =	stream.linear.gather [spmem:s1], $0x80, $0x38;
	[tilespmem:$0xAEE0] =	vst v63  }
0x107: {  	s30 =	simm.s32 $0x9260  }
0x108: {  	[tilespmem:s30], [sflag:$0x1] =	stream.linear.gather [spmem:s2], $0x80, $0x38;
	[tilespmem:$0xAEE0] =	vst v63  }
0x109: {  	s30 =	simm.s32 $0x9A60  }
0x10a: {  	[tilespmem:s30], [sflag:$0x1] =	stream.linear.gather [spmem:s4], $0x80, $0x38;
	[tilespmem:$0xAEE0] =	vst v63  }
0x10b: {  	s30 =	simm.s32 $0x92E0  }
0x10c: {  	[tilespmem:s30], [sflag:$0x1] =	stream.linear.gather [spmem:s5], $0x80, $0x38;
	[tilespmem:$0xAEE0] =	vst v63  }
0x10d: {  	s30 =	simm.s32 $0x9AE0  }
0x10e: {  	[tilespmem:s30], [sflag:$0x1] =	stream.linear.gather [spmem:s6], $0x80, $0x38;
	[tilespmem:$0xAEE0] =	vst v63  }
0x10f: {  	s30 =	simm.s32 $0x9360  }
0x110: {  	[tilespmem:s30], [sflag:$0x1] =	stream.linear.gather [spmem:s7], $0x80, $0x38;
	[tilespmem:$0xAEE0] =	vst v63  }
0x111: {  	s30 =	simm.s32 $0x9B60  }
0x112: {  	[tilespmem:s30], [sflag:$0x1] =	stream.linear.gather [spmem:s8], $0x80, $0x38;
	[tilespmem:$0xAEE0] =	vst v63  }
0x113: {  	s30 =	simm.s32 $0x93E0  }
0x114: {  	[tilespmem:s30], [sflag:$0x1] =	stream.linear.gather [spmem:s11], $0x80, $0x38;
	[tilespmem:$0xAEE0] =	vst v63  }
0x115: {  	s30 =	simm.s32 $0x9BE0  }
0x116: {  	[tilespmem:s30], [sflag:$0x1] =	stream.linear.gather [spmem:s12], $0x80, $0x38;
	[tilespmem:$0xAEE0] =	vst v63  }
0x117: {  	s30 =	simm.s32 $0x9460  }
0x118: {  	[tilespmem:s30], [sflag:$0x1] =	stream.linear.gather [spmem:s13], $0x80, $0x38;
	[tilespmem:$0xAEE0] =	vst v63  }
0x119: {  	s30 =	simm.s32 $0x9C60  }
0x11a: {  	[tilespmem:s30], [sflag:$0x1] =	stream.linear.gather [spmem:s14], $0x80, $0x38;
	[tilespmem:$0xAEE0] =	vst v63  }
0x11b: {  	s30 =	simm.s32 $0x94E0  }
0x11c: {  	[tilespmem:s30], [sflag:$0x1] =	stream.linear.gather [spmem:s15], $0x80, $0x38;
	[tilespmem:$0xAEE0] =	vst v63  }
0x11d: {  	s30 =	simm.s32 $0x9CE0  }
0x11e: {  	[tilespmem:s30], [sflag:$0x1] =	stream.linear.gather [spmem:s16], $0x80, $0x38;
	[tilespmem:$0xAEE0] =	vst v63  }
0x11f: {  	s30 =	simm.s32 $0x9560  }
0x120: {  	[tilespmem:s30], [sflag:$0x1] =	stream.linear.gather [spmem:s17], $0x80, $0x38;
	[tilespmem:$0xAEE0] =	vst v63  }
0x121: {  	s30 =	simm.s32 $0x9D60  }
0x122: {  	[tilespmem:s30], [sflag:$0x1] =	stream.linear.gather [spmem:s18], $0x80, $0x38;
	[tilespmem:$0xAEE0] =	vst v63  }
0x123: {  	_ =	swait.ge [sflag:s21], $0x80  }
0x124: {  	[sflag:s21] =	ssyncset.done $0x0  }
0x125: {  	[sflag:s21] =	ssyncadd.s32 $0xFFFFFF80  }
0x126: {  	_ =	swait.ge [sflag:s21], $0x80  }
0x127: {  	[sflag:s21] =	ssyncset.done $0x0  }
0x128: {  	[sflag:s21] =	ssyncadd.s32 $0xFFFFFF80  }
0x129: {  	_ =	swait.ge [sflag:s21], $0x80  }
0x12a: {  	[sflag:s21] =	ssyncset.done $0x0  }
0x12b: {  	[sflag:s21] =	ssyncadd.s32 $0xFFFFFF80  }
0x12c: {  	_ =	swait.ge [sflag:s21], $0x80  }
0x12d: {  	[sflag:s21] =	ssyncset.done $0x0  }
0x12e: {  	[sflag:s21] =	ssyncadd.s32 $0xFFFFFF80  }
0x12f: {  	_ =	swait.ge [sflag:s21], $0x80  }
0x130: {  	[sflag:s21] =	ssyncset.done $0x0  }
0x131: {  	[sflag:s21] =	ssyncadd.s32 $0xFFFFFF80  }
0x132: {  	_ =	swait.ge [sflag:s21], $0x80  }
0x133: {  	[sflag:s21] =	ssyncset.done $0x0  }
0x134: {  	[sflag:s21] =	ssyncadd.s32 $0xFFFFFF80  }
0x135: {  	_ =	swait.ge [sflag:s21], $0x80  }
0x136: {  	[sflag:s21] =	ssyncset.done $0x0  }
0x137: {  	[sflag:s21] =	ssyncadd.s32 $0xFFFFFF80  }
0x138: {  	_ =	swait.ge [sflag:s21], $0x80  }
0x139: {  	[sflag:s21] =	ssyncset.done $0x0  }
0x13a: {  	[sflag:s21] =	ssyncadd.s32 $0xFFFFFF80  }
0x13b: {  	_ =	swait.ge [sflag:s21], $0x80  }
0x13c: {  	[sflag:s21] =	ssyncset.done $0x0  }
0x13d: {  	[sflag:s21] =	ssyncadd.s32 $0xFFFFFF80  }
0x13e: {  	_ =	swait.ge [sflag:s21], $0x80  }
0x13f: {  	[sflag:s21] =	ssyncset.done $0x0  }
0x140: {  	[sflag:s21] =	ssyncadd.s32 $0xFFFFFF80  }
0x141: {  	_ =	swait.ge [sflag:s21], $0x80  }
0x142: {  	[sflag:s21] =	ssyncset.done $0x0  }
0x143: {  	[sflag:s21] =	ssyncadd.s32 $0xFFFFFF80  }
0x144: {  	_ =	swait.ge [sflag:s21], $0x80  }
0x145: {  	[sflag:s21] =	ssyncset.done $0x0  }
0x146: {  	[sflag:s21] =	ssyncadd.s32 $0xFFFFFF80  }
0x147: {  	_ =	swait.ge [sflag:s21], $0x80  }
0x148: {  	[sflag:s21] =	ssyncset.done $0x0  }
0x149: {  	[sflag:s21] =	ssyncadd.s32 $0xFFFFFF80  }
0x14a: {  	_ =	swait.ge [sflag:s21], $0x80  }
0x14b: {  	[sflag:s21] =	ssyncset.done $0x0  }
0x14c: {  	[sflag:s21] =	ssyncadd.s32 $0xFFFFFF80  }
0x14d: {  	_ =	swait.ge [sflag:s21], $0x80  }
0x14e: {  	[sflag:s21] =	ssyncset.done $0x0  }
0x14f: {  	[sflag:s21] =	ssyncadd.s32 $0xFFFFFF80  }
0x150: {  	_ =	swait.ge [sflag:s21], $0x80  }
0x151: {  	[sflag:s21] =	ssyncset.done $0x0  }
0x152: {  	[sflag:s21] =	ssyncadd.s32 $0xFFFFFF80  }
0x153: {  	_ =	swait.ge [sflag:s21], $0x80  }
0x154: {  	[sflag:s21] =	ssyncset.done $0x0  }
0x155: {  	[sflag:s21] =	ssyncadd.s32 $0xFFFFFF80  }
0x156: {  	_ =	swait.ge [sflag:s21], $0x80  }
0x157: {  	[sflag:s21] =	ssyncset.done $0x0  }
0x158: {  	[sflag:s21] =	ssyncadd.s32 $0xFFFFFF80  }
0x159: {  	_ =	swait.ge [sflag:s21], $0x80  }
0x15a: {  	[sflag:s21] =	ssyncset.done $0x0  }
0x15b: {  	[sflag:s21] =	ssyncadd.s32 $0xFFFFFF80  }
0x15c: {  	_ =	swait.ge [sflag:s21], $0x80  }
0x15d: {  	[sflag:s21] =	ssyncset.done $0x0  }
0x15e: {  	[sflag:s21] =	ssyncadd.s32 $0xFFFFFF80  }
0x15f: {  	_ =	swait.ge [sflag:s21], $0x80  }
0x160: {  	[sflag:s21] =	ssyncset.done $0x0  }
0x161: {  	[sflag:s21] =	ssyncadd.s32 $0xFFFFFF80  }
0x162: {  	_ =	swait.ge [sflag:s21], $0x80  }
0x163: {  	[sflag:s21] =	ssyncset.done $0x0  }
0x164: {  	[sflag:s21] =	ssyncadd.s32 $0xFFFFFF80  }
0x165: {  	_ =	swait.ge [sflag:s21], $0x80  }
0x166: {  	[sflag:s21] =	ssyncset.done $0x0  }
0x167: {  	[sflag:s21] =	ssyncadd.s32 $0xFFFFFF80  }
0x168: {  	_ =	swait.ge [sflag:s21], $0x80  }
0x169: {  	[sflag:s21] =	ssyncset.done $0x0  }
0x16a: {  	[sflag:s21] =	ssyncadd.s32 $0xFFFFFF80  }
0x16b: {  	_ =	swait.ge [sflag:s21], $0x80  }
0x16c: {  	[sflag:s21] =	ssyncset.done $0x0  }
0x16d: {  	[sflag:s21] =	ssyncadd.s32 $0xFFFFFF80  }
0x16e: {  	_ =	swait.ge [sflag:s21], $0x80  }
0x16f: {  	[sflag:s21] =	ssyncset.done $0x0  }
0x170: {  	[sflag:s21] =	ssyncadd.s32 $0xFFFFFF80  }
0x171: {  	_ =	swait.ge [sflag:s21], $0x80  }
0x172: {  	[sflag:s21] =	ssyncset.done $0x0  }
0x173: {  	[sflag:s21] =	ssyncadd.s32 $0xFFFFFF80  }
0x174: {  	_ =	swait.ge [sflag:s21], $0x80  }
0x175: {  	[sflag:s21] =	ssyncset.done $0x0  }
0x176: {  	[sflag:s21] =	ssyncadd.s32 $0xFFFFFF80  }
0x177: {  	_ =	swait.ge [sflag:s21], $0x80  }
0x178: {  	[sflag:s21] =	ssyncset.done $0x0  }
0x179: {  	[sflag:s21] =	ssyncadd.s32 $0xFFFFFF80  }
0x17a: {  	_ =	swait.ge [sflag:s21], $0x80  }
0x17b: {  	[sflag:s21] =	ssyncset.done $0x0  }
0x17c: {  	[sflag:s21] =	ssyncadd.s32 $0xFFFFFF80  }
0x17d: {  	_ =	swait.ge [sflag:s21], $0x80  }
0x17e: {  	[sflag:s21] =	ssyncset.done $0x0  }
0x17f: {  	[sflag:s21] =	ssyncadd.s32 $0xFFFFFF80  }
0x180: {  	_ =	swait.ge [sflag:s21], $0x80  }
0x181: {  	[sflag:s21] =	ssyncset.done $0x0  }
0x182: {  	s26 =	simm.s32 $0x0;
	[sflag:s21] =	ssyncadd.s32 $0xFFFFFF80  }
0x183: {  	v4 =	vld [tilespmem:s26+$0x8DE0]  }
0x184: {  	v5 =	vld [tilespmem:s26+$0x8E60]  }
0x185: {  	v6 =	vld [tilespmem:s26+$0x95E0]  }
0x186: {  	v7 =	vld [tilespmem:s26+$0x8EE0]  }
0x187: {  	v8 =	vld [tilespmem:s26+$0x9660]  }
0x188: {  	v9 =	vld [tilespmem:s26+$0x8F60]  }
0x189: {  	v10 =	vld [tilespmem:s26+$0x8FE0];
	v4 =	vadd.f32 v5, v4  }
0x18a: {  	v11 =	vld [tilespmem:s26+$0x9060]  }
0x18b: {  	v58 =	vld [tilespmem:s26+$0x90E0];
	v4 =	vadd.f32 v7, v4  }
0x18c: {  	v59 =	vld [tilespmem:s26+$0x9160]  }
0x18d: {  	v14 =	vld [tilespmem:s26+$0x91E0];
	v4 =	vadd.f32 v9, v4  }
0x18e: {  	v60 =	vld [tilespmem:s26+$0x9960]  }
0x18f: {  	v15 =	vld [tilespmem:s26+$0x9260];
	v4 =	vadd.f32 v10, v4  }
0x190: {  	v61 =	vld [tilespmem:s26+$0x99E0]  }
0x191: {  	v16 =	vld [tilespmem:s26+$0x92E0];
	v4 =	vadd.f32 v11, v4  }
0x192: {  	v62 =	vld [tilespmem:s26+$0x9A60]  }
0x193: {  	v5 =	vld [tilespmem:s26+$0x96E0];
	v4 =	vadd.f32 v58, v4  }
0x194: {  	v6 =	vmax.f32 v6, v8;
	v8 =	vld [tilespmem:s26+$0x9360]  }
0x195: {  	v7 =	vld [tilespmem:s26+$0x9760];
	v4 =	vadd.f32 v59, v4  }
0x196: {  	v9 =	vld [tilespmem:s26+$0x97E0]  }
0x197: {  	v10 =	vld [tilespmem:s26+$0x9860];
	v4 =	vadd.f32 v14, v4  }
0x198: {  	v11 =	vld [tilespmem:s26+$0x98E0]  }
0x199: {  	v63 =	vld [tilespmem:s26+$0x94E0];
	v5 =	vmax.f32 v6, v5;
	v4 =	vadd.f32 v15, v4  }
0x19a: {  	v5 =	vmax.f32 v5, v7;
	v7 =	vld [tilespmem:s26+$0x93E0]  }
0x19b: {  	v6 =	vld [tilespmem:s26+$0x9AE0];
	v5 =	vmax.f32 v5, v9;
	v4 =	vadd.f32 v16, v4  }
0x19c: {  	v5 =	vmax.f32 v5, v10;
	v10 =	vld [tilespmem:s26+$0x9460]  }
0x19d: {  	v9 =	vld [tilespmem:s26+$0x9B60];
	v5 =	vmax.f32 v5, v11;
	v4 =	vadd.f32 v8, v4  }
0x19e: {  	v11 =	vld [tilespmem:s26+$0x9BE0];
	v5 =	vmax.f32 v5, v60  }
0x19f: {  	v8 =	vmax.f32 v5, v61;
	v5 =	vld [tilespmem:s26+$0x9C60];
	v4 =	vadd.f32 v7, v4  }
0x1a0: {  	v8 =	vmax.f32 v8, v62;
	v7 =	vld [tilespmem:s26+$0x9560]  }
0x1a1: {  	v8 =	vmax.f32 v8, v6;
	v6 =	vld [tilespmem:s26+$0x9CE0];
	v10 =	vadd.f32 v10, v4  }
0x1a2: {  	s29 =	simm.s32 $0x10;
	v4 =	vmax.f32 v8, v9;
	v8 =	vld [tilespmem:s26+$0x9D60]  }
0x1a3: {  	s28 =	simm.s32 $0x80;
	v9 =	vmax.f32 v4, v11;
	v4 =	vld [tilespmem:s29+$0x8DE0];
	v10 =	vadd.f32 v63, v10  }
.LBB2_10:
0x1a4: {  	p0 =	sne.s32 s28, $0x1C0;
	v11 =	vld [tilespmem:s29+$0x8E60];
	v5 =	vmax.f32 v9, v5  }
0x1a5: {  	v9 =	vld [tilespmem:s29+$0x95E0];
	v7 =	vadd.f32 v7, v10  }
0x1a6: {  	v10 =	vld [tilespmem:s29+$0x8EE0];
	v5 =	vmax.f32 v5, v6  }
0x1a7: {  	v6 =	vld [tilespmem:s29+$0x9660];
	v5 =	vmax.f32 v5, v8;
	[tilespmem:s26+$0x8CE0] =	vst v7  }
0x1a8: {  	v7 =	vld [tilespmem:s29+$0x8F60];
	[tilespmem:s26+$0x8D60] =	vst v5;
	s26 =	smov.u32 s29  }
0x1a9: {  	v4 =	vadd.f32 v11, v4;
	v5 =	vld [tilespmem:s26+$0x96E0]  }
0x1aa: {  	v8 =	vld [tilespmem:s26+$0x8FE0]  }
0x1ab: {  	v4 =	vadd.f32 v10, v4;
	v10 =	vld [tilespmem:s26+$0x9760]  }
0x1ac: {  	v6 =	vmax.f32 v9, v6;
	v9 =	vld [tilespmem:s26+$0x9060]  }
0x1ad: {  	v4 =	vadd.f32 v7, v4;
	v7 =	vld [tilespmem:s26+$0x97E0]  }
0x1ae: {  	v5 =	vmax.f32 v6, v5;
	v6 =	vld [tilespmem:s26+$0x90E0]  }
0x1af: {  	v4 =	vadd.f32 v8, v4;
	v8 =	vld [tilespmem:s26+$0x9860]  }
0x1b0: {  	v5 =	vmax.f32 v5, v10;
	v10 =	vld [tilespmem:s26+$0x9160]  }
0x1b1: {  	v4 =	vadd.f32 v9, v4;
	v9 =	vld [tilespmem:s26+$0x98E0]  }
0x1b2: {  	v5 =	vmax.f32 v5, v7;
	v7 =	vld [tilespmem:s26+$0x91E0]  }
0x1b3: {  	v4 =	vadd.f32 v6, v4;
	v6 =	vld [tilespmem:s26+$0x9960]  }
0x1b4: {  	v5 =	vmax.f32 v5, v8;
	v8 =	vld [tilespmem:s26+$0x9260]  }
0x1b5: {  	v4 =	vadd.f32 v10, v4;
	v10 =	vld [tilespmem:s26+$0x99E0]  }
0x1b6: {  	v5 =	vmax.f32 v5, v9;
	v9 =	vld [tilespmem:s26+$0x92E0]  }
0x1b7: {  	v4 =	vadd.f32 v7, v4;
	v7 =	vld [tilespmem:s26+$0x9A60]  }
0x1b8: {  	v5 =	vmax.f32 v5, v6;
	v6 =	vld [tilespmem:s26+$0x9360]  }
0x1b9: {  	v4 =	vadd.f32 v8, v4;
	v8 =	vld [tilespmem:s26+$0x9AE0]  }
0x1ba: {  	v5 =	vmax.f32 v5, v10;
	v10 =	vld [tilespmem:s26+$0x93E0]  }
0x1bb: {  	v4 =	vadd.f32 v9, v4;
	v9 =	vld [tilespmem:s26+$0x9B60]  }
0x1bc: {  	v5 =	vmax.f32 v5, v7;
	v11 =	vld [tilespmem:s26+$0x9460]  }
0x1bd: {  	v4 =	vadd.f32 v6, v4;
	v12 =	vld [tilespmem:s26+$0x9BE0]  }
0x1be: {  	v6 =	vmax.f32 v5, v8;
	v13 =	vld [tilespmem:s26+$0x94E0]  }
.Ltmp4:
0x1bf: {  	v4 =	vadd.f32 v10, v4;
	v5 =	vld [tilespmem:s26+$0x9C60];
	(pc) =	sbr.rel @p0 .LBB2_10-.Ltmp4, $4  }
0x1c0: {  	v8 =	vmax.f32 v6, v9;
	v7 =	vld [tilespmem:s26+$0x9560]  }
0x1c1: {  	v10 =	vadd.f32 v11, v4;
	v6 =	vld [tilespmem:s26+$0x9CE0]  }
0x1c2: {  	s29 =	sshra.s32 s28, $0x2;
	v9 =	vmax.f32 v8, v12;
	v8 =	vld [tilespmem:s26+$0x9D60]  }
0x1c3: {  	s28 =	sadd.s32 $0x40, s28;
	v4 =	vld [tilespmem:s29+$0x8DE0];
	v10 =	vadd.f32 v13, v10  }
0x1c4: {  	v11 =	vld [tilespmem:s29+$0x8E60]  }
0x1c5: {  	v12 =	vld [tilespmem:s29+$0x95E0];
	v5 =	vmax.f32 v9, v5;
	v7 =	vadd.f32 v7, v10  }
0x1c6: {  	v42 =	vld [tilespmem:s29+$0x8EE0];
	v5 =	vmax.f32 v5, v6  }
0x1c7: {  	v43 =	vld [tilespmem:s29+$0x9660];
	[tilespmem:s26+$0x8CE0] =	vst v7;
	v5 =	vmax.f32 v5, v8  }
0x1c8: {  	v44 =	vld [tilespmem:s29+$0x8F60];
	[tilespmem:s26+$0x8D60] =	vst v5  }
0x1c9: {  	v5 =	vld [tilespmem:s29+$0x96E0]  }
0x1ca: {  	v7 =	vld [tilespmem:s29+$0x8FE0]  }
0x1cb: {  	v4 =	vadd.f32 v11, v4;
	v45 =	vld [tilespmem:s29+$0x9760]  }
0x1cc: {  	v46 =	vld [tilespmem:s29+$0x9060]  }
0x1cd: {  	v47 =	vld [tilespmem:s29+$0x97E0];
	v4 =	vadd.f32 v42, v4  }
0x1ce: {  	v48 =	vld [tilespmem:s29+$0x90E0]  }
0x1cf: {  	v49 =	vld [tilespmem:s29+$0x9860];
	v4 =	vadd.f32 v44, v4  }
0x1d0: {  	v13 =	vld [tilespmem:s29+$0x9160]  }
0x1d1: {  	v50 =	vld [tilespmem:s29+$0x98E0];
	v4 =	vadd.f32 v7, v4  }
0x1d2: {  	v14 =	vld [tilespmem:s29+$0x91E0]  }
0x1d3: {  	v51 =	vld [tilespmem:s29+$0x9960];
	v4 =	vadd.f32 v46, v4  }
0x1d4: {  	v15 =	vld [tilespmem:s29+$0x9260]  }
0x1d5: {  	v52 =	vld [tilespmem:s29+$0x99E0];
	v4 =	vadd.f32 v48, v4  }
0x1d6: {  	v16 =	vld [tilespmem:s29+$0x92E0]  }
0x1d7: {  	v53 =	vld [tilespmem:s29+$0x9A60];
	v4 =	vadd.f32 v13, v4  }
0x1d8: {  	v17 =	vld [tilespmem:s29+$0x9360]  }
0x1d9: {  	v9 =	vmax.f32 v12, v43;
	v54 =	vld [tilespmem:s29+$0x9AE0];
	v4 =	vadd.f32 v14, v4  }
0x1da: {  	v55 =	vld [tilespmem:s29+$0x93E0];
	v5 =	vmax.f32 v9, v5  }
0x1db: {  	v56 =	vld [tilespmem:s29+$0x9B60];
	v5 =	vmax.f32 v5, v45;
	v4 =	vadd.f32 v15, v4  }
0x1dc: {  	v57 =	vld [tilespmem:s29+$0x9460];
	v5 =	vmax.f32 v5, v47  }
0x1dd: {  	v58 =	vld [tilespmem:s29+$0x9BE0];
	v5 =	vmax.f32 v5, v49;
	v4 =	vadd.f32 v16, v4  }
0x1de: {  	v59 =	vld [tilespmem:s29+$0x94E0];
	v5 =	vmax.f32 v5, v50  }
0x1df: {  	v60 =	vld [tilespmem:s29+$0x9C60];
	v5 =	vmax.f32 v5, v51;
	v4 =	vadd.f32 v17, v4  }
0x1e0: {  	v61 =	vld [tilespmem:s29+$0x9560];
	v5 =	vmax.f32 v5, v52  }
0x1e1: {  	v62 =	vld [tilespmem:s29+$0x9CE0];
	v5 =	vmax.f32 v5, v53;
	v4 =	vadd.f32 v55, v4  }
0x1e2: {  	v63 =	vld [tilespmem:s29+$0x9D60];
	v5 =	vmax.f32 v5, v54  }
0x1e3: {  	v5 =	vmax.f32 v5, v56;
	v4 =	vadd.f32 v57, v4  }
0x1e4: {  	v5 =	vmax.f32 v5, v58  }
0x1e5: {  	v5 =	vmax.f32 v5, v60;
	v4 =	vadd.f32 v59, v4  }
0x1e6: {  	v5 =	vmax.f32 v5, v62  }
0x1e7: {  	v5 =	vmax.f32 v5, v63;
	v4 =	vadd.f32 v61, v4  }
0x1e8: {  	[tilespmem:s29+$0x8D60] =	vst v5  }
0x1e9: {  	s28 =	simm.s32 $0x8CE0;
	[tilespmem:s29+$0x8CE0] =	vst v4;
	s29 =	rddreg [dreg:$0x15]  }
0x1ea: {  	[hbm4b:s29+s3] =	stream.linear.scatter [tilespmem:s28], [sflag:$0x2], $0x80, $0x38;
	[tilespmem:$0xAEE0] =	vst v63  }
0x1eb: {  	_ =	swait.ge [sflag:s24], $0x80  }
0x1ec: {  	[sflag:s24] =	ssyncset.done $0x0  }
0x1ed: {  	s29 =	simm.s32 $0x8D60;
	s30 =	rddreg [dreg:$0x16];
	[sflag:s24] =	ssyncadd.s32 $0xFFFFFF80  }
0x1ee: {  	[hbm4b:s30+s3] =	stream.linear.scatter [tilespmem:s29], [sflag:$0x2], $0x80, $0x38;
	[tilespmem:$0xAEE0] =	vst v63  }
0x1ef: {  	_ =	swait.ge [sflag:s24], $0x80  }
0x1f0: {  	s25 =	sadd.s32 $0x1, s25;
	s30 =	rddreg [dreg:$0x17]  }
0x1f1: {  	p0 =	sne.s32 s25, s30  }
.Ltmp5:
0x1f2: {  	_ = 	snop;
	(pc) =	sbr.rel @p0 .LBB2_1-.Ltmp5, $3  }
0x1f3: {  	_ =	sdelay $0x1  }
0x1f4: {  	[sflag:s24] =	ssyncset.done $0x0  }
0x1f5: {  	[sflag:s24] =	ssyncadd.s32 $0xFFFFFF80  }
0x1f6: {  	_ =	sfence.sel $0x180000  }
0x1f7: {  	[bflag:$0x0] =	sbarrier.arrive $0xFFFF  }
0x1f8: {  	_ =	strace $0x9000004D  }
0x1f9: {  	s0 =	stileid.u32;
	[bflag:$0x2] =	sbarrier.arrive $0xFFFF  }
0x1fa: {  	p0 =	sne.s32 s0, $0x0;
	s0 =	rddreg [dreg:$0x3]  }
0x1fb: {  	s0 =	sadd.s32 @!p0 $0x100000, s0  }
0x1fc: {  	[sflag:s0] =	ssyncadd.tile.s32 @!p0 $0x1;
	_ =	shalt  }
.Lfunc_end2:
_tile_overlayer_lowered:
.L_overlay_start_2:
0x1fd: {  	(tag) =	ssettag $0x2  }
0x1fe: {  	s0 =	rddreg [dreg:$0x0];
	s2 =	stileid.u32  }
0x1ff: {  	s1 =	rddreg [dreg:$0x1];
	p0 =	sne.s32 s2, $0x0  }
0x200: {  	s3 =	rddreg [dreg:$0x2];
	[bflag:$0x3] =	sbarrier.arrive $0xFFFF;
	s2 =	simm.s32 @!p0 $0x1C02  }
0x201: {  	[timem:s3], [sflag:s2] =	dma.local @!p0 [hbm:s0], s1  }
0x202: {  	s0 =	simm.s32 @!p0 $0x2  }
0x203: {  	_ =	swait.ge @!p0 [sflag:s0], s1  }
0x204: {  	s1 =	ssub.s32 @!p0 $0x0, s1;
	[sflag:s0] =	ssyncset.done @!p0 $0x0  }
0x205: {  	[sflag:s0] =	ssyncadd.s32 @!p0 s1  }
0x206: {  	[bflag:$0x3] =	sbarrier.arrive $0xFFFF  }
0x207: {  	_ =	shalt  }

// kernel: kernel.7.cloned.1.call-start
scs
__scs_entry_jumppad:
0x0: {  	(pc) =	sbr.rel $0x88, $3  }
0x1: {  	(tag) =	ssettag $0x0;
	lr =	simm.s32 $0x1  }
0x2: {  	[smem:$0x3F9A] =	sst lr;
	_ =	strace $0xD0000000  }
0x3: {  	_ = 	snop  }
0x4: {  	_ = 	snop  }
0x5: {  	_ = 	snop  }
0x6: {  	_ = 	snop  }
0x7: {  	_ = 	snop  }
__scs_overlays_trampoline_lowered:
0x8: {  	[smem:$0x3FA9] =	sst s0  }
0x9: {  	[smem:$0x3FAA] =	sst s1  }
0xa: {  	[smem:$0x3FAB] =	sst s2  }
0xb: {  	[smem:$0x3FAC] =	sst s3  }
0xc: {  	[smem:$0x3FAD] =	sst s4  }
0xd: {  	[smem:$0x3FAE] =	sst s5  }
0xe: {  	[smem:$0x3FAF] =	sst s6  }
0xf: {  	[smem:$0x3FB0] =	sst s7  }
0x10: {  	[smem:$0x3FB1] =	sst s8  }
0x11: {  	[smem:$0x3FB2] =	sst s9;
	s0 =	simm.s32 @!p0 $0x0  }
0x12: {  	s1 =	sld [smem:$0x3F98];
	s0 =	simm.s32 @p0 $0x1  }
0x13: {  	[smem:$0x3FB3] =	sst s0;
	s0 =	simm.s32 @!p1 $0x0  }
0x14: {  	s2 =	sld [smem:$0x3F97];
	s0 =	simm.s32 @p1 $0x1  }
0x15: {  	[smem:$0x3FB4] =	sst s0;
	s0 =	simm.s32 @!p2 $0x0  }
0x16: {  	s3 =	sld [smem:$0x3FDB];
	s0 =	simm.s32 @p2 $0x1  }
0x17: {  	s4 =	simm.s32 $0x1BF5;
	[smem:$0x3FB6] =	sst s0  }
0x18: {  	s0 =	sld [smem:$0x3F99];
	_ =	swait.ge [sflag:s4], $0x0  }
0x19: {  	s7 =	sld [smem:$0x3F9A]  }
0x1a: {  	s8 =	sadd.s32 $0xFFFFE003, lr  }
0x1b: {  	s9 =	sadd.s32 $0xFFFFFEF7, lr;
	s5 =	simm.s32 $0xFFFFFFFF;
	p2 =	slt.u32 s8, $0xFFFFF086  }
0x1c: {  	p1 =	slt.u32 s9, $0xF7A;
	s5 =	simm.s32 @!p2 $0x0  }
0x1d: {  	s5 =	simm.s32 @p1 $0x1;
	p0 =	seq.s32 s7, s2  }
0x1e: {  	s7 =	smul.u32 @!p0 $0xF7A, s2;
	p2 =	seq.s32 @!p0 s5, $0x0  }
0x1f: {  	s9 =	smul.u32 $0xF7A, s1;
	s8 =	simm.s32 @!p0 $0x1BF5;
	p2 =	por !p2, p0  }
0x20: {  	[sflag:s8] =	ssyncset.s32 @!p0 $0xFFFFF086;
	s6 =	sadd.s32 @!p0 s3, s7;
	s7 =	simm.s32 @!p0 $0x108  }
0x21: {  	s3 =	sadd.s32 s3, s9;
	s6 =	sadd.s32 @!p0 $0x88, s6;
	s7 =	simm.s32 @p2 $0x1082  }
0x22: {  	[simem:s7], [sflag:s8] =	dma.local @!p0 [hbm:s6], $0xF7A  }
0x23: {  	s9 =	sor.u32 $0xD0000000, s2;
	s6 =	simm.s32 $0x108;
	_ =	swait.ge @!p0 [sflag:s8], $0x0  }
0x24: {  	s3 =	sadd.s32 $0x88, s3;
	s6 =	simm.s32 @!p1 $0x1082;
	[sflag:s4] =	ssyncset.s32 $0xFFFFF086  }
0x25: {  	[simem:s6], [sflag:s4] =	dma.local [hbm:s3], $0xF7A  }
0x26: {  	[smem:$0x3F9A] =	sst s1;
	(tag) =	ssettag s2;
	_ =	strace s9  }
0x27: {  	s1 =	sld [smem:$0x3FAA]  }
0x28: {  	s2 =	sld [smem:$0x3FAB]  }
0x29: {  	s4 =	sld [smem:$0x3FAD]  }
0x2a: {  	p0 =	seq.s32 s5, $0x0;
	s5 =	sld [smem:$0x3FAE]  }
0x2b: {  	s6 =	sld [smem:$0x3FAF]  }
0x2c: {  	s7 =	sld [smem:$0x3FB0]  }
0x2d: {  	s3 =	simm.s32 $0x108;
	s8 =	sld [smem:$0x3FB1]  }
0x2e: {  	s3 =	simm.s32 @!p0 $0x1082;
	s9 =	sld [smem:$0x3FB2]  }
0x2f: {  	lr =	sadd.s32 s0, s3;
	s0 =	sld [smem:$0x3FA9]  }
0x30: {  	s3 =	sld [smem:$0x3FAC]  }
0x31: {  	[smem:$0x3FB5] =	sst s10  }
0x32: {  	s10 =	sld [smem:$0x3FB3];
	_ =	sdelay $0x3  }
0x33: {  	p0 =	seq.s32 s10, $0x1;
	s10 =	sld [smem:$0x3FB5];
	_ =	sdelay $0x3  }
0x34: {  	[smem:$0x3FB5] =	sst s10  }
0x35: {  	s10 =	sld [smem:$0x3FB4];
	_ =	sdelay $0x3  }
0x36: {  	p1 =	seq.s32 s10, $0x1;
	s10 =	sld [smem:$0x3FB5];
	_ =	sdelay $0x3  }
0x37: {  	[smem:$0x3FB5] =	sst s10  }
0x38: {  	s10 =	sld [smem:$0x3FB6]  }
0x39: {  	_ = 	snop;
	(pc) =	sbr.ind lr, $3  }
0x3a: {  	_ = 	snop  }
0x3b: {  	_ = 	snop  }
0x3c: {  	p2 =	seq.s32 s10, $0x1;
	s10 =	sld [smem:$0x3FB5]  }
0x3d: {  	_ =	shalt  }
0x3e: {  	_ =	shalt  }
0x3f: {  	_ =	shalt  }
0x40: {  	_ =	shalt  }
0x41: {  	_ =	shalt  }
0x42: {  	_ =	shalt  }
0x43: {  	_ =	shalt  }
0x44: {  	_ =	shalt  }
0x45: {  	_ =	shalt  }
0x46: {  	_ =	shalt  }
0x47: {  	_ =	shalt  }
0x48: {  	_ =	shalt  }
0x49: {  	_ =	shalt  }
0x4a: {  	_ =	shalt  }
0x4b: {  	_ =	shalt  }
0x4c: {  	_ =	shalt  }
0x4d: {  	_ =	shalt  }
0x4e: {  	_ =	shalt  }
0x4f: {  	_ =	shalt  }
0x50: {  	_ =	shalt  }
0x51: {  	_ =	shalt  }
0x52: {  	_ =	shalt  }
0x53: {  	_ =	shalt  }
0x54: {  	_ =	shalt  }
0x55: {  	_ =	shalt  }
0x56: {  	_ =	shalt  }
0x57: {  	_ =	shalt  }
0x58: {  	_ =	shalt  }
0x59: {  	_ =	shalt  }
0x5a: {  	_ =	shalt  }
0x5b: {  	_ =	shalt  }
0x5c: {  	_ =	shalt  }
0x5d: {  	_ =	shalt  }
0x5e: {  	_ =	shalt  }
0x5f: {  	_ =	shalt  }
0x60: {  	_ =	shalt  }
0x61: {  	_ =	shalt  }
0x62: {  	_ =	shalt  }
0x63: {  	_ =	shalt  }
0x64: {  	_ =	shalt  }
0x65: {  	_ =	shalt  }
0x66: {  	_ =	shalt  }
0x67: {  	_ =	shalt  }
0x68: {  	_ =	shalt  }
0x69: {  	_ =	shalt  }
0x6a: {  	_ =	shalt  }
0x6b: {  	_ =	shalt  }
0x6c: {  	_ =	shalt  }
0x6d: {  	_ =	shalt  }
0x6e: {  	_ =	shalt  }
0x6f: {  	_ =	shalt  }
0x70: {  	_ =	shalt  }
0x71: {  	_ =	shalt  }
0x72: {  	_ =	shalt  }
0x73: {  	_ =	shalt  }
0x74: {  	_ =	shalt  }
0x75: {  	_ =	shalt  }
0x76: {  	_ =	shalt  }
0x77: {  	_ =	shalt  }
0x78: {  	_ =	shalt  }
0x79: {  	_ =	shalt  }
0x7a: {  	_ =	shalt  }
0x7b: {  	_ =	shalt  }
0x7c: {  	_ =	shalt  }
0x7d: {  	_ =	shalt  }
0x7e: {  	_ =	shalt  }
0x7f: {  	_ =	shalt  }
0x80: {  	_ =	shalt  }
0x81: {  	_ =	shalt  }
0x82: {  	_ =	shalt  }
0x83: {  	_ =	shalt  }
0x84: {  	_ =	shalt  }
0x85: {  	_ =	shalt  }
0x86: {  	_ =	shalt  }
0x87: {  	_ =	shalt  }
.Lfunc_end0:
.L_simem_size_0:
called_computation_lowered:
.L_overlay_start_0:
0x88: {  	s2 =	sld [smem:$0x3FD9]  }
0x89: {  	s3 =	sld [smem:$0x3FFE];
	_ =	sdelay $0x1  }
0x8a: {  	s1 =	srdreg.scid  }
0x8b: {  	s0 =	sand.u32 $0x1, s1  }
0x8c: {  	s16 =	sshll.u32 s0, $0xA;
	s2 =	sadd.s32 s3, s2  }
0x8d: {  	s2 =	sadd.s32 s2, s16  }
0x8e: {  	[smem:$0x3FC1] =	sst s2  }
0x8f: {  	_ = 	snop  }
0x90: {  	(tm) =	ssettm $0x1  }
0x91: {  	s17 =	sld [smem:$0x3FFB];
	_ =	sdelay $0x3  }
0x92: {  	_ =	strace s17  }
0x93: {  	s2 =	sld [smem:$0x3FFC];
	_ =	sdelay $0x3  }
0x94: {  	_ =	strace s2  }
0x95: {  	s2 =	sld [smem:$0x3FFD];
	_ =	sdelay $0x3  }
0x96: {  	_ =	strace s2  }
0x97: {  	_ =	strace $0x8FFFFFFF  }
0x98: {  	s18 =	sld [smem:$0x3FDB];
	_ =	sdelay $0x1  }
0x99: {  	s19 =	simm.s32 $_scs_section_size  }
0x9a: {  	s4 =	simm.s32 $_size__tile_overlayer_lowered;
	s5 =	simm.s32 $_tile_overlayer_lowered  }
0x9b: {  	s22 =	simm.s32 $0x1BFF;
	s21 =	sshll.u32 s5, $0x1;
	s2 =	sadd.s32 s19, s18  }
0x9c: {  	s6 =	simm.s32 $0x0;
	s20 =	sshll.u32 s4, $0x1;
	s4 =	sadd.s32 s21, s2  }
0x9d: {  	[timem:s6], [sflag:s22] =	dma.local [hbm:s4], s20  }
0x9e: {  	_ =	swait.ge [sflag:s22], s20  }
0x9f: {  	s3 =	ssub.s32 $0x0, s20;
	[sflag:s22] =	ssyncset.done $0x0  }
0xa0: {  	[sflag:s22] =	ssyncadd.s32 s3;
	_ =	sdelay $0x1  }
0xa1: {  	s23 =	simm.s32 $0x1B8B  }
0xa2: {  	_ =	swait.ge [sflag:s23], $0x1  }
0xa3: {  	[sflag:s23] =	ssyncset.done $0x0  }
0xa4: {  	s25 =	simm.s32 $0x1B8E;
	s24 =	sld [smem:$0x3FFE];
	[sflag:s23] =	ssyncadd.s32 $0xFFFFFFFF  }
0xa5: {  	s26 =	simm.s32 $execute0_lowered;
	[smem:$0x3FD2] =	sst s25  }
0xa6: {  	s4 =	sshll.u32 s26, $0x1;
	_ =	strace $0x80000046;
	[dreg:$0x1] =	wrdreg $0xFFFFFFFF  }
0xa7: {  	s28 =	simm.s32 $_size_execute0_lowered;
	s2 =	sadd.s32 s2, s4;
	[dreg:$0x0] =	wrdreg $0x0  }
0xa8: {  	s4 =	sshll.u32 s28, $0x1;
	[dreg:$0x2] =	wrdreg s2  }
0xa9: {  	[dreg:$0x3] =	wrdreg s4  }
0xaa: {  	[dreg:$0x4] =	wrdreg $0xC0  }
0xab: {  	_ =	task [dreg:s6], $0x5FFFF  }
0xac: {  	[dreg:$0x1] =	wrdreg $0xFFFFFFFF  }
0xad: {  	[dreg:$0x0] =	wrdreg $0x60  }
0xae: {  	[dreg:$0x2] =	wrdreg s24  }
0xaf: {  	[dreg:$0x3] =	wrdreg $0x7A000  }
0xb0: {  	[dreg:$0x4] =	wrdreg $0x9  }
0xb1: {  	_ =	task.clear_ibuf [dreg:s6], $0x5FFFF;
	_ =	strace $0x90000046  }
0xb2: {  	s29 =	simm.s32 $0x9;
	_ =	strace $0x80000048  }
0xb3: {  	_ =	swait.ge [sflag:s29], $0x1  }
0xb4: {  	[sflag:s29] =	ssyncadd.s32 $0xFFFFFFFF  }
0xb5: {  	_ =	strace $0x90000048  }
0xb6: {  	_ =	sfence  }
0xb7: {  	s30 =	sld [smem:$0x0];
	_ =	sdelay $0x2  }
0xb8: {  	s31 =	sshll.u32 s1, $0xD;
	s1 =	sshrl.u32 s1, $0x2  }
0xb9: {  	s3 =	sand.u32 $0x4000, s31;
	s1 =	sadd.s32 s1, s30  }
0xba: {  	s0 =	sor.u32 s3, s0;
	s1 =	sshll.u32 s1, $0x11  }
0xbb: {  	s0 =	sor.u32 s1, s0  }
0xbc: {  	s0 =	sadd.s32 $0x8F2B, s0  }
0xbd: {  	[sflag:s0] =	ssyncadd.remote.s32 $0x1  }
0xbe: {  	_ =	sfence.sel $0xFFFF  }
0xbf: {  	[dreg:$0x0] =	wrdreg $0xFFFFFFFF;
	(pc) =	sbr.abs _section_cstart, $3  }
0xc0: {  	[dreg:$0x1] =	wrdreg $0xFFFFFFFF  }
0xc1: {  	_ =	task.clear_ibuf [dreg:s6], $0x2FFFF;
	_ =	strace $0x9FFFFFFF  }
0xc2: {  	(tm) =	ssettm $0x7FFFFFFF  }
0xc3: {  	_ =	shalt  }
tec
execute0_lowered:
.L_overlay_start_1:
0x0: {  	(tag) =	ssettag $0x1  }
0x1: {  	s0 =	rddreg [dreg:$0x0]  }
0x2: {  	s1 =	rddreg [dreg:$0x1];
	s3 =	srdreg.scid  }
0x3: {  	s10 =	stileid.u32;
	s2 =	simm.s32 $0x0;
	s25 =	simm.s32 $0x1  }
0x4: {  	s29 =	simm.s32 $0x7780;
	s30 =	simm.s32 $0x4F80;
	s31 =	simm.s32 $0x0  }
0x5: {  	s3 =	sand.u32 $0x1, s3;
	s6 =	smul.u32 $0x280, s10;
	[smem:$0x7FF] =	sst s2  }
0x6: {  	s7 =	sadd.s32 $0x1200, s0;
	s9 =	smul.u32 $0xA000, s10;
	s26 =	sshll.u32 s10, $0x4  }
0x7: {  	s4 =	smul.u32 $0x2800, s3;
	s5 =	sshll.u32 s3, $0x4;
	s3 =	ssub.s32 $0x2, s3  }
0x8: {  	_ =	strace $0x80000047;
	s24 =	sor.u32 s10, s5;
	s8 =	sshrl.u32 s3, $0x1  }
0x9: {  	s28 =	sshrl.u32 s9, $0x2;
	s4 =	sadd.s32 s6, s4;
	s5 =	smul.u32 $0x4E0, s24  }
0xa: {  	s23 =	ssub.s32 s3, s8;
	s6 =	sadd.s32 s6, s1;
	p0 =	sgt.u32 s24, $0x3  }
0xb: {  	s4 =	sshrl.u32 s4, $0x3;
	s8 =	sadd.s32 $0x5000, s6;
	s9 =	sadd.s32 $0x7800, s6  }
0xc: {  	s10 =	sadd.s32 $0xA000, s6;
	s11 =	sadd.s32 $0xC800, s6;
	s12 =	sadd.s32 $0xF000, s6  }
0xd: {  	s13 =	sadd.s32 $0x11800, s6;
	s14 =	sadd.s32 $0x14000, s6;
	s15 =	sadd.s32 $0x16800, s6  }
0xe: {  	s16 =	sadd.s32 $0x19000, s6;
	s17 =	sadd.s32 $0x1B800, s6;
	s18 =	sadd.s32 $0x1E000, s6  }
0xf: {  	s19 =	sadd.s32 $0x20800, s6;
	s20 =	sadd.s32 $0x23000, s6;
	s21 =	sadd.s32 $0x25800, s6  }
0x10: {  	s23 =	smax.u32 s23, $0x1;
	s0 =	sadd.s32 s4, s0;
	s3 =	sadd.s32 s7, s5  }
0x11: {  	s4 =	sadd.s32 s26, s7;
	s5 =	sadd.s32 s28, s1;
	s7 =	sadd.s32 $0x2800, s6  }
0x12: {  	v0 =	vimm.f32 $0.0e+00;
	v1 =	vimm.f32 $1.000000000e+00;
	s26 =	simm.s32 $0x2;
	s4 =	sadd.s32 $0x9C00, s4;
	s22 =	sadd.s32 $0x14E00, s0  }
.LBB2_1:
0x13: {  	s0 =	simm.s32 $0x2800  }
0x14: {  	[tilespmem:s0], [sflag:$0x1] =	stream.linear.gather [hbm4b:s3+s2], $0x2700, $0x38;
	[tilespmem:$0xA200] =	vst v63  }
0x15: {  	s1 =	simm.s32 $0x0;
	s0 =	simm.s32 $0x40  }
.LBB2_2:
0x16: {  	p1 =	sne.s32 s0, $0x9FC0;
	[tilespmem:s1+$0x0] =	vst v0;
	s1 =	smov.u32 s0;
	s0 =	sadd.s32 $0x40, s0  }
.Ltmp0:
0x17: {  	(pc) =	sbr.rel @p1 .LBB2_2-.Ltmp0, $2  }
0x18: {  	_ =	sdelay $0x2  }
0x19: {  	s1 =	sshra.s32 s1, $0x2  }
0x1a: {  	[tilespmem:s1+$0x0] =	vst v0  }
0x1b: {  	_ =	swait.ge [sflag:s25], $0x2700  }
0x1c: {  	[sflag:s25] =	ssyncset.done $0x0  }
0x1d: {  	s1 =	simm.s32 $0x0;
	s0 =	simm.s32 $0x40;
	[sflag:s25] =	ssyncadd.s32 $0xFFFFD900  }
.LBB2_4:
0x1e: {  	p1 =	sne.s32 s0, $0x9BC0;
	v2 =	vld [tilespmem:s1+$0x2800];
	_ =	sdelay $0x3  }
.Ltmp1:
0x1f: {  	(pc) =	sbr.rel @p1 .LBB2_4-.Ltmp1, $2  }
0x20: {  	_ =	sdelay $0x2  }
0x21: {  	s1 =	sshra.s32 s0, $0x2;
	s0 =	sadd.s32 $0x40, s0;
	[tilespmem:v2+s2+$0x0] =	vst.idx.add.f32.msk $0xffff, v1  }
0x22: {  	v2 =	vld [tilespmem:s1+$0x2800];
	_ =	sdelay $0x7  }
0x23: {  	s0 =	simm.s32 @!p0 $0x0;
	s1 =	simm.s32 @!p0 $0x4F00;
	[tilespmem:v2+s2+$0x0] =	vst.idx.add.f32.msk $0xffff, v1  }
0x24: {  	[tilespmem:s1], [sflag:$0x2] =	stream.linear.gather @!p0 [hbm4b:s4+s0], $0x80, $0x38;
	[tilespmem:$0xA200] =	vst v63  }
0x25: {  	s1 =	simm.s32 @!p0 $0x2  }
0x26: {  	_ =	swait.ge @!p0 [sflag:s1], $0x80  }
0x27: {  	[sflag:s1] =	ssyncset.done @!p0 $0x0  }
0x28: {  	[sflag:s1] =	ssyncadd.s32 @!p0 $0xFFFFFF80  }
0x29: {  	v2 =	vld @!p0 [tilespmem:$0x4F00];
	_ =	sdelay $0x6  }
0x2a: {  	v3 =	vimm.f32 @!p0 $1.000000000e+00  }
0x2b: {  	[tilespmem:v2+s0+$0x0] =	vst.idx.add.f32.msk @!p0 $0xffff, v3  }
0x2c: {  	v2 =	vld @!p0 [tilespmem:$0x4F10];
	_ =	sdelay $0x7  }
0x2d: {  	[tilespmem:v2+s0+$0x0] =	vst.idx.add.f32.msk @!p0 $0xffff, v3  }
0x2e: {  	v2 =	vld @!p0 [tilespmem:$0x4F20];
	_ =	sdelay $0x7  }
0x2f: {  	[tilespmem:v2+s0+$0x0] =	vst.idx.add.f32.msk @!p0 $0xffff, v3  }
0x30: {  	v2 =	vld @!p0 [tilespmem:$0x4F30];
	_ =	sdelay $0x7  }
0x31: {  	[tilespmem:v2+s0+$0x0] =	vst.idx.add.f32.msk @!p0 $0xffff, v3  }
0x32: {  	v2 =	vld @!p0 [tilespmem:$0x4F40];
	_ =	sdelay $0x7  }
0x33: {  	[tilespmem:v2+s0+$0x0] =	vst.idx.add.f32.msk @!p0 $0xffff, v3  }
0x34: {  	v2 =	vld @!p0 [tilespmem:$0x4F50];
	_ =	sdelay $0x7  }
0x35: {  	[tilespmem:v2+s0+$0x0] =	vst.idx.add.f32.msk @!p0 $0xffff, v3  }
0x36: {  	v2 =	vld @!p0 [tilespmem:$0x4F60];
	_ =	sdelay $0x7  }
0x37: {  	[tilespmem:v2+s0+$0x0] =	vst.idx.add.f32.msk @!p0 $0xffff, v3  }
0x38: {  	v2 =	vld @!p0 [tilespmem:$0x4F70];
	_ =	sdelay $0x7  }
0x39: {  	s1 =	simm.s32 $0x0;
	[tilespmem:v2+s0+$0x0] =	vst.idx.add.f32.msk @!p0 $0xffff, v3  }
0x3a: {  	[spmem:s5] =	stream.linear.scatter [tilespmem:s1], [sflag:$0x2], $0x2800, $0x38;
	[tilespmem:$0xA200] =	vst v63  }
0x3b: {  	_ =	swait.ge [sflag:s26], $0x2800  }
0x3c: {  	[sflag:s26] =	ssyncset.done $0x0  }
0x3d: {  	[sflag:s26] =	ssyncadd.s32 $0xFFFFD800  }
0x3e: {  	s24 =	simm.s32 $0x5200;
	[bflag:$0x0] =	sbarrier.arrive $0xFFFF  }
0x3f: {  	[tilespmem:s24], [sflag:$0x1] =	stream.linear.gather [spmem:s6], $0x280, $0x38;
	[tilespmem:$0xA200] =	vst v63  }
0x40: {  	s1 =	simm.s32 $0x5480  }
0x41: {  	[tilespmem:s1], [sflag:$0x1] =	stream.linear.gather [spmem:s7], $0x280, $0x38;
	[tilespmem:$0xA200] =	vst v63  }
0x42: {  	s24 =	simm.s32 $0x5700  }
0x43: {  	[tilespmem:s24], [sflag:$0x1] =	stream.linear.gather [spmem:s8], $0x280, $0x38;
	[tilespmem:$0xA200] =	vst v63  }
0x44: {  	s1 =	simm.s32 $0x5980  }
0x45: {  	[tilespmem:s1], [sflag:$0x1] =	stream.linear.gather [spmem:s9], $0x280, $0x38;
	[tilespmem:$0xA200] =	vst v63  }
0x46: {  	s24 =	simm.s32 $0x5C00  }
0x47: {  	[tilespmem:s24], [sflag:$0x1] =	stream.linear.gather [spmem:s10], $0x280, $0x38;
	[tilespmem:$0xA200] =	vst v63  }
0x48: {  	s1 =	simm.s32 $0x5E80  }
0x49: {  	[tilespmem:s1], [sflag:$0x1] =	stream.linear.gather [spmem:s11], $0x280, $0x38;
	[tilespmem:$0xA200] =	vst v63  }
0x4a: {  	s24 =	simm.s32 $0x6100  }
0x4b: {  	[tilespmem:s24], [sflag:$0x1] =	stream.linear.gather [spmem:s12], $0x280, $0x38;
	[tilespmem:$0xA200] =	vst v63  }
0x4c: {  	s1 =	simm.s32 $0x6380  }
0x4d: {  	[tilespmem:s1], [sflag:$0x1] =	stream.linear.gather [spmem:s13], $0x280, $0x38;
	[tilespmem:$0xA200] =	vst v63  }
0x4e: {  	s24 =	simm.s32 $0x6600  }
0x4f: {  	[tilespmem:s24], [sflag:$0x1] =	stream.linear.gather [spmem:s14], $0x280, $0x38;
	[tilespmem:$0xA200] =	vst v63  }
0x50: {  	s1 =	simm.s32 $0x6880  }
0x51: {  	[tilespmem:s1], [sflag:$0x1] =	stream.linear.gather [spmem:s15], $0x280, $0x38;
	[tilespmem:$0xA200] =	vst v63  }
0x52: {  	s24 =	simm.s32 $0x6B00  }
0x53: {  	[tilespmem:s24], [sflag:$0x1] =	stream.linear.gather [spmem:s16], $0x280, $0x38;
	[tilespmem:$0xA200] =	vst v63  }
0x54: {  	s1 =	simm.s32 $0x6D80  }
0x55: {  	[tilespmem:s1], [sflag:$0x1] =	stream.linear.gather [spmem:s17], $0x280, $0x38;
	[tilespmem:$0xA200] =	vst v63  }
0x56: {  	s24 =	simm.s32 $0x7000  }
0x57: {  	[tilespmem:s24], [sflag:$0x1] =	stream.linear.gather [spmem:s18], $0x280, $0x38;
	[tilespmem:$0xA200] =	vst v63  }
0x58: {  	s1 =	simm.s32 $0x7280  }
0x59: {  	[tilespmem:s1], [sflag:$0x1] =	stream.linear.gather [spmem:s19], $0x280, $0x38;
	[tilespmem:$0xA200] =	vst v63  }
0x5a: {  	s24 =	simm.s32 $0x7500  }
0x5b: {  	[tilespmem:s24], [sflag:$0x1] =	stream.linear.gather [spmem:s20], $0x280, $0x38;
	[tilespmem:$0xA200] =	vst v63  }
0x5c: {  	_ = 	snop  }
0x5d: {  	[tilespmem:s29], [sflag:$0x1] =	stream.linear.gather [spmem:s21], $0x280, $0x38;
	[tilespmem:$0xA200] =	vst v63  }
0x5e: {  	_ =	swait.ge [sflag:s25], $0x280  }
0x5f: {  	[sflag:s25] =	ssyncset.done $0x0  }
0x60: {  	[sflag:s25] =	ssyncadd.s32 $0xFFFFFD80  }
0x61: {  	_ =	swait.ge [sflag:s25], $0x280  }
0x62: {  	[sflag:s25] =	ssyncset.done $0x0  }
0x63: {  	[sflag:s25] =	ssyncadd.s32 $0xFFFFFD80  }
0x64: {  	_ =	swait.ge [sflag:s25], $0x280  }
0x65: {  	[sflag:s25] =	ssyncset.done $0x0  }
0x66: {  	[sflag:s25] =	ssyncadd.s32 $0xFFFFFD80  }
0x67: {  	_ =	swait.ge [sflag:s25], $0x280  }
0x68: {  	[sflag:s25] =	ssyncset.done $0x0  }
0x69: {  	[sflag:s25] =	ssyncadd.s32 $0xFFFFFD80  }
0x6a: {  	_ =	swait.ge [sflag:s25], $0x280  }
0x6b: {  	[sflag:s25] =	ssyncset.done $0x0  }
0x6c: {  	[sflag:s25] =	ssyncadd.s32 $0xFFFFFD80  }
0x6d: {  	_ =	swait.ge [sflag:s25], $0x280  }
0x6e: {  	[sflag:s25] =	ssyncset.done $0x0  }
0x6f: {  	[sflag:s25] =	ssyncadd.s32 $0xFFFFFD80  }
0x70: {  	_ =	swait.ge [sflag:s25], $0x280  }
0x71: {  	[sflag:s25] =	ssyncset.done $0x0  }
0x72: {  	[sflag:s25] =	ssyncadd.s32 $0xFFFFFD80  }
0x73: {  	_ =	swait.ge [sflag:s25], $0x280  }
0x74: {  	[sflag:s25] =	ssyncset.done $0x0  }
0x75: {  	[sflag:s25] =	ssyncadd.s32 $0xFFFFFD80  }
0x76: {  	_ =	swait.ge [sflag:s25], $0x280  }
0x77: {  	[sflag:s25] =	ssyncset.done $0x0  }
0x78: {  	[sflag:s25] =	ssyncadd.s32 $0xFFFFFD80  }
0x79: {  	_ =	swait.ge [sflag:s25], $0x280  }
0x7a: {  	[sflag:s25] =	ssyncset.done $0x0  }
0x7b: {  	[sflag:s25] =	ssyncadd.s32 $0xFFFFFD80  }
0x7c: {  	_ =	swait.ge [sflag:s25], $0x280  }
0x7d: {  	[sflag:s25] =	ssyncset.done $0x0  }
0x7e: {  	[sflag:s25] =	ssyncadd.s32 $0xFFFFFD80  }
0x7f: {  	_ =	swait.ge [sflag:s25], $0x280  }
0x80: {  	[sflag:s25] =	ssyncset.done $0x0  }
0x81: {  	[sflag:s25] =	ssyncadd.s32 $0xFFFFFD80  }
0x82: {  	_ =	swait.ge [sflag:s25], $0x280  }
0x83: {  	[sflag:s25] =	ssyncset.done $0x0  }
0x84: {  	[sflag:s25] =	ssyncadd.s32 $0xFFFFFD80  }
0x85: {  	_ =	swait.ge [sflag:s25], $0x280  }
0x86: {  	[sflag:s25] =	ssyncset.done $0x0  }
0x87: {  	[sflag:s25] =	ssyncadd.s32 $0xFFFFFD80  }
0x88: {  	_ =	swait.ge [sflag:s25], $0x280  }
0x89: {  	[sflag:s25] =	ssyncset.done $0x0  }
0x8a: {  	[sflag:s25] =	ssyncadd.s32 $0xFFFFFD80  }
0x8b: {  	_ =	swait.ge [sflag:s25], $0x280  }
0x8c: {  	[sflag:s25] =	ssyncset.done $0x0  }
0x8d: {  	s1 =	simm.s32 $0x0;
	[sflag:s25] =	ssyncadd.s32 $0xFFFFFD80  }
0x8e: {  	v2 =	vld [tilespmem:s1+$0x5200]  }
0x8f: {  	v3 =	vld [tilespmem:s1+$0x5480];
	_ =	sdelay $0x1  }
0x90: {  	v4 =	vld [tilespmem:s1+$0x5700];
	_ =	sdelay $0x1  }
0x91: {  	v5 =	vld [tilespmem:s1+$0x5980]  }
0x92: {  	v2 =	vadd.f32 v3, v2  }
0x93: {  	v3 =	vld [tilespmem:s1+$0x5C00]  }
0x94: {  	v2 =	vadd.f32 v4, v2  }
0x95: {  	v4 =	vld [tilespmem:s1+$0x5E80]  }
0x96: {  	v2 =	vadd.f32 v5, v2  }
0x97: {  	v5 =	vld [tilespmem:s1+$0x6100]  }
0x98: {  	v2 =	vadd.f32 v3, v2  }
0x99: {  	v3 =	vld [tilespmem:s1+$0x6380]  }
0x9a: {  	s0 =	simm.s32 $0x10;
	v6 =	vld [tilespmem:s1+$0x6600];
	v2 =	vadd.f32 v4, v2  }
0x9b: {  	v7 =	vld [tilespmem:s0+$0x5200]  }
0x9c: {  	v4 =	vld [tilespmem:s1+$0x6880];
	v2 =	vadd.f32 v5, v2  }
0x9d: {  	v5 =	vld [tilespmem:s0+$0x5480]  }
0x9e: {  	v8 =	vld [tilespmem:s0+$0x5700];
	v2 =	vadd.f32 v3, v2  }
0x9f: {  	v3 =	vld [tilespmem:s1+$0x6B00]  }
0xa0: {  	v9 =	vld [tilespmem:s0+$0x5980];
	v2 =	vadd.f32 v6, v2  }
0xa1: {  	v6 =	vld [tilespmem:s1+$0x6D80]  }
0xa2: {  	v5 =	vadd.f32 v5, v7;
	v7 =	vld [tilespmem:s0+$0x5C00];
	v2 =	vadd.f32 v4, v2  }
0xa3: {  	v4 =	vld [tilespmem:s1+$0x7000]  }
0xa4: {  	v5 =	vadd.f32 v8, v5;
	v8 =	vld [tilespmem:s0+$0x5E80];
	v2 =	vadd.f32 v3, v2  }
0xa5: {  	v3 =	vld [tilespmem:s1+$0x7280]  }
0xa6: {  	v10 =	vld [tilespmem:s0+$0x6100];
	v5 =	vadd.f32 v9, v5;
	v2 =	vadd.f32 v6, v2  }
0xa7: {  	v9 =	vld [tilespmem:s1+$0x7500]  }
0xa8: {  	v6 =	vadd.f32 v7, v5;
	v5 =	vld [tilespmem:s0+$0x6380];
	v7 =	vadd.f32 v4, v2  }
0xa9: {  	v4 =	vld [tilespmem:s1+$0x7780]  }
0xaa: {  	v2 =	vld [tilespmem:s0+$0x6880];
	v8 =	vadd.f32 v8, v6;
	v11 =	vadd.f32 v3, v7  }
0xab: {  	s24 =	simm.s32 $0x20;
	v6 =	vld [tilespmem:s0+$0x6600]  }
0xac: {  	s28 =	simm.s32 $0xC0;
	v3 =	vld [tilespmem:s24+$0x5200];
	v7 =	vadd.f32 v10, v8;
	v8 =	vadd.f32 v9, v11  }
.LBB2_6:
0xad: {  	p1 =	sne.s32 s28, $0x9C0;
	v9 =	vld [tilespmem:s24+$0x5480]  }
0xae: {  	v5 =	vadd.f32 v5, v7;
	v7 =	vld [tilespmem:s0+$0x6B00];
	v4 =	vadd.f32 v4, v8  }
0xaf: {  	v8 =	vld [tilespmem:s24+$0x5700]  }
0xb0: {  	v5 =	vadd.f32 v6, v5;
	v6 =	vld [tilespmem:s0+$0x6D80];
	[tilespmem:s1+$0x4F80] =	vst v4;
	s1 =	smov.u32 s0;
	s0 =	smov.u32 s24  }
0xb1: {  	v4 =	vld [tilespmem:s0+$0x5980]  }
0xb2: {  	v3 =	vadd.f32 v9, v3;
	v2 =	vadd.f32 v2, v5;
	v5 =	vld [tilespmem:s1+$0x7000]  }
0xb3: {  	v9 =	vld [tilespmem:s0+$0x5C00]  }
0xb4: {  	v3 =	vadd.f32 v8, v3;
	v2 =	vadd.f32 v7, v2;
	v7 =	vld [tilespmem:s1+$0x7280]  }
0xb5: {  	v8 =	vld [tilespmem:s0+$0x5E80]  }
0xb6: {  	v3 =	vadd.f32 v4, v3;
	v2 =	vadd.f32 v6, v2;
	v10 =	vld [tilespmem:s1+$0x7500]  }
0xb7: {  	v11 =	vld [tilespmem:s0+$0x6100]  }
.Ltmp2:
0xb8: {  	v3 =	vadd.f32 v9, v3;
	v6 =	vadd.f32 v5, v2;
	v4 =	vld [tilespmem:s1+$0x7780];
	(pc) =	sbr.rel @p1 .LBB2_6-.Ltmp2, $4  }
0xb9: {  	v5 =	vld [tilespmem:s0+$0x6380]  }
0xba: {  	v8 =	vadd.f32 v8, v3;
	v2 =	vld [tilespmem:s0+$0x6880];
	v9 =	vadd.f32 v7, v6  }
0xbb: {  	s24 =	sshra.s32 s28, $0x2;
	v6 =	vld [tilespmem:s0+$0x6600]  }
0xbc: {  	s28 =	sadd.s32 $0x40, s28;
	v3 =	vld [tilespmem:s24+$0x5200];
	v7 =	vadd.f32 v11, v8;
	v8 =	vadd.f32 v10, v9  }
0xbd: {  	v9 =	vld [tilespmem:s24+$0x5480]  }
0xbe: {  	v10 =	vld [tilespmem:s0+$0x6B00];
	v4 =	vadd.f32 v4, v8  }
0xbf: {  	v49 =	vld [tilespmem:s24+$0x5700]  }
0xc0: {  	v11 =	vld [tilespmem:s0+$0x6D80];
	v5 =	vadd.f32 v5, v7;
	[tilespmem:s1+$0x4F80] =	vst v4  }
0xc1: {  	v4 =	vld [tilespmem:s24+$0x5980]  }
0xc2: {  	v5 =	vadd.f32 v6, v5;
	v3 =	vadd.f32 v9, v3  }
0xc3: {  	v50 =	vld [tilespmem:s24+$0x5C00]  }
0xc4: {  	v51 =	vld [tilespmem:s0+$0x7000];
	v2 =	vadd.f32 v2, v5;
	v3 =	vadd.f32 v49, v3  }
0xc5: {  	v52 =	vld [tilespmem:s24+$0x5E80]  }
0xc6: {  	v53 =	vld [tilespmem:s0+$0x7280];
	v2 =	vadd.f32 v10, v2;
	v3 =	vadd.f32 v4, v3  }
0xc7: {  	v54 =	vld [tilespmem:s24+$0x6100]  }
0xc8: {  	v55 =	vld [tilespmem:s0+$0x7500];
	v2 =	vadd.f32 v11, v2;
	v3 =	vadd.f32 v50, v3  }
0xc9: {  	v56 =	vld [tilespmem:s24+$0x6380]  }
0xca: {  	v57 =	vld [tilespmem:s0+$0x7780];
	v2 =	vadd.f32 v51, v2;
	v3 =	vadd.f32 v52, v3  }
0xcb: {  	v58 =	vld [tilespmem:s24+$0x6600]  }
0xcc: {  	v2 =	vadd.f32 v53, v2;
	v3 =	vadd.f32 v54, v3  }
0xcd: {  	v59 =	vld [tilespmem:s24+$0x6880]  }
0xce: {  	v2 =	vadd.f32 v55, v2;
	v3 =	vadd.f32 v56, v3  }
0xcf: {  	v60 =	vld [tilespmem:s24+$0x6B00]  }
0xd0: {  	v2 =	vadd.f32 v57, v2;
	v3 =	vadd.f32 v58, v3  }
0xd1: {  	v61 =	vld [tilespmem:s24+$0x6D80]  }
0xd2: {  	[tilespmem:s0+$0x4F80] =	vst v2;
	v2 =	vadd.f32 v59, v3  }
0xd3: {  	v3 =	vld [tilespmem:s24+$0x7000]  }
0xd4: {  	v2 =	vadd.f32 v60, v2  }
0xd5: {  	v62 =	vld [tilespmem:s24+$0x7280]  }
0xd6: {  	v2 =	vadd.f32 v61, v2  }
0xd7: {  	v63 =	vld [tilespmem:s24+$0x7500]  }
0xd8: {  	v2 =	vadd.f32 v3, v2  }
0xd9: {  	v3 =	vld [tilespmem:s24+$0x7780]  }
0xda: {  	v2 =	vadd.f32 v62, v2;
	_ =	sdelay $0x1  }
0xdb: {  	v2 =	vadd.f32 v63, v2;
	_ =	sdelay $0x1  }
0xdc: {  	s31 =	sadd.s32 $0x1, s31;
	v2 =	vadd.f32 v3, v2  }
0xdd: {  	p1 =	sne.s32 s31, s23  }
.Ltmp3:
0xde: {  	[tilespmem:s24+$0x4F80] =	vst v2;
	(pc) =	sbr.rel @p1 .LBB2_1-.Ltmp3, $4  }
0xdf: {  	[hbm4b:s22+s2] =	stream.linear.scatter [tilespmem:s30], [sflag:$0x2], $0x280, $0x38;
	[tilespmem:$0xA200] =	vst v63  }
0xe0: {  	_ =	swait.ge [sflag:s26], $0x280  }
0xe1: {  	[sflag:s26] =	ssyncset.done $0x0  }
0xe2: {  	[sflag:s26] =	ssyncadd.s32 $0xFFFFFD80  }
0xe3: {  	_ =	sfence.sel $0x180000  }
0xe4: {  	[bflag:$0x0] =	sbarrier.arrive $0xFFFF  }
0xe5: {  	_ =	strace $0x90000047  }
0xe6: {  	s0 =	stileid.u32;
	[bflag:$0x2] =	sbarrier.arrive $0xFFFF  }
0xe7: {  	p0 =	sne.s32 s0, $0x0;
	s0 =	rddreg [dreg:$0x2]  }
0xe8: {  	s0 =	sadd.s32 @!p0 $0x100000, s0  }
0xe9: {  	[sflag:s0] =	ssyncadd.tile.s32 @!p0 $0x1;
	_ =	shalt  }
.Lfunc_end2:
_tile_overlayer_lowered:
.L_overlay_start_2:
0xea: {  	(tag) =	ssettag $0x2  }
0xeb: {  	s0 =	rddreg [dreg:$0x0];
	s2 =	stileid.u32  }
0xec: {  	s1 =	rddreg [dreg:$0x1];
	p0 =	sne.s32 s2, $0x0  }
0xed: {  	s3 =	rddreg [dreg:$0x2];
	[bflag:$0x3] =	sbarrier.arrive $0xFFFF;
	s2 =	simm.s32 @!p0 $0x1C02  }
0xee: {  	[timem:s3], [sflag:s2] =	dma.local @!p0 [hbm:s0], s1  }
0xef: {  	s0 =	simm.s32 @!p0 $0x2  }
0xf0: {  	_ =	swait.ge @!p0 [sflag:s0], s1  }
0xf1: {  	s1 =	ssub.s32 @!p0 $0x0, s1;
	[sflag:s0] =	ssyncset.done @!p0 $0x0  }
0xf2: {  	[sflag:s0] =	ssyncadd.s32 @!p0 s1  }
0xf3: {  	[bflag:$0x3] =	sbarrier.arrive $0xFFFF  }
0xf4: {  	_ =	shalt  }

</sc_bundles>
